<compile_context>
chip_gen: v7x
topology: tpu7x:2x2x1
jax: 0.10.2.dev20260603
libtpu: 0.0.44.dev20260713+nightly
codegen_flags: <defaults>
</compile_context>

<pallas_src>
import functools

import jax
import jax.numpy as jnp
from jax import lax
from jax.experimental import pallas as pl
from jax.experimental.pallas import tpu as pltpu
from jax.experimental.pallas import tpu_sc as plsc

_NBINS = 1000
_EMB = 32
_LANES = 16
_STRIDE = 33


def _binT_body(vals_ref, ids_ref):
    v = vals_ref[...]
    vmin = jnp.min(v, axis=1, keepdims=True)
    vmax = jnp.max(v, axis=1, keepdims=True)
    lo = jnp.log1p(vmin)
    hi = jnp.log1p(vmax)
    x = (jnp.log1p(v) - lo) / (hi - lo)
    x = jnp.clip(x, 0.0, 1.0)
    ids_ref[...] = (x * float(_NBINS)).astype(jnp.int32)


def _compute_idsT(vals_t):
    return pl.pallas_call(
        _binT_body,
        out_shape=jax.ShapeDtypeStruct(vals_t.shape, jnp.int32),
    )(vals_t)


def _make_sc_gather(n_cols, batch):
    mesh = plsc.VectorSubcoreMesh(core_axis_name="c", subcore_axis_name="s")
    nc = mesh.num_cores
    nw = nc * mesh.num_subcores
    bpw = batch // nw
    assert bpw * nw == batch and bpw % 128 == 0
    slab = n_cols * bpw
    tbl_flat = (_NBINS + 1) * _STRIDE
    groups = bpw // _LANES

    @functools.partial(
        pl.kernel,
        out_type=jax.ShapeDtypeStruct((n_cols, _EMB, batch), jnp.float32),
        mesh=mesh,
        scratch_types=[
            pltpu.VMEM((tbl_flat,), jnp.float32),
            pltpu.VMEM((slab,), jnp.int32),
            pltpu.VMEM((_EMB, bpw), jnp.float32),
            pltpu.VMEM((_EMB, bpw), jnp.float32),
            pltpu.SemaphoreType.DMA,
            pltpu.SemaphoreType.DMA,
        ],
        compiler_params=pltpu.CompilerParams(needs_layout_passes=False),
    )
    def sc_gather(tbl_hbm, ids_hbm, out_hbm, tbl_v, idx_v, buf_a, buf_b,
                  osem_a, osem_b):
        wid = lax.axis_index("s") * nc + lax.axis_index("c")
        i0 = wid * bpw
        pltpu.sync_copy(tbl_hbm, tbl_v)
        pltpu.sync_copy(ids_hbm.at[pl.ds(wid * slab, slab)], idx_v)

        def fill(c, buf):
            @plsc.parallel_loop(0, groups, 1, unroll=1)
            def g_body(g):
                base = idx_v[pl.ds(c * bpw + _LANES * g, _LANES)] * _STRIDE
                for d in range(_EMB):
                    buf[d, pl.ds(_LANES * g, _LANES)] = plsc.load_gather(
                        tbl_v, [base + d])

        def issue_out(c, buf, osem):
            pltpu.async_copy(buf, out_hbm.at[c, :, pl.ds(i0, bpw)], osem)

        def drain_out(buf, osem):
            pltpu.make_async_copy(buf, out_hbm.at[0, :, pl.ds(i0, bpw)],
                                  osem).wait()

        fill(0, buf_a)
        issue_out(0, buf_a, osem_a)
        fill(1, buf_b)
        issue_out(1, buf_b, osem_b)

        def pair(p, carry):
            c = 2 * p
            drain_out(buf_a, osem_a)
            fill(c, buf_a)
            issue_out(c, buf_a, osem_a)
            drain_out(buf_b, osem_b)
            fill(c + 1, buf_b)
            issue_out(c + 1, buf_b, osem_b)
            return carry

        lax.fori_loop(1, n_cols // 2, pair, 0)
        drain_out(buf_a, osem_a)
        drain_out(buf_b, osem_b)

    return sc_gather, nw, bpw


def kernel(values, table):
    batch, n_cols = values.shape
    vals_t = jnp.transpose(values)
    ids_t = _compute_idsT(vals_t)
    sc_gather, nw, bpw = _make_sc_gather(n_cols, batch)
    ids_flat = jnp.transpose(
        ids_t.reshape(n_cols, nw, bpw), (1, 0, 2)).reshape(-1)
    table_ext = jnp.concatenate(
        [table, jnp.full((1, table.shape[1]), jnp.nan, table.dtype)], axis=0)
    table_pad = jnp.pad(table_ext, ((0, 0), (0, _STRIDE - _EMB)))
    tbl_flat = table_pad.reshape(-1)
    out = sc_gather(tbl_flat, ids_flat)
    return jnp.transpose(out, (2, 0, 1))

# --- scband reference (transcript-rebuilt; emitter-appended) ---
"""Pipeline reference for scband-gmtnumeric-embedder-979252543648 (READ-ONLY COPY).

The authoritative reference and input builder live on the scoring server;
editing this copy changes nothing except your own understanding.
"""

import jax, jax.numpy as jnp
import numpy as np

K = 8
L = 125
EMB_DIM = 32
BATCH = 16384
N_COLS = 26


def setup_inputs(seed: int = 0) -> dict:
    key = jax.random.key(seed)
    k1, k2 = jax.random.split(key)
    # positive numeric feature values (as would appear in a dataframe's numeric columns)
    values = jax.random.uniform(k1, (BATCH, N_COLS), dtype=jnp.float32)
    # embedding table: vocab = K * L tokens, as built by build_vocab
    table = jax.random.normal(k2, (K * L, EMB_DIM), dtype=jnp.float32)
    return {"values": values, "table": table}


def reference(values, table):
    # gmt_tokenizer applied per column (df[col]): min/max over the column axis
    x_min = jnp.min(values, axis=0, keepdims=True)
    x_max = jnp.max(values, axis=0, keepdims=True)
    x_prime = (jnp.log1p(values) - jnp.log1p(x_min)) / (jnp.log1p(x_max) - jnp.log1p(x_min))
    x_prime = jnp.clip(x_prime, 0.0, 1.0 - 1e-08)
    total_bins = K * L
    bin_idx = (x_prime * total_bins).astype(jnp.int32)
    level_k = bin_idx // L
    sub_l = bin_idx % L
    # tok2id maps '[level{k}][l{l}]' -> k * L + l (vocab enumeration order)
    token_ids = level_k * L + sub_l
    # nn.Embedding lookup -> gather
    emb = jnp.take(table, token_ids, axis=0)
    return emb

if __name__ == "__main__":
    import jax
    _d = setup_inputs()
    print(jax.jit(kernel)(*tuple(_d.values())))

</pallas_src>

<mosaic_0001>
#map = affine_map<(d0, d1) -> (0)>
#map1 = affine_map<(d0, d1) -> (0, 0, 0)>
module attributes {stable_mosaic.version = 14 : i64} {
  func.func @sc_gather(%arg0: i32, %arg1: i32, %arg2: memref<33033xf32, #tpu.memory_space<hbm>>, %arg3: memref<425984xi32, #tpu.memory_space<hbm>>, %arg4: memref<26x32x16384xf32, #tpu.memory_space<hbm>>, %arg5: memref<33033xf32, #tpu.memory_space<vmem>>, %arg6: memref<13312xi32, #tpu.memory_space<vmem>>, %arg7: memref<32x512xf32, #tpu.memory_space<vmem>>, %arg8: memref<32x512xf32, #tpu.memory_space<vmem>>, %arg9: memref<!tpu.dma_semaphore, #tpu.memory_space<semaphore_mem>>, %arg10: memref<!tpu.dma_semaphore, #tpu.memory_space<semaphore_mem>>) attributes {dimension_semantics = [#tpu.dimension_semantics<core_parallel>, #tpu.dimension_semantics<subcore_parallel>], iteration_bounds = array<i64: 2, 16>, scalar_prefetch = 0 : i64, scratch_operands = 6 : i64, tpu.core_type = #tpu.core_type<sc_vector_subcore>, window_params = [{transform_indices = #map}, {transform_indices = #map}, {transform_indices = #map1}]} {
    %mul3A = arith.constant 2 : i32
    %mul3A_0 = arith.muli %arg1, %mul3A : i32
    %add3A = arith.addi %mul3A_0, %arg0 : i32
    %mul3A_1 = arith.constant 512 : i32
    %mul3A_2 = arith.muli %add3A, %mul3A_1 : i32
    "tpu.region"() ({
      %run_scoped3A = tpu.sem_alloc : memref<!tpu.dma_semaphore, #tpu.memory_space<semaphore_mem>>
      tpu.enqueue_dma source(%arg2 : memref<33033xf32, #tpu.memory_space<hbm>>) target(%arg5 : memref<33033xf32, #tpu.memory_space<vmem>>) target_semaphore(%run_scoped3A : memref<!tpu.dma_semaphore, #tpu.memory_space<semaphore_mem>>)
      tpu.wait_dma2 semaphore(%run_scoped3A : memref<!tpu.dma_semaphore, #tpu.memory_space<semaphore_mem>>) src(%arg2 : memref<33033xf32, #tpu.memory_space<hbm>>) dst(%arg5 : memref<33033xf32, #tpu.memory_space<vmem>>)
      tpu.yield
    }) : () -> ()
    %mul3A_3 = arith.constant 13312 : i32
    %mul3A_4 = arith.muli %add3A, %mul3A_3 : i32
    "tpu.region"() ({
      %run_scoped3A = tpu.sem_alloc : memref<!tpu.dma_semaphore, #tpu.memory_space<semaphore_mem>>
      %dma_start3A_41 = tpu.memref_slice %arg3[%mul3A_4] : memref<425984xi32, #tpu.memory_space<hbm>> -> memref<13312xi32, #tpu.memory_space<hbm>>
      %dma_start3A_42 = tpu.memref_slice %arg3[%mul3A_4] : memref<425984xi32, #tpu.memory_space<hbm>> -> memref<13312xi32, #tpu.memory_space<hbm>>
      tpu.enqueue_dma source(%dma_start3A_42 : memref<13312xi32, #tpu.memory_space<hbm>>) target(%arg6 : memref<13312xi32, #tpu.memory_space<vmem>>) target_semaphore(%run_scoped3A : memref<!tpu.dma_semaphore, #tpu.memory_space<semaphore_mem>>)
      %dma_wait3A_43 = tpu.memref_slice %arg3[%mul3A_4] : memref<425984xi32, #tpu.memory_space<hbm>> -> memref<13312xi32, #tpu.memory_space<hbm>>
      %dma_wait3A_44 = tpu.memref_slice %arg3[%mul3A_4] : memref<425984xi32, #tpu.memory_space<hbm>> -> memref<13312xi32, #tpu.memory_space<hbm>>
      tpu.wait_dma2 semaphore(%run_scoped3A : memref<!tpu.dma_semaphore, #tpu.memory_space<semaphore_mem>>) src(%dma_wait3A_44 : memref<13312xi32, #tpu.memory_space<hbm>>) dst(%arg6 : memref<13312xi32, #tpu.memory_space<vmem>>)
      tpu.yield
    }) : () -> ()
    %parallel_loop3A = arith.constant 0 : i32
    %parallel_loop3A_5 = arith.constant 32 : i32
    %parallel_loop3A_6 = arith.constant 1 : i32
    scf.for %parallel_loop3A_41 = %parallel_loop3A to %parallel_loop3A_5 step %parallel_loop3A_6  : i32 {
      %parallel_loop3A_42 = arith.constant 16 : i32
      %parallel_loop3A_43 = arith.muli %parallel_loop3A_42, %parallel_loop3A_41 : i32
      %parallel_loop3A_44 = arith.constant 0 : i32
      %parallel_loop3A_45 = arith.addi %parallel_loop3A_44, %parallel_loop3A_43 : i32
      %parallel_loop3A_46 = arith.index_cast %parallel_loop3A_45 : i32 to index
      %parallel_loop3A_47 = tpu.vector_load %arg6[%parallel_loop3A_46] {strides = array<i32>} : memref<13312xi32, #tpu.memory_space<vmem>>, vector<16xi32>,
      %parallel_loop3A_48 = arith.constant 33 : i32
      %parallel_loop3A_49 = vector.broadcast %parallel_loop3A_48 : i32 to vector<16xi32>
      %parallel_loop3A_50 = arith.muli %parallel_loop3A_47, %parallel_loop3A_49 : vector<16xi32>
      %parallel_loop3A_51 = arith.constant 0 : i32
      %parallel_loop3A_52 = vector.broadcast %parallel_loop3A_51 : i32 to vector<16xi32>
      %parallel_loop3A_53 = arith.addi %parallel_loop3A_50, %parallel_loop3A_52 : vector<16xi32>
      %parallel_loop3A_54 = tpu.vector_load_idx %arg5[%parallel_loop3A_53] : memref<33033xf32, #tpu.memory_space<vmem>>[vector<16xi32>], vector<16xf32>,
      %parallel_loop3A_55 = arith.constant 16 : i32
      %parallel_loop3A_56 = arith.muli %parallel_loop3A_55, %parallel_loop3A_41 : i32
      %parallel_loop3A_57 = arith.constant 0 : i32
      %parallel_loop3A_58 = arith.index_cast %parallel_loop3A_57 : i32 to index
      %parallel_loop3A_59 = arith.index_cast %parallel_loop3A_56 : i32 to index
      %parallel_loop3A_60 = tpu.vector_load %arg7[%parallel_loop3A_58, %parallel_loop3A_59] {strides = array<i32>} : memref<32x512xf32, #tpu.memory_space<vmem>>, vector<16xf32>,
      tpu.vector_store %arg7[%parallel_loop3A_58, %parallel_loop3A_59], %parallel_loop3A_54 {strides = array<i32>} : memref<32x512xf32, #tpu.memory_space<vmem>>, vector<16xf32>,
      %parallel_loop3A_61 = arith.constant 1 : i32
      %parallel_loop3A_62 = vector.broadcast %parallel_loop3A_61 : i32 to vector<16xi32>
      %parallel_loop3A_63 = arith.addi %parallel_loop3A_50, %parallel_loop3A_62 : vector<16xi32>
      %parallel_loop3A_64 = tpu.vector_load_idx %arg5[%parallel_loop3A_63] : memref<33033xf32, #tpu.memory_space<vmem>>[vector<16xi32>], vector<16xf32>,
      %parallel_loop3A_65 = arith.constant 16 : i32
      %parallel_loop3A_66 = arith.muli %parallel_loop3A_65, %parallel_loop3A_41 : i32
      %parallel_loop3A_67 = arith.constant 1 : i32
      %parallel_loop3A_68 = arith.index_cast %parallel_loop3A_67 : i32 to index
      %parallel_loop3A_69 = arith.index_cast %parallel_loop3A_66 : i32 to index
      %parallel_loop3A_70 = tpu.vector_load %arg7[%parallel_loop3A_68, %parallel_loop3A_69] {strides = array<i32>} : memref<32x512xf32, #tpu.memory_space<vmem>>, vector<16xf32>,
      tpu.vector_store %arg7[%parallel_loop3A_68, %parallel_loop3A_69], %parallel_loop3A_64 {strides = array<i32>} : memref<32x512xf32, #tpu.memory_space<vmem>>, vector<16xf32>,
      %parallel_loop3A_71 = arith.constant 2 : i32
      %parallel_loop3A_72 = vector.broadcast %parallel_loop3A_71 : i32 to vector<16xi32>
      %parallel_loop3A_73 = arith.addi %parallel_loop3A_50, %parallel_loop3A_72 : vector<16xi32>
      %parallel_loop3A_74 = tpu.vector_load_idx %arg5[%parallel_loop3A_73] : memref<33033xf32, #tpu.memory_space<vmem>>[vector<16xi32>], vector<16xf32>,
      %parallel_loop3A_75 = arith.constant 16 : i32
      %parallel_loop3A_76 = arith.muli %parallel_loop3A_75, %parallel_loop3A_41 : i32
      %parallel_loop3A_77 = arith.constant 2 : i32
      %parallel_loop3A_78 = arith.index_cast %parallel_loop3A_77 : i32 to index
      %parallel_loop3A_79 = arith.index_cast %parallel_loop3A_76 : i32 to index
      %parallel_loop3A_80 = tpu.vector_load %arg7[%parallel_loop3A_78, %parallel_loop3A_79] {strides = array<i32>} : memref<32x512xf32, #tpu.memory_space<vmem>>, vector<16xf32>,
      tpu.vector_store %arg7[%parallel_loop3A_78, %parallel_loop3A_79], %parallel_loop3A_74 {strides = array<i32>} : memref<32x512xf32, #tpu.memory_space<vmem>>, vector<16xf32>,
      %parallel_loop3A_81 = arith.constant 3 : i32
      %parallel_loop3A_82 = vector.broadcast %parallel_loop3A_81 : i32 to vector<16xi32>
      %parallel_loop3A_83 = arith.addi %parallel_loop3A_50, %parallel_loop3A_82 : vector<16xi32>
      %parallel_loop3A_84 = tpu.vector_load_idx %arg5[%parallel_loop3A_83] : memref<33033xf32, #tpu.memory_space<vmem>>[vector<16xi32>], vector<16xf32>,
      %parallel_loop3A_85 = arith.constant 16 : i32
      %parallel_loop3A_86 = arith.muli %parallel_loop3A_85, %parallel_loop3A_41 : i32
      %parallel_loop3A_87 = arith.constant 3 : i32
      %parallel_loop3A_88 = arith.index_cast %parallel_loop3A_87 : i32 to index
      %parallel_loop3A_89 = arith.index_cast %parallel_loop3A_86 : i32 to index
      %parallel_loop3A_90 = tpu.vector_load %arg7[%parallel_loop3A_88, %parallel_loop3A_89] {strides = array<i32>} : memref<32x512xf32, #tpu.memory_space<vmem>>, vector<16xf32>,
      tpu.vector_store %arg7[%parallel_loop3A_88, %parallel_loop3A_89], %parallel_loop3A_84 {strides = array<i32>} : memref<32x512xf32, #tpu.memory_space<vmem>>, vector<16xf32>,
      %parallel_loop3A_91 = arith.constant 4 : i32
      %parallel_loop3A_92 = vector.broadcast %parallel_loop3A_91 : i32 to vector<16xi32>
      %parallel_loop3A_93 = arith.addi %parallel_loop3A_50, %parallel_loop3A_92 : vector<16xi32>
      %parallel_loop3A_94 = tpu.vector_load_idx %arg5[%parallel_loop3A_93] : memref<33033xf32, #tpu.memory_space<vmem>>[vector<16xi32>], vector<16xf32>,
      %parallel_loop3A_95 = arith.constant 16 : i32
      %parallel_loop3A_96 = arith.muli %parallel_loop3A_95, %parallel_loop3A_41 : i32
      %parallel_loop3A_97 = arith.constant 4 : i32
      %parallel_loop3A_98 = arith.index_cast %parallel_loop3A_97 : i32 to index
      %parallel_loop3A_99 = arith.index_cast %parallel_loop3A_96 : i32 to index
      %parallel_loop3A_100 = tpu.vector_load %arg7[%parallel_loop3A_98, %parallel_loop3A_99] {strides = array<i32>} : memref<32x512xf32, #tpu.memory_space<vmem>>, vector<16xf32>,
      tpu.vector_store %arg7[%parallel_loop3A_98, %parallel_loop3A_99], %parallel_loop3A_94 {strides = array<i32>} : memref<32x512xf32, #tpu.memory_space<vmem>>, vector<16xf32>,
      %parallel_loop3A_101 = arith.constant 5 : i32
      %parallel_loop3A_102 = vector.broadcast %parallel_loop3A_101 : i32 to vector<16xi32>
      %parallel_loop3A_103 = arith.addi %parallel_loop3A_50, %parallel_loop3A_102 : vector<16xi32>
      %parallel_loop3A_104 = tpu.vector_load_idx %arg5[%parallel_loop3A_103] : memref<33033xf32, #tpu.memory_space<vmem>>[vector<16xi32>], vector<16xf32>,
      %parallel_loop3A_105 = arith.constant 16 : i32
      %parallel_loop3A_106 = arith.muli %parallel_loop3A_105, %parallel_loop3A_41 : i32
      %parallel_loop3A_107 = arith.constant 5 : i32
      %parallel_loop3A_108 = arith.index_cast %parallel_loop3A_107 : i32 to index
      %parallel_loop3A_109 = arith.index_cast %parallel_loop3A_106 : i32 to index
      %parallel_loop3A_110 = tpu.vector_load %arg7[%parallel_loop3A_108, %parallel_loop3A_109] {strides = array<i32>} : memref<32x512xf32, #tpu.memory_space<vmem>>, vector<16xf32>,
      tpu.vector_store %arg7[%parallel_loop3A_108, %parallel_loop3A_109], %parallel_loop3A_104 {strides = array<i32>} : memref<32x512xf32, #tpu.memory_space<vmem>>, vector<16xf32>,
      %parallel_loop3A_111 = arith.constant 6 : i32
      %parallel_loop3A_112 = vector.broadcast %parallel_loop3A_111 : i32 to vector<16xi32>
      %parallel_loop3A_113 = arith.addi %parallel_loop3A_50, %parallel_loop3A_112 : vector<16xi32>
      %parallel_loop3A_114 = tpu.vector_load_idx %arg5[%parallel_loop3A_113] : memref<33033xf32, #tpu.memory_space<vmem>>[vector<16xi32>], vector<16xf32>,
      %parallel_loop3A_115 = arith.constant 16 : i32
      %parallel_loop3A_116 = arith.muli %parallel_loop3A_115, %parallel_loop3A_41 : i32
      %parallel_loop3A_117 = arith.constant 6 : i32
      %parallel_loop3A_118 = arith.index_cast %parallel_loop3A_117 : i32 to index
      %parallel_loop3A_119 = arith.index_cast %parallel_loop3A_116 : i32 to index
      %parallel_loop3A_120 = tpu.vector_load %arg7[%parallel_loop3A_118, %parallel_loop3A_119] {strides = array<i32>} : memref<32x512xf32, #tpu.memory_space<vmem>>, vector<16xf32>,
      tpu.vector_store %arg7[%parallel_loop3A_118, %parallel_loop3A_119], %parallel_loop3A_114 {strides = array<i32>} : memref<32x512xf32, #tpu.memory_space<vmem>>, vector<16xf32>,
      %parallel_loop3A_121 = arith.constant 7 : i32
      %parallel_loop3A_122 = vector.broadcast %parallel_loop3A_121 : i32 to vector<16xi32>
      %parallel_loop3A_123 = arith.addi %parallel_loop3A_50, %parallel_loop3A_122 : vector<16xi32>
      %parallel_loop3A_124 = tpu.vector_load_idx %arg5[%parallel_loop3A_123] : memref<33033xf32, #tpu.memory_space<vmem>>[vector<16xi32>], vector<16xf32>,
      %parallel_loop3A_125 = arith.constant 16 : i32
      %parallel_loop3A_126 = arith.muli %parallel_loop3A_125, %parallel_loop3A_41 : i32
      %parallel_loop3A_127 = arith.constant 7 : i32
      %parallel_loop3A_128 = arith.index_cast %parallel_loop3A_127 : i32 to index
      %parallel_loop3A_129 = arith.index_cast %parallel_loop3A_126 : i32 to index
      %parallel_loop3A_130 = tpu.vector_load %arg7[%parallel_loop3A_128, %parallel_loop3A_129] {strides = array<i32>} : memref<32x512xf32, #tpu.memory_space<vmem>>, vector<16xf32>,
      tpu.vector_store %arg7[%parallel_loop3A_128, %parallel_loop3A_129], %parallel_loop3A_124 {strides = array<i32>} : memref<32x512xf32, #tpu.memory_space<vmem>>, vector<16xf32>,
      %parallel_loop3A_131 = arith.constant 8 : i32
      %parallel_loop3A_132 = vector.broadcast %parallel_loop3A_131 : i32 to vector<16xi32>
      %parallel_loop3A_133 = arith.addi %parallel_loop3A_50, %parallel_loop3A_132 : vector<16xi32>
      %parallel_loop3A_134 = tpu.vector_load_idx %arg5[%parallel_loop3A_133] : memref<33033xf32, #tpu.memory_space<vmem>>[vector<16xi32>], vector<16xf32>,
      %parallel_loop3A_135 = arith.constant 16 : i32
      %parallel_loop3A_136 = arith.muli %parallel_loop3A_135, %parallel_loop3A_41 : i32
      %parallel_loop3A_137 = arith.constant 8 : i32
      %parallel_loop3A_138 = arith.index_cast %parallel_loop3A_137 : i32 to index
      %parallel_loop3A_139 = arith.index_cast %parallel_loop3A_136 : i32 to index
      %parallel_loop3A_140 = tpu.vector_load %arg7[%parallel_loop3A_138, %parallel_loop3A_139] {strides = array<i32>} : memref<32x512xf32, #tpu.memory_space<vmem>>, vector<16xf32>,
      tpu.vector_store %arg7[%parallel_loop3A_138, %parallel_loop3A_139], %parallel_loop3A_134 {strides = array<i32>} : memref<32x512xf32, #tpu.memory_space<vmem>>, vector<16xf32>,
      %parallel_loop3A_141 = arith.constant 9 : i32
      %parallel_loop3A_142 = vector.broadcast %parallel_loop3A_141 : i32 to vector<16xi32>
      %parallel_loop3A_143 = arith.addi %parallel_loop3A_50, %parallel_loop3A_142 : vector<16xi32>
      %parallel_loop3A_144 = tpu.vector_load_idx %arg5[%parallel_loop3A_143] : memref<33033xf32, #tpu.memory_space<vmem>>[vector<16xi32>], vector<16xf32>,
      %parallel_loop3A_145 = arith.constant 16 : i32
      %parallel_loop3A_146 = arith.muli %parallel_loop3A_145, %parallel_loop3A_41 : i32
      %parallel_loop3A_147 = arith.constant 9 : i32
      %parallel_loop3A_148 = arith.index_cast %parallel_loop3A_147 : i32 to index
      %parallel_loop3A_149 = arith.index_cast %parallel_loop3A_146 : i32 to index
      %parallel_loop3A_150 = tpu.vector_load %arg7[%parallel_loop3A_148, %parallel_loop3A_149] {strides = array<i32>} : memref<32x512xf32, #tpu.memory_space<vmem>>, vector<16xf32>,
      tpu.vector_store %arg7[%parallel_loop3A_148, %parallel_loop3A_149], %parallel_loop3A_144 {strides = array<i32>} : memref<32x512xf32, #tpu.memory_space<vmem>>, vector<16xf32>,
      %parallel_loop3A_151 = arith.constant 10 : i32
      %parallel_loop3A_152 = vector.broadcast %parallel_loop3A_151 : i32 to vector<16xi32>
      %parallel_loop3A_153 = arith.addi %parallel_loop3A_50, %parallel_loop3A_152 : vector<16xi32>
      %parallel_loop3A_154 = tpu.vector_load_idx %arg5[%parallel_loop3A_153] : memref<33033xf32, #tpu.memory_space<vmem>>[vector<16xi32>], vector<16xf32>,
      %parallel_loop3A_155 = arith.constant 16 : i32
      %parallel_loop3A_156 = arith.muli %parallel_loop3A_155, %parallel_loop3A_41 : i32
      %parallel_loop3A_157 = arith.constant 10 : i32
      %parallel_loop3A_158 = arith.index_cast %parallel_loop3A_157 : i32 to index
      %parallel_loop3A_159 = arith.index_cast %parallel_loop3A_156 : i32 to index
      %parallel_loop3A_160 = tpu.vector_load %arg7[%parallel_loop3A_158, %parallel_loop3A_159] {strides = array<i32>} : memref<32x512xf32, #tpu.memory_space<vmem>>, vector<16xf32>,
      tpu.vector_store %arg7[%parallel_loop3A_158, %parallel_loop3A_159], %parallel_loop3A_154 {strides = array<i32>} : memref<32x512xf32, #tpu.memory_space<vmem>>, vector<16xf32>,
      %parallel_loop3A_161 = arith.constant 11 : i32
      %parallel_loop3A_162 = vector.broadcast %parallel_loop3A_161 : i32 to vector<16xi32>
      %parallel_loop3A_163 = arith.addi %parallel_loop3A_50, %parallel_loop3A_162 : vector<16xi32>
      %parallel_loop3A_164 = tpu.vector_load_idx %arg5[%parallel_loop3A_163] : memref<33033xf32, #tpu.memory_space<vmem>>[vector<16xi32>], vector<16xf32>,
      %parallel_loop3A_165 = arith.constant 16 : i32
      %parallel_loop3A_166 = arith.muli %parallel_loop3A_165, %parallel_loop3A_41 : i32
      %parallel_loop3A_167 = arith.constant 11 : i32
      %parallel_loop3A_168 = arith.index_cast %parallel_loop3A_167 : i32 to index
      %parallel_loop3A_169 = arith.index_cast %parallel_loop3A_166 : i32 to index
      %parallel_loop3A_170 = tpu.vector_load %arg7[%parallel_loop3A_168, %parallel_loop3A_169] {strides = array<i32>} : memref<32x512xf32, #tpu.memory_space<vmem>>, vector<16xf32>,
      tpu.vector_store %arg7[%parallel_loop3A_168, %parallel_loop3A_169], %parallel_loop3A_164 {strides = array<i32>} : memref<32x512xf32, #tpu.memory_space<vmem>>, vector<16xf32>,
      %parallel_loop3A_171 = arith.constant 12 : i32
      %parallel_loop3A_172 = vector.broadcast %parallel_loop3A_171 : i32 to vector<16xi32>
      %parallel_loop3A_173 = arith.addi %parallel_loop3A_50, %parallel_loop3A_172 : vector<16xi32>
      %parallel_loop3A_174 = tpu.vector_load_idx %arg5[%parallel_loop3A_173] : memref<33033xf32, #tpu.memory_space<vmem>>[vector<16xi32>], vector<16xf32>,
      %parallel_loop3A_175 = arith.constant 16 : i32
      %parallel_loop3A_176 = arith.muli %parallel_loop3A_175, %parallel_loop3A_41 : i32
      %parallel_loop3A_177 = arith.constant 12 : i32
      %parallel_loop3A_178 = arith.index_cast %parallel_loop3A_177 : i32 to index
      %parallel_loop3A_179 = arith.index_cast %parallel_loop3A_176 : i32 to index
      %parallel_loop3A_180 = tpu.vector_load %arg7[%parallel_loop3A_178, %parallel_loop3A_179] {strides = array<i32>} : memref<32x512xf32, #tpu.memory_space<vmem>>, vector<16xf32>,
      tpu.vector_store %arg7[%parallel_loop3A_178, %parallel_loop3A_179], %parallel_loop3A_174 {strides = array<i32>} : memref<32x512xf32, #tpu.memory_space<vmem>>, vector<16xf32>,
      %parallel_loop3A_181 = arith.constant 13 : i32
      %parallel_loop3A_182 = vector.broadcast %parallel_loop3A_181 : i32 to vector<16xi32>
      %parallel_loop3A_183 = arith.addi %parallel_loop3A_50, %parallel_loop3A_182 : vector<16xi32>
      %parallel_loop3A_184 = tpu.vector_load_idx %arg5[%parallel_loop3A_183] : memref<33033xf32, #tpu.memory_space<vmem>>[vector<16xi32>], vector<16xf32>,
      %parallel_loop3A_185 = arith.constant 16 : i32
      %parallel_loop3A_186 = arith.muli %parallel_loop3A_185, %parallel_loop3A_41 : i32
      %parallel_loop3A_187 = arith.constant 13 : i32
      %parallel_loop3A_188 = arith.index_cast %parallel_loop3A_187 : i32 to index
      %parallel_loop3A_189 = arith.index_cast %parallel_loop3A_186 : i32 to index
      %parallel_loop3A_190 = tpu.vector_load %arg7[%parallel_loop3A_188, %parallel_loop3A_189] {strides = array<i32>} : memref<32x512xf32, #tpu.memory_space<vmem>>, vector<16xf32>,
      tpu.vector_store %arg7[%parallel_loop3A_188, %parallel_loop3A_189], %parallel_loop3A_184 {strides = array<i32>} : memref<32x512xf32, #tpu.memory_space<vmem>>, vector<16xf32>,
      %parallel_loop3A_191 = arith.constant 14 : i32
      %parallel_loop3A_192 = vector.broadcast %parallel_loop3A_191 : i32 to vector<16xi32>
      %parallel_loop3A_193 = arith.addi %parallel_loop3A_50, %parallel_loop3A_192 : vector<16xi32>
      %parallel_loop3A_194 = tpu.vector_load_idx %arg5[%parallel_loop3A_193] : memref<33033xf32, #tpu.memory_space<vmem>>[vector<16xi32>], vector<16xf32>,
      %parallel_loop3A_195 = arith.constant 16 : i32
      %parallel_loop3A_196 = arith.muli %parallel_loop3A_195, %parallel_loop3A_41 : i32
      %parallel_loop3A_197 = arith.constant 14 : i32
      %parallel_loop3A_198 = arith.index_cast %parallel_loop3A_197 : i32 to index
      %parallel_loop3A_199 = arith.index_cast %parallel_loop3A_196 : i32 to index
      %parallel_loop3A_200 = tpu.vector_load %arg7[%parallel_loop3A_198, %parallel_loop3A_199] {strides = array<i32>} : memref<32x512xf32, #tpu.memory_space<vmem>>, vector<16xf32>,
      tpu.vector_store %arg7[%parallel_loop3A_198, %parallel_loop3A_199], %parallel_loop3A_194 {strides = array<i32>} : memref<32x512xf32, #tpu.memory_space<vmem>>, vector<16xf32>,
      %parallel_loop3A_201 = arith.constant 15 : i32
      %parallel_loop3A_202 = vector.broadcast %parallel_loop3A_201 : i32 to vector<16xi32>
      %parallel_loop3A_203 = arith.addi %parallel_loop3A_50, %parallel_loop3A_202 : vector<16xi32>
      %parallel_loop3A_204 = tpu.vector_load_idx %arg5[%parallel_loop3A_203] : memref<33033xf32, #tpu.memory_space<vmem>>[vector<16xi32>], vector<16xf32>,
      %parallel_loop3A_205 = arith.constant 16 : i32
      %parallel_loop3A_206 = arith.muli %parallel_loop3A_205, %parallel_loop3A_41 : i32
      %parallel_loop3A_207 = arith.constant 15 : i32
      %parallel_loop3A_208 = arith.index_cast %parallel_loop3A_207 : i32 to index
      %parallel_loop3A_209 = arith.index_cast %parallel_loop3A_206 : i32 to index
      %parallel_loop3A_210 = tpu.vector_load %arg7[%parallel_loop3A_208, %parallel_loop3A_209] {strides = array<i32>} : memref<32x512xf32, #tpu.memory_space<vmem>>, vector<16xf32>,
      tpu.vector_store %arg7[%parallel_loop3A_208, %parallel_loop3A_209], %parallel_loop3A_204 {strides = array<i32>} : memref<32x512xf32, #tpu.memory_space<vmem>>, vector<16xf32>,
      %parallel_loop3A_211 = arith.constant 16 : i32
      %parallel_loop3A_212 = vector.broadcast %parallel_loop3A_211 : i32 to vector<16xi32>
      %parallel_loop3A_213 = arith.addi %parallel_loop3A_50, %parallel_loop3A_212 : vector<16xi32>
      %parallel_loop3A_214 = tpu.vector_load_idx %arg5[%parallel_loop3A_213] : memref<33033xf32, #tpu.memory_space<vmem>>[vector<16xi32>], vector<16xf32>,
      %parallel_loop3A_215 = arith.constant 16 : i32
      %parallel_loop3A_216 = arith.muli %parallel_loop3A_215, %parallel_loop3A_41 : i32
      %parallel_loop3A_217 = arith.constant 16 : i32
      %parallel_loop3A_218 = arith.index_cast %parallel_loop3A_217 : i32 to index
      %parallel_loop3A_219 = arith.index_cast %parallel_loop3A_216 : i32 to index
      %parallel_loop3A_220 = tpu.vector_load %arg7[%parallel_loop3A_218, %parallel_loop3A_219] {strides = array<i32>} : memref<32x512xf32, #tpu.memory_space<vmem>>, vector<16xf32>,
      tpu.vector_store %arg7[%parallel_loop3A_218, %parallel_loop3A_219], %parallel_loop3A_214 {strides = array<i32>} : memref<32x512xf32, #tpu.memory_space<vmem>>, vector<16xf32>,
      %parallel_loop3A_221 = arith.constant 17 : i32
      %parallel_loop3A_222 = vector.broadcast %parallel_loop3A_221 : i32 to vector<16xi32>
      %parallel_loop3A_223 = arith.addi %parallel_loop3A_50, %parallel_loop3A_222 : vector<16xi32>
      %parallel_loop3A_224 = tpu.vector_load_idx %arg5[%parallel_loop3A_223] : memref<33033xf32, #tpu.memory_space<vmem>>[vector<16xi32>], vector<16xf32>,
      %parallel_loop3A_225 = arith.constant 16 : i32
      %parallel_loop3A_226 = arith.muli %parallel_loop3A_225, %parallel_loop3A_41 : i32
      %parallel_loop3A_227 = arith.constant 17 : i32
      %parallel_loop3A_228 = arith.index_cast %parallel_loop3A_227 : i32 to index
      %parallel_loop3A_229 = arith.index_cast %parallel_loop3A_226 : i32 to index
      %parallel_loop3A_230 = tpu.vector_load %arg7[%parallel_loop3A_228, %parallel_loop3A_229] {strides = array<i32>} : memref<32x512xf32, #tpu.memory_space<vmem>>, vector<16xf32>,
      tpu.vector_store %arg7[%parallel_loop3A_228, %parallel_loop3A_229], %parallel_loop3A_224 {strides = array<i32>} : memref<32x512xf32, #tpu.memory_space<vmem>>, vector<16xf32>,
      %parallel_loop3A_231 = arith.constant 18 : i32
      %parallel_loop3A_232 = vector.broadcast %parallel_loop3A_231 : i32 to vector<16xi32>
      %parallel_loop3A_233 = arith.addi %parallel_loop3A_50, %parallel_loop3A_232 : vector<16xi32>
      %parallel_loop3A_234 = tpu.vector_load_idx %arg5[%parallel_loop3A_233] : memref<33033xf32, #tpu.memory_space<vmem>>[vector<16xi32>], vector<16xf32>,
      %parallel_loop3A_235 = arith.constant 16 : i32
      %parallel_loop3A_236 = arith.muli %parallel_loop3A_235, %parallel_loop3A_41 : i32
      %parallel_loop3A_237 = arith.constant 18 : i32
      %parallel_loop3A_238 = arith.index_cast %parallel_loop3A_237 : i32 to index
      %parallel_loop3A_239 = arith.index_cast %parallel_loop3A_236 : i32 to index
      %parallel_loop3A_240 = tpu.vector_load %arg7[%parallel_loop3A_238, %parallel_loop3A_239] {strides = array<i32>} : memref<32x512xf32, #tpu.memory_space<vmem>>, vector<16xf32>,
      tpu.vector_store %arg7[%parallel_loop3A_238, %parallel_loop3A_239], %parallel_loop3A_234 {strides = array<i32>} : memref<32x512xf32, #tpu.memory_space<vmem>>, vector<16xf32>,
      %parallel_loop3A_241 = arith.constant 19 : i32
      %parallel_loop3A_242 = vector.broadcast %parallel_loop3A_241 : i32 to vector<16xi32>
      %parallel_loop3A_243 = arith.addi %parallel_loop3A_50, %parallel_loop3A_242 : vector<16xi32>
      %parallel_loop3A_244 = tpu.vector_load_idx %arg5[%parallel_loop3A_243] : memref<33033xf32, #tpu.memory_space<vmem>>[vector<16xi32>], vector<16xf32>,
      %parallel_loop3A_245 = arith.constant 16 : i32
      %parallel_loop3A_246 = arith.muli %parallel_loop3A_245, %parallel_loop3A_41 : i32
      %parallel_loop3A_247 = arith.constant 19 : i32
      %parallel_loop3A_248 = arith.index_cast %parallel_loop3A_247 : i32 to index
      %parallel_loop3A_249 = arith.index_cast %parallel_loop3A_246 : i32 to index
      %parallel_loop3A_250 = tpu.vector_load %arg7[%parallel_loop3A_248, %parallel_loop3A_249] {strides = array<i32>} : memref<32x512xf32, #tpu.memory_space<vmem>>, vector<16xf32>,
      tpu.vector_store %arg7[%parallel_loop3A_248, %parallel_loop3A_249], %parallel_loop3A_244 {strides = array<i32>} : memref<32x512xf32, #tpu.memory_space<vmem>>, vector<16xf32>,
      %parallel_loop3A_251 = arith.constant 20 : i32
      %parallel_loop3A_252 = vector.broadcast %parallel_loop3A_251 : i32 to vector<16xi32>
      %parallel_loop3A_253 = arith.addi %parallel_loop3A_50, %parallel_loop3A_252 : vector<16xi32>
      %parallel_loop3A_254 = tpu.vector_load_idx %arg5[%parallel_loop3A_253] : memref<33033xf32, #tpu.memory_space<vmem>>[vector<16xi32>], vector<16xf32>,
      %parallel_loop3A_255 = arith.constant 16 : i32
      %parallel_loop3A_256 = arith.muli %parallel_loop3A_255, %parallel_loop3A_41 : i32
      %parallel_loop3A_257 = arith.constant 20 : i32
      %parallel_loop3A_258 = arith.index_cast %parallel_loop3A_257 : i32 to index
      %parallel_loop3A_259 = arith.index_cast %parallel_loop3A_256 : i32 to index
      %parallel_loop3A_260 = tpu.vector_load %arg7[%parallel_loop3A_258, %parallel_loop3A_259] {strides = array<i32>} : memref<32x512xf32, #tpu.memory_space<vmem>>, vector<16xf32>,
      tpu.vector_store %arg7[%parallel_loop3A_258, %parallel_loop3A_259], %parallel_loop3A_254 {strides = array<i32>} : memref<32x512xf32, #tpu.memory_space<vmem>>, vector<16xf32>,
      %parallel_loop3A_261 = arith.constant 21 : i32
      %parallel_loop3A_262 = vector.broadcast %parallel_loop3A_261 : i32 to vector<16xi32>
      %parallel_loop3A_263 = arith.addi %parallel_loop3A_50, %parallel_loop3A_262 : vector<16xi32>
      %parallel_loop3A_264 = tpu.vector_load_idx %arg5[%parallel_loop3A_263] : memref<33033xf32, #tpu.memory_space<vmem>>[vector<16xi32>], vector<16xf32>,
      %parallel_loop3A_265 = arith.constant 16 : i32
      %parallel_loop3A_266 = arith.muli %parallel_loop3A_265, %parallel_loop3A_41 : i32
      %parallel_loop3A_267 = arith.constant 21 : i32
      %parallel_loop3A_268 = arith.index_cast %parallel_loop3A_267 : i32 to index
      %parallel_loop3A_269 = arith.index_cast %parallel_loop3A_266 : i32 to index
      %parallel_loop3A_270 = tpu.vector_load %arg7[%parallel_loop3A_268, %parallel_loop3A_269] {strides = array<i32>} : memref<32x512xf32, #tpu.memory_space<vmem>>, vector<16xf32>,
      tpu.vector_store %arg7[%parallel_loop3A_268, %parallel_loop3A_269], %parallel_loop3A_264 {strides = array<i32>} : memref<32x512xf32, #tpu.memory_space<vmem>>, vector<16xf32>,
      %parallel_loop3A_271 = arith.constant 22 : i32
      %parallel_loop3A_272 = vector.broadcast %parallel_loop3A_271 : i32 to vector<16xi32>
      %parallel_loop3A_273 = arith.addi %parallel_loop3A_50, %parallel_loop3A_272 : vector<16xi32>
      %parallel_loop3A_274 = tpu.vector_load_idx %arg5[%parallel_loop3A_273] : memref<33033xf32, #tpu.memory_space<vmem>>[vector<16xi32>], vector<16xf32>,
      %parallel_loop3A_275 = arith.constant 16 : i32
      %parallel_loop3A_276 = arith.muli %parallel_loop3A_275, %parallel_loop3A_41 : i32
      %parallel_loop3A_277 = arith.constant 22 : i32
      %parallel_loop3A_278 = arith.index_cast %parallel_loop3A_277 : i32 to index
      %parallel_loop3A_279 = arith.index_cast %parallel_loop3A_276 : i32 to index
      %parallel_loop3A_280 = tpu.vector_load %arg7[%parallel_loop3A_278, %parallel_loop3A_279] {strides = array<i32>} : memref<32x512xf32, #tpu.memory_space<vmem>>, vector<16xf32>,
      tpu.vector_store %arg7[%parallel_loop3A_278, %parallel_loop3A_279], %parallel_loop3A_274 {strides = array<i32>} : memref<32x512xf32, #tpu.memory_space<vmem>>, vector<16xf32>,
      %parallel_loop3A_281 = arith.constant 23 : i32
      %parallel_loop3A_282 = vector.broadcast %parallel_loop3A_281 : i32 to vector<16xi32>
      %parallel_loop3A_283 = arith.addi %parallel_loop3A_50, %parallel_loop3A_282 : vector<16xi32>
      %parallel_loop3A_284 = tpu.vector_load_idx %arg5[%parallel_loop3A_283] : memref<33033xf32, #tpu.memory_space<vmem>>[vector<16xi32>], vector<16xf32>,
      %parallel_loop3A_285 = arith.constant 16 : i32
      %parallel_loop3A_286 = arith.muli %parallel_loop3A_285, %parallel_loop3A_41 : i32
      %parallel_loop3A_287 = arith.constant 23 : i32
      %parallel_loop3A_288 = arith.index_cast %parallel_loop3A_287 : i32 to index
      %parallel_loop3A_289 = arith.index_cast %parallel_loop3A_286 : i32 to index
      %parallel_loop3A_290 = tpu.vector_load %arg7[%parallel_loop3A_288, %parallel_loop3A_289] {strides = array<i32>} : memref<32x512xf32, #tpu.memory_space<vmem>>, vector<16xf32>,
      tpu.vector_store %arg7[%parallel_loop3A_288, %parallel_loop3A_289], %parallel_loop3A_284 {strides = array<i32>} : memref<32x512xf32, #tpu.memory_space<vmem>>, vector<16xf32>,
      %parallel_loop3A_291 = arith.constant 24 : i32
      %parallel_loop3A_292 = vector.broadcast %parallel_loop3A_291 : i32 to vector<16xi32>
      %parallel_loop3A_293 = arith.addi %parallel_loop3A_50, %parallel_loop3A_292 : vector<16xi32>
      %parallel_loop3A_294 = tpu.vector_load_idx %arg5[%parallel_loop3A_293] : memref<33033xf32, #tpu.memory_space<vmem>>[vector<16xi32>], vector<16xf32>,
      %parallel_loop3A_295 = arith.constant 16 : i32
      %parallel_loop3A_296 = arith.muli %parallel_loop3A_295, %parallel_loop3A_41 : i32
      %parallel_loop3A_297 = arith.constant 24 : i32
      %parallel_loop3A_298 = arith.index_cast %parallel_loop3A_297 : i32 to index
      %parallel_loop3A_299 = arith.index_cast %parallel_loop3A_296 : i32 to index
      %parallel_loop3A_300 = tpu.vector_load %arg7[%parallel_loop3A_298, %parallel_loop3A_299] {strides = array<i32>} : memref<32x512xf32, #tpu.memory_space<vmem>>, vector<16xf32>,
      tpu.vector_store %arg7[%parallel_loop3A_298, %parallel_loop3A_299], %parallel_loop3A_294 {strides = array<i32>} : memref<32x512xf32, #tpu.memory_space<vmem>>, vector<16xf32>,
      %parallel_loop3A_301 = arith.constant 25 : i32
      %parallel_loop3A_302 = vector.broadcast %parallel_loop3A_301 : i32 to vector<16xi32>
      %parallel_loop3A_303 = arith.addi %parallel_loop3A_50, %parallel_loop3A_302 : vector<16xi32>
      %parallel_loop3A_304 = tpu.vector_load_idx %arg5[%parallel_loop3A_303] : memref<33033xf32, #tpu.memory_space<vmem>>[vector<16xi32>], vector<16xf32>,
      %parallel_loop3A_305 = arith.constant 16 : i32
      %parallel_loop3A_306 = arith.muli %parallel_loop3A_305, %parallel_loop3A_41 : i32
      %parallel_loop3A_307 = arith.constant 25 : i32
      %parallel_loop3A_308 = arith.index_cast %parallel_loop3A_307 : i32 to index
      %parallel_loop3A_309 = arith.index_cast %parallel_loop3A_306 : i32 to index
      %parallel_loop3A_310 = tpu.vector_load %arg7[%parallel_loop3A_308, %parallel_loop3A_309] {strides = array<i32>} : memref<32x512xf32, #tpu.memory_space<vmem>>, vector<16xf32>,
      tpu.vector_store %arg7[%parallel_loop3A_308, %parallel_loop3A_309], %parallel_loop3A_304 {strides = array<i32>} : memref<32x512xf32, #tpu.memory_space<vmem>>, vector<16xf32>,
      %parallel_loop3A_311 = arith.constant 26 : i32
      %parallel_loop3A_312 = vector.broadcast %parallel_loop3A_311 : i32 to vector<16xi32>
      %parallel_loop3A_313 = arith.addi %parallel_loop3A_50, %parallel_loop3A_312 : vector<16xi32>
      %parallel_loop3A_314 = tpu.vector_load_idx %arg5[%parallel_loop3A_313] : memref<33033xf32, #tpu.memory_space<vmem>>[vector<16xi32>], vector<16xf32>,
      %parallel_loop3A_315 = arith.constant 16 : i32
      %parallel_loop3A_316 = arith.muli %parallel_loop3A_315, %parallel_loop3A_41 : i32
      %parallel_loop3A_317 = arith.constant 26 : i32
      %parallel_loop3A_318 = arith.index_cast %parallel_loop3A_317 : i32 to index
      %parallel_loop3A_319 = arith.index_cast %parallel_loop3A_316 : i32 to index
      %parallel_loop3A_320 = tpu.vector_load %arg7[%parallel_loop3A_318, %parallel_loop3A_319] {strides = array<i32>} : memref<32x512xf32, #tpu.memory_space<vmem>>, vector<16xf32>,
      tpu.vector_store %arg7[%parallel_loop3A_318, %parallel_loop3A_319], %parallel_loop3A_314 {strides = array<i32>} : memref<32x512xf32, #tpu.memory_space<vmem>>, vector<16xf32>,
      %parallel_loop3A_321 = arith.constant 27 : i32
      %parallel_loop3A_322 = vector.broadcast %parallel_loop3A_321 : i32 to vector<16xi32>
      %parallel_loop3A_323 = arith.addi %parallel_loop3A_50, %parallel_loop3A_322 : vector<16xi32>
      %parallel_loop3A_324 = tpu.vector_load_idx %arg5[%parallel_loop3A_323] : memref<33033xf32, #tpu.memory_space<vmem>>[vector<16xi32>], vector<16xf32>,
      %parallel_loop3A_325 = arith.constant 16 : i32
      %parallel_loop3A_326 = arith.muli %parallel_loop3A_325, %parallel_loop3A_41 : i32
      %parallel_loop3A_327 = arith.constant 27 : i32
      %parallel_loop3A_328 = arith.index_cast %parallel_loop3A_327 : i32 to index
      %parallel_loop3A_329 = arith.index_cast %parallel_loop3A_326 : i32 to index
      %parallel_loop3A_330 = tpu.vector_load %arg7[%parallel_loop3A_328, %parallel_loop3A_329] {strides = array<i32>} : memref<32x512xf32, #tpu.memory_space<vmem>>, vector<16xf32>,
      tpu.vector_store %arg7[%parallel_loop3A_328, %parallel_loop3A_329], %parallel_loop3A_324 {strides = array<i32>} : memref<32x512xf32, #tpu.memory_space<vmem>>, vector<16xf32>,
      %parallel_loop3A_331 = arith.constant 28 : i32
      %parallel_loop3A_332 = vector.broadcast %parallel_loop3A_331 : i32 to vector<16xi32>
      %parallel_loop3A_333 = arith.addi %parallel_loop3A_50, %parallel_loop3A_332 : vector<16xi32>
      %parallel_loop3A_334 = tpu.vector_load_idx %arg5[%parallel_loop3A_333] : memref<33033xf32, #tpu.memory_space<vmem>>[vector<16xi32>], vector<16xf32>,
      %parallel_loop3A_335 = arith.constant 16 : i32
      %parallel_loop3A_336 = arith.muli %parallel_loop3A_335, %parallel_loop3A_41 : i32
      %parallel_loop3A_337 = arith.constant 28 : i32
      %parallel_loop3A_338 = arith.index_cast %parallel_loop3A_337 : i32 to index
      %parallel_loop3A_339 = arith.index_cast %parallel_loop3A_336 : i32 to index
      %parallel_loop3A_340 = tpu.vector_load %arg7[%parallel_loop3A_338, %parallel_loop3A_339] {strides = array<i32>} : memref<32x512xf32, #tpu.memory_space<vmem>>, vector<16xf32>,
      tpu.vector_store %arg7[%parallel_loop3A_338, %parallel_loop3A_339], %parallel_loop3A_334 {strides = array<i32>} : memref<32x512xf32, #tpu.memory_space<vmem>>, vector<16xf32>,
      %parallel_loop3A_341 = arith.constant 29 : i32
      %parallel_loop3A_342 = vector.broadcast %parallel_loop3A_341 : i32 to vector<16xi32>
      %parallel_loop3A_343 = arith.addi %parallel_loop3A_50, %parallel_loop3A_342 : vector<16xi32>
      %parallel_loop3A_344 = tpu.vector_load_idx %arg5[%parallel_loop3A_343] : memref<33033xf32, #tpu.memory_space<vmem>>[vector<16xi32>], vector<16xf32>,
      %parallel_loop3A_345 = arith.constant 16 : i32
      %parallel_loop3A_346 = arith.muli %parallel_loop3A_345, %parallel_loop3A_41 : i32
      %parallel_loop3A_347 = arith.constant 29 : i32
      %parallel_loop3A_348 = arith.index_cast %parallel_loop3A_347 : i32 to index
      %parallel_loop3A_349 = arith.index_cast %parallel_loop3A_346 : i32 to index
      %parallel_loop3A_350 = tpu.vector_load %arg7[%parallel_loop3A_348, %parallel_loop3A_349] {strides = array<i32>} : memref<32x512xf32, #tpu.memory_space<vmem>>, vector<16xf32>,
      tpu.vector_store %arg7[%parallel_loop3A_348, %parallel_loop3A_349], %parallel_loop3A_344 {strides = array<i32>} : memref<32x512xf32, #tpu.memory_space<vmem>>, vector<16xf32>,
      %parallel_loop3A_351 = arith.constant 30 : i32
      %parallel_loop3A_352 = vector.broadcast %parallel_loop3A_351 : i32 to vector<16xi32>
      %parallel_loop3A_353 = arith.addi %parallel_loop3A_50, %parallel_loop3A_352 : vector<16xi32>
      %parallel_loop3A_354 = tpu.vector_load_idx %arg5[%parallel_loop3A_353] : memref<33033xf32, #tpu.memory_space<vmem>>[vector<16xi32>], vector<16xf32>,
      %parallel_loop3A_355 = arith.constant 16 : i32
      %parallel_loop3A_356 = arith.muli %parallel_loop3A_355, %parallel_loop3A_41 : i32
      %parallel_loop3A_357 = arith.constant 30 : i32
      %parallel_loop3A_358 = arith.index_cast %parallel_loop3A_357 : i32 to index
      %parallel_loop3A_359 = arith.index_cast %parallel_loop3A_356 : i32 to index
      %parallel_loop3A_360 = tpu.vector_load %arg7[%parallel_loop3A_358, %parallel_loop3A_359] {strides = array<i32>} : memref<32x512xf32, #tpu.memory_space<vmem>>, vector<16xf32>,
      tpu.vector_store %arg7[%parallel_loop3A_358, %parallel_loop3A_359], %parallel_loop3A_354 {strides = array<i32>} : memref<32x512xf32, #tpu.memory_space<vmem>>, vector<16xf32>,
      %parallel_loop3A_361 = arith.constant 31 : i32
      %parallel_loop3A_362 = vector.broadcast %parallel_loop3A_361 : i32 to vector<16xi32>
      %parallel_loop3A_363 = arith.addi %parallel_loop3A_50, %parallel_loop3A_362 : vector<16xi32>
      %parallel_loop3A_364 = tpu.vector_load_idx %arg5[%parallel_loop3A_363] : memref<33033xf32, #tpu.memory_space<vmem>>[vector<16xi32>], vector<16xf32>,
      %parallel_loop3A_365 = arith.constant 16 : i32
      %parallel_loop3A_366 = arith.muli %parallel_loop3A_365, %parallel_loop3A_41 : i32
      %parallel_loop3A_367 = arith.constant 31 : i32
      %parallel_loop3A_368 = arith.index_cast %parallel_loop3A_367 : i32 to index
      %parallel_loop3A_369 = arith.index_cast %parallel_loop3A_366 : i32 to index
      %parallel_loop3A_370 = tpu.vector_load %arg7[%parallel_loop3A_368, %parallel_loop3A_369] {strides = array<i32>} : memref<32x512xf32, #tpu.memory_space<vmem>>, vector<16xf32>,
      tpu.vector_store %arg7[%parallel_loop3A_368, %parallel_loop3A_369], %parallel_loop3A_364 {strides = array<i32>} : memref<32x512xf32, #tpu.memory_space<vmem>>, vector<16xf32>,
    } {sc.loop_unroll_factor = 1 : i64, sc.parallel_access}
    %dma_start3A = arith.constant 0 : i32
    %dma_start3A_7 = arith.constant 0 : i32
    %dma_start3A_8 = tpu.memref_slice %arg4[%dma_start3A, %dma_start3A_7, %mul3A_2] : memref<26x32x16384xf32, #tpu.memory_space<hbm>> -> memref<1x32x512xf32, #tpu.memory_space<hbm>>
    %dma_start3A_9 = tpu.memref_squeeze %dma_start3A_8 : memref<1x32x512xf32, #tpu.memory_space<hbm>> -> memref<32x512xf32, #tpu.memory_space<hbm>>
    %dma_start3A_10 = arith.constant 0 : i32
    %dma_start3A_11 = tpu.memref_slice %arg4[%dma_start3A, %dma_start3A_10, %mul3A_2] : memref<26x32x16384xf32, #tpu.memory_space<hbm>> -> memref<1x32x512xf32, #tpu.memory_space<hbm>>
    %dma_start3A_12 = tpu.memref_squeeze %dma_start3A_11 : memref<1x32x512xf32, #tpu.memory_space<hbm>> -> memref<32x512xf32, #tpu.memory_space<hbm>>
    tpu.enqueue_dma source(%arg7 : memref<32x512xf32, #tpu.memory_space<vmem>>) target(%dma_start3A_12 : memref<32x512xf32, #tpu.memory_space<hbm>>) target_semaphore(%arg9 : memref<!tpu.dma_semaphore, #tpu.memory_space<semaphore_mem>>)
    %parallel_loop3A_13 = arith.constant 0 : i32
    %parallel_loop3A_14 = arith.constant 32 : i32
    %parallel_loop3A_15 = arith.constant 1 : i32
    scf.for %parallel_loop3A_41 = %parallel_loop3A_13 to %parallel_loop3A_14 step %parallel_loop3A_15  : i32 {
      %parallel_loop3A_42 = arith.constant 16 : i32
      %parallel_loop3A_43 = arith.muli %parallel_loop3A_42, %parallel_loop3A_41 : i32
      %parallel_loop3A_44 = arith.constant 512 : i32
      %parallel_loop3A_45 = arith.addi %parallel_loop3A_44, %parallel_loop3A_43 : i32
      %parallel_loop3A_46 = arith.index_cast %parallel_loop3A_45 : i32 to index
      %parallel_loop3A_47 = tpu.vector_load %arg6[%parallel_loop3A_46] {strides = array<i32>} : memref<13312xi32, #tpu.memory_space<vmem>>, vector<16xi32>,
      %parallel_loop3A_48 = arith.constant 33 : i32
      %parallel_loop3A_49 = vector.broadcast %parallel_loop3A_48 : i32 to vector<16xi32>
      %parallel_loop3A_50 = arith.muli %parallel_loop3A_47, %parallel_loop3A_49 : vector<16xi32>
      %parallel_loop3A_51 = arith.constant 0 : i32
      %parallel_loop3A_52 = vector.broadcast %parallel_loop3A_51 : i32 to vector<16xi32>
      %parallel_loop3A_53 = arith.addi %parallel_loop3A_50, %parallel_loop3A_52 : vector<16xi32>
      %parallel_loop3A_54 = tpu.vector_load_idx %arg5[%parallel_loop3A_53] : memref<33033xf32, #tpu.memory_space<vmem>>[vector<16xi32>], vector<16xf32>,
      %parallel_loop3A_55 = arith.constant 16 : i32
      %parallel_loop3A_56 = arith.muli %parallel_loop3A_55, %parallel_loop3A_41 : i32
      %parallel_loop3A_57 = arith.constant 0 : i32
      %parallel_loop3A_58 = arith.index_cast %parallel_loop3A_57 : i32 to index
      %parallel_loop3A_59 = arith.index_cast %parallel_loop3A_56 : i32 to index
      %parallel_loop3A_60 = tpu.vector_load %arg8[%parallel_loop3A_58, %parallel_loop3A_59] {strides = array<i32>} : memref<32x512xf32, #tpu.memory_space<vmem>>, vector<16xf32>,
      tpu.vector_store %arg8[%parallel_loop3A_58, %parallel_loop3A_59], %parallel_loop3A_54 {strides = array<i32>} : memref<32x512xf32, #tpu.memory_space<vmem>>, vector<16xf32>,
      %parallel_loop3A_61 = arith.constant 1 : i32
      %parallel_loop3A_62 = vector.broadcast %parallel_loop3A_61 : i32 to vector<16xi32>
      %parallel_loop3A_63 = arith.addi %parallel_loop3A_50, %parallel_loop3A_62 : vector<16xi32>
      %parallel_loop3A_64 = tpu.vector_load_idx %arg5[%parallel_loop3A_63] : memref<33033xf32, #tpu.memory_space<vmem>>[vector<16xi32>], vector<16xf32>,
      %parallel_loop3A_65 = arith.constant 16 : i32
      %parallel_loop3A_66 = arith.muli %parallel_loop3A_65, %parallel_loop3A_41 : i32
      %parallel_loop3A_67 = arith.constant 1 : i32
      %parallel_loop3A_68 = arith.index_cast %parallel_loop3A_67 : i32 to index
      %parallel_loop3A_69 = arith.index_cast %parallel_loop3A_66 : i32 to index
      %parallel_loop3A_70 = tpu.vector_load %arg8[%parallel_loop3A_68, %parallel_loop3A_69] {strides = array<i32>} : memref<32x512xf32, #tpu.memory_space<vmem>>, vector<16xf32>,
      tpu.vector_store %arg8[%parallel_loop3A_68, %parallel_loop3A_69], %parallel_loop3A_64 {strides = array<i32>} : memref<32x512xf32, #tpu.memory_space<vmem>>, vector<16xf32>,
      %parallel_loop3A_71 = arith.constant 2 : i32
      %parallel_loop3A_72 = vector.broadcast %parallel_loop3A_71 : i32 to vector<16xi32>
      %parallel_loop3A_73 = arith.addi %parallel_loop3A_50, %parallel_loop3A_72 : vector<16xi32>
      %parallel_loop3A_74 = tpu.vector_load_idx %arg5[%parallel_loop3A_73] : memref<33033xf32, #tpu.memory_space<vmem>>[vector<16xi32>], vector<16xf32>,
      %parallel_loop3A_75 = arith.constant 16 : i32
      %parallel_loop3A_76 = arith.muli %parallel_loop3A_75, %parallel_loop3A_41 : i32
      %parallel_loop3A_77 = arith.constant 2 : i32
      %parallel_loop3A_78 = arith.index_cast %parallel_loop3A_77 : i32 to index
      %parallel_loop3A_79 = arith.index_cast %parallel_loop3A_76 : i32 to index
      %parallel_loop3A_80 = tpu.vector_load %arg8[%parallel_loop3A_78, %parallel_loop3A_79] {strides = array<i32>} : memref<32x512xf32, #tpu.memory_space<vmem>>, vector<16xf32>,
      tpu.vector_store %arg8[%parallel_loop3A_78, %parallel_loop3A_79], %parallel_loop3A_74 {strides = array<i32>} : memref<32x512xf32, #tpu.memory_space<vmem>>, vector<16xf32>,
      %parallel_loop3A_81 = arith.constant 3 : i32
      %parallel_loop3A_82 = vector.broadcast %parallel_loop3A_81 : i32 to vector<16xi32>
      %parallel_loop3A_83 = arith.addi %parallel_loop3A_50, %parallel_loop3A_82 : vector<16xi32>
      %parallel_loop3A_84 = tpu.vector_load_idx %arg5[%parallel_loop3A_83] : memref<33033xf32, #tpu.memory_space<vmem>>[vector<16xi32>], vector<16xf32>,
      %parallel_loop3A_85 = arith.constant 16 : i32
      %parallel_loop3A_86 = arith.muli %parallel_loop3A_85, %parallel_loop3A_41 : i32
      %parallel_loop3A_87 = arith.constant 3 : i32
      %parallel_loop3A_88 = arith.index_cast %parallel_loop3A_87 : i32 to index
      %parallel_loop3A_89 = arith.index_cast %parallel_loop3A_86 : i32 to index
      %parallel_loop3A_90 = tpu.vector_load %arg8[%parallel_loop3A_88, %parallel_loop3A_89] {strides = array<i32>} : memref<32x512xf32, #tpu.memory_space<vmem>>, vector<16xf32>,
      tpu.vector_store %arg8[%parallel_loop3A_88, %parallel_loop3A_89], %parallel_loop3A_84 {strides = array<i32>} : memref<32x512xf32, #tpu.memory_space<vmem>>, vector<16xf32>,
      %parallel_loop3A_91 = arith.constant 4 : i32
      %parallel_loop3A_92 = vector.broadcast %parallel_loop3A_91 : i32 to vector<16xi32>
      %parallel_loop3A_93 = arith.addi %parallel_loop3A_50, %parallel_loop3A_92 : vector<16xi32>
      %parallel_loop3A_94 = tpu.vector_load_idx %arg5[%parallel_loop3A_93] : memref<33033xf32, #tpu.memory_space<vmem>>[vector<16xi32>], vector<16xf32>,
      %parallel_loop3A_95 = arith.constant 16 : i32
      %parallel_loop3A_96 = arith.muli %parallel_loop3A_95, %parallel_loop3A_41 : i32
      %parallel_loop3A_97 = arith.constant 4 : i32
      %parallel_loop3A_98 = arith.index_cast %parallel_loop3A_97 : i32 to index
      %parallel_loop3A_99 = arith.index_cast %parallel_loop3A_96 : i32 to index
      %parallel_loop3A_100 = tpu.vector_load %arg8[%parallel_loop3A_98, %parallel_loop3A_99] {strides = array<i32>} : memref<32x512xf32, #tpu.memory_space<vmem>>, vector<16xf32>,
      tpu.vector_store %arg8[%parallel_loop3A_98, %parallel_loop3A_99], %parallel_loop3A_94 {strides = array<i32>} : memref<32x512xf32, #tpu.memory_space<vmem>>, vector<16xf32>,
      %parallel_loop3A_101 = arith.constant 5 : i32
      %parallel_loop3A_102 = vector.broadcast %parallel_loop3A_101 : i32 to vector<16xi32>
      %parallel_loop3A_103 = arith.addi %parallel_loop3A_50, %parallel_loop3A_102 : vector<16xi32>
      %parallel_loop3A_104 = tpu.vector_load_idx %arg5[%parallel_loop3A_103] : memref<33033xf32, #tpu.memory_space<vmem>>[vector<16xi32>], vector<16xf32>,
      %parallel_loop3A_105 = arith.constant 16 : i32
      %parallel_loop3A_106 = arith.muli %parallel_loop3A_105, %parallel_loop3A_41 : i32
      %parallel_loop3A_107 = arith.constant 5 : i32
      %parallel_loop3A_108 = arith.index_cast %parallel_loop3A_107 : i32 to index
      %parallel_loop3A_109 = arith.index_cast %parallel_loop3A_106 : i32 to index
      %parallel_loop3A_110 = tpu.vector_load %arg8[%parallel_loop3A_108, %parallel_loop3A_109] {strides = array<i32>} : memref<32x512xf32, #tpu.memory_space<vmem>>, vector<16xf32>,
      tpu.vector_store %arg8[%parallel_loop3A_108, %parallel_loop3A_109], %parallel_loop3A_104 {strides = array<i32>} : memref<32x512xf32, #tpu.memory_space<vmem>>, vector<16xf32>,
      %parallel_loop3A_111 = arith.constant 6 : i32
      %parallel_loop3A_112 = vector.broadcast %parallel_loop3A_111 : i32 to vector<16xi32>
      %parallel_loop3A_113 = arith.addi %parallel_loop3A_50, %parallel_loop3A_112 : vector<16xi32>
      %parallel_loop3A_114 = tpu.vector_load_idx %arg5[%parallel_loop3A_113] : memref<33033xf32, #tpu.memory_space<vmem>>[vector<16xi32>], vector<16xf32>,
      %parallel_loop3A_115 = arith.constant 16 : i32
      %parallel_loop3A_116 = arith.muli %parallel_loop3A_115, %parallel_loop3A_41 : i32
      %parallel_loop3A_117 = arith.constant 6 : i32
      %parallel_loop3A_118 = arith.index_cast %parallel_loop3A_117 : i32 to index
      %parallel_loop3A_119 = arith.index_cast %parallel_loop3A_116 : i32 to index
      %parallel_loop3A_120 = tpu.vector_load %arg8[%parallel_loop3A_118, %parallel_loop3A_119] {strides = array<i32>} : memref<32x512xf32, #tpu.memory_space<vmem>>, vector<16xf32>,
      tpu.vector_store %arg8[%parallel_loop3A_118, %parallel_loop3A_119], %parallel_loop3A_114 {strides = array<i32>} : memref<32x512xf32, #tpu.memory_space<vmem>>, vector<16xf32>,
      %parallel_loop3A_121 = arith.constant 7 : i32
      %parallel_loop3A_122 = vector.broadcast %parallel_loop3A_121 : i32 to vector<16xi32>
      %parallel_loop3A_123 = arith.addi %parallel_loop3A_50, %parallel_loop3A_122 : vector<16xi32>
      %parallel_loop3A_124 = tpu.vector_load_idx %arg5[%parallel_loop3A_123] : memref<33033xf32, #tpu.memory_space<vmem>>[vector<16xi32>], vector<16xf32>,
      %parallel_loop3A_125 = arith.constant 16 : i32
      %parallel_loop3A_126 = arith.muli %parallel_loop3A_125, %parallel_loop3A_41 : i32
      %parallel_loop3A_127 = arith.constant 7 : i32
      %parallel_loop3A_128 = arith.index_cast %parallel_loop3A_127 : i32 to index
      %parallel_loop3A_129 = arith.index_cast %parallel_loop3A_126 : i32 to index
      %parallel_loop3A_130 = tpu.vector_load %arg8[%parallel_loop3A_128, %parallel_loop3A_129] {strides = array<i32>} : memref<32x512xf32, #tpu.memory_space<vmem>>, vector<16xf32>,
      tpu.vector_store %arg8[%parallel_loop3A_128, %parallel_loop3A_129], %parallel_loop3A_124 {strides = array<i32>} : memref<32x512xf32, #tpu.memory_space<vmem>>, vector<16xf32>,
      %parallel_loop3A_131 = arith.constant 8 : i32
      %parallel_loop3A_132 = vector.broadcast %parallel_loop3A_131 : i32 to vector<16xi32>
      %parallel_loop3A_133 = arith.addi %parallel_loop3A_50, %parallel_loop3A_132 : vector<16xi32>
      %parallel_loop3A_134 = tpu.vector_load_idx %arg5[%parallel_loop3A_133] : memref<33033xf32, #tpu.memory_space<vmem>>[vector<16xi32>], vector<16xf32>,
      %parallel_loop3A_135 = arith.constant 16 : i32
      %parallel_loop3A_136 = arith.muli %parallel_loop3A_135, %parallel_loop3A_41 : i32
      %parallel_loop3A_137 = arith.constant 8 : i32
      %parallel_loop3A_138 = arith.index_cast %parallel_loop3A_137 : i32 to index
      %parallel_loop3A_139 = arith.index_cast %parallel_loop3A_136 : i32 to index
      %parallel_loop3A_140 = tpu.vector_load %arg8[%parallel_loop3A_138, %parallel_loop3A_139] {strides = array<i32>} : memref<32x512xf32, #tpu.memory_space<vmem>>, vector<16xf32>,
      tpu.vector_store %arg8[%parallel_loop3A_138, %parallel_loop3A_139], %parallel_loop3A_134 {strides = array<i32>} : memref<32x512xf32, #tpu.memory_space<vmem>>, vector<16xf32>,
      %parallel_loop3A_141 = arith.constant 9 : i32
      %parallel_loop3A_142 = vector.broadcast %parallel_loop3A_141 : i32 to vector<16xi32>
      %parallel_loop3A_143 = arith.addi %parallel_loop3A_50, %parallel_loop3A_142 : vector<16xi32>
      %parallel_loop3A_144 = tpu.vector_load_idx %arg5[%parallel_loop3A_143] : memref<33033xf32, #tpu.memory_space<vmem>>[vector<16xi32>], vector<16xf32>,
      %parallel_loop3A_145 = arith.constant 16 : i32
      %parallel_loop3A_146 = arith.muli %parallel_loop3A_145, %parallel_loop3A_41 : i32
      %parallel_loop3A_147 = arith.constant 9 : i32
      %parallel_loop3A_148 = arith.index_cast %parallel_loop3A_147 : i32 to index
      %parallel_loop3A_149 = arith.index_cast %parallel_loop3A_146 : i32 to index
      %parallel_loop3A_150 = tpu.vector_load %arg8[%parallel_loop3A_148, %parallel_loop3A_149] {strides = array<i32>} : memref<32x512xf32, #tpu.memory_space<vmem>>, vector<16xf32>,
      tpu.vector_store %arg8[%parallel_loop3A_148, %parallel_loop3A_149], %parallel_loop3A_144 {strides = array<i32>} : memref<32x512xf32, #tpu.memory_space<vmem>>, vector<16xf32>,
      %parallel_loop3A_151 = arith.constant 10 : i32
      %parallel_loop3A_152 = vector.broadcast %parallel_loop3A_151 : i32 to vector<16xi32>
      %parallel_loop3A_153 = arith.addi %parallel_loop3A_50, %parallel_loop3A_152 : vector<16xi32>
      %parallel_loop3A_154 = tpu.vector_load_idx %arg5[%parallel_loop3A_153] : memref<33033xf32, #tpu.memory_space<vmem>>[vector<16xi32>], vector<16xf32>,
      %parallel_loop3A_155 = arith.constant 16 : i32
      %parallel_loop3A_156 = arith.muli %parallel_loop3A_155, %parallel_loop3A_41 : i32
      %parallel_loop3A_157 = arith.constant 10 : i32
      %parallel_loop3A_158 = arith.index_cast %parallel_loop3A_157 : i32 to index
      %parallel_loop3A_159 = arith.index_cast %parallel_loop3A_156 : i32 to index
      %parallel_loop3A_160 = tpu.vector_load %arg8[%parallel_loop3A_158, %parallel_loop3A_159] {strides = array<i32>} : memref<32x512xf32, #tpu.memory_space<vmem>>, vector<16xf32>,
      tpu.vector_store %arg8[%parallel_loop3A_158, %parallel_loop3A_159], %parallel_loop3A_154 {strides = array<i32>} : memref<32x512xf32, #tpu.memory_space<vmem>>, vector<16xf32>,
      %parallel_loop3A_161 = arith.constant 11 : i32
      %parallel_loop3A_162 = vector.broadcast %parallel_loop3A_161 : i32 to vector<16xi32>
      %parallel_loop3A_163 = arith.addi %parallel_loop3A_50, %parallel_loop3A_162 : vector<16xi32>
      %parallel_loop3A_164 = tpu.vector_load_idx %arg5[%parallel_loop3A_163] : memref<33033xf32, #tpu.memory_space<vmem>>[vector<16xi32>], vector<16xf32>,
      %parallel_loop3A_165 = arith.constant 16 : i32
      %parallel_loop3A_166 = arith.muli %parallel_loop3A_165, %parallel_loop3A_41 : i32
      %parallel_loop3A_167 = arith.constant 11 : i32
      %parallel_loop3A_168 = arith.index_cast %parallel_loop3A_167 : i32 to index
      %parallel_loop3A_169 = arith.index_cast %parallel_loop3A_166 : i32 to index
      %parallel_loop3A_170 = tpu.vector_load %arg8[%parallel_loop3A_168, %parallel_loop3A_169] {strides = array<i32>} : memref<32x512xf32, #tpu.memory_space<vmem>>, vector<16xf32>,
      tpu.vector_store %arg8[%parallel_loop3A_168, %parallel_loop3A_169], %parallel_loop3A_164 {strides = array<i32>} : memref<32x512xf32, #tpu.memory_space<vmem>>, vector<16xf32>,
      %parallel_loop3A_171 = arith.constant 12 : i32
      %parallel_loop3A_172 = vector.broadcast %parallel_loop3A_171 : i32 to vector<16xi32>
      %parallel_loop3A_173 = arith.addi %parallel_loop3A_50, %parallel_loop3A_172 : vector<16xi32>
      %parallel_loop3A_174 = tpu.vector_load_idx %arg5[%parallel_loop3A_173] : memref<33033xf32, #tpu.memory_space<vmem>>[vector<16xi32>], vector<16xf32>,
      %parallel_loop3A_175 = arith.constant 16 : i32
      %parallel_loop3A_176 = arith.muli %parallel_loop3A_175, %parallel_loop3A_41 : i32
      %parallel_loop3A_177 = arith.constant 12 : i32
      %parallel_loop3A_178 = arith.index_cast %parallel_loop3A_177 : i32 to index
      %parallel_loop3A_179 = arith.index_cast %parallel_loop3A_176 : i32 to index
      %parallel_loop3A_180 = tpu.vector_load %arg8[%parallel_loop3A_178, %parallel_loop3A_179] {strides = array<i32>} : memref<32x512xf32, #tpu.memory_space<vmem>>, vector<16xf32>,
      tpu.vector_store %arg8[%parallel_loop3A_178, %parallel_loop3A_179], %parallel_loop3A_174 {strides = array<i32>} : memref<32x512xf32, #tpu.memory_space<vmem>>, vector<16xf32>,
      %parallel_loop3A_181 = arith.constant 13 : i32
      %parallel_loop3A_182 = vector.broadcast %parallel_loop3A_181 : i32 to vector<16xi32>
      %parallel_loop3A_183 = arith.addi %parallel_loop3A_50, %parallel_loop3A_182 : vector<16xi32>
      %parallel_loop3A_184 = tpu.vector_load_idx %arg5[%parallel_loop3A_183] : memref<33033xf32, #tpu.memory_space<vmem>>[vector<16xi32>], vector<16xf32>,
      %parallel_loop3A_185 = arith.constant 16 : i32
      %parallel_loop3A_186 = arith.muli %parallel_loop3A_185, %parallel_loop3A_41 : i32
      %parallel_loop3A_187 = arith.constant 13 : i32
      %parallel_loop3A_188 = arith.index_cast %parallel_loop3A_187 : i32 to index
      %parallel_loop3A_189 = arith.index_cast %parallel_loop3A_186 : i32 to index
      %parallel_loop3A_190 = tpu.vector_load %arg8[%parallel_loop3A_188, %parallel_loop3A_189] {strides = array<i32>} : memref<32x512xf32, #tpu.memory_space<vmem>>, vector<16xf32>,
      tpu.vector_store %arg8[%parallel_loop3A_188, %parallel_loop3A_189], %parallel_loop3A_184 {strides = array<i32>} : memref<32x512xf32, #tpu.memory_space<vmem>>, vector<16xf32>,
      %parallel_loop3A_191 = arith.constant 14 : i32
      %parallel_loop3A_192 = vector.broadcast %parallel_loop3A_191 : i32 to vector<16xi32>
      %parallel_loop3A_193 = arith.addi %parallel_loop3A_50, %parallel_loop3A_192 : vector<16xi32>
      %parallel_loop3A_194 = tpu.vector_load_idx %arg5[%parallel_loop3A_193] : memref<33033xf32, #tpu.memory_space<vmem>>[vector<16xi32>], vector<16xf32>,
      %parallel_loop3A_195 = arith.constant 16 : i32
      %parallel_loop3A_196 = arith.muli %parallel_loop3A_195, %parallel_loop3A_41 : i32
      %parallel_loop3A_197 = arith.constant 14 : i32
      %parallel_loop3A_198 = arith.index_cast %parallel_loop3A_197 : i32 to index
      %parallel_loop3A_199 = arith.index_cast %parallel_loop3A_196 : i32 to index
      %parallel_loop3A_200 = tpu.vector_load %arg8[%parallel_loop3A_198, %parallel_loop3A_199] {strides = array<i32>} : memref<32x512xf32, #tpu.memory_space<vmem>>, vector<16xf32>,
      tpu.vector_store %arg8[%parallel_loop3A_198, %parallel_loop3A_199], %parallel_loop3A_194 {strides = array<i32>} : memref<32x512xf32, #tpu.memory_space<vmem>>, vector<16xf32>,
      %parallel_loop3A_201 = arith.constant 15 : i32
      %parallel_loop3A_202 = vector.broadcast %parallel_loop3A_201 : i32 to vector<16xi32>
      %parallel_loop3A_203 = arith.addi %parallel_loop3A_50, %parallel_loop3A_202 : vector<16xi32>
      %parallel_loop3A_204 = tpu.vector_load_idx %arg5[%parallel_loop3A_203] : memref<33033xf32, #tpu.memory_space<vmem>>[vector<16xi32>], vector<16xf32>,
      %parallel_loop3A_205 = arith.constant 16 : i32
      %parallel_loop3A_206 = arith.muli %parallel_loop3A_205, %parallel_loop3A_41 : i32
      %parallel_loop3A_207 = arith.constant 15 : i32
      %parallel_loop3A_208 = arith.index_cast %parallel_loop3A_207 : i32 to index
      %parallel_loop3A_209 = arith.index_cast %parallel_loop3A_206 : i32 to index
      %parallel_loop3A_210 = tpu.vector_load %arg8[%parallel_loop3A_208, %parallel_loop3A_209] {strides = array<i32>} : memref<32x512xf32, #tpu.memory_space<vmem>>, vector<16xf32>,
      tpu.vector_store %arg8[%parallel_loop3A_208, %parallel_loop3A_209], %parallel_loop3A_204 {strides = array<i32>} : memref<32x512xf32, #tpu.memory_space<vmem>>, vector<16xf32>,
      %parallel_loop3A_211 = arith.constant 16 : i32
      %parallel_loop3A_212 = vector.broadcast %parallel_loop3A_211 : i32 to vector<16xi32>
      %parallel_loop3A_213 = arith.addi %parallel_loop3A_50, %parallel_loop3A_212 : vector<16xi32>
      %parallel_loop3A_214 = tpu.vector_load_idx %arg5[%parallel_loop3A_213] : memref<33033xf32, #tpu.memory_space<vmem>>[vector<16xi32>], vector<16xf32>,
      %parallel_loop3A_215 = arith.constant 16 : i32
      %parallel_loop3A_216 = arith.muli %parallel_loop3A_215, %parallel_loop3A_41 : i32
      %parallel_loop3A_217 = arith.constant 16 : i32
      %parallel_loop3A_218 = arith.index_cast %parallel_loop3A_217 : i32 to index
      %parallel_loop3A_219 = arith.index_cast %parallel_loop3A_216 : i32 to index
      %parallel_loop3A_220 = tpu.vector_load %arg8[%parallel_loop3A_218, %parallel_loop3A_219] {strides = array<i32>} : memref<32x512xf32, #tpu.memory_space<vmem>>, vector<16xf32>,
      tpu.vector_store %arg8[%parallel_loop3A_218, %parallel_loop3A_219], %parallel_loop3A_214 {strides = array<i32>} : memref<32x512xf32, #tpu.memory_space<vmem>>, vector<16xf32>,
      %parallel_loop3A_221 = arith.constant 17 : i32
      %parallel_loop3A_222 = vector.broadcast %parallel_loop3A_221 : i32 to vector<16xi32>
      %parallel_loop3A_223 = arith.addi %parallel_loop3A_50, %parallel_loop3A_222 : vector<16xi32>
      %parallel_loop3A_224 = tpu.vector_load_idx %arg5[%parallel_loop3A_223] : memref<33033xf32, #tpu.memory_space<vmem>>[vector<16xi32>], vector<16xf32>,
      %parallel_loop3A_225 = arith.constant 16 : i32
      %parallel_loop3A_226 = arith.muli %parallel_loop3A_225, %parallel_loop3A_41 : i32
      %parallel_loop3A_227 = arith.constant 17 : i32
      %parallel_loop3A_228 = arith.index_cast %parallel_loop3A_227 : i32 to index
      %parallel_loop3A_229 = arith.index_cast %parallel_loop3A_226 : i32 to index
      %parallel_loop3A_230 = tpu.vector_load %arg8[%parallel_loop3A_228, %parallel_loop3A_229] {strides = array<i32>} : memref<32x512xf32, #tpu.memory_space<vmem>>, vector<16xf32>,
      tpu.vector_store %arg8[%parallel_loop3A_228, %parallel_loop3A_229], %parallel_loop3A_224 {strides = array<i32>} : memref<32x512xf32, #tpu.memory_space<vmem>>, vector<16xf32>,
      %parallel_loop3A_231 = arith.constant 18 : i32
      %parallel_loop3A_232 = vector.broadcast %parallel_loop3A_231 : i32 to vector<16xi32>
      %parallel_loop3A_233 = arith.addi %parallel_loop3A_50, %parallel_loop3A_232 : vector<16xi32>
      %parallel_loop3A_234 = tpu.vector_load_idx %arg5[%parallel_loop3A_233] : memref<33033xf32, #tpu.memory_space<vmem>>[vector<16xi32>], vector<16xf32>,
      %parallel_loop3A_235 = arith.constant 16 : i32
      %parallel_loop3A_236 = arith.muli %parallel_loop3A_235, %parallel_loop3A_41 : i32
      %parallel_loop3A_237 = arith.constant 18 : i32
      %parallel_loop3A_238 = arith.index_cast %parallel_loop3A_237 : i32 to index
      %parallel_loop3A_239 = arith.index_cast %parallel_loop3A_236 : i32 to index
      %parallel_loop3A_240 = tpu.vector_load %arg8[%parallel_loop3A_238, %parallel_loop3A_239] {strides = array<i32>} : memref<32x512xf32, #tpu.memory_space<vmem>>, vector<16xf32>,
      tpu.vector_store %arg8[%parallel_loop3A_238, %parallel_loop3A_239], %parallel_loop3A_234 {strides = array<i32>} : memref<32x512xf32, #tpu.memory_space<vmem>>, vector<16xf32>,
      %parallel_loop3A_241 = arith.constant 19 : i32
      %parallel_loop3A_242 = vector.broadcast %parallel_loop3A_241 : i32 to vector<16xi32>
      %parallel_loop3A_243 = arith.addi %parallel_loop3A_50, %parallel_loop3A_242 : vector<16xi32>
      %parallel_loop3A_244 = tpu.vector_load_idx %arg5[%parallel_loop3A_243] : memref<33033xf32, #tpu.memory_space<vmem>>[vector<16xi32>], vector<16xf32>,
      %parallel_loop3A_245 = arith.constant 16 : i32
      %parallel_loop3A_246 = arith.muli %parallel_loop3A_245, %parallel_loop3A_41 : i32
      %parallel_loop3A_247 = arith.constant 19 : i32
      %parallel_loop3A_248 = arith.index_cast %parallel_loop3A_247 : i32 to index
      %parallel_loop3A_249 = arith.index_cast %parallel_loop3A_246 : i32 to index
      %parallel_loop3A_250 = tpu.vector_load %arg8[%parallel_loop3A_248, %parallel_loop3A_249] {strides = array<i32>} : memref<32x512xf32, #tpu.memory_space<vmem>>, vector<16xf32>,
      tpu.vector_store %arg8[%parallel_loop3A_248, %parallel_loop3A_249], %parallel_loop3A_244 {strides = array<i32>} : memref<32x512xf32, #tpu.memory_space<vmem>>, vector<16xf32>,
      %parallel_loop3A_251 = arith.constant 20 : i32
      %parallel_loop3A_252 = vector.broadcast %parallel_loop3A_251 : i32 to vector<16xi32>
      %parallel_loop3A_253 = arith.addi %parallel_loop3A_50, %parallel_loop3A_252 : vector<16xi32>
      %parallel_loop3A_254 = tpu.vector_load_idx %arg5[%parallel_loop3A_253] : memref<33033xf32, #tpu.memory_space<vmem>>[vector<16xi32>], vector<16xf32>,
      %parallel_loop3A_255 = arith.constant 16 : i32
      %parallel_loop3A_256 = arith.muli %parallel_loop3A_255, %parallel_loop3A_41 : i32
      %parallel_loop3A_257 = arith.constant 20 : i32
      %parallel_loop3A_258 = arith.index_cast %parallel_loop3A_257 : i32 to index
      %parallel_loop3A_259 = arith.index_cast %parallel_loop3A_256 : i32 to index
      %parallel_loop3A_260 = tpu.vector_load %arg8[%parallel_loop3A_258, %parallel_loop3A_259] {strides = array<i32>} : memref<32x512xf32, #tpu.memory_space<vmem>>, vector<16xf32>,
      tpu.vector_store %arg8[%parallel_loop3A_258, %parallel_loop3A_259], %parallel_loop3A_254 {strides = array<i32>} : memref<32x512xf32, #tpu.memory_space<vmem>>, vector<16xf32>,
      %parallel_loop3A_261 = arith.constant 21 : i32
      %parallel_loop3A_262 = vector.broadcast %parallel_loop3A_261 : i32 to vector<16xi32>
      %parallel_loop3A_263 = arith.addi %parallel_loop3A_50, %parallel_loop3A_262 : vector<16xi32>
      %parallel_loop3A_264 = tpu.vector_load_idx %arg5[%parallel_loop3A_263] : memref<33033xf32, #tpu.memory_space<vmem>>[vector<16xi32>], vector<16xf32>,
      %parallel_loop3A_265 = arith.constant 16 : i32
      %parallel_loop3A_266 = arith.muli %parallel_loop3A_265, %parallel_loop3A_41 : i32
      %parallel_loop3A_267 = arith.constant 21 : i32
      %parallel_loop3A_268 = arith.index_cast %parallel_loop3A_267 : i32 to index
      %parallel_loop3A_269 = arith.index_cast %parallel_loop3A_266 : i32 to index
      %parallel_loop3A_270 = tpu.vector_load %arg8[%parallel_loop3A_268, %parallel_loop3A_269] {strides = array<i32>} : memref<32x512xf32, #tpu.memory_space<vmem>>, vector<16xf32>,
      tpu.vector_store %arg8[%parallel_loop3A_268, %parallel_loop3A_269], %parallel_loop3A_264 {strides = array<i32>} : memref<32x512xf32, #tpu.memory_space<vmem>>, vector<16xf32>,
      %parallel_loop3A_271 = arith.constant 22 : i32
      %parallel_loop3A_272 = vector.broadcast %parallel_loop3A_271 : i32 to vector<16xi32>
      %parallel_loop3A_273 = arith.addi %parallel_loop3A_50, %parallel_loop3A_272 : vector<16xi32>
      %parallel_loop3A_274 = tpu.vector_load_idx %arg5[%parallel_loop3A_273] : memref<33033xf32, #tpu.memory_space<vmem>>[vector<16xi32>], vector<16xf32>,
      %parallel_loop3A_275 = arith.constant 16 : i32
      %parallel_loop3A_276 = arith.muli %parallel_loop3A_275, %parallel_loop3A_41 : i32
      %parallel_loop3A_277 = arith.constant 22 : i32
      %parallel_loop3A_278 = arith.index_cast %parallel_loop3A_277 : i32 to index
      %parallel_loop3A_279 = arith.index_cast %parallel_loop3A_276 : i32 to index
      %parallel_loop3A_280 = tpu.vector_load %arg8[%parallel_loop3A_278, %parallel_loop3A_279] {strides = array<i32>} : memref<32x512xf32, #tpu.memory_space<vmem>>, vector<16xf32>,
      tpu.vector_store %arg8[%parallel_loop3A_278, %parallel_loop3A_279], %parallel_loop3A_274 {strides = array<i32>} : memref<32x512xf32, #tpu.memory_space<vmem>>, vector<16xf32>,
      %parallel_loop3A_281 = arith.constant 23 : i32
      %parallel_loop3A_282 = vector.broadcast %parallel_loop3A_281 : i32 to vector<16xi32>
      %parallel_loop3A_283 = arith.addi %parallel_loop3A_50, %parallel_loop3A_282 : vector<16xi32>
      %parallel_loop3A_284 = tpu.vector_load_idx %arg5[%parallel_loop3A_283] : memref<33033xf32, #tpu.memory_space<vmem>>[vector<16xi32>], vector<16xf32>,
      %parallel_loop3A_285 = arith.constant 16 : i32
      %parallel_loop3A_286 = arith.muli %parallel_loop3A_285, %parallel_loop3A_41 : i32
      %parallel_loop3A_287 = arith.constant 23 : i32
      %parallel_loop3A_288 = arith.index_cast %parallel_loop3A_287 : i32 to index
      %parallel_loop3A_289 = arith.index_cast %parallel_loop3A_286 : i32 to index
      %parallel_loop3A_290 = tpu.vector_load %arg8[%parallel_loop3A_288, %parallel_loop3A_289] {strides = array<i32>} : memref<32x512xf32, #tpu.memory_space<vmem>>, vector<16xf32>,
      tpu.vector_store %arg8[%parallel_loop3A_288, %parallel_loop3A_289], %parallel_loop3A_284 {strides = array<i32>} : memref<32x512xf32, #tpu.memory_space<vmem>>, vector<16xf32>,
      %parallel_loop3A_291 = arith.constant 24 : i32
      %parallel_loop3A_292 = vector.broadcast %parallel_loop3A_291 : i32 to vector<16xi32>
      %parallel_loop3A_293 = arith.addi %parallel_loop3A_50, %parallel_loop3A_292 : vector<16xi32>
      %parallel_loop3A_294 = tpu.vector_load_idx %arg5[%parallel_loop3A_293] : memref<33033xf32, #tpu.memory_space<vmem>>[vector<16xi32>], vector<16xf32>,
      %parallel_loop3A_295 = arith.constant 16 : i32
      %parallel_loop3A_296 = arith.muli %parallel_loop3A_295, %parallel_loop3A_41 : i32
      %parallel_loop3A_297 = arith.constant 24 : i32
      %parallel_loop3A_298 = arith.index_cast %parallel_loop3A_297 : i32 to index
      %parallel_loop3A_299 = arith.index_cast %parallel_loop3A_296 : i32 to index
      %parallel_loop3A_300 = tpu.vector_load %arg8[%parallel_loop3A_298, %parallel_loop3A_299] {strides = array<i32>} : memref<32x512xf32, #tpu.memory_space<vmem>>, vector<16xf32>,
      tpu.vector_store %arg8[%parallel_loop3A_298, %parallel_loop3A_299], %parallel_loop3A_294 {strides = array<i32>} : memref<32x512xf32, #tpu.memory_space<vmem>>, vector<16xf32>,
      %parallel_loop3A_301 = arith.constant 25 : i32
      %parallel_loop3A_302 = vector.broadcast %parallel_loop3A_301 : i32 to vector<16xi32>
      %parallel_loop3A_303 = arith.addi %parallel_loop3A_50, %parallel_loop3A_302 : vector<16xi32>
      %parallel_loop3A_304 = tpu.vector_load_idx %arg5[%parallel_loop3A_303] : memref<33033xf32, #tpu.memory_space<vmem>>[vector<16xi32>], vector<16xf32>,
      %parallel_loop3A_305 = arith.constant 16 : i32
      %parallel_loop3A_306 = arith.muli %parallel_loop3A_305, %parallel_loop3A_41 : i32
      %parallel_loop3A_307 = arith.constant 25 : i32
      %parallel_loop3A_308 = arith.index_cast %parallel_loop3A_307 : i32 to index
      %parallel_loop3A_309 = arith.index_cast %parallel_loop3A_306 : i32 to index
      %parallel_loop3A_310 = tpu.vector_load %arg8[%parallel_loop3A_308, %parallel_loop3A_309] {strides = array<i32>} : memref<32x512xf32, #tpu.memory_space<vmem>>, vector<16xf32>,
      tpu.vector_store %arg8[%parallel_loop3A_308, %parallel_loop3A_309], %parallel_loop3A_304 {strides = array<i32>} : memref<32x512xf32, #tpu.memory_space<vmem>>, vector<16xf32>,
      %parallel_loop3A_311 = arith.constant 26 : i32
      %parallel_loop3A_312 = vector.broadcast %parallel_loop3A_311 : i32 to vector<16xi32>
      %parallel_loop3A_313 = arith.addi %parallel_loop3A_50, %parallel_loop3A_312 : vector<16xi32>
      %parallel_loop3A_314 = tpu.vector_load_idx %arg5[%parallel_loop3A_313] : memref<33033xf32, #tpu.memory_space<vmem>>[vector<16xi32>], vector<16xf32>,
      %parallel_loop3A_315 = arith.constant 16 : i32
      %parallel_loop3A_316 = arith.muli %parallel_loop3A_315, %parallel_loop3A_41 : i32
      %parallel_loop3A_317 = arith.constant 26 : i32
      %parallel_loop3A_318 = arith.index_cast %parallel_loop3A_317 : i32 to index
      %parallel_loop3A_319 = arith.index_cast %parallel_loop3A_316 : i32 to index
      %parallel_loop3A_320 = tpu.vector_load %arg8[%parallel_loop3A_318, %parallel_loop3A_319] {strides = array<i32>} : memref<32x512xf32, #tpu.memory_space<vmem>>, vector<16xf32>,
      tpu.vector_store %arg8[%parallel_loop3A_318, %parallel_loop3A_319], %parallel_loop3A_314 {strides = array<i32>} : memref<32x512xf32, #tpu.memory_space<vmem>>, vector<16xf32>,
      %parallel_loop3A_321 = arith.constant 27 : i32
      %parallel_loop3A_322 = vector.broadcast %parallel_loop3A_321 : i32 to vector<16xi32>
      %parallel_loop3A_323 = arith.addi %parallel_loop3A_50, %parallel_loop3A_322 : vector<16xi32>
      %parallel_loop3A_324 = tpu.vector_load_idx %arg5[%parallel_loop3A_323] : memref<33033xf32, #tpu.memory_space<vmem>>[vector<16xi32>], vector<16xf32>,
      %parallel_loop3A_325 = arith.constant 16 : i32
      %parallel_loop3A_326 = arith.muli %parallel_loop3A_325, %parallel_loop3A_41 : i32
      %parallel_loop3A_327 = arith.constant 27 : i32
      %parallel_loop3A_328 = arith.index_cast %parallel_loop3A_327 : i32 to index
      %parallel_loop3A_329 = arith.index_cast %parallel_loop3A_326 : i32 to index
      %parallel_loop3A_330 = tpu.vector_load %arg8[%parallel_loop3A_328, %parallel_loop3A_329] {strides = array<i32>} : memref<32x512xf32, #tpu.memory_space<vmem>>, vector<16xf32>,
      tpu.vector_store %arg8[%parallel_loop3A_328, %parallel_loop3A_329], %parallel_loop3A_324 {strides = array<i32>} : memref<32x512xf32, #tpu.memory_space<vmem>>, vector<16xf32>,
      %parallel_loop3A_331 = arith.constant 28 : i32
      %parallel_loop3A_332 = vector.broadcast %parallel_loop3A_331 : i32 to vector<16xi32>
      %parallel_loop3A_333 = arith.addi %parallel_loop3A_50, %parallel_loop3A_332 : vector<16xi32>
      %parallel_loop3A_334 = tpu.vector_load_idx %arg5[%parallel_loop3A_333] : memref<33033xf32, #tpu.memory_space<vmem>>[vector<16xi32>], vector<16xf32>,
      %parallel_loop3A_335 = arith.constant 16 : i32
      %parallel_loop3A_336 = arith.muli %parallel_loop3A_335, %parallel_loop3A_41 : i32
      %parallel_loop3A_337 = arith.constant 28 : i32
      %parallel_loop3A_338 = arith.index_cast %parallel_loop3A_337 : i32 to index
      %parallel_loop3A_339 = arith.index_cast %parallel_loop3A_336 : i32 to index
      %parallel_loop3A_340 = tpu.vector_load %arg8[%parallel_loop3A_338, %parallel_loop3A_339] {strides = array<i32>} : memref<32x512xf32, #tpu.memory_space<vmem>>, vector<16xf32>,
      tpu.vector_store %arg8[%parallel_loop3A_338, %parallel_loop3A_339], %parallel_loop3A_334 {strides = array<i32>} : memref<32x512xf32, #tpu.memory_space<vmem>>, vector<16xf32>,
      %parallel_loop3A_341 = arith.constant 29 : i32
      %parallel_loop3A_342 = vector.broadcast %parallel_loop3A_341 : i32 to vector<16xi32>
      %parallel_loop3A_343 = arith.addi %parallel_loop3A_50, %parallel_loop3A_342 : vector<16xi32>
      %parallel_loop3A_344 = tpu.vector_load_idx %arg5[%parallel_loop3A_343] : memref<33033xf32, #tpu.memory_space<vmem>>[vector<16xi32>], vector<16xf32>,
      %parallel_loop3A_345 = arith.constant 16 : i32
      %parallel_loop3A_346 = arith.muli %parallel_loop3A_345, %parallel_loop3A_41 : i32
      %parallel_loop3A_347 = arith.constant 29 : i32
      %parallel_loop3A_348 = arith.index_cast %parallel_loop3A_347 : i32 to index
      %parallel_loop3A_349 = arith.index_cast %parallel_loop3A_346 : i32 to index
      %parallel_loop3A_350 = tpu.vector_load %arg8[%parallel_loop3A_348, %parallel_loop3A_349] {strides = array<i32>} : memref<32x512xf32, #tpu.memory_space<vmem>>, vector<16xf32>,
      tpu.vector_store %arg8[%parallel_loop3A_348, %parallel_loop3A_349], %parallel_loop3A_344 {strides = array<i32>} : memref<32x512xf32, #tpu.memory_space<vmem>>, vector<16xf32>,
      %parallel_loop3A_351 = arith.constant 30 : i32
      %parallel_loop3A_352 = vector.broadcast %parallel_loop3A_351 : i32 to vector<16xi32>
      %parallel_loop3A_353 = arith.addi %parallel_loop3A_50, %parallel_loop3A_352 : vector<16xi32>
      %parallel_loop3A_354 = tpu.vector_load_idx %arg5[%parallel_loop3A_353] : memref<33033xf32, #tpu.memory_space<vmem>>[vector<16xi32>], vector<16xf32>,
      %parallel_loop3A_355 = arith.constant 16 : i32
      %parallel_loop3A_356 = arith.muli %parallel_loop3A_355, %parallel_loop3A_41 : i32
      %parallel_loop3A_357 = arith.constant 30 : i32
      %parallel_loop3A_358 = arith.index_cast %parallel_loop3A_357 : i32 to index
      %parallel_loop3A_359 = arith.index_cast %parallel_loop3A_356 : i32 to index
      %parallel_loop3A_360 = tpu.vector_load %arg8[%parallel_loop3A_358, %parallel_loop3A_359] {strides = array<i32>} : memref<32x512xf32, #tpu.memory_space<vmem>>, vector<16xf32>,
      tpu.vector_store %arg8[%parallel_loop3A_358, %parallel_loop3A_359], %parallel_loop3A_354 {strides = array<i32>} : memref<32x512xf32, #tpu.memory_space<vmem>>, vector<16xf32>,
      %parallel_loop3A_361 = arith.constant 31 : i32
      %parallel_loop3A_362 = vector.broadcast %parallel_loop3A_361 : i32 to vector<16xi32>
      %parallel_loop3A_363 = arith.addi %parallel_loop3A_50, %parallel_loop3A_362 : vector<16xi32>
      %parallel_loop3A_364 = tpu.vector_load_idx %arg5[%parallel_loop3A_363] : memref<33033xf32, #tpu.memory_space<vmem>>[vector<16xi32>], vector<16xf32>,
      %parallel_loop3A_365 = arith.constant 16 : i32
      %parallel_loop3A_366 = arith.muli %parallel_loop3A_365, %parallel_loop3A_41 : i32
      %parallel_loop3A_367 = arith.constant 31 : i32
      %parallel_loop3A_368 = arith.index_cast %parallel_loop3A_367 : i32 to index
      %parallel_loop3A_369 = arith.index_cast %parallel_loop3A_366 : i32 to index
      %parallel_loop3A_370 = tpu.vector_load %arg8[%parallel_loop3A_368, %parallel_loop3A_369] {strides = array<i32>} : memref<32x512xf32, #tpu.memory_space<vmem>>, vector<16xf32>,
      tpu.vector_store %arg8[%parallel_loop3A_368, %parallel_loop3A_369], %parallel_loop3A_364 {strides = array<i32>} : memref<32x512xf32, #tpu.memory_space<vmem>>, vector<16xf32>,
    } {sc.loop_unroll_factor = 1 : i64, sc.parallel_access}
    %dma_start3A_16 = arith.constant 1 : i32
    %dma_start3A_17 = arith.constant 0 : i32
    %dma_start3A_18 = tpu.memref_slice %arg4[%dma_start3A_16, %dma_start3A_17, %mul3A_2] : memref<26x32x16384xf32, #tpu.memory_space<hbm>> -> memref<1x32x512xf32, #tpu.memory_space<hbm>>
    %dma_start3A_19 = tpu.memref_squeeze %dma_start3A_18 : memref<1x32x512xf32, #tpu.memory_space<hbm>> -> memref<32x512xf32, #tpu.memory_space<hbm>>
    %dma_start3A_20 = arith.constant 0 : i32
    %dma_start3A_21 = tpu.memref_slice %arg4[%dma_start3A_16, %dma_start3A_20, %mul3A_2] : memref<26x32x16384xf32, #tpu.memory_space<hbm>> -> memref<1x32x512xf32, #tpu.memory_space<hbm>>
    %dma_start3A_22 = tpu.memref_squeeze %dma_start3A_21 : memref<1x32x512xf32, #tpu.memory_space<hbm>> -> memref<32x512xf32, #tpu.memory_space<hbm>>
    tpu.enqueue_dma source(%arg8 : memref<32x512xf32, #tpu.memory_space<vmem>>) target(%dma_start3A_22 : memref<32x512xf32, #tpu.memory_space<hbm>>) target_semaphore(%arg10 : memref<!tpu.dma_semaphore, #tpu.memory_space<semaphore_mem>>)
    %scan3A = arith.constant 0 : i32
    %scan3A_23 = arith.constant 1 : i32
    %scan3A_24 = arith.constant 12 : i32
    %scan3A_25 = arith.addi %scan3A_23, %scan3A_24 : i32
    %scan3A_26 = arith.constant 1 : i32
    scf.for %scan3A_41 = %scan3A_23 to %scan3A_25 step %scan3A_26  : i32 {
      %mul3A_42 = arith.constant 2 : i32
      %mul3A_43 = arith.muli %mul3A_42, %scan3A_41 : i32
      %dma_wait3A_44 = arith.constant 0 : i32
      %dma_wait3A_45 = arith.constant 0 : i32
      %dma_wait3A_46 = tpu.memref_slice %arg4[%dma_wait3A_44, %dma_wait3A_45, %mul3A_2] : memref<26x32x16384xf32, #tpu.memory_space<hbm>> -> memref<1x32x512xf32, #tpu.memory_space<hbm>>
      %dma_wait3A_47 = tpu.memref_squeeze %dma_wait3A_46 : memref<1x32x512xf32, #tpu.memory_space<hbm>> -> memref<32x512xf32, #tpu.memory_space<hbm>>
      %dma_wait3A_48 = arith.constant 0 : i32
      %dma_wait3A_49 = tpu.memref_slice %arg4[%dma_wait3A_44, %dma_wait3A_48, %mul3A_2] : memref<26x32x16384xf32, #tpu.memory_space<hbm>> -> memref<1x32x512xf32, #tpu.memory_space<hbm>>
      %dma_wait3A_50 = tpu.memref_squeeze %dma_wait3A_49 : memref<1x32x512xf32, #tpu.memory_space<hbm>> -> memref<32x512xf32, #tpu.memory_space<hbm>>
      tpu.wait_dma2 semaphore(%arg9 : memref<!tpu.dma_semaphore, #tpu.memory_space<semaphore_mem>>) src(%arg7 : memref<32x512xf32, #tpu.memory_space<vmem>>) dst(%dma_wait3A_50 : memref<32x512xf32, #tpu.memory_space<hbm>>)
      %parallel_loop3A_51 = arith.constant 0 : i32
      %parallel_loop3A_52 = arith.constant 32 : i32
      %parallel_loop3A_53 = arith.constant 1 : i32
      scf.for %parallel_loop3A_80 = %parallel_loop3A_51 to %parallel_loop3A_52 step %parallel_loop3A_53  : i32 {
        %parallel_loop3A_81 = arith.constant 512 : i32
        %parallel_loop3A_82 = arith.muli %mul3A_43, %parallel_loop3A_81 : i32
        %parallel_loop3A_83 = arith.constant 16 : i32
        %parallel_loop3A_84 = arith.muli %parallel_loop3A_83, %parallel_loop3A_80 : i32
        %parallel_loop3A_85 = arith.addi %parallel_loop3A_82, %parallel_loop3A_84 : i32
        %parallel_loop3A_86 = arith.index_cast %parallel_loop3A_85 : i32 to index
        %parallel_loop3A_87 = tpu.vector_load %arg6[%parallel_loop3A_86] {strides = array<i32>} : memref<13312xi32, #tpu.memory_space<vmem>>, vector<16xi32>,
        %parallel_loop3A_88 = arith.constant 33 : i32
        %parallel_loop3A_89 = vector.broadcast %parallel_loop3A_88 : i32 to vector<16xi32>
        %parallel_loop3A_90 = arith.muli %parallel_loop3A_87, %parallel_loop3A_89 : vector<16xi32>
        %parallel_loop3A_91 = arith.constant 0 : i32
        %parallel_loop3A_92 = vector.broadcast %parallel_loop3A_91 : i32 to vector<16xi32>
        %parallel_loop3A_93 = arith.addi %parallel_loop3A_90, %parallel_loop3A_92 : vector<16xi32>
        %parallel_loop3A_94 = tpu.vector_load_idx %arg5[%parallel_loop3A_93] : memref<33033xf32, #tpu.memory_space<vmem>>[vector<16xi32>], vector<16xf32>,
        %parallel_loop3A_95 = arith.constant 16 : i32
        %parallel_loop3A_96 = arith.muli %parallel_loop3A_95, %parallel_loop3A_80 : i32
        %parallel_loop3A_97 = arith.constant 0 : i32
        %parallel_loop3A_98 = arith.index_cast %parallel_loop3A_97 : i32 to index
        %parallel_loop3A_99 = arith.index_cast %parallel_loop3A_96 : i32 to index
        %parallel_loop3A_100 = tpu.vector_load %arg7[%parallel_loop3A_98, %parallel_loop3A_99] {strides = array<i32>} : memref<32x512xf32, #tpu.memory_space<vmem>>, vector<16xf32>,
        tpu.vector_store %arg7[%parallel_loop3A_98, %parallel_loop3A_99], %parallel_loop3A_94 {strides = array<i32>} : memref<32x512xf32, #tpu.memory_space<vmem>>, vector<16xf32>,
        %parallel_loop3A_101 = arith.constant 1 : i32
        %parallel_loop3A_102 = vector.broadcast %parallel_loop3A_101 : i32 to vector<16xi32>
        %parallel_loop3A_103 = arith.addi %parallel_loop3A_90, %parallel_loop3A_102 : vector<16xi32>
        %parallel_loop3A_104 = tpu.vector_load_idx %arg5[%parallel_loop3A_103] : memref<33033xf32, #tpu.memory_space<vmem>>[vector<16xi32>], vector<16xf32>,
        %parallel_loop3A_105 = arith.constant 16 : i32
        %parallel_loop3A_106 = arith.muli %parallel_loop3A_105, %parallel_loop3A_80 : i32
        %parallel_loop3A_107 = arith.constant 1 : i32
        %parallel_loop3A_108 = arith.index_cast %parallel_loop3A_107 : i32 to index
        %parallel_loop3A_109 = arith.index_cast %parallel_loop3A_106 : i32 to index
        %parallel_loop3A_110 = tpu.vector_load %arg7[%parallel_loop3A_108, %parallel_loop3A_109] {strides = array<i32>} : memref<32x512xf32, #tpu.memory_space<vmem>>, vector<16xf32>,
        tpu.vector_store %arg7[%parallel_loop3A_108, %parallel_loop3A_109], %parallel_loop3A_104 {strides = array<i32>} : memref<32x512xf32, #tpu.memory_space<vmem>>, vector<16xf32>,
        %parallel_loop3A_111 = arith.constant 2 : i32
        %parallel_loop3A_112 = vector.broadcast %parallel_loop3A_111 : i32 to vector<16xi32>
        %parallel_loop3A_113 = arith.addi %parallel_loop3A_90, %parallel_loop3A_112 : vector<16xi32>
        %parallel_loop3A_114 = tpu.vector_load_idx %arg5[%parallel_loop3A_113] : memref<33033xf32, #tpu.memory_space<vmem>>[vector<16xi32>], vector<16xf32>,
        %parallel_loop3A_115 = arith.constant 16 : i32
        %parallel_loop3A_116 = arith.muli %parallel_loop3A_115, %parallel_loop3A_80 : i32
        %parallel_loop3A_117 = arith.constant 2 : i32
        %parallel_loop3A_118 = arith.index_cast %parallel_loop3A_117 : i32 to index
        %parallel_loop3A_119 = arith.index_cast %parallel_loop3A_116 : i32 to index
        %parallel_loop3A_120 = tpu.vector_load %arg7[%parallel_loop3A_118, %parallel_loop3A_119] {strides = array<i32>} : memref<32x512xf32, #tpu.memory_space<vmem>>, vector<16xf32>,
        tpu.vector_store %arg7[%parallel_loop3A_118, %parallel_loop3A_119], %parallel_loop3A_114 {strides = array<i32>} : memref<32x512xf32, #tpu.memory_space<vmem>>, vector<16xf32>,
        %parallel_loop3A_121 = arith.constant 3 : i32
        %parallel_loop3A_122 = vector.broadcast %parallel_loop3A_121 : i32 to vector<16xi32>
        %parallel_loop3A_123 = arith.addi %parallel_loop3A_90, %parallel_loop3A_122 : vector<16xi32>
        %parallel_loop3A_124 = tpu.vector_load_idx %arg5[%parallel_loop3A_123] : memref<33033xf32, #tpu.memory_space<vmem>>[vector<16xi32>], vector<16xf32>,
        %parallel_loop3A_125 = arith.constant 16 : i32
        %parallel_loop3A_126 = arith.muli %parallel_loop3A_125, %parallel_loop3A_80 : i32
        %parallel_loop3A_127 = arith.constant 3 : i32
        %parallel_loop3A_128 = arith.index_cast %parallel_loop3A_127 : i32 to index
        %parallel_loop3A_129 = arith.index_cast %parallel_loop3A_126 : i32 to index
        %parallel_loop3A_130 = tpu.vector_load %arg7[%parallel_loop3A_128, %parallel_loop3A_129] {strides = array<i32>} : memref<32x512xf32, #tpu.memory_space<vmem>>, vector<16xf32>,
        tpu.vector_store %arg7[%parallel_loop3A_128, %parallel_loop3A_129], %parallel_loop3A_124 {strides = array<i32>} : memref<32x512xf32, #tpu.memory_space<vmem>>, vector<16xf32>,
        %parallel_loop3A_131 = arith.constant 4 : i32
        %parallel_loop3A_132 = vector.broadcast %parallel_loop3A_131 : i32 to vector<16xi32>
        %parallel_loop3A_133 = arith.addi %parallel_loop3A_90, %parallel_loop3A_132 : vector<16xi32>
        %parallel_loop3A_134 = tpu.vector_load_idx %arg5[%parallel_loop3A_133] : memref<33033xf32, #tpu.memory_space<vmem>>[vector<16xi32>], vector<16xf32>,
        %parallel_loop3A_135 = arith.constant 16 : i32
        %parallel_loop3A_136 = arith.muli %parallel_loop3A_135, %parallel_loop3A_80 : i32
        %parallel_loop3A_137 = arith.constant 4 : i32
        %parallel_loop3A_138 = arith.index_cast %parallel_loop3A_137 : i32 to index
        %parallel_loop3A_139 = arith.index_cast %parallel_loop3A_136 : i32 to index
        %parallel_loop3A_140 = tpu.vector_load %arg7[%parallel_loop3A_138, %parallel_loop3A_139] {strides = array<i32>} : memref<32x512xf32, #tpu.memory_space<vmem>>, vector<16xf32>,
        tpu.vector_store %arg7[%parallel_loop3A_138, %parallel_loop3A_139], %parallel_loop3A_134 {strides = array<i32>} : memref<32x512xf32, #tpu.memory_space<vmem>>, vector<16xf32>,
        %parallel_loop3A_141 = arith.constant 5 : i32
        %parallel_loop3A_142 = vector.broadcast %parallel_loop3A_141 : i32 to vector<16xi32>
        %parallel_loop3A_143 = arith.addi %parallel_loop3A_90, %parallel_loop3A_142 : vector<16xi32>
        %parallel_loop3A_144 = tpu.vector_load_idx %arg5[%parallel_loop3A_143] : memref<33033xf32, #tpu.memory_space<vmem>>[vector<16xi32>], vector<16xf32>,
        %parallel_loop3A_145 = arith.constant 16 : i32
        %parallel_loop3A_146 = arith.muli %parallel_loop3A_145, %parallel_loop3A_80 : i32
        %parallel_loop3A_147 = arith.constant 5 : i32
        %parallel_loop3A_148 = arith.index_cast %parallel_loop3A_147 : i32 to index
        %parallel_loop3A_149 = arith.index_cast %parallel_loop3A_146 : i32 to index
        %parallel_loop3A_150 = tpu.vector_load %arg7[%parallel_loop3A_148, %parallel_loop3A_149] {strides = array<i32>} : memref<32x512xf32, #tpu.memory_space<vmem>>, vector<16xf32>,
        tpu.vector_store %arg7[%parallel_loop3A_148, %parallel_loop3A_149], %parallel_loop3A_144 {strides = array<i32>} : memref<32x512xf32, #tpu.memory_space<vmem>>, vector<16xf32>,
        %parallel_loop3A_151 = arith.constant 6 : i32
        %parallel_loop3A_152 = vector.broadcast %parallel_loop3A_151 : i32 to vector<16xi32>
        %parallel_loop3A_153 = arith.addi %parallel_loop3A_90, %parallel_loop3A_152 : vector<16xi32>
        %parallel_loop3A_154 = tpu.vector_load_idx %arg5[%parallel_loop3A_153] : memref<33033xf32, #tpu.memory_space<vmem>>[vector<16xi32>], vector<16xf32>,
        %parallel_loop3A_155 = arith.constant 16 : i32
        %parallel_loop3A_156 = arith.muli %parallel_loop3A_155, %parallel_loop3A_80 : i32
        %parallel_loop3A_157 = arith.constant 6 : i32
        %parallel_loop3A_158 = arith.index_cast %parallel_loop3A_157 : i32 to index
        %parallel_loop3A_159 = arith.index_cast %parallel_loop3A_156 : i32 to index
        %parallel_loop3A_160 = tpu.vector_load %arg7[%parallel_loop3A_158, %parallel_loop3A_159] {strides = array<i32>} : memref<32x512xf32, #tpu.memory_space<vmem>>, vector<16xf32>,
        tpu.vector_store %arg7[%parallel_loop3A_158, %parallel_loop3A_159], %parallel_loop3A_154 {strides = array<i32>} : memref<32x512xf32, #tpu.memory_space<vmem>>, vector<16xf32>,
        %parallel_loop3A_161 = arith.constant 7 : i32
        %parallel_loop3A_162 = vector.broadcast %parallel_loop3A_161 : i32 to vector<16xi32>
        %parallel_loop3A_163 = arith.addi %parallel_loop3A_90, %parallel_loop3A_162 : vector<16xi32>
        %parallel_loop3A_164 = tpu.vector_load_idx %arg5[%parallel_loop3A_163] : memref<33033xf32, #tpu.memory_space<vmem>>[vector<16xi32>], vector<16xf32>,
        %parallel_loop3A_165 = arith.constant 16 : i32
        %parallel_loop3A_166 = arith.muli %parallel_loop3A_165, %parallel_loop3A_80 : i32
        %parallel_loop3A_167 = arith.constant 7 : i32
        %parallel_loop3A_168 = arith.index_cast %parallel_loop3A_167 : i32 to index
        %parallel_loop3A_169 = arith.index_cast %parallel_loop3A_166 : i32 to index
        %parallel_loop3A_170 = tpu.vector_load %arg7[%parallel_loop3A_168, %parallel_loop3A_169] {strides = array<i32>} : memref<32x512xf32, #tpu.memory_space<vmem>>, vector<16xf32>,
        tpu.vector_store %arg7[%parallel_loop3A_168, %parallel_loop3A_169], %parallel_loop3A_164 {strides = array<i32>} : memref<32x512xf32, #tpu.memory_space<vmem>>, vector<16xf32>,
        %parallel_loop3A_171 = arith.constant 8 : i32
        %parallel_loop3A_172 = vector.broadcast %parallel_loop3A_171 : i32 to vector<16xi32>
        %parallel_loop3A_173 = arith.addi %parallel_loop3A_90, %parallel_loop3A_172 : vector<16xi32>
        %parallel_loop3A_174 = tpu.vector_load_idx %arg5[%parallel_loop3A_173] : memref<33033xf32, #tpu.memory_space<vmem>>[vector<16xi32>], vector<16xf32>,
        %parallel_loop3A_175 = arith.constant 16 : i32
        %parallel_loop3A_176 = arith.muli %parallel_loop3A_175, %parallel_loop3A_80 : i32
        %parallel_loop3A_177 = arith.constant 8 : i32
        %parallel_loop3A_178 = arith.index_cast %parallel_loop3A_177 : i32 to index
        %parallel_loop3A_179 = arith.index_cast %parallel_loop3A_176 : i32 to index
        %parallel_loop3A_180 = tpu.vector_load %arg7[%parallel_loop3A_178, %parallel_loop3A_179] {strides = array<i32>} : memref<32x512xf32, #tpu.memory_space<vmem>>, vector<16xf32>,
        tpu.vector_store %arg7[%parallel_loop3A_178, %parallel_loop3A_179], %parallel_loop3A_174 {strides = array<i32>} : memref<32x512xf32, #tpu.memory_space<vmem>>, vector<16xf32>,
        %parallel_loop3A_181 = arith.constant 9 : i32
        %parallel_loop3A_182 = vector.broadcast %parallel_loop3A_181 : i32 to vector<16xi32>
        %parallel_loop3A_183 = arith.addi %parallel_loop3A_90, %parallel_loop3A_182 : vector<16xi32>
        %parallel_loop3A_184 = tpu.vector_load_idx %arg5[%parallel_loop3A_183] : memref<33033xf32, #tpu.memory_space<vmem>>[vector<16xi32>], vector<16xf32>,
        %parallel_loop3A_185 = arith.constant 16 : i32
        %parallel_loop3A_186 = arith.muli %parallel_loop3A_185, %parallel_loop3A_80 : i32
        %parallel_loop3A_187 = arith.constant 9 : i32
        %parallel_loop3A_188 = arith.index_cast %parallel_loop3A_187 : i32 to index
        %parallel_loop3A_189 = arith.index_cast %parallel_loop3A_186 : i32 to index
        %parallel_loop3A_190 = tpu.vector_load %arg7[%parallel_loop3A_188, %parallel_loop3A_189] {strides = array<i32>} : memref<32x512xf32, #tpu.memory_space<vmem>>, vector<16xf32>,
        tpu.vector_store %arg7[%parallel_loop3A_188, %parallel_loop3A_189], %parallel_loop3A_184 {strides = array<i32>} : memref<32x512xf32, #tpu.memory_space<vmem>>, vector<16xf32>,
        %parallel_loop3A_191 = arith.constant 10 : i32
        %parallel_loop3A_192 = vector.broadcast %parallel_loop3A_191 : i32 to vector<16xi32>
        %parallel_loop3A_193 = arith.addi %parallel_loop3A_90, %parallel_loop3A_192 : vector<16xi32>
        %parallel_loop3A_194 = tpu.vector_load_idx %arg5[%parallel_loop3A_193] : memref<33033xf32, #tpu.memory_space<vmem>>[vector<16xi32>], vector<16xf32>,
        %parallel_loop3A_195 = arith.constant 16 : i32
        %parallel_loop3A_196 = arith.muli %parallel_loop3A_195, %parallel_loop3A_80 : i32
        %parallel_loop3A_197 = arith.constant 10 : i32
        %parallel_loop3A_198 = arith.index_cast %parallel_loop3A_197 : i32 to index
        %parallel_loop3A_199 = arith.index_cast %parallel_loop3A_196 : i32 to index
        %parallel_loop3A_200 = tpu.vector_load %arg7[%parallel_loop3A_198, %parallel_loop3A_199] {strides = array<i32>} : memref<32x512xf32, #tpu.memory_space<vmem>>, vector<16xf32>,
        tpu.vector_store %arg7[%parallel_loop3A_198, %parallel_loop3A_199], %parallel_loop3A_194 {strides = array<i32>} : memref<32x512xf32, #tpu.memory_space<vmem>>, vector<16xf32>,
        %parallel_loop3A_201 = arith.constant 11 : i32
        %parallel_loop3A_202 = vector.broadcast %parallel_loop3A_201 : i32 to vector<16xi32>
        %parallel_loop3A_203 = arith.addi %parallel_loop3A_90, %parallel_loop3A_202 : vector<16xi32>
        %parallel_loop3A_204 = tpu.vector_load_idx %arg5[%parallel_loop3A_203] : memref<33033xf32, #tpu.memory_space<vmem>>[vector<16xi32>], vector<16xf32>,
        %parallel_loop3A_205 = arith.constant 16 : i32
        %parallel_loop3A_206 = arith.muli %parallel_loop3A_205, %parallel_loop3A_80 : i32
        %parallel_loop3A_207 = arith.constant 11 : i32
        %parallel_loop3A_208 = arith.index_cast %parallel_loop3A_207 : i32 to index
        %parallel_loop3A_209 = arith.index_cast %parallel_loop3A_206 : i32 to index
        %parallel_loop3A_210 = tpu.vector_load %arg7[%parallel_loop3A_208, %parallel_loop3A_209] {strides = array<i32>} : memref<32x512xf32, #tpu.memory_space<vmem>>, vector<16xf32>,
        tpu.vector_store %arg7[%parallel_loop3A_208, %parallel_loop3A_209], %parallel_loop3A_204 {strides = array<i32>} : memref<32x512xf32, #tpu.memory_space<vmem>>, vector<16xf32>,
        %parallel_loop3A_211 = arith.constant 12 : i32
        %parallel_loop3A_212 = vector.broadcast %parallel_loop3A_211 : i32 to vector<16xi32>
        %parallel_loop3A_213 = arith.addi %parallel_loop3A_90, %parallel_loop3A_212 : vector<16xi32>
        %parallel_loop3A_214 = tpu.vector_load_idx %arg5[%parallel_loop3A_213] : memref<33033xf32, #tpu.memory_space<vmem>>[vector<16xi32>], vector<16xf32>,
        %parallel_loop3A_215 = arith.constant 16 : i32
        %parallel_loop3A_216 = arith.muli %parallel_loop3A_215, %parallel_loop3A_80 : i32
        %parallel_loop3A_217 = arith.constant 12 : i32
        %parallel_loop3A_218 = arith.index_cast %parallel_loop3A_217 : i32 to index
        %parallel_loop3A_219 = arith.index_cast %parallel_loop3A_216 : i32 to index
        %parallel_loop3A_220 = tpu.vector_load %arg7[%parallel_loop3A_218, %parallel_loop3A_219] {strides = array<i32>} : memref<32x512xf32, #tpu.memory_space<vmem>>, vector<16xf32>,
        tpu.vector_store %arg7[%parallel_loop3A_218, %parallel_loop3A_219], %parallel_loop3A_214 {strides = array<i32>} : memref<32x512xf32, #tpu.memory_space<vmem>>, vector<16xf32>,
        %parallel_loop3A_221 = arith.constant 13 : i32
        %parallel_loop3A_222 = vector.broadcast %parallel_loop3A_221 : i32 to vector<16xi32>
        %parallel_loop3A_223 = arith.addi %parallel_loop3A_90, %parallel_loop3A_222 : vector<16xi32>
        %parallel_loop3A_224 = tpu.vector_load_idx %arg5[%parallel_loop3A_223] : memref<33033xf32, #tpu.memory_space<vmem>>[vector<16xi32>], vector<16xf32>,
        %parallel_loop3A_225 = arith.constant 16 : i32
        %parallel_loop3A_226 = arith.muli %parallel_loop3A_225, %parallel_loop3A_80 : i32
        %parallel_loop3A_227 = arith.constant 13 : i32
        %parallel_loop3A_228 = arith.index_cast %parallel_loop3A_227 : i32 to index
        %parallel_loop3A_229 = arith.index_cast %parallel_loop3A_226 : i32 to index
        %parallel_loop3A_230 = tpu.vector_load %arg7[%parallel_loop3A_228, %parallel_loop3A_229] {strides = array<i32>} : memref<32x512xf32, #tpu.memory_space<vmem>>, vector<16xf32>,
        tpu.vector_store %arg7[%parallel_loop3A_228, %parallel_loop3A_229], %parallel_loop3A_224 {strides = array<i32>} : memref<32x512xf32, #tpu.memory_space<vmem>>, vector<16xf32>,
        %parallel_loop3A_231 = arith.constant 14 : i32
        %parallel_loop3A_232 = vector.broadcast %parallel_loop3A_231 : i32 to vector<16xi32>
        %parallel_loop3A_233 = arith.addi %parallel_loop3A_90, %parallel_loop3A_232 : vector<16xi32>
        %parallel_loop3A_234 = tpu.vector_load_idx %arg5[%parallel_loop3A_233] : memref<33033xf32, #tpu.memory_space<vmem>>[vector<16xi32>], vector<16xf32>,
        %parallel_loop3A_235 = arith.constant 16 : i32
        %parallel_loop3A_236 = arith.muli %parallel_loop3A_235, %parallel_loop3A_80 : i32
        %parallel_loop3A_237 = arith.constant 14 : i32
        %parallel_loop3A_238 = arith.index_cast %parallel_loop3A_237 : i32 to index
        %parallel_loop3A_239 = arith.index_cast %parallel_loop3A_236 : i32 to index
        %parallel_loop3A_240 = tpu.vector_load %arg7[%parallel_loop3A_238, %parallel_loop3A_239] {strides = array<i32>} : memref<32x512xf32, #tpu.memory_space<vmem>>, vector<16xf32>,
        tpu.vector_store %arg7[%parallel_loop3A_238, %parallel_loop3A_239], %parallel_loop3A_234 {strides = array<i32>} : memref<32x512xf32, #tpu.memory_space<vmem>>, vector<16xf32>,
        %parallel_loop3A_241 = arith.constant 15 : i32
        %parallel_loop3A_242 = vector.broadcast %parallel_loop3A_241 : i32 to vector<16xi32>
        %parallel_loop3A_243 = arith.addi %parallel_loop3A_90, %parallel_loop3A_242 : vector<16xi32>
        %parallel_loop3A_244 = tpu.vector_load_idx %arg5[%parallel_loop3A_243] : memref<33033xf32, #tpu.memory_space<vmem>>[vector<16xi32>], vector<16xf32>,
        %parallel_loop3A_245 = arith.constant 16 : i32
        %parallel_loop3A_246 = arith.muli %parallel_loop3A_245, %parallel_loop3A_80 : i32
        %parallel_loop3A_247 = arith.constant 15 : i32
        %parallel_loop3A_248 = arith.index_cast %parallel_loop3A_247 : i32 to index
        %parallel_loop3A_249 = arith.index_cast %parallel_loop3A_246 : i32 to index
        %parallel_loop3A_250 = tpu.vector_load %arg7[%parallel_loop3A_248, %parallel_loop3A_249] {strides = array<i32>} : memref<32x512xf32, #tpu.memory_space<vmem>>, vector<16xf32>,
        tpu.vector_store %arg7[%parallel_loop3A_248, %parallel_loop3A_249], %parallel_loop3A_244 {strides = array<i32>} : memref<32x512xf32, #tpu.memory_space<vmem>>, vector<16xf32>,
        %parallel_loop3A_251 = arith.constant 16 : i32
        %parallel_loop3A_252 = vector.broadcast %parallel_loop3A_251 : i32 to vector<16xi32>
        %parallel_loop3A_253 = arith.addi %parallel_loop3A_90, %parallel_loop3A_252 : vector<16xi32>
        %parallel_loop3A_254 = tpu.vector_load_idx %arg5[%parallel_loop3A_253] : memref<33033xf32, #tpu.memory_space<vmem>>[vector<16xi32>], vector<16xf32>,
        %parallel_loop3A_255 = arith.constant 16 : i32
        %parallel_loop3A_256 = arith.muli %parallel_loop3A_255, %parallel_loop3A_80 : i32
        %parallel_loop3A_257 = arith.constant 16 : i32
        %parallel_loop3A_258 = arith.index_cast %parallel_loop3A_257 : i32 to index
        %parallel_loop3A_259 = arith.index_cast %parallel_loop3A_256 : i32 to index
        %parallel_loop3A_260 = tpu.vector_load %arg7[%parallel_loop3A_258, %parallel_loop3A_259] {strides = array<i32>} : memref<32x512xf32, #tpu.memory_space<vmem>>, vector<16xf32>,
        tpu.vector_store %arg7[%parallel_loop3A_258, %parallel_loop3A_259], %parallel_loop3A_254 {strides = array<i32>} : memref<32x512xf32, #tpu.memory_space<vmem>>, vector<16xf32>,
        %parallel_loop3A_261 = arith.constant 17 : i32
        %parallel_loop3A_262 = vector.broadcast %parallel_loop3A_261 : i32 to vector<16xi32>
        %parallel_loop3A_263 = arith.addi %parallel_loop3A_90, %parallel_loop3A_262 : vector<16xi32>
        %parallel_loop3A_264 = tpu.vector_load_idx %arg5[%parallel_loop3A_263] : memref<33033xf32, #tpu.memory_space<vmem>>[vector<16xi32>], vector<16xf32>,
        %parallel_loop3A_265 = arith.constant 16 : i32
        %parallel_loop3A_266 = arith.muli %parallel_loop3A_265, %parallel_loop3A_80 : i32
        %parallel_loop3A_267 = arith.constant 17 : i32
        %parallel_loop3A_268 = arith.index_cast %parallel_loop3A_267 : i32 to index
        %parallel_loop3A_269 = arith.index_cast %parallel_loop3A_266 : i32 to index
        %parallel_loop3A_270 = tpu.vector_load %arg7[%parallel_loop3A_268, %parallel_loop3A_269] {strides = array<i32>} : memref<32x512xf32, #tpu.memory_space<vmem>>, vector<16xf32>,
        tpu.vector_store %arg7[%parallel_loop3A_268, %parallel_loop3A_269], %parallel_loop3A_264 {strides = array<i32>} : memref<32x512xf32, #tpu.memory_space<vmem>>, vector<16xf32>,
        %parallel_loop3A_271 = arith.constant 18 : i32
        %parallel_loop3A_272 = vector.broadcast %parallel_loop3A_271 : i32 to vector<16xi32>
        %parallel_loop3A_273 = arith.addi %parallel_loop3A_90, %parallel_loop3A_272 : vector<16xi32>
        %parallel_loop3A_274 = tpu.vector_load_idx %arg5[%parallel_loop3A_273] : memref<33033xf32, #tpu.memory_space<vmem>>[vector<16xi32>], vector<16xf32>,
        %parallel_loop3A_275 = arith.constant 16 : i32
        %parallel_loop3A_276 = arith.muli %parallel_loop3A_275, %parallel_loop3A_80 : i32
        %parallel_loop3A_277 = arith.constant 18 : i32
        %parallel_loop3A_278 = arith.index_cast %parallel_loop3A_277 : i32 to index
        %parallel_loop3A_279 = arith.index_cast %parallel_loop3A_276 : i32 to index
        %parallel_loop3A_280 = tpu.vector_load %arg7[%parallel_loop3A_278, %parallel_loop3A_279] {strides = array<i32>} : memref<32x512xf32, #tpu.memory_space<vmem>>, vector<16xf32>,
        tpu.vector_store %arg7[%parallel_loop3A_278, %parallel_loop3A_279], %parallel_loop3A_274 {strides = array<i32>} : memref<32x512xf32, #tpu.memory_space<vmem>>, vector<16xf32>,
        %parallel_loop3A_281 = arith.constant 19 : i32
        %parallel_loop3A_282 = vector.broadcast %parallel_loop3A_281 : i32 to vector<16xi32>
        %parallel_loop3A_283 = arith.addi %parallel_loop3A_90, %parallel_loop3A_282 : vector<16xi32>
        %parallel_loop3A_284 = tpu.vector_load_idx %arg5[%parallel_loop3A_283] : memref<33033xf32, #tpu.memory_space<vmem>>[vector<16xi32>], vector<16xf32>,
        %parallel_loop3A_285 = arith.constant 16 : i32
        %parallel_loop3A_286 = arith.muli %parallel_loop3A_285, %parallel_loop3A_80 : i32
        %parallel_loop3A_287 = arith.constant 19 : i32
        %parallel_loop3A_288 = arith.index_cast %parallel_loop3A_287 : i32 to index
        %parallel_loop3A_289 = arith.index_cast %parallel_loop3A_286 : i32 to index
        %parallel_loop3A_290 = tpu.vector_load %arg7[%parallel_loop3A_288, %parallel_loop3A_289] {strides = array<i32>} : memref<32x512xf32, #tpu.memory_space<vmem>>, vector<16xf32>,
        tpu.vector_store %arg7[%parallel_loop3A_288, %parallel_loop3A_289], %parallel_loop3A_284 {strides = array<i32>} : memref<32x512xf32, #tpu.memory_space<vmem>>, vector<16xf32>,
        %parallel_loop3A_291 = arith.constant 20 : i32
        %parallel_loop3A_292 = vector.broadcast %parallel_loop3A_291 : i32 to vector<16xi32>
        %parallel_loop3A_293 = arith.addi %parallel_loop3A_90, %parallel_loop3A_292 : vector<16xi32>
        %parallel_loop3A_294 = tpu.vector_load_idx %arg5[%parallel_loop3A_293] : memref<33033xf32, #tpu.memory_space<vmem>>[vector<16xi32>], vector<16xf32>,
        %parallel_loop3A_295 = arith.constant 16 : i32
        %parallel_loop3A_296 = arith.muli %parallel_loop3A_295, %parallel_loop3A_80 : i32
        %parallel_loop3A_297 = arith.constant 20 : i32
        %parallel_loop3A_298 = arith.index_cast %parallel_loop3A_297 : i32 to index
        %parallel_loop3A_299 = arith.index_cast %parallel_loop3A_296 : i32 to index
        %parallel_loop3A_300 = tpu.vector_load %arg7[%parallel_loop3A_298, %parallel_loop3A_299] {strides = array<i32>} : memref<32x512xf32, #tpu.memory_space<vmem>>, vector<16xf32>,
        tpu.vector_store %arg7[%parallel_loop3A_298, %parallel_loop3A_299], %parallel_loop3A_294 {strides = array<i32>} : memref<32x512xf32, #tpu.memory_space<vmem>>, vector<16xf32>,
        %parallel_loop3A_301 = arith.constant 21 : i32
        %parallel_loop3A_302 = vector.broadcast %parallel_loop3A_301 : i32 to vector<16xi32>
        %parallel_loop3A_303 = arith.addi %parallel_loop3A_90, %parallel_loop3A_302 : vector<16xi32>
        %parallel_loop3A_304 = tpu.vector_load_idx %arg5[%parallel_loop3A_303] : memref<33033xf32, #tpu.memory_space<vmem>>[vector<16xi32>], vector<16xf32>,
        %parallel_loop3A_305 = arith.constant 16 : i32
        %parallel_loop3A_306 = arith.muli %parallel_loop3A_305, %parallel_loop3A_80 : i32
        %parallel_loop3A_307 = arith.constant 21 : i32
        %parallel_loop3A_308 = arith.index_cast %parallel_loop3A_307 : i32 to index
        %parallel_loop3A_309 = arith.index_cast %parallel_loop3A_306 : i32 to index
        %parallel_loop3A_310 = tpu.vector_load %arg7[%parallel_loop3A_308, %parallel_loop3A_309] {strides = array<i32>} : memref<32x512xf32, #tpu.memory_space<vmem>>, vector<16xf32>,
        tpu.vector_store %arg7[%parallel_loop3A_308, %parallel_loop3A_309], %parallel_loop3A_304 {strides = array<i32>} : memref<32x512xf32, #tpu.memory_space<vmem>>, vector<16xf32>,
        %parallel_loop3A_311 = arith.constant 22 : i32
        %parallel_loop3A_312 = vector.broadcast %parallel_loop3A_311 : i32 to vector<16xi32>
        %parallel_loop3A_313 = arith.addi %parallel_loop3A_90, %parallel_loop3A_312 : vector<16xi32>
        %parallel_loop3A_314 = tpu.vector_load_idx %arg5[%parallel_loop3A_313] : memref<33033xf32, #tpu.memory_space<vmem>>[vector<16xi32>], vector<16xf32>,
        %parallel_loop3A_315 = arith.constant 16 : i32
        %parallel_loop3A_316 = arith.muli %parallel_loop3A_315, %parallel_loop3A_80 : i32
        %parallel_loop3A_317 = arith.constant 22 : i32
        %parallel_loop3A_318 = arith.index_cast %parallel_loop3A_317 : i32 to index
        %parallel_loop3A_319 = arith.index_cast %parallel_loop3A_316 : i32 to index
        %parallel_loop3A_320 = tpu.vector_load %arg7[%parallel_loop3A_318, %parallel_loop3A_319] {strides = array<i32>} : memref<32x512xf32, #tpu.memory_space<vmem>>, vector<16xf32>,
        tpu.vector_store %arg7[%parallel_loop3A_318, %parallel_loop3A_319], %parallel_loop3A_314 {strides = array<i32>} : memref<32x512xf32, #tpu.memory_space<vmem>>, vector<16xf32>,
        %parallel_loop3A_321 = arith.constant 23 : i32
        %parallel_loop3A_322 = vector.broadcast %parallel_loop3A_321 : i32 to vector<16xi32>
        %parallel_loop3A_323 = arith.addi %parallel_loop3A_90, %parallel_loop3A_322 : vector<16xi32>
        %parallel_loop3A_324 = tpu.vector_load_idx %arg5[%parallel_loop3A_323] : memref<33033xf32, #tpu.memory_space<vmem>>[vector<16xi32>], vector<16xf32>,
        %parallel_loop3A_325 = arith.constant 16 : i32
        %parallel_loop3A_326 = arith.muli %parallel_loop3A_325, %parallel_loop3A_80 : i32
        %parallel_loop3A_327 = arith.constant 23 : i32
        %parallel_loop3A_328 = arith.index_cast %parallel_loop3A_327 : i32 to index
        %parallel_loop3A_329 = arith.index_cast %parallel_loop3A_326 : i32 to index
        %parallel_loop3A_330 = tpu.vector_load %arg7[%parallel_loop3A_328, %parallel_loop3A_329] {strides = array<i32>} : memref<32x512xf32, #tpu.memory_space<vmem>>, vector<16xf32>,
        tpu.vector_store %arg7[%parallel_loop3A_328, %parallel_loop3A_329], %parallel_loop3A_324 {strides = array<i32>} : memref<32x512xf32, #tpu.memory_space<vmem>>, vector<16xf32>,
        %parallel_loop3A_331 = arith.constant 24 : i32
        %parallel_loop3A_332 = vector.broadcast %parallel_loop3A_331 : i32 to vector<16xi32>
        %parallel_loop3A_333 = arith.addi %parallel_loop3A_90, %parallel_loop3A_332 : vector<16xi32>
        %parallel_loop3A_334 = tpu.vector_load_idx %arg5[%parallel_loop3A_333] : memref<33033xf32, #tpu.memory_space<vmem>>[vector<16xi32>], vector<16xf32>,
        %parallel_loop3A_335 = arith.constant 16 : i32
        %parallel_loop3A_336 = arith.muli %parallel_loop3A_335, %parallel_loop3A_80 : i32
        %parallel_loop3A_337 = arith.constant 24 : i32
        %parallel_loop3A_338 = arith.index_cast %parallel_loop3A_337 : i32 to index
        %parallel_loop3A_339 = arith.index_cast %parallel_loop3A_336 : i32 to index
        %parallel_loop3A_340 = tpu.vector_load %arg7[%parallel_loop3A_338, %parallel_loop3A_339] {strides = array<i32>} : memref<32x512xf32, #tpu.memory_space<vmem>>, vector<16xf32>,
        tpu.vector_store %arg7[%parallel_loop3A_338, %parallel_loop3A_339], %parallel_loop3A_334 {strides = array<i32>} : memref<32x512xf32, #tpu.memory_space<vmem>>, vector<16xf32>,
        %parallel_loop3A_341 = arith.constant 25 : i32
        %parallel_loop3A_342 = vector.broadcast %parallel_loop3A_341 : i32 to vector<16xi32>
        %parallel_loop3A_343 = arith.addi %parallel_loop3A_90, %parallel_loop3A_342 : vector<16xi32>
        %parallel_loop3A_344 = tpu.vector_load_idx %arg5[%parallel_loop3A_343] : memref<33033xf32, #tpu.memory_space<vmem>>[vector<16xi32>], vector<16xf32>,
        %parallel_loop3A_345 = arith.constant 16 : i32
        %parallel_loop3A_346 = arith.muli %parallel_loop3A_345, %parallel_loop3A_80 : i32
        %parallel_loop3A_347 = arith.constant 25 : i32
        %parallel_loop3A_348 = arith.index_cast %parallel_loop3A_347 : i32 to index
        %parallel_loop3A_349 = arith.index_cast %parallel_loop3A_346 : i32 to index
        %parallel_loop3A_350 = tpu.vector_load %arg7[%parallel_loop3A_348, %parallel_loop3A_349] {strides = array<i32>} : memref<32x512xf32, #tpu.memory_space<vmem>>, vector<16xf32>,
        tpu.vector_store %arg7[%parallel_loop3A_348, %parallel_loop3A_349], %parallel_loop3A_344 {strides = array<i32>} : memref<32x512xf32, #tpu.memory_space<vmem>>, vector<16xf32>,
        %parallel_loop3A_351 = arith.constant 26 : i32
        %parallel_loop3A_352 = vector.broadcast %parallel_loop3A_351 : i32 to vector<16xi32>
        %parallel_loop3A_353 = arith.addi %parallel_loop3A_90, %parallel_loop3A_352 : vector<16xi32>
        %parallel_loop3A_354 = tpu.vector_load_idx %arg5[%parallel_loop3A_353] : memref<33033xf32, #tpu.memory_space<vmem>>[vector<16xi32>], vector<16xf32>,
        %parallel_loop3A_355 = arith.constant 16 : i32
        %parallel_loop3A_356 = arith.muli %parallel_loop3A_355, %parallel_loop3A_80 : i32
        %parallel_loop3A_357 = arith.constant 26 : i32
        %parallel_loop3A_358 = arith.index_cast %parallel_loop3A_357 : i32 to index
        %parallel_loop3A_359 = arith.index_cast %parallel_loop3A_356 : i32 to index
        %parallel_loop3A_360 = tpu.vector_load %arg7[%parallel_loop3A_358, %parallel_loop3A_359] {strides = array<i32>} : memref<32x512xf32, #tpu.memory_space<vmem>>, vector<16xf32>,
        tpu.vector_store %arg7[%parallel_loop3A_358, %parallel_loop3A_359], %parallel_loop3A_354 {strides = array<i32>} : memref<32x512xf32, #tpu.memory_space<vmem>>, vector<16xf32>,
        %parallel_loop3A_361 = arith.constant 27 : i32
        %parallel_loop3A_362 = vector.broadcast %parallel_loop3A_361 : i32 to vector<16xi32>
        %parallel_loop3A_363 = arith.addi %parallel_loop3A_90, %parallel_loop3A_362 : vector<16xi32>
        %parallel_loop3A_364 = tpu.vector_load_idx %arg5[%parallel_loop3A_363] : memref<33033xf32, #tpu.memory_space<vmem>>[vector<16xi32>], vector<16xf32>,
        %parallel_loop3A_365 = arith.constant 16 : i32
        %parallel_loop3A_366 = arith.muli %parallel_loop3A_365, %parallel_loop3A_80 : i32
        %parallel_loop3A_367 = arith.constant 27 : i32
        %parallel_loop3A_368 = arith.index_cast %parallel_loop3A_367 : i32 to index
        %parallel_loop3A_369 = arith.index_cast %parallel_loop3A_366 : i32 to index
        %parallel_loop3A_370 = tpu.vector_load %arg7[%parallel_loop3A_368, %parallel_loop3A_369] {strides = array<i32>} : memref<32x512xf32, #tpu.memory_space<vmem>>, vector<16xf32>,
        tpu.vector_store %arg7[%parallel_loop3A_368, %parallel_loop3A_369], %parallel_loop3A_364 {strides = array<i32>} : memref<32x512xf32, #tpu.memory_space<vmem>>, vector<16xf32>,
        %parallel_loop3A_371 = arith.constant 28 : i32
        %parallel_loop3A_372 = vector.broadcast %parallel_loop3A_371 : i32 to vector<16xi32>
        %parallel_loop3A_373 = arith.addi %parallel_loop3A_90, %parallel_loop3A_372 : vector<16xi32>
        %parallel_loop3A_374 = tpu.vector_load_idx %arg5[%parallel_loop3A_373] : memref<33033xf32, #tpu.memory_space<vmem>>[vector<16xi32>], vector<16xf32>,
        %parallel_loop3A_375 = arith.constant 16 : i32
        %parallel_loop3A_376 = arith.muli %parallel_loop3A_375, %parallel_loop3A_80 : i32
        %parallel_loop3A_377 = arith.constant 28 : i32
        %parallel_loop3A_378 = arith.index_cast %parallel_loop3A_377 : i32 to index
        %parallel_loop3A_379 = arith.index_cast %parallel_loop3A_376 : i32 to index
        %parallel_loop3A_380 = tpu.vector_load %arg7[%parallel_loop3A_378, %parallel_loop3A_379] {strides = array<i32>} : memref<32x512xf32, #tpu.memory_space<vmem>>, vector<16xf32>,
        tpu.vector_store %arg7[%parallel_loop3A_378, %parallel_loop3A_379], %parallel_loop3A_374 {strides = array<i32>} : memref<32x512xf32, #tpu.memory_space<vmem>>, vector<16xf32>,
        %parallel_loop3A_381 = arith.constant 29 : i32
        %parallel_loop3A_382 = vector.broadcast %parallel_loop3A_381 : i32 to vector<16xi32>
        %parallel_loop3A_383 = arith.addi %parallel_loop3A_90, %parallel_loop3A_382 : vector<16xi32>
        %parallel_loop3A_384 = tpu.vector_load_idx %arg5[%parallel_loop3A_383] : memref<33033xf32, #tpu.memory_space<vmem>>[vector<16xi32>], vector<16xf32>,
        %parallel_loop3A_385 = arith.constant 16 : i32
        %parallel_loop3A_386 = arith.muli %parallel_loop3A_385, %parallel_loop3A_80 : i32
        %parallel_loop3A_387 = arith.constant 29 : i32
        %parallel_loop3A_388 = arith.index_cast %parallel_loop3A_387 : i32 to index
        %parallel_loop3A_389 = arith.index_cast %parallel_loop3A_386 : i32 to index
        %parallel_loop3A_390 = tpu.vector_load %arg7[%parallel_loop3A_388, %parallel_loop3A_389] {strides = array<i32>} : memref<32x512xf32, #tpu.memory_space<vmem>>, vector<16xf32>,
        tpu.vector_store %arg7[%parallel_loop3A_388, %parallel_loop3A_389], %parallel_loop3A_384 {strides = array<i32>} : memref<32x512xf32, #tpu.memory_space<vmem>>, vector<16xf32>,
        %parallel_loop3A_391 = arith.constant 30 : i32
        %parallel_loop3A_392 = vector.broadcast %parallel_loop3A_391 : i32 to vector<16xi32>
        %parallel_loop3A_393 = arith.addi %parallel_loop3A_90, %parallel_loop3A_392 : vector<16xi32>
        %parallel_loop3A_394 = tpu.vector_load_idx %arg5[%parallel_loop3A_393] : memref<33033xf32, #tpu.memory_space<vmem>>[vector<16xi32>], vector<16xf32>,
        %parallel_loop3A_395 = arith.constant 16 : i32
        %parallel_loop3A_396 = arith.muli %parallel_loop3A_395, %parallel_loop3A_80 : i32
        %parallel_loop3A_397 = arith.constant 30 : i32
        %parallel_loop3A_398 = arith.index_cast %parallel_loop3A_397 : i32 to index
        %parallel_loop3A_399 = arith.index_cast %parallel_loop3A_396 : i32 to index
        %parallel_loop3A_400 = tpu.vector_load %arg7[%parallel_loop3A_398, %parallel_loop3A_399] {strides = array<i32>} : memref<32x512xf32, #tpu.memory_space<vmem>>, vector<16xf32>,
        tpu.vector_store %arg7[%parallel_loop3A_398, %parallel_loop3A_399], %parallel_loop3A_394 {strides = array<i32>} : memref<32x512xf32, #tpu.memory_space<vmem>>, vector<16xf32>,
        %parallel_loop3A_401 = arith.constant 31 : i32
        %parallel_loop3A_402 = vector.broadcast %parallel_loop3A_401 : i32 to vector<16xi32>
        %parallel_loop3A_403 = arith.addi %parallel_loop3A_90, %parallel_loop3A_402 : vector<16xi32>
        %parallel_loop3A_404 = tpu.vector_load_idx %arg5[%parallel_loop3A_403] : memref<33033xf32, #tpu.memory_space<vmem>>[vector<16xi32>], vector<16xf32>,
        %parallel_loop3A_405 = arith.constant 16 : i32
        %parallel_loop3A_406 = arith.muli %parallel_loop3A_405, %parallel_loop3A_80 : i32
        %parallel_loop3A_407 = arith.constant 31 : i32
        %parallel_loop3A_408 = arith.index_cast %parallel_loop3A_407 : i32 to index
        %parallel_loop3A_409 = arith.index_cast %parallel_loop3A_406 : i32 to index
        %parallel_loop3A_410 = tpu.vector_load %arg7[%parallel_loop3A_408, %parallel_loop3A_409] {strides = array<i32>} : memref<32x512xf32, #tpu.memory_space<vmem>>, vector<16xf32>,
        tpu.vector_store %arg7[%parallel_loop3A_408, %parallel_loop3A_409], %parallel_loop3A_404 {strides = array<i32>} : memref<32x512xf32, #tpu.memory_space<vmem>>, vector<16xf32>,
      } {sc.loop_unroll_factor = 1 : i64, sc.parallel_access}
      %dma_start3A_54 = arith.constant 0 : i32
      %dma_start3A_55 = tpu.memref_slice %arg4[%mul3A_43, %dma_start3A_54, %mul3A_2] : memref<26x32x16384xf32, #tpu.memory_space<hbm>> -> memref<1x32x512xf32, #tpu.memory_space<hbm>>
      %dma_start3A_56 = tpu.memref_squeeze %dma_start3A_55 : memref<1x32x512xf32, #tpu.memory_space<hbm>> -> memref<32x512xf32, #tpu.memory_space<hbm>>
      %dma_start3A_57 = arith.constant 0 : i32
      %dma_start3A_58 = tpu.memref_slice %arg4[%mul3A_43, %dma_start3A_57, %mul3A_2] : memref<26x32x16384xf32, #tpu.memory_space<hbm>> -> memref<1x32x512xf32, #tpu.memory_space<hbm>>
      %dma_start3A_59 = tpu.memref_squeeze %dma_start3A_58 : memref<1x32x512xf32, #tpu.memory_space<hbm>> -> memref<32x512xf32, #tpu.memory_space<hbm>>
      tpu.enqueue_dma source(%arg7 : memref<32x512xf32, #tpu.memory_space<vmem>>) target(%dma_start3A_59 : memref<32x512xf32, #tpu.memory_space<hbm>>) target_semaphore(%arg9 : memref<!tpu.dma_semaphore, #tpu.memory_space<semaphore_mem>>)
      %dma_wait3A_60 = arith.constant 0 : i32
      %dma_wait3A_61 = arith.constant 0 : i32
      %dma_wait3A_62 = tpu.memref_slice %arg4[%dma_wait3A_60, %dma_wait3A_61, %mul3A_2] : memref<26x32x16384xf32, #tpu.memory_space<hbm>> -> memref<1x32x512xf32, #tpu.memory_space<hbm>>
      %dma_wait3A_63 = tpu.memref_squeeze %dma_wait3A_62 : memref<1x32x512xf32, #tpu.memory_space<hbm>> -> memref<32x512xf32, #tpu.memory_space<hbm>>
      %dma_wait3A_64 = arith.constant 0 : i32
      %dma_wait3A_65 = tpu.memref_slice %arg4[%dma_wait3A_60, %dma_wait3A_64, %mul3A_2] : memref<26x32x16384xf32, #tpu.memory_space<hbm>> -> memref<1x32x512xf32, #tpu.memory_space<hbm>>
      %dma_wait3A_66 = tpu.memref_squeeze %dma_wait3A_65 : memref<1x32x512xf32, #tpu.memory_space<hbm>> -> memref<32x512xf32, #tpu.memory_space<hbm>>
      tpu.wait_dma2 semaphore(%arg10 : memref<!tpu.dma_semaphore, #tpu.memory_space<semaphore_mem>>) src(%arg8 : memref<32x512xf32, #tpu.memory_space<vmem>>) dst(%dma_wait3A_66 : memref<32x512xf32, #tpu.memory_space<hbm>>)
      %add3A_67 = arith.constant 1 : i32
      %add3A_68 = arith.addi %mul3A_43, %add3A_67 : i32
      %parallel_loop3A_69 = arith.constant 0 : i32
      %parallel_loop3A_70 = arith.constant 32 : i32
      %parallel_loop3A_71 = arith.constant 1 : i32
      scf.for %parallel_loop3A_80 = %parallel_loop3A_69 to %parallel_loop3A_70 step %parallel_loop3A_71  : i32 {
        %parallel_loop3A_81 = arith.constant 512 : i32
        %parallel_loop3A_82 = arith.muli %add3A_68, %parallel_loop3A_81 : i32
        %parallel_loop3A_83 = arith.constant 16 : i32
        %parallel_loop3A_84 = arith.muli %parallel_loop3A_83, %parallel_loop3A_80 : i32
        %parallel_loop3A_85 = arith.addi %parallel_loop3A_82, %parallel_loop3A_84 : i32
        %parallel_loop3A_86 = arith.index_cast %parallel_loop3A_85 : i32 to index
        %parallel_loop3A_87 = tpu.vector_load %arg6[%parallel_loop3A_86] {strides = array<i32>} : memref<13312xi32, #tpu.memory_space<vmem>>, vector<16xi32>,
        %parallel_loop3A_88 = arith.constant 33 : i32
        %parallel_loop3A_89 = vector.broadcast %parallel_loop3A_88 : i32 to vector<16xi32>
        %parallel_loop3A_90 = arith.muli %parallel_loop3A_87, %parallel_loop3A_89 : vector<16xi32>
        %parallel_loop3A_91 = arith.constant 0 : i32
        %parallel_loop3A_92 = vector.broadcast %parallel_loop3A_91 : i32 to vector<16xi32>
        %parallel_loop3A_93 = arith.addi %parallel_loop3A_90, %parallel_loop3A_92 : vector<16xi32>
        %parallel_loop3A_94 = tpu.vector_load_idx %arg5[%parallel_loop3A_93] : memref<33033xf32, #tpu.memory_space<vmem>>[vector<16xi32>], vector<16xf32>,
        %parallel_loop3A_95 = arith.constant 16 : i32
        %parallel_loop3A_96 = arith.muli %parallel_loop3A_95, %parallel_loop3A_80 : i32
        %parallel_loop3A_97 = arith.constant 0 : i32
        %parallel_loop3A_98 = arith.index_cast %parallel_loop3A_97 : i32 to index
        %parallel_loop3A_99 = arith.index_cast %parallel_loop3A_96 : i32 to index
        %parallel_loop3A_100 = tpu.vector_load %arg8[%parallel_loop3A_98, %parallel_loop3A_99] {strides = array<i32>} : memref<32x512xf32, #tpu.memory_space<vmem>>, vector<16xf32>,
        tpu.vector_store %arg8[%parallel_loop3A_98, %parallel_loop3A_99], %parallel_loop3A_94 {strides = array<i32>} : memref<32x512xf32, #tpu.memory_space<vmem>>, vector<16xf32>,
        %parallel_loop3A_101 = arith.constant 1 : i32
        %parallel_loop3A_102 = vector.broadcast %parallel_loop3A_101 : i32 to vector<16xi32>
        %parallel_loop3A_103 = arith.addi %parallel_loop3A_90, %parallel_loop3A_102 : vector<16xi32>
        %parallel_loop3A_104 = tpu.vector_load_idx %arg5[%parallel_loop3A_103] : memref<33033xf32, #tpu.memory_space<vmem>>[vector<16xi32>], vector<16xf32>,
        %parallel_loop3A_105 = arith.constant 16 : i32
        %parallel_loop3A_106 = arith.muli %parallel_loop3A_105, %parallel_loop3A_80 : i32
        %parallel_loop3A_107 = arith.constant 1 : i32
        %parallel_loop3A_108 = arith.index_cast %parallel_loop3A_107 : i32 to index
        %parallel_loop3A_109 = arith.index_cast %parallel_loop3A_106 : i32 to index
        %parallel_loop3A_110 = tpu.vector_load %arg8[%parallel_loop3A_108, %parallel_loop3A_109] {strides = array<i32>} : memref<32x512xf32, #tpu.memory_space<vmem>>, vector<16xf32>,
        tpu.vector_store %arg8[%parallel_loop3A_108, %parallel_loop3A_109], %parallel_loop3A_104 {strides = array<i32>} : memref<32x512xf32, #tpu.memory_space<vmem>>, vector<16xf32>,
        %parallel_loop3A_111 = arith.constant 2 : i32
        %parallel_loop3A_112 = vector.broadcast %parallel_loop3A_111 : i32 to vector<16xi32>
        %parallel_loop3A_113 = arith.addi %parallel_loop3A_90, %parallel_loop3A_112 : vector<16xi32>
        %parallel_loop3A_114 = tpu.vector_load_idx %arg5[%parallel_loop3A_113] : memref<33033xf32, #tpu.memory_space<vmem>>[vector<16xi32>], vector<16xf32>,
        %parallel_loop3A_115 = arith.constant 16 : i32
        %parallel_loop3A_116 = arith.muli %parallel_loop3A_115, %parallel_loop3A_80 : i32
        %parallel_loop3A_117 = arith.constant 2 : i32
        %parallel_loop3A_118 = arith.index_cast %parallel_loop3A_117 : i32 to index
        %parallel_loop3A_119 = arith.index_cast %parallel_loop3A_116 : i32 to index
        %parallel_loop3A_120 = tpu.vector_load %arg8[%parallel_loop3A_118, %parallel_loop3A_119] {strides = array<i32>} : memref<32x512xf32, #tpu.memory_space<vmem>>, vector<16xf32>,
        tpu.vector_store %arg8[%parallel_loop3A_118, %parallel_loop3A_119], %parallel_loop3A_114 {strides = array<i32>} : memref<32x512xf32, #tpu.memory_space<vmem>>, vector<16xf32>,
        %parallel_loop3A_121 = arith.constant 3 : i32
        %parallel_loop3A_122 = vector.broadcast %parallel_loop3A_121 : i32 to vector<16xi32>
        %parallel_loop3A_123 = arith.addi %parallel_loop3A_90, %parallel_loop3A_122 : vector<16xi32>
        %parallel_loop3A_124 = tpu.vector_load_idx %arg5[%parallel_loop3A_123] : memref<33033xf32, #tpu.memory_space<vmem>>[vector<16xi32>], vector<16xf32>,
        %parallel_loop3A_125 = arith.constant 16 : i32
        %parallel_loop3A_126 = arith.muli %parallel_loop3A_125, %parallel_loop3A_80 : i32
        %parallel_loop3A_127 = arith.constant 3 : i32
        %parallel_loop3A_128 = arith.index_cast %parallel_loop3A_127 : i32 to index
        %parallel_loop3A_129 = arith.index_cast %parallel_loop3A_126 : i32 to index
        %parallel_loop3A_130 = tpu.vector_load %arg8[%parallel_loop3A_128, %parallel_loop3A_129] {strides = array<i32>} : memref<32x512xf32, #tpu.memory_space<vmem>>, vector<16xf32>,
        tpu.vector_store %arg8[%parallel_loop3A_128, %parallel_loop3A_129], %parallel_loop3A_124 {strides = array<i32>} : memref<32x512xf32, #tpu.memory_space<vmem>>, vector<16xf32>,
        %parallel_loop3A_131 = arith.constant 4 : i32
        %parallel_loop3A_132 = vector.broadcast %parallel_loop3A_131 : i32 to vector<16xi32>
        %parallel_loop3A_133 = arith.addi %parallel_loop3A_90, %parallel_loop3A_132 : vector<16xi32>
        %parallel_loop3A_134 = tpu.vector_load_idx %arg5[%parallel_loop3A_133] : memref<33033xf32, #tpu.memory_space<vmem>>[vector<16xi32>], vector<16xf32>,
        %parallel_loop3A_135 = arith.constant 16 : i32
        %parallel_loop3A_136 = arith.muli %parallel_loop3A_135, %parallel_loop3A_80 : i32
        %parallel_loop3A_137 = arith.constant 4 : i32
        %parallel_loop3A_138 = arith.index_cast %parallel_loop3A_137 : i32 to index
        %parallel_loop3A_139 = arith.index_cast %parallel_loop3A_136 : i32 to index
        %parallel_loop3A_140 = tpu.vector_load %arg8[%parallel_loop3A_138, %parallel_loop3A_139] {strides = array<i32>} : memref<32x512xf32, #tpu.memory_space<vmem>>, vector<16xf32>,
        tpu.vector_store %arg8[%parallel_loop3A_138, %parallel_loop3A_139], %parallel_loop3A_134 {strides = array<i32>} : memref<32x512xf32, #tpu.memory_space<vmem>>, vector<16xf32>,
        %parallel_loop3A_141 = arith.constant 5 : i32
        %parallel_loop3A_142 = vector.broadcast %parallel_loop3A_141 : i32 to vector<16xi32>
        %parallel_loop3A_143 = arith.addi %parallel_loop3A_90, %parallel_loop3A_142 : vector<16xi32>
        %parallel_loop3A_144 = tpu.vector_load_idx %arg5[%parallel_loop3A_143] : memref<33033xf32, #tpu.memory_space<vmem>>[vector<16xi32>], vector<16xf32>,
        %parallel_loop3A_145 = arith.constant 16 : i32
        %parallel_loop3A_146 = arith.muli %parallel_loop3A_145, %parallel_loop3A_80 : i32
        %parallel_loop3A_147 = arith.constant 5 : i32
        %parallel_loop3A_148 = arith.index_cast %parallel_loop3A_147 : i32 to index
        %parallel_loop3A_149 = arith.index_cast %parallel_loop3A_146 : i32 to index
        %parallel_loop3A_150 = tpu.vector_load %arg8[%parallel_loop3A_148, %parallel_loop3A_149] {strides = array<i32>} : memref<32x512xf32, #tpu.memory_space<vmem>>, vector<16xf32>,
        tpu.vector_store %arg8[%parallel_loop3A_148, %parallel_loop3A_149], %parallel_loop3A_144 {strides = array<i32>} : memref<32x512xf32, #tpu.memory_space<vmem>>, vector<16xf32>,
        %parallel_loop3A_151 = arith.constant 6 : i32
        %parallel_loop3A_152 = vector.broadcast %parallel_loop3A_151 : i32 to vector<16xi32>
        %parallel_loop3A_153 = arith.addi %parallel_loop3A_90, %parallel_loop3A_152 : vector<16xi32>
        %parallel_loop3A_154 = tpu.vector_load_idx %arg5[%parallel_loop3A_153] : memref<33033xf32, #tpu.memory_space<vmem>>[vector<16xi32>], vector<16xf32>,
        %parallel_loop3A_155 = arith.constant 16 : i32
        %parallel_loop3A_156 = arith.muli %parallel_loop3A_155, %parallel_loop3A_80 : i32
        %parallel_loop3A_157 = arith.constant 6 : i32
        %parallel_loop3A_158 = arith.index_cast %parallel_loop3A_157 : i32 to index
        %parallel_loop3A_159 = arith.index_cast %parallel_loop3A_156 : i32 to index
        %parallel_loop3A_160 = tpu.vector_load %arg8[%parallel_loop3A_158, %parallel_loop3A_159] {strides = array<i32>} : memref<32x512xf32, #tpu.memory_space<vmem>>, vector<16xf32>,
        tpu.vector_store %arg8[%parallel_loop3A_158, %parallel_loop3A_159], %parallel_loop3A_154 {strides = array<i32>} : memref<32x512xf32, #tpu.memory_space<vmem>>, vector<16xf32>,
        %parallel_loop3A_161 = arith.constant 7 : i32
        %parallel_loop3A_162 = vector.broadcast %parallel_loop3A_161 : i32 to vector<16xi32>
        %parallel_loop3A_163 = arith.addi %parallel_loop3A_90, %parallel_loop3A_162 : vector<16xi32>
        %parallel_loop3A_164 = tpu.vector_load_idx %arg5[%parallel_loop3A_163] : memref<33033xf32, #tpu.memory_space<vmem>>[vector<16xi32>], vector<16xf32>,
        %parallel_loop3A_165 = arith.constant 16 : i32
        %parallel_loop3A_166 = arith.muli %parallel_loop3A_165, %parallel_loop3A_80 : i32
        %parallel_loop3A_167 = arith.constant 7 : i32
        %parallel_loop3A_168 = arith.index_cast %parallel_loop3A_167 : i32 to index
        %parallel_loop3A_169 = arith.index_cast %parallel_loop3A_166 : i32 to index
        %parallel_loop3A_170 = tpu.vector_load %arg8[%parallel_loop3A_168, %parallel_loop3A_169] {strides = array<i32>} : memref<32x512xf32, #tpu.memory_space<vmem>>, vector<16xf32>,
        tpu.vector_store %arg8[%parallel_loop3A_168, %parallel_loop3A_169], %parallel_loop3A_164 {strides = array<i32>} : memref<32x512xf32, #tpu.memory_space<vmem>>, vector<16xf32>,
        %parallel_loop3A_171 = arith.constant 8 : i32
        %parallel_loop3A_172 = vector.broadcast %parallel_loop3A_171 : i32 to vector<16xi32>
        %parallel_loop3A_173 = arith.addi %parallel_loop3A_90, %parallel_loop3A_172 : vector<16xi32>
        %parallel_loop3A_174 = tpu.vector_load_idx %arg5[%parallel_loop3A_173] : memref<33033xf32, #tpu.memory_space<vmem>>[vector<16xi32>], vector<16xf32>,
        %parallel_loop3A_175 = arith.constant 16 : i32
        %parallel_loop3A_176 = arith.muli %parallel_loop3A_175, %parallel_loop3A_80 : i32
        %parallel_loop3A_177 = arith.constant 8 : i32
        %parallel_loop3A_178 = arith.index_cast %parallel_loop3A_177 : i32 to index
        %parallel_loop3A_179 = arith.index_cast %parallel_loop3A_176 : i32 to index
        %parallel_loop3A_180 = tpu.vector_load %arg8[%parallel_loop3A_178, %parallel_loop3A_179] {strides = array<i32>} : memref<32x512xf32, #tpu.memory_space<vmem>>, vector<16xf32>,
        tpu.vector_store %arg8[%parallel_loop3A_178, %parallel_loop3A_179], %parallel_loop3A_174 {strides = array<i32>} : memref<32x512xf32, #tpu.memory_space<vmem>>, vector<16xf32>,
        %parallel_loop3A_181 = arith.constant 9 : i32
        %parallel_loop3A_182 = vector.broadcast %parallel_loop3A_181 : i32 to vector<16xi32>
        %parallel_loop3A_183 = arith.addi %parallel_loop3A_90, %parallel_loop3A_182 : vector<16xi32>
        %parallel_loop3A_184 = tpu.vector_load_idx %arg5[%parallel_loop3A_183] : memref<33033xf32, #tpu.memory_space<vmem>>[vector<16xi32>], vector<16xf32>,
        %parallel_loop3A_185 = arith.constant 16 : i32
        %parallel_loop3A_186 = arith.muli %parallel_loop3A_185, %parallel_loop3A_80 : i32
        %parallel_loop3A_187 = arith.constant 9 : i32
        %parallel_loop3A_188 = arith.index_cast %parallel_loop3A_187 : i32 to index
        %parallel_loop3A_189 = arith.index_cast %parallel_loop3A_186 : i32 to index
        %parallel_loop3A_190 = tpu.vector_load %arg8[%parallel_loop3A_188, %parallel_loop3A_189] {strides = array<i32>} : memref<32x512xf32, #tpu.memory_space<vmem>>, vector<16xf32>,
        tpu.vector_store %arg8[%parallel_loop3A_188, %parallel_loop3A_189], %parallel_loop3A_184 {strides = array<i32>} : memref<32x512xf32, #tpu.memory_space<vmem>>, vector<16xf32>,
        %parallel_loop3A_191 = arith.constant 10 : i32
        %parallel_loop3A_192 = vector.broadcast %parallel_loop3A_191 : i32 to vector<16xi32>
        %parallel_loop3A_193 = arith.addi %parallel_loop3A_90, %parallel_loop3A_192 : vector<16xi32>
        %parallel_loop3A_194 = tpu.vector_load_idx %arg5[%parallel_loop3A_193] : memref<33033xf32, #tpu.memory_space<vmem>>[vector<16xi32>], vector<16xf32>,
        %parallel_loop3A_195 = arith.constant 16 : i32
        %parallel_loop3A_196 = arith.muli %parallel_loop3A_195, %parallel_loop3A_80 : i32
        %parallel_loop3A_197 = arith.constant 10 : i32
        %parallel_loop3A_198 = arith.index_cast %parallel_loop3A_197 : i32 to index
        %parallel_loop3A_199 = arith.index_cast %parallel_loop3A_196 : i32 to index
        %parallel_loop3A_200 = tpu.vector_load %arg8[%parallel_loop3A_198, %parallel_loop3A_199] {strides = array<i32>} : memref<32x512xf32, #tpu.memory_space<vmem>>, vector<16xf32>,
        tpu.vector_store %arg8[%parallel_loop3A_198, %parallel_loop3A_199], %parallel_loop3A_194 {strides = array<i32>} : memref<32x512xf32, #tpu.memory_space<vmem>>, vector<16xf32>,
        %parallel_loop3A_201 = arith.constant 11 : i32
        %parallel_loop3A_202 = vector.broadcast %parallel_loop3A_201 : i32 to vector<16xi32>
        %parallel_loop3A_203 = arith.addi %parallel_loop3A_90, %parallel_loop3A_202 : vector<16xi32>
        %parallel_loop3A_204 = tpu.vector_load_idx %arg5[%parallel_loop3A_203] : memref<33033xf32, #tpu.memory_space<vmem>>[vector<16xi32>], vector<16xf32>,
        %parallel_loop3A_205 = arith.constant 16 : i32
        %parallel_loop3A_206 = arith.muli %parallel_loop3A_205, %parallel_loop3A_80 : i32
        %parallel_loop3A_207 = arith.constant 11 : i32
        %parallel_loop3A_208 = arith.index_cast %parallel_loop3A_207 : i32 to index
        %parallel_loop3A_209 = arith.index_cast %parallel_loop3A_206 : i32 to index
        %parallel_loop3A_210 = tpu.vector_load %arg8[%parallel_loop3A_208, %parallel_loop3A_209] {strides = array<i32>} : memref<32x512xf32, #tpu.memory_space<vmem>>, vector<16xf32>,
        tpu.vector_store %arg8[%parallel_loop3A_208, %parallel_loop3A_209], %parallel_loop3A_204 {strides = array<i32>} : memref<32x512xf32, #tpu.memory_space<vmem>>, vector<16xf32>,
        %parallel_loop3A_211 = arith.constant 12 : i32
        %parallel_loop3A_212 = vector.broadcast %parallel_loop3A_211 : i32 to vector<16xi32>
        %parallel_loop3A_213 = arith.addi %parallel_loop3A_90, %parallel_loop3A_212 : vector<16xi32>
        %parallel_loop3A_214 = tpu.vector_load_idx %arg5[%parallel_loop3A_213] : memref<33033xf32, #tpu.memory_space<vmem>>[vector<16xi32>], vector<16xf32>,
        %parallel_loop3A_215 = arith.constant 16 : i32
        %parallel_loop3A_216 = arith.muli %parallel_loop3A_215, %parallel_loop3A_80 : i32
        %parallel_loop3A_217 = arith.constant 12 : i32
        %parallel_loop3A_218 = arith.index_cast %parallel_loop3A_217 : i32 to index
        %parallel_loop3A_219 = arith.index_cast %parallel_loop3A_216 : i32 to index
        %parallel_loop3A_220 = tpu.vector_load %arg8[%parallel_loop3A_218, %parallel_loop3A_219] {strides = array<i32>} : memref<32x512xf32, #tpu.memory_space<vmem>>, vector<16xf32>,
        tpu.vector_store %arg8[%parallel_loop3A_218, %parallel_loop3A_219], %parallel_loop3A_214 {strides = array<i32>} : memref<32x512xf32, #tpu.memory_space<vmem>>, vector<16xf32>,
        %parallel_loop3A_221 = arith.constant 13 : i32
        %parallel_loop3A_222 = vector.broadcast %parallel_loop3A_221 : i32 to vector<16xi32>
        %parallel_loop3A_223 = arith.addi %parallel_loop3A_90, %parallel_loop3A_222 : vector<16xi32>
        %parallel_loop3A_224 = tpu.vector_load_idx %arg5[%parallel_loop3A_223] : memref<33033xf32, #tpu.memory_space<vmem>>[vector<16xi32>], vector<16xf32>,
        %parallel_loop3A_225 = arith.constant 16 : i32
        %parallel_loop3A_226 = arith.muli %parallel_loop3A_225, %parallel_loop3A_80 : i32
        %parallel_loop3A_227 = arith.constant 13 : i32
        %parallel_loop3A_228 = arith.index_cast %parallel_loop3A_227 : i32 to index
        %parallel_loop3A_229 = arith.index_cast %parallel_loop3A_226 : i32 to index
        %parallel_loop3A_230 = tpu.vector_load %arg8[%parallel_loop3A_228, %parallel_loop3A_229] {strides = array<i32>} : memref<32x512xf32, #tpu.memory_space<vmem>>, vector<16xf32>,
        tpu.vector_store %arg8[%parallel_loop3A_228, %parallel_loop3A_229], %parallel_loop3A_224 {strides = array<i32>} : memref<32x512xf32, #tpu.memory_space<vmem>>, vector<16xf32>,
        %parallel_loop3A_231 = arith.constant 14 : i32
        %parallel_loop3A_232 = vector.broadcast %parallel_loop3A_231 : i32 to vector<16xi32>
        %parallel_loop3A_233 = arith.addi %parallel_loop3A_90, %parallel_loop3A_232 : vector<16xi32>
        %parallel_loop3A_234 = tpu.vector_load_idx %arg5[%parallel_loop3A_233] : memref<33033xf32, #tpu.memory_space<vmem>>[vector<16xi32>], vector<16xf32>,
        %parallel_loop3A_235 = arith.constant 16 : i32
        %parallel_loop3A_236 = arith.muli %parallel_loop3A_235, %parallel_loop3A_80 : i32
        %parallel_loop3A_237 = arith.constant 14 : i32
        %parallel_loop3A_238 = arith.index_cast %parallel_loop3A_237 : i32 to index
        %parallel_loop3A_239 = arith.index_cast %parallel_loop3A_236 : i32 to index
        %parallel_loop3A_240 = tpu.vector_load %arg8[%parallel_loop3A_238, %parallel_loop3A_239] {strides = array<i32>} : memref<32x512xf32, #tpu.memory_space<vmem>>, vector<16xf32>,
        tpu.vector_store %arg8[%parallel_loop3A_238, %parallel_loop3A_239], %parallel_loop3A_234 {strides = array<i32>} : memref<32x512xf32, #tpu.memory_space<vmem>>, vector<16xf32>,
        %parallel_loop3A_241 = arith.constant 15 : i32
        %parallel_loop3A_242 = vector.broadcast %parallel_loop3A_241 : i32 to vector<16xi32>
        %parallel_loop3A_243 = arith.addi %parallel_loop3A_90, %parallel_loop3A_242 : vector<16xi32>
        %parallel_loop3A_244 = tpu.vector_load_idx %arg5[%parallel_loop3A_243] : memref<33033xf32, #tpu.memory_space<vmem>>[vector<16xi32>], vector<16xf32>,
        %parallel_loop3A_245 = arith.constant 16 : i32
        %parallel_loop3A_246 = arith.muli %parallel_loop3A_245, %parallel_loop3A_80 : i32
        %parallel_loop3A_247 = arith.constant 15 : i32
        %parallel_loop3A_248 = arith.index_cast %parallel_loop3A_247 : i32 to index
        %parallel_loop3A_249 = arith.index_cast %parallel_loop3A_246 : i32 to index
        %parallel_loop3A_250 = tpu.vector_load %arg8[%parallel_loop3A_248, %parallel_loop3A_249] {strides = array<i32>} : memref<32x512xf32, #tpu.memory_space<vmem>>, vector<16xf32>,
        tpu.vector_store %arg8[%parallel_loop3A_248, %parallel_loop3A_249], %parallel_loop3A_244 {strides = array<i32>} : memref<32x512xf32, #tpu.memory_space<vmem>>, vector<16xf32>,
        %parallel_loop3A_251 = arith.constant 16 : i32
        %parallel_loop3A_252 = vector.broadcast %parallel_loop3A_251 : i32 to vector<16xi32>
        %parallel_loop3A_253 = arith.addi %parallel_loop3A_90, %parallel_loop3A_252 : vector<16xi32>
        %parallel_loop3A_254 = tpu.vector_load_idx %arg5[%parallel_loop3A_253] : memref<33033xf32, #tpu.memory_space<vmem>>[vector<16xi32>], vector<16xf32>,
        %parallel_loop3A_255 = arith.constant 16 : i32
        %parallel_loop3A_256 = arith.muli %parallel_loop3A_255, %parallel_loop3A_80 : i32
        %parallel_loop3A_257 = arith.constant 16 : i32
        %parallel_loop3A_258 = arith.index_cast %parallel_loop3A_257 : i32 to index
        %parallel_loop3A_259 = arith.index_cast %parallel_loop3A_256 : i32 to index
        %parallel_loop3A_260 = tpu.vector_load %arg8[%parallel_loop3A_258, %parallel_loop3A_259] {strides = array<i32>} : memref<32x512xf32, #tpu.memory_space<vmem>>, vector<16xf32>,
        tpu.vector_store %arg8[%parallel_loop3A_258, %parallel_loop3A_259], %parallel_loop3A_254 {strides = array<i32>} : memref<32x512xf32, #tpu.memory_space<vmem>>, vector<16xf32>,
        %parallel_loop3A_261 = arith.constant 17 : i32
        %parallel_loop3A_262 = vector.broadcast %parallel_loop3A_261 : i32 to vector<16xi32>
        %parallel_loop3A_263 = arith.addi %parallel_loop3A_90, %parallel_loop3A_262 : vector<16xi32>
        %parallel_loop3A_264 = tpu.vector_load_idx %arg5[%parallel_loop3A_263] : memref<33033xf32, #tpu.memory_space<vmem>>[vector<16xi32>], vector<16xf32>,
        %parallel_loop3A_265 = arith.constant 16 : i32
        %parallel_loop3A_266 = arith.muli %parallel_loop3A_265, %parallel_loop3A_80 : i32
        %parallel_loop3A_267 = arith.constant 17 : i32
        %parallel_loop3A_268 = arith.index_cast %parallel_loop3A_267 : i32 to index
        %parallel_loop3A_269 = arith.index_cast %parallel_loop3A_266 : i32 to index
        %parallel_loop3A_270 = tpu.vector_load %arg8[%parallel_loop3A_268, %parallel_loop3A_269] {strides = array<i32>} : memref<32x512xf32, #tpu.memory_space<vmem>>, vector<16xf32>,
        tpu.vector_store %arg8[%parallel_loop3A_268, %parallel_loop3A_269], %parallel_loop3A_264 {strides = array<i32>} : memref<32x512xf32, #tpu.memory_space<vmem>>, vector<16xf32>,
        %parallel_loop3A_271 = arith.constant 18 : i32
        %parallel_loop3A_272 = vector.broadcast %parallel_loop3A_271 : i32 to vector<16xi32>
        %parallel_loop3A_273 = arith.addi %parallel_loop3A_90, %parallel_loop3A_272 : vector<16xi32>
        %parallel_loop3A_274 = tpu.vector_load_idx %arg5[%parallel_loop3A_273] : memref<33033xf32, #tpu.memory_space<vmem>>[vector<16xi32>], vector<16xf32>,
        %parallel_loop3A_275 = arith.constant 16 : i32
        %parallel_loop3A_276 = arith.muli %parallel_loop3A_275, %parallel_loop3A_80 : i32
        %parallel_loop3A_277 = arith.constant 18 : i32
        %parallel_loop3A_278 = arith.index_cast %parallel_loop3A_277 : i32 to index
        %parallel_loop3A_279 = arith.index_cast %parallel_loop3A_276 : i32 to index
        %parallel_loop3A_280 = tpu.vector_load %arg8[%parallel_loop3A_278, %parallel_loop3A_279] {strides = array<i32>} : memref<32x512xf32, #tpu.memory_space<vmem>>, vector<16xf32>,
        tpu.vector_store %arg8[%parallel_loop3A_278, %parallel_loop3A_279], %parallel_loop3A_274 {strides = array<i32>} : memref<32x512xf32, #tpu.memory_space<vmem>>, vector<16xf32>,
        %parallel_loop3A_281 = arith.constant 19 : i32
        %parallel_loop3A_282 = vector.broadcast %parallel_loop3A_281 : i32 to vector<16xi32>
        %parallel_loop3A_283 = arith.addi %parallel_loop3A_90, %parallel_loop3A_282 : vector<16xi32>
        %parallel_loop3A_284 = tpu.vector_load_idx %arg5[%parallel_loop3A_283] : memref<33033xf32, #tpu.memory_space<vmem>>[vector<16xi32>], vector<16xf32>,
        %parallel_loop3A_285 = arith.constant 16 : i32
        %parallel_loop3A_286 = arith.muli %parallel_loop3A_285, %parallel_loop3A_80 : i32
        %parallel_loop3A_287 = arith.constant 19 : i32
        %parallel_loop3A_288 = arith.index_cast %parallel_loop3A_287 : i32 to index
        %parallel_loop3A_289 = arith.index_cast %parallel_loop3A_286 : i32 to index
        %parallel_loop3A_290 = tpu.vector_load %arg8[%parallel_loop3A_288, %parallel_loop3A_289] {strides = array<i32>} : memref<32x512xf32, #tpu.memory_space<vmem>>, vector<16xf32>,
        tpu.vector_store %arg8[%parallel_loop3A_288, %parallel_loop3A_289], %parallel_loop3A_284 {strides = array<i32>} : memref<32x512xf32, #tpu.memory_space<vmem>>, vector<16xf32>,
        %parallel_loop3A_291 = arith.constant 20 : i32
        %parallel_loop3A_292 = vector.broadcast %parallel_loop3A_291 : i32 to vector<16xi32>
        %parallel_loop3A_293 = arith.addi %parallel_loop3A_90, %parallel_loop3A_292 : vector<16xi32>
        %parallel_loop3A_294 = tpu.vector_load_idx %arg5[%parallel_loop3A_293] : memref<33033xf32, #tpu.memory_space<vmem>>[vector<16xi32>], vector<16xf32>,
        %parallel_loop3A_295 = arith.constant 16 : i32
        %parallel_loop3A_296 = arith.muli %parallel_loop3A_295, %parallel_loop3A_80 : i32
        %parallel_loop3A_297 = arith.constant 20 : i32
        %parallel_loop3A_298 = arith.index_cast %parallel_loop3A_297 : i32 to index
        %parallel_loop3A_299 = arith.index_cast %parallel_loop3A_296 : i32 to index
        %parallel_loop3A_300 = tpu.vector_load %arg8[%parallel_loop3A_298, %parallel_loop3A_299] {strides = array<i32>} : memref<32x512xf32, #tpu.memory_space<vmem>>, vector<16xf32>,
        tpu.vector_store %arg8[%parallel_loop3A_298, %parallel_loop3A_299], %parallel_loop3A_294 {strides = array<i32>} : memref<32x512xf32, #tpu.memory_space<vmem>>, vector<16xf32>,
        %parallel_loop3A_301 = arith.constant 21 : i32
        %parallel_loop3A_302 = vector.broadcast %parallel_loop3A_301 : i32 to vector<16xi32>
        %parallel_loop3A_303 = arith.addi %parallel_loop3A_90, %parallel_loop3A_302 : vector<16xi32>
        %parallel_loop3A_304 = tpu.vector_load_idx %arg5[%parallel_loop3A_303] : memref<33033xf32, #tpu.memory_space<vmem>>[vector<16xi32>], vector<16xf32>,
        %parallel_loop3A_305 = arith.constant 16 : i32
        %parallel_loop3A_306 = arith.muli %parallel_loop3A_305, %parallel_loop3A_80 : i32
        %parallel_loop3A_307 = arith.constant 21 : i32
        %parallel_loop3A_308 = arith.index_cast %parallel_loop3A_307 : i32 to index
        %parallel_loop3A_309 = arith.index_cast %parallel_loop3A_306 : i32 to index
        %parallel_loop3A_310 = tpu.vector_load %arg8[%parallel_loop3A_308, %parallel_loop3A_309] {strides = array<i32>} : memref<32x512xf32, #tpu.memory_space<vmem>>, vector<16xf32>,
        tpu.vector_store %arg8[%parallel_loop3A_308, %parallel_loop3A_309], %parallel_loop3A_304 {strides = array<i32>} : memref<32x512xf32, #tpu.memory_space<vmem>>, vector<16xf32>,
        %parallel_loop3A_311 = arith.constant 22 : i32
        %parallel_loop3A_312 = vector.broadcast %parallel_loop3A_311 : i32 to vector<16xi32>
        %parallel_loop3A_313 = arith.addi %parallel_loop3A_90, %parallel_loop3A_312 : vector<16xi32>
        %parallel_loop3A_314 = tpu.vector_load_idx %arg5[%parallel_loop3A_313] : memref<33033xf32, #tpu.memory_space<vmem>>[vector<16xi32>], vector<16xf32>,
        %parallel_loop3A_315 = arith.constant 16 : i32
        %parallel_loop3A_316 = arith.muli %parallel_loop3A_315, %parallel_loop3A_80 : i32
        %parallel_loop3A_317 = arith.constant 22 : i32
        %parallel_loop3A_318 = arith.index_cast %parallel_loop3A_317 : i32 to index
        %parallel_loop3A_319 = arith.index_cast %parallel_loop3A_316 : i32 to index
        %parallel_loop3A_320 = tpu.vector_load %arg8[%parallel_loop3A_318, %parallel_loop3A_319] {strides = array<i32>} : memref<32x512xf32, #tpu.memory_space<vmem>>, vector<16xf32>,
        tpu.vector_store %arg8[%parallel_loop3A_318, %parallel_loop3A_319], %parallel_loop3A_314 {strides = array<i32>} : memref<32x512xf32, #tpu.memory_space<vmem>>, vector<16xf32>,
        %parallel_loop3A_321 = arith.constant 23 : i32
        %parallel_loop3A_322 = vector.broadcast %parallel_loop3A_321 : i32 to vector<16xi32>
        %parallel_loop3A_323 = arith.addi %parallel_loop3A_90, %parallel_loop3A_322 : vector<16xi32>
        %parallel_loop3A_324 = tpu.vector_load_idx %arg5[%parallel_loop3A_323] : memref<33033xf32, #tpu.memory_space<vmem>>[vector<16xi32>], vector<16xf32>,
        %parallel_loop3A_325 = arith.constant 16 : i32
        %parallel_loop3A_326 = arith.muli %parallel_loop3A_325, %parallel_loop3A_80 : i32
        %parallel_loop3A_327 = arith.constant 23 : i32
        %parallel_loop3A_328 = arith.index_cast %parallel_loop3A_327 : i32 to index
        %parallel_loop3A_329 = arith.index_cast %parallel_loop3A_326 : i32 to index
        %parallel_loop3A_330 = tpu.vector_load %arg8[%parallel_loop3A_328, %parallel_loop3A_329] {strides = array<i32>} : memref<32x512xf32, #tpu.memory_space<vmem>>, vector<16xf32>,
        tpu.vector_store %arg8[%parallel_loop3A_328, %parallel_loop3A_329], %parallel_loop3A_324 {strides = array<i32>} : memref<32x512xf32, #tpu.memory_space<vmem>>, vector<16xf32>,
        %parallel_loop3A_331 = arith.constant 24 : i32
        %parallel_loop3A_332 = vector.broadcast %parallel_loop3A_331 : i32 to vector<16xi32>
        %parallel_loop3A_333 = arith.addi %parallel_loop3A_90, %parallel_loop3A_332 : vector<16xi32>
        %parallel_loop3A_334 = tpu.vector_load_idx %arg5[%parallel_loop3A_333] : memref<33033xf32, #tpu.memory_space<vmem>>[vector<16xi32>], vector<16xf32>,
        %parallel_loop3A_335 = arith.constant 16 : i32
        %parallel_loop3A_336 = arith.muli %parallel_loop3A_335, %parallel_loop3A_80 : i32
        %parallel_loop3A_337 = arith.constant 24 : i32
        %parallel_loop3A_338 = arith.index_cast %parallel_loop3A_337 : i32 to index
        %parallel_loop3A_339 = arith.index_cast %parallel_loop3A_336 : i32 to index
        %parallel_loop3A_340 = tpu.vector_load %arg8[%parallel_loop3A_338, %parallel_loop3A_339] {strides = array<i32>} : memref<32x512xf32, #tpu.memory_space<vmem>>, vector<16xf32>,
        tpu.vector_store %arg8[%parallel_loop3A_338, %parallel_loop3A_339], %parallel_loop3A_334 {strides = array<i32>} : memref<32x512xf32, #tpu.memory_space<vmem>>, vector<16xf32>,
        %parallel_loop3A_341 = arith.constant 25 : i32
        %parallel_loop3A_342 = vector.broadcast %parallel_loop3A_341 : i32 to vector<16xi32>
        %parallel_loop3A_343 = arith.addi %parallel_loop3A_90, %parallel_loop3A_342 : vector<16xi32>
        %parallel_loop3A_344 = tpu.vector_load_idx %arg5[%parallel_loop3A_343] : memref<33033xf32, #tpu.memory_space<vmem>>[vector<16xi32>], vector<16xf32>,
        %parallel_loop3A_345 = arith.constant 16 : i32
        %parallel_loop3A_346 = arith.muli %parallel_loop3A_345, %parallel_loop3A_80 : i32
        %parallel_loop3A_347 = arith.constant 25 : i32
        %parallel_loop3A_348 = arith.index_cast %parallel_loop3A_347 : i32 to index
        %parallel_loop3A_349 = arith.index_cast %parallel_loop3A_346 : i32 to index
        %parallel_loop3A_350 = tpu.vector_load %arg8[%parallel_loop3A_348, %parallel_loop3A_349] {strides = array<i32>} : memref<32x512xf32, #tpu.memory_space<vmem>>, vector<16xf32>,
        tpu.vector_store %arg8[%parallel_loop3A_348, %parallel_loop3A_349], %parallel_loop3A_344 {strides = array<i32>} : memref<32x512xf32, #tpu.memory_space<vmem>>, vector<16xf32>,
        %parallel_loop3A_351 = arith.constant 26 : i32
        %parallel_loop3A_352 = vector.broadcast %parallel_loop3A_351 : i32 to vector<16xi32>
        %parallel_loop3A_353 = arith.addi %parallel_loop3A_90, %parallel_loop3A_352 : vector<16xi32>
        %parallel_loop3A_354 = tpu.vector_load_idx %arg5[%parallel_loop3A_353] : memref<33033xf32, #tpu.memory_space<vmem>>[vector<16xi32>], vector<16xf32>,
        %parallel_loop3A_355 = arith.constant 16 : i32
        %parallel_loop3A_356 = arith.muli %parallel_loop3A_355, %parallel_loop3A_80 : i32
        %parallel_loop3A_357 = arith.constant 26 : i32
        %parallel_loop3A_358 = arith.index_cast %parallel_loop3A_357 : i32 to index
        %parallel_loop3A_359 = arith.index_cast %parallel_loop3A_356 : i32 to index
        %parallel_loop3A_360 = tpu.vector_load %arg8[%parallel_loop3A_358, %parallel_loop3A_359] {strides = array<i32>} : memref<32x512xf32, #tpu.memory_space<vmem>>, vector<16xf32>,
        tpu.vector_store %arg8[%parallel_loop3A_358, %parallel_loop3A_359], %parallel_loop3A_354 {strides = array<i32>} : memref<32x512xf32, #tpu.memory_space<vmem>>, vector<16xf32>,
        %parallel_loop3A_361 = arith.constant 27 : i32
        %parallel_loop3A_362 = vector.broadcast %parallel_loop3A_361 : i32 to vector<16xi32>
        %parallel_loop3A_363 = arith.addi %parallel_loop3A_90, %parallel_loop3A_362 : vector<16xi32>
        %parallel_loop3A_364 = tpu.vector_load_idx %arg5[%parallel_loop3A_363] : memref<33033xf32, #tpu.memory_space<vmem>>[vector<16xi32>], vector<16xf32>,
        %parallel_loop3A_365 = arith.constant 16 : i32
        %parallel_loop3A_366 = arith.muli %parallel_loop3A_365, %parallel_loop3A_80 : i32
        %parallel_loop3A_367 = arith.constant 27 : i32
        %parallel_loop3A_368 = arith.index_cast %parallel_loop3A_367 : i32 to index
        %parallel_loop3A_369 = arith.index_cast %parallel_loop3A_366 : i32 to index
        %parallel_loop3A_370 = tpu.vector_load %arg8[%parallel_loop3A_368, %parallel_loop3A_369] {strides = array<i32>} : memref<32x512xf32, #tpu.memory_space<vmem>>, vector<16xf32>,
        tpu.vector_store %arg8[%parallel_loop3A_368, %parallel_loop3A_369], %parallel_loop3A_364 {strides = array<i32>} : memref<32x512xf32, #tpu.memory_space<vmem>>, vector<16xf32>,
        %parallel_loop3A_371 = arith.constant 28 : i32
        %parallel_loop3A_372 = vector.broadcast %parallel_loop3A_371 : i32 to vector<16xi32>
        %parallel_loop3A_373 = arith.addi %parallel_loop3A_90, %parallel_loop3A_372 : vector<16xi32>
        %parallel_loop3A_374 = tpu.vector_load_idx %arg5[%parallel_loop3A_373] : memref<33033xf32, #tpu.memory_space<vmem>>[vector<16xi32>], vector<16xf32>,
        %parallel_loop3A_375 = arith.constant 16 : i32
        %parallel_loop3A_376 = arith.muli %parallel_loop3A_375, %parallel_loop3A_80 : i32
        %parallel_loop3A_377 = arith.constant 28 : i32
        %parallel_loop3A_378 = arith.index_cast %parallel_loop3A_377 : i32 to index
        %parallel_loop3A_379 = arith.index_cast %parallel_loop3A_376 : i32 to index
        %parallel_loop3A_380 = tpu.vector_load %arg8[%parallel_loop3A_378, %parallel_loop3A_379] {strides = array<i32>} : memref<32x512xf32, #tpu.memory_space<vmem>>, vector<16xf32>,
        tpu.vector_store %arg8[%parallel_loop3A_378, %parallel_loop3A_379], %parallel_loop3A_374 {strides = array<i32>} : memref<32x512xf32, #tpu.memory_space<vmem>>, vector<16xf32>,
        %parallel_loop3A_381 = arith.constant 29 : i32
        %parallel_loop3A_382 = vector.broadcast %parallel_loop3A_381 : i32 to vector<16xi32>
        %parallel_loop3A_383 = arith.addi %parallel_loop3A_90, %parallel_loop3A_382 : vector<16xi32>
        %parallel_loop3A_384 = tpu.vector_load_idx %arg5[%parallel_loop3A_383] : memref<33033xf32, #tpu.memory_space<vmem>>[vector<16xi32>], vector<16xf32>,
        %parallel_loop3A_385 = arith.constant 16 : i32
        %parallel_loop3A_386 = arith.muli %parallel_loop3A_385, %parallel_loop3A_80 : i32
        %parallel_loop3A_387 = arith.constant 29 : i32
        %parallel_loop3A_388 = arith.index_cast %parallel_loop3A_387 : i32 to index
        %parallel_loop3A_389 = arith.index_cast %parallel_loop3A_386 : i32 to index
        %parallel_loop3A_390 = tpu.vector_load %arg8[%parallel_loop3A_388, %parallel_loop3A_389] {strides = array<i32>} : memref<32x512xf32, #tpu.memory_space<vmem>>, vector<16xf32>,
        tpu.vector_store %arg8[%parallel_loop3A_388, %parallel_loop3A_389], %parallel_loop3A_384 {strides = array<i32>} : memref<32x512xf32, #tpu.memory_space<vmem>>, vector<16xf32>,
        %parallel_loop3A_391 = arith.constant 30 : i32
        %parallel_loop3A_392 = vector.broadcast %parallel_loop3A_391 : i32 to vector<16xi32>
        %parallel_loop3A_393 = arith.addi %parallel_loop3A_90, %parallel_loop3A_392 : vector<16xi32>
        %parallel_loop3A_394 = tpu.vector_load_idx %arg5[%parallel_loop3A_393] : memref<33033xf32, #tpu.memory_space<vmem>>[vector<16xi32>], vector<16xf32>,
        %parallel_loop3A_395 = arith.constant 16 : i32
        %parallel_loop3A_396 = arith.muli %parallel_loop3A_395, %parallel_loop3A_80 : i32
        %parallel_loop3A_397 = arith.constant 30 : i32
        %parallel_loop3A_398 = arith.index_cast %parallel_loop3A_397 : i32 to index
        %parallel_loop3A_399 = arith.index_cast %parallel_loop3A_396 : i32 to index
        %parallel_loop3A_400 = tpu.vector_load %arg8[%parallel_loop3A_398, %parallel_loop3A_399] {strides = array<i32>} : memref<32x512xf32, #tpu.memory_space<vmem>>, vector<16xf32>,
        tpu.vector_store %arg8[%parallel_loop3A_398, %parallel_loop3A_399], %parallel_loop3A_394 {strides = array<i32>} : memref<32x512xf32, #tpu.memory_space<vmem>>, vector<16xf32>,
        %parallel_loop3A_401 = arith.constant 31 : i32
        %parallel_loop3A_402 = vector.broadcast %parallel_loop3A_401 : i32 to vector<16xi32>
        %parallel_loop3A_403 = arith.addi %parallel_loop3A_90, %parallel_loop3A_402 : vector<16xi32>
        %parallel_loop3A_404 = tpu.vector_load_idx %arg5[%parallel_loop3A_403] : memref<33033xf32, #tpu.memory_space<vmem>>[vector<16xi32>], vector<16xf32>,
        %parallel_loop3A_405 = arith.constant 16 : i32
        %parallel_loop3A_406 = arith.muli %parallel_loop3A_405, %parallel_loop3A_80 : i32
        %parallel_loop3A_407 = arith.constant 31 : i32
        %parallel_loop3A_408 = arith.index_cast %parallel_loop3A_407 : i32 to index
        %parallel_loop3A_409 = arith.index_cast %parallel_loop3A_406 : i32 to index
        %parallel_loop3A_410 = tpu.vector_load %arg8[%parallel_loop3A_408, %parallel_loop3A_409] {strides = array<i32>} : memref<32x512xf32, #tpu.memory_space<vmem>>, vector<16xf32>,
        tpu.vector_store %arg8[%parallel_loop3A_408, %parallel_loop3A_409], %parallel_loop3A_404 {strides = array<i32>} : memref<32x512xf32, #tpu.memory_space<vmem>>, vector<16xf32>,
      } {sc.loop_unroll_factor = 1 : i64, sc.parallel_access}
      %add3A_72 = arith.constant 1 : i32
      %add3A_73 = arith.addi %mul3A_43, %add3A_72 : i32
      %dma_start3A_74 = arith.constant 0 : i32
      %dma_start3A_75 = tpu.memref_slice %arg4[%add3A_73, %dma_start3A_74, %mul3A_2] : memref<26x32x16384xf32, #tpu.memory_space<hbm>> -> memref<1x32x512xf32, #tpu.memory_space<hbm>>
      %dma_start3A_76 = tpu.memref_squeeze %dma_start3A_75 : memref<1x32x512xf32, #tpu.memory_space<hbm>> -> memref<32x512xf32, #tpu.memory_space<hbm>>
      %dma_start3A_77 = arith.constant 0 : i32
      %dma_start3A_78 = tpu.memref_slice %arg4[%add3A_73, %dma_start3A_77, %mul3A_2] : memref<26x32x16384xf32, #tpu.memory_space<hbm>> -> memref<1x32x512xf32, #tpu.memory_space<hbm>>
      %dma_start3A_79 = tpu.memref_squeeze %dma_start3A_78 : memref<1x32x512xf32, #tpu.memory_space<hbm>> -> memref<32x512xf32, #tpu.memory_space<hbm>>
      tpu.enqueue_dma source(%arg8 : memref<32x512xf32, #tpu.memory_space<vmem>>) target(%dma_start3A_79 : memref<32x512xf32, #tpu.memory_space<hbm>>) target_semaphore(%arg10 : memref<!tpu.dma_semaphore, #tpu.memory_space<semaphore_mem>>)
    }
    %scan3A_27 = arith.constant 12 : i32
    %dma_wait3A = arith.constant 0 : i32
    %dma_wait3A_28 = arith.constant 0 : i32
    %dma_wait3A_29 = tpu.memref_slice %arg4[%dma_wait3A, %dma_wait3A_28, %mul3A_2] : memref<26x32x16384xf32, #tpu.memory_space<hbm>> -> memref<1x32x512xf32, #tpu.memory_space<hbm>>
    %dma_wait3A_30 = tpu.memref_squeeze %dma_wait3A_29 : memref<1x32x512xf32, #tpu.memory_space<hbm>> -> memref<32x512xf32, #tpu.memory_space<hbm>>
    %dma_wait3A_31 = arith.constant 0 : i32
    %dma_wait3A_32 = tpu.memref_slice %arg4[%dma_wait3A, %dma_wait3A_31, %mul3A_2] : memref<26x32x16384xf32, #tpu.memory_space<hbm>> -> memref<1x32x512xf32, #tpu.memory_space<hbm>>
    %dma_wait3A_33 = tpu.memref_squeeze %dma_wait3A_32 : memref<1x32x512xf32, #tpu.memory_space<hbm>> -> memref<32x512xf32, #tpu.memory_space<hbm>>
    tpu.wait_dma2 semaphore(%arg9 : memref<!tpu.dma_semaphore, #tpu.memory_space<semaphore_mem>>) src(%arg7 : memref<32x512xf32, #tpu.memory_space<vmem>>) dst(%dma_wait3A_33 : memref<32x512xf32, #tpu.memory_space<hbm>>)
    %dma_wait3A_34 = arith.constant 0 : i32
    %dma_wait3A_35 = arith.constant 0 : i32
    %dma_wait3A_36 = tpu.memref_slice %arg4[%dma_wait3A_34, %dma_wait3A_35, %mul3A_2] : memref<26x32x16384xf32, #tpu.memory_space<hbm>> -> memref<1x32x512xf32, #tpu.memory_space<hbm>>
    %dma_wait3A_37 = tpu.memref_squeeze %dma_wait3A_36 : memref<1x32x512xf32, #tpu.memory_space<hbm>> -> memref<32x512xf32, #tpu.memory_space<hbm>>
    %dma_wait3A_38 = arith.constant 0 : i32
    %dma_wait3A_39 = tpu.memref_slice %arg4[%dma_wait3A_34, %dma_wait3A_38, %mul3A_2] : memref<26x32x16384xf32, #tpu.memory_space<hbm>> -> memref<1x32x512xf32, #tpu.memory_space<hbm>>
    %dma_wait3A_40 = tpu.memref_squeeze %dma_wait3A_39 : memref<1x32x512xf32, #tpu.memory_space<hbm>> -> memref<32x512xf32, #tpu.memory_space<hbm>>
    tpu.wait_dma2 semaphore(%arg10 : memref<!tpu.dma_semaphore, #tpu.memory_space<semaphore_mem>>) src(%arg8 : memref<32x512xf32, #tpu.memory_space<vmem>>) dst(%dma_wait3A_40 : memref<32x512xf32, #tpu.memory_space<hbm>>)
    return
  }
}

module attributes {stable_mosaic.version = 14 : i64} {
  func.func @_binT_body(%arg0: memref<26x16384xf32, #tpu.memory_space<vmem>>, %arg1: memref<26x16384xi32, #tpu.memory_space<vmem>>) attributes {dimension_semantics = [], scalar_prefetch = 0 : i64, scratch_operands = 0 : i64, tpu.core_type = #tpu.core_type<tc>} {
    %get3A = arith.constant 0 : index
    %get3A_0 = arith.constant 0 : index
    %get3A_1 = vector.load %arg0[%get3A, %get3A_0] : memref<26x16384xf32, #tpu.memory_space<vmem>>, vector<26x16384xf32>
    %reduce_min3A = arith.constant dense<0x7F800000> : vector<26xf32>
    %reduce_min3A_2 = vector.multi_reduction <minimumf>, %get3A_1, %reduce_min3A [1] : vector<26x16384xf32> to vector<26xf32>
    %broadcast_in_dim3A = vector.shape_cast %reduce_min3A_2 : vector<26xf32> to vector<26x1xf32>
    %reduce_max3A = arith.constant dense<0xFF800000> : vector<26xf32>
    %reduce_max3A_3 = vector.multi_reduction <maximumf>, %get3A_1, %reduce_max3A [1] : vector<26x16384xf32> to vector<26xf32>
    %broadcast_in_dim3A_4 = vector.shape_cast %reduce_max3A_3 : vector<26xf32> to vector<26x1xf32>
    %log1p3A = math.log1p %broadcast_in_dim3A : vector<26x1xf32>
    %log1p3A_5 = math.log1p %broadcast_in_dim3A_4 : vector<26x1xf32>
    %log1p3A_6 = math.log1p %get3A_1 : vector<26x16384xf32>
    %sub3A = vector.broadcast %log1p3A : vector<26x1xf32> to vector<26x16384xf32>
    %sub3A_7 = arith.subf %log1p3A_6, %sub3A : vector<26x16384xf32>
    %sub3A_8 = arith.subf %log1p3A_5, %log1p3A : vector<26x1xf32>
    %div3A = vector.broadcast %sub3A_8 : vector<26x1xf32> to vector<26x16384xf32>
    %div3A_9 = arith.divf %sub3A_7, %div3A : vector<26x16384xf32>
    %jit3A = arith.constant 0.000000e+00 : f32
    %jit3A_10 = arith.constant 1.000000e+00 : f32
    %max3A = vector.broadcast %jit3A : f32 to vector<26x16384xf32>
    %max3A_11 = arith.maximumf %max3A, %div3A_9 : vector<26x16384xf32>
    %min3A = vector.broadcast %jit3A_10 : f32 to vector<26x16384xf32>
    %min3A_12 = arith.minimumf %min3A, %max3A_11 : vector<26x16384xf32>
    %mul3A = arith.constant 1.000000e+03 : f32
    %mul3A_13 = vector.broadcast %mul3A : f32 to vector<26x16384xf32>
    %mul3A_14 = arith.mulf %min3A_12, %mul3A_13 : vector<26x16384xf32>
    %convert_element_type3A = arith.fptosi %mul3A_14 : vector<26x16384xf32> to vector<26x16384xi32>
    %swap3A = arith.constant 0 : index
    %swap3A_15 = arith.constant 0 : index
    %swap3A_16 = vector.load %arg1[%swap3A, %swap3A_15] : memref<26x16384xi32, #tpu.memory_space<vmem>>, vector<26x16384xi32>
    tpu.vector_store %arg1[%swap3A, %swap3A_15], %convert_element_type3A {strides = array<i32>} : memref<26x16384xi32, #tpu.memory_space<vmem>>, vector<26x16384xi32>,
    return
  }
}

</mosaic_0001>

<sc_bundles>
// kernel: kernel.4.cloned.1.call-start
scs
__scs_entry_jumppad:
0x0: {  	(pc) =	sbr.rel $0x88, $3  }
0x1: {  	(tag) =	ssettag $0x0;
	lr =	simm.s32 $0x1  }
0x2: {  	[smem:$0x3F9F] =	sst lr;
	_ =	strace $0xD0000000  }
0x3: {  	_ = 	snop  }
0x4: {  	_ = 	snop  }
0x5: {  	_ = 	snop  }
0x6: {  	_ = 	snop  }
0x7: {  	_ = 	snop  }
__scs_overlays_trampoline_lowered:
0x8: {  	[smem:$0x3FAE] =	sst s0  }
0x9: {  	[smem:$0x3FAF] =	sst s1  }
0xa: {  	[smem:$0x3FB0] =	sst s2  }
0xb: {  	[smem:$0x3FB1] =	sst s3  }
0xc: {  	[smem:$0x3FB2] =	sst s4  }
0xd: {  	[smem:$0x3FB3] =	sst s5  }
0xe: {  	[smem:$0x3FB4] =	sst s6  }
0xf: {  	[smem:$0x3FB5] =	sst s7  }
0x10: {  	[smem:$0x3FB6] =	sst s8  }
0x11: {  	[smem:$0x3FB7] =	sst s9;
	s0 =	simm.s32 @!p0 $0x0  }
0x12: {  	s1 =	sld [smem:$0x3F9D];
	s0 =	simm.s32 @p0 $0x1  }
0x13: {  	[smem:$0x3FB8] =	sst s0;
	s0 =	simm.s32 @!p1 $0x0  }
0x14: {  	s2 =	sld [smem:$0x3F9C];
	s0 =	simm.s32 @p1 $0x1  }
0x15: {  	[smem:$0x3FB9] =	sst s0;
	s0 =	simm.s32 @!p2 $0x0  }
0x16: {  	s3 =	sld [smem:$0x3FDB];
	s0 =	simm.s32 @p2 $0x1  }
0x17: {  	s4 =	simm.s32 $0x1BF5;
	[smem:$0x3FBB] =	sst s0  }
0x18: {  	s0 =	sld [smem:$0x3F9E];
	_ =	swait.ge [sflag:s4], $0x0  }
0x19: {  	s7 =	sld [smem:$0x3F9F]  }
0x1a: {  	s8 =	sadd.s32 $0xFFFFE003, lr  }
0x1b: {  	s9 =	sadd.s32 $0xFFFFFEF7, lr;
	s5 =	simm.s32 $0xFFFFFFFF;
	p2 =	slt.u32 s8, $0xFFFFF086  }
0x1c: {  	p1 =	slt.u32 s9, $0xF7A;
	s5 =	simm.s32 @!p2 $0x0  }
0x1d: {  	s5 =	simm.s32 @p1 $0x1;
	p0 =	seq.s32 s7, s2  }
0x1e: {  	s7 =	smul.u32 @!p0 $0xF7A, s2;
	p2 =	seq.s32 @!p0 s5, $0x0  }
0x1f: {  	s9 =	smul.u32 $0xF7A, s1;
	s8 =	simm.s32 @!p0 $0x1BF5;
	p2 =	por !p2, p0  }
0x20: {  	[sflag:s8] =	ssyncset.s32 @!p0 $0xFFFFF086;
	s6 =	sadd.s32 @!p0 s3, s7;
	s7 =	simm.s32 @!p0 $0x108  }
0x21: {  	s3 =	sadd.s32 s3, s9;
	s6 =	sadd.s32 @!p0 $0x88, s6;
	s7 =	simm.s32 @p2 $0x1082  }
0x22: {  	[simem:s7], [sflag:s8] =	dma.local @!p0 [hbm:s6], $0xF7A  }
0x23: {  	s9 =	sor.u32 $0xD0000000, s2;
	s6 =	simm.s32 $0x108;
	_ =	swait.ge @!p0 [sflag:s8], $0x0  }
0x24: {  	s3 =	sadd.s32 $0x88, s3;
	s6 =	simm.s32 @!p1 $0x1082;
	[sflag:s4] =	ssyncset.s32 $0xFFFFF086  }
0x25: {  	[simem:s6], [sflag:s4] =	dma.local [hbm:s3], $0xF7A  }
0x26: {  	[smem:$0x3F9F] =	sst s1;
	(tag) =	ssettag s2;
	_ =	strace s9  }
0x27: {  	s1 =	sld [smem:$0x3FAF]  }
0x28: {  	s2 =	sld [smem:$0x3FB0]  }
0x29: {  	s4 =	sld [smem:$0x3FB2]  }
0x2a: {  	p0 =	seq.s32 s5, $0x0;
	s5 =	sld [smem:$0x3FB3]  }
0x2b: {  	s6 =	sld [smem:$0x3FB4]  }
0x2c: {  	s7 =	sld [smem:$0x3FB5]  }
0x2d: {  	s3 =	simm.s32 $0x108;
	s8 =	sld [smem:$0x3FB6]  }
0x2e: {  	s3 =	simm.s32 @!p0 $0x1082;
	s9 =	sld [smem:$0x3FB7]  }
0x2f: {  	lr =	sadd.s32 s0, s3;
	s0 =	sld [smem:$0x3FAE]  }
0x30: {  	s3 =	sld [smem:$0x3FB1]  }
0x31: {  	[smem:$0x3FBA] =	sst s10  }
0x32: {  	s10 =	sld [smem:$0x3FB8];
	_ =	sdelay $0x3  }
0x33: {  	p0 =	seq.s32 s10, $0x1;
	s10 =	sld [smem:$0x3FBA];
	_ =	sdelay $0x3  }
0x34: {  	[smem:$0x3FBA] =	sst s10  }
0x35: {  	s10 =	sld [smem:$0x3FB9];
	_ =	sdelay $0x3  }
0x36: {  	p1 =	seq.s32 s10, $0x1;
	s10 =	sld [smem:$0x3FBA];
	_ =	sdelay $0x3  }
0x37: {  	[smem:$0x3FBA] =	sst s10  }
0x38: {  	s10 =	sld [smem:$0x3FBB]  }
0x39: {  	_ = 	snop;
	(pc) =	sbr.ind lr, $3  }
0x3a: {  	_ = 	snop  }
0x3b: {  	_ = 	snop  }
0x3c: {  	p2 =	seq.s32 s10, $0x1;
	s10 =	sld [smem:$0x3FBA]  }
0x3d: {  	_ =	shalt  }
0x3e: {  	_ =	shalt  }
0x3f: {  	_ =	shalt  }
0x40: {  	_ =	shalt  }
0x41: {  	_ =	shalt  }
0x42: {  	_ =	shalt  }
0x43: {  	_ =	shalt  }
0x44: {  	_ =	shalt  }
0x45: {  	_ =	shalt  }
0x46: {  	_ =	shalt  }
0x47: {  	_ =	shalt  }
0x48: {  	_ =	shalt  }
0x49: {  	_ =	shalt  }
0x4a: {  	_ =	shalt  }
0x4b: {  	_ =	shalt  }
0x4c: {  	_ =	shalt  }
0x4d: {  	_ =	shalt  }
0x4e: {  	_ =	shalt  }
0x4f: {  	_ =	shalt  }
0x50: {  	_ =	shalt  }
0x51: {  	_ =	shalt  }
0x52: {  	_ =	shalt  }
0x53: {  	_ =	shalt  }
0x54: {  	_ =	shalt  }
0x55: {  	_ =	shalt  }
0x56: {  	_ =	shalt  }
0x57: {  	_ =	shalt  }
0x58: {  	_ =	shalt  }
0x59: {  	_ =	shalt  }
0x5a: {  	_ =	shalt  }
0x5b: {  	_ =	shalt  }
0x5c: {  	_ =	shalt  }
0x5d: {  	_ =	shalt  }
0x5e: {  	_ =	shalt  }
0x5f: {  	_ =	shalt  }
0x60: {  	_ =	shalt  }
0x61: {  	_ =	shalt  }
0x62: {  	_ =	shalt  }
0x63: {  	_ =	shalt  }
0x64: {  	_ =	shalt  }
0x65: {  	_ =	shalt  }
0x66: {  	_ =	shalt  }
0x67: {  	_ =	shalt  }
0x68: {  	_ =	shalt  }
0x69: {  	_ =	shalt  }
0x6a: {  	_ =	shalt  }
0x6b: {  	_ =	shalt  }
0x6c: {  	_ =	shalt  }
0x6d: {  	_ =	shalt  }
0x6e: {  	_ =	shalt  }
0x6f: {  	_ =	shalt  }
0x70: {  	_ =	shalt  }
0x71: {  	_ =	shalt  }
0x72: {  	_ =	shalt  }
0x73: {  	_ =	shalt  }
0x74: {  	_ =	shalt  }
0x75: {  	_ =	shalt  }
0x76: {  	_ =	shalt  }
0x77: {  	_ =	shalt  }
0x78: {  	_ =	shalt  }
0x79: {  	_ =	shalt  }
0x7a: {  	_ =	shalt  }
0x7b: {  	_ =	shalt  }
0x7c: {  	_ =	shalt  }
0x7d: {  	_ =	shalt  }
0x7e: {  	_ =	shalt  }
0x7f: {  	_ =	shalt  }
0x80: {  	_ =	shalt  }
0x81: {  	_ =	shalt  }
0x82: {  	_ =	shalt  }
0x83: {  	_ =	shalt  }
0x84: {  	_ =	shalt  }
0x85: {  	_ =	shalt  }
0x86: {  	_ =	shalt  }
0x87: {  	_ =	shalt  }
.Lfunc_end0:
.L_simem_size_0:
called_computation_lowered:
.L_overlay_start_0:
0x88: {  	s2 =	sld [smem:$0x3FD9]  }
0x89: {  	s3 =	sld [smem:$0x3FFE];
	_ =	sdelay $0x1  }
0x8a: {  	s1 =	srdreg.scid  }
0x8b: {  	s0 =	sand.u32 $0x1, s1  }
0x8c: {  	s17 =	sshll.u32 s0, $0xA;
	s2 =	sadd.s32 s3, s2  }
0x8d: {  	s2 =	sadd.s32 s2, s17  }
0x8e: {  	[smem:$0x3FC6] =	sst s2  }
0x8f: {  	_ = 	snop  }
0x90: {  	s2 =	sld [smem:$0x3FD0];
	(tm) =	ssettm $0x1  }
0x91: {  	s18 =	sld [smem:$0x3FFB];
	_ =	sdelay $0x3  }
0x92: {  	_ =	strace s18  }
0x93: {  	s3 =	sld [smem:$0x3FFC];
	_ =	sdelay $0x3  }
0x94: {  	_ =	strace s3  }
0x95: {  	s3 =	sld [smem:$0x3FFD];
	_ =	sdelay $0x3  }
0x96: {  	_ =	strace s3  }
0x97: {  	_ =	strace $0x8FFFFFFF  }
0x98: {  	s19 =	sld [smem:$0x3FDB];
	_ =	sdelay $0x1  }
0x99: {  	s4 =	simm.s32 $_scs_section_size  }
0x9a: {  	s5 =	simm.s32 $_size__tile_overlayer_lowered;
	s6 =	simm.s32 $_tile_overlayer_lowered  }
0x9b: {  	s22 =	simm.s32 $0x1BFF;
	s21 =	sshll.u32 s6, $0x1;
	s3 =	sadd.s32 s4, s19  }
0x9c: {  	s7 =	simm.s32 $0x0;
	s20 =	sshll.u32 s5, $0x1;
	s5 =	sadd.s32 s21, s3  }
0x9d: {  	[timem:s7], [sflag:s22] =	dma.local [hbm:s5], s20  }
0x9e: {  	_ =	swait.ge [sflag:s22], s20  }
0x9f: {  	s4 =	ssub.s32 $0x0, s20;
	[sflag:s22] =	ssyncset.done $0x0  }
0xa0: {  	[sflag:s22] =	ssyncadd.s32 s4;
	_ =	sdelay $0x1  }
0xa1: {  	s23 =	simm.s32 $0x1B8B  }
0xa2: {  	_ =	swait.ge [sflag:s23], $0x1  }
0xa3: {  	[sflag:s23] =	ssyncset.done $0x0  }
0xa4: {  	s25 =	simm.s32 $0x1B8E;
	s24 =	sld [smem:$0x3FFE];
	[sflag:s23] =	ssyncadd.s32 $0xFFFFFFFF  }
0xa5: {  	s26 =	simm.s32 $execute0_lowered;
	[smem:$0x3FD2] =	sst s25  }
0xa6: {  	s5 =	sshll.u32 s26, $0x1;
	_ =	strace $0x80000046;
	[dreg:$0x1] =	wrdreg $0xFFFFFFFF  }
0xa7: {  	s28 =	simm.s32 $_size_execute0_lowered;
	s3 =	sadd.s32 s3, s5;
	[dreg:$0x0] =	wrdreg $0x0  }
0xa8: {  	s5 =	sshll.u32 s28, $0x1;
	[dreg:$0x2] =	wrdreg s3  }
0xa9: {  	[dreg:$0x3] =	wrdreg s5  }
0xaa: {  	[dreg:$0x4] =	wrdreg $0xC0  }
0xab: {  	_ =	task [dreg:s7], $0x5FFFF  }
0xac: {  	[dreg:$0x1] =	wrdreg $0xFFFFFFFF  }
0xad: {  	[dreg:$0x0] =	wrdreg $0x60  }
0xae: {  	[dreg:$0x2] =	wrdreg s24  }
0xaf: {  	[dreg:$0x3] =	wrdreg s2  }
0xb0: {  	[dreg:$0x4] =	wrdreg $0x9  }
0xb1: {  	_ =	task.clear_ibuf [dreg:s7], $0x5FFFF;
	_ =	strace $0x90000046  }
0xb2: {  	s29 =	simm.s32 $0x9;
	_ =	strace $0x80000048  }
0xb3: {  	_ =	swait.ge [sflag:s29], $0x1  }
0xb4: {  	[sflag:s29] =	ssyncadd.s32 $0xFFFFFFFF  }
0xb5: {  	_ =	strace $0x90000048  }
0xb6: {  	_ =	sfence  }
0xb7: {  	s30 =	sld [smem:$0x0];
	_ =	sdelay $0x2  }
0xb8: {  	s31 =	sshll.u32 s1, $0xD;
	s1 =	sshrl.u32 s1, $0x2  }
0xb9: {  	s3 =	sand.u32 $0x4000, s31;
	s1 =	sadd.s32 s1, s30  }
0xba: {  	s0 =	sor.u32 s3, s0;
	s1 =	sshll.u32 s1, $0x11  }
0xbb: {  	s0 =	sor.u32 s1, s0  }
0xbc: {  	s0 =	sadd.s32 $0x8F2B, s0  }
0xbd: {  	[sflag:s0] =	ssyncadd.remote.s32 $0x1  }
0xbe: {  	_ =	sfence.sel $0xFFFF  }
0xbf: {  	[dreg:$0x0] =	wrdreg $0xFFFFFFFF;
	(pc) =	sbr.abs _section_cstart, $3  }
0xc0: {  	[dreg:$0x1] =	wrdreg $0xFFFFFFFF  }
0xc1: {  	_ =	task.clear_ibuf [dreg:s7], $0x2FFFF;
	_ =	strace $0x9FFFFFFF  }
0xc2: {  	(tm) =	ssettm $0x7FFFFFFF  }
0xc3: {  	_ =	shalt  }
tec
execute0_lowered:
.L_overlay_start_1:
0x0: {  	(tag) =	ssettag $0x1  }
0x1: {  	s0 =	rddreg [dreg:$0x0]  }
0x2: {  	s2 =	rddreg [dreg:$0x1]  }
0x3: {  	s1 =	srdreg.scid;
	s4 =	stileid.u32  }
0x4: {  	s3 =	simm.s32 $0x0;
	s10 =	simm.s32 $0x3;
	s11 =	simm.s32 $0x1000  }
0x5: {  	s12 =	simm.s32 $0x20000;
	s13 =	simm.s32 $0xB580;
	s14 =	simm.s32 $0xF580  }
0x6: {  	s15 =	simm.s32 $0x1;
	s1 =	sand.u32 $0x1, s1;
	s4 =	sshll.u32 s4, $0x1  }
0x7: {  	[smem:$0x7FF] =	sst s3;
	s4 =	sor.u32 s1, s4;
	s1 =	ssub.s32 $0x2, s1  }
0x8: {  	s6 =	sadd.s32 $0x600, s0;
	s5 =	smul.u32 $0x680, s4;
	s29 =	sshrl.u32 s1, $0x1  }
0x9: {  	_ =	strace $0x80000047;
	[dreg:$0x3] =	wrdreg s6;
	s1 =	ssub.s32 s1, s29  }
0xa: {  	s7 =	sshll.u32 s4, $0x9;
	s0 =	sadd.s32 s5, s0;
	s31 =	smax.u32 s1, $0x1  }
0xb: {  	s5 =	sadd.s32 s2, s7;
	s0 =	sadd.s32 $0x1800, s0;
	[dreg:$0x6] =	wrdreg s31  }
0xc: {  	s16 =	simm.s32 $0x2;
	s30 =	sadd.s32 $0x10000, s5;
	[dreg:$0x4] =	wrdreg s0  }
0xd: {  	s17 =	simm.s32 $0x0;
	s7 =	sshll.u32 s4, $0xC;
	[dreg:$0x5] =	wrdreg s30  }
.LBB2_1:
0xe: {  	s0 =	rddreg [dreg:$0x3]  }
0xf: {  	[tilespmem:s3], [sflag:$0x3] =	stream.linear.gather [hbm4b:s0+s3], $0x8180, $0x38;
	[tilespmem:$0x13580] =	vst v63  }
0x10: {  	_ =	swait.ge [sflag:s10], $0x8180  }
0x11: {  	[sflag:s10] =	ssyncset.done $0x0  }
0x12: {  	s6 =	simm.s32 $0x8180;
	s1 =	rddreg [dreg:$0x4];
	[sflag:s10] =	ssyncadd.s32 $0xFFFF7E80  }
0x13: {  	[tilespmem:s6], [sflag:$0x3] =	stream.linear.gather [hbm4b:s1+s3], $0x3400, $0x38;
	[tilespmem:$0x13580] =	vst v63  }
0x14: {  	_ =	swait.ge [sflag:s10], $0x3400  }
0x15: {  	[sflag:s10] =	ssyncset.done $0x0  }
0x16: {  	[sflag:s10] =	ssyncadd.s32 $0xFFFFCC00  }
0x17: {  	v0 =	vld [tilespmem:s6+$0x0];
	_ =	sdelay $0x4  }
0x18: {  	v6 =	vmul.u32 $0x21, v0;
	_ =	sdelay $0x5  }
0x19: {  	v0 =	vld.idx.msk [tilespmem:v6+s3+$0x0], $0xffff  }
0x1a: {  	v1 =	vadd.s32 $0x1, v6;
	_ =	sdelay $0x1  }
0x1b: {  	s8 =	sand.u32 $0x70, s3;
	s9 =	sand.u32 $0xC00, s3  }
0x1c: {  	s23 =	sor.u32 s8, s9  }
0x1d: {  	[tilespmem:s23+$0xB580] =	vst v0  }
0x1e: {  	v0 =	vld.idx.msk [tilespmem:v1+s3+$0x0], $0xffff  }
0x1f: {  	v1 =	vadd.s32 $0x2, v6;
	_ =	sdelay $0x3  }
0x20: {  	[tilespmem:s23+$0xB600] =	vst v0  }
0x21: {  	v0 =	vld.idx.msk [tilespmem:v1+s3+$0x0], $0xffff  }
0x22: {  	v1 =	vadd.s32 $0x3, v6;
	_ =	sdelay $0x2  }
0x23: {  	s18 =	simm.s32 $0x8190  }
0x24: {  	v2 =	vld [tilespmem:s18+$0x0];
	[tilespmem:s23+$0xB680] =	vst v0  }
0x25: {  	v0 =	vld.idx.msk [tilespmem:v1+s3+$0x0], $0xffff  }
0x26: {  	v1 =	vadd.s32 $0x4, v6;
	_ =	sdelay $0x2  }
0x27: {  	v2 =	vmul.u32 $0x21, v2  }
0x28: {  	[tilespmem:s23+$0xB700] =	vst v0  }
0x29: {  	v0 =	vld.idx.msk [tilespmem:v1+s3+$0x0], $0xffff  }
0x2a: {  	v1 =	vadd.s32 $0x5, v6;
	_ =	sdelay $0x2  }
0x2b: {  	v3 =	vld.idx.msk [tilespmem:v2+s3+$0x0], $0xffff  }
0x2c: {  	[tilespmem:s23+$0xB780] =	vst v0;
	v0 =	vadd.s32 $0x1, v2  }
0x2d: {  	s4 =	simm.s32 $0x10;
	s6 =	simm.s32 $0x80;
	v1 =	vld.idx.msk [tilespmem:v1+s3+$0x0], $0xffff  }
0x2e: {  	s19 =	sand.u32 $0x70, s4;
	s20 =	sand.u32 $0xC00, s6;
	v4 =	vadd.s32 $0x6, v6  }
0x2f: {  	s19 =	sor.u32 s19, s20  }
0x30: {  	[tilespmem:s19+$0xB580] =	vst v3  }
0x31: {  	v0 =	vld.idx.msk [tilespmem:v0+s3+$0x0], $0xffff  }
0x32: {  	[tilespmem:s23+$0xB800] =	vst v1;
	v1 =	vadd.s32 $0x2, v2  }
0x33: {  	v3 =	vld.idx.msk [tilespmem:v4+s3+$0x0], $0xffff  }
0x34: {  	v4 =	vadd.s32 $0x7, v6;
	_ =	sdelay $0x1  }
0x35: {  	[tilespmem:s19+$0xB600] =	vst v0  }
0x36: {  	v0 =	vld.idx.msk [tilespmem:v1+s3+$0x0], $0xffff  }
0x37: {  	v1 =	vadd.s32 $0x3, v2;
	[tilespmem:s23+$0xB880] =	vst v3  }
0x38: {  	v3 =	vld.idx.msk [tilespmem:v4+s3+$0x0], $0xffff  }
0x39: {  	v4 =	vadd.s32 $0x8, v6  }
0x3a: {  	s21 =	simm.s32 $0x81A0  }
0x3b: {  	s22 =	sor.u32 s3, s3;
	v5 =	vld [tilespmem:s21+$0x0];
	[tilespmem:s19+$0xB680] =	vst v0  }
0x3c: {  	s0 =	sor.u32 $0x380, s22;
	v1 =	vld.idx.msk [tilespmem:v1+s3+$0x0], $0xffff  }
0x3d: {  	[tilespmem:s0+$0xB580] =	vst v3;
	v3 =	vadd.s32 $0x4, v2  }
0x3e: {  	v4 =	vld.idx.msk [tilespmem:v4+s3+$0x0], $0xffff  }
0x3f: {  	v7 =	vadd.s32 $0x9, v6  }
0x40: {  	v0 =	vmul.u32 $0x21, v5  }
0x41: {  	[tilespmem:s19+$0xB700] =	vst v1  }
0x42: {  	v1 =	vld.idx.msk [tilespmem:v3+s3+$0x0], $0xffff  }
0x43: {  	v3 =	vadd.s32 $0x5, v2;
	[tilespmem:s23+$0xC580] =	vst v4  }
0x44: {  	v4 =	vld.idx.msk [tilespmem:v7+s3+$0x0], $0xffff  }
0x45: {  	v5 =	vadd.s32 $0xA, v6  }
0x46: {  	v7 =	vld.idx.msk [tilespmem:v0+s3+$0x0], $0xffff  }
0x47: {  	[tilespmem:s19+$0xB780] =	vst v1;
	v1 =	vadd.s32 $0x1, v0  }
0x48: {  	s24 =	simm.s32 $0x20;
	s25 =	simm.s32 $0x100;
	v3 =	vld.idx.msk [tilespmem:v3+s3+$0x0], $0xffff  }
0x49: {  	s8 =	sand.u32 $0x70, s24;
	s18 =	sand.u32 $0xC00, s25;
	[tilespmem:s23+$0xC600] =	vst v4;
	v4 =	vadd.s32 $0x6, v2  }
0x4a: {  	s18 =	sor.u32 s8, s18;
	v5 =	vld.idx.msk [tilespmem:v5+s3+$0x0], $0xffff  }
0x4b: {  	[tilespmem:s18+$0xB580] =	vst v7;
	v7 =	vadd.s32 $0xB, v6  }
0x4c: {  	v1 =	vld.idx.msk [tilespmem:v1+s3+$0x0], $0xffff  }
0x4d: {  	[tilespmem:s19+$0xB800] =	vst v3;
	v3 =	vadd.s32 $0x2, v0  }
0x4e: {  	v4 =	vld.idx.msk [tilespmem:v4+s3+$0x0], $0xffff  }
0x4f: {  	[tilespmem:s23+$0xC680] =	vst v5;
	v5 =	vadd.s32 $0x7, v2  }
0x50: {  	v7 =	vld.idx.msk [tilespmem:v7+s3+$0x0], $0xffff  }
0x51: {  	[tilespmem:s18+$0xB600] =	vst v1;
	v1 =	vadd.s32 $0xC, v6  }
0x52: {  	v3 =	vld.idx.msk [tilespmem:v3+s3+$0x0], $0xffff  }
0x53: {  	[tilespmem:s19+$0xB880] =	vst v4;
	v4 =	vadd.s32 $0x3, v0  }
0x54: {  	v5 =	vld.idx.msk [tilespmem:v5+s3+$0x0], $0xffff  }
0x55: {  	[tilespmem:s23+$0xC700] =	vst v7;
	v7 =	vadd.s32 $0x8, v2  }
0x56: {  	s26 =	simm.s32 $0x81B0;
	v1 =	vld.idx.msk [tilespmem:v1+s3+$0x0], $0xffff  }
0x57: {  	v8 =	vld [tilespmem:s26+$0x0];
	s4 =	sor.u32 s6, s4;
	[tilespmem:s18+$0xB680] =	vst v3;
	v3 =	vadd.s32 $0xD, v6  }
0x58: {  	s4 =	sor.u32 $0x380, s4;
	v4 =	vld.idx.msk [tilespmem:v4+s3+$0x0], $0xffff  }
0x59: {  	[tilespmem:s4+$0xB580] =	vst v5;
	v5 =	vadd.s32 $0x4, v0  }
0x5a: {  	v7 =	vld.idx.msk [tilespmem:v7+s3+$0x0], $0xffff  }
0x5b: {  	v9 =	vadd.s32 $0x9, v2;
	[tilespmem:s23+$0xC780] =	vst v1  }
0x5c: {  	v3 =	vld.idx.msk [tilespmem:v3+s3+$0x0], $0xffff  }
0x5d: {  	v1 =	vmul.u32 $0x21, v8;
	[tilespmem:s18+$0xB700] =	vst v4;
	v4 =	vadd.s32 $0xE, v6  }
0x5e: {  	v5 =	vld.idx.msk [tilespmem:v5+s3+$0x0], $0xffff  }
0x5f: {  	[tilespmem:s19+$0xC580] =	vst v7;
	v7 =	vadd.s32 $0x5, v0  }
0x60: {  	v8 =	vld.idx.msk [tilespmem:v9+s3+$0x0], $0xffff  }
0x61: {  	[tilespmem:s23+$0xC800] =	vst v3;
	v3 =	vadd.s32 $0xA, v2  }
0x62: {  	v4 =	vld.idx.msk [tilespmem:v4+s3+$0x0], $0xffff  }
0x63: {  	v9 =	vld.idx.msk [tilespmem:v1+s3+$0x0], $0xffff;
	[tilespmem:s18+$0xB780] =	vst v5;
	v5 =	vadd.s32 $0xF, v6  }
0x64: {  	v10 =	vadd.s32 $0x1, v1;
	v7 =	vld.idx.msk [tilespmem:v7+s3+$0x0], $0xffff  }
0x65: {  	s28 =	simm.s32 $0x30;
	s29 =	simm.s32 $0x180;
	[tilespmem:s19+$0xC600] =	vst v8;
	v8 =	vadd.s32 $0x6, v0  }
0x66: {  	s30 =	sand.u32 $0x70, s28;
	s20 =	sand.u32 $0xC00, s29;
	v3 =	vld.idx.msk [tilespmem:v3+s3+$0x0], $0xffff  }
0x67: {  	s20 =	sor.u32 s30, s20;
	[tilespmem:s23+$0xC880] =	vst v4;
	v4 =	vadd.s32 $0xB, v2  }
0x68: {  	[tilespmem:s20+$0xB580] =	vst v9;
	v5 =	vld.idx.msk [tilespmem:v5+s3+$0x0], $0xffff  }
0x69: {  	v9 =	vld.idx.msk [tilespmem:v10+s3+$0x0], $0xffff;
	[tilespmem:s18+$0xB800] =	vst v7;
	v7 =	vadd.s32 $0x10, v6  }
0x6a: {  	v10 =	vadd.s32 $0x2, v1;
	v8 =	vld.idx.msk [tilespmem:v8+s3+$0x0], $0xffff  }
0x6b: {  	[tilespmem:s19+$0xC680] =	vst v3;
	v3 =	vadd.s32 $0x7, v0  }
0x6c: {  	v4 =	vld.idx.msk [tilespmem:v4+s3+$0x0], $0xffff  }
0x6d: {  	[tilespmem:s23+$0xC900] =	vst v5;
	v5 =	vadd.s32 $0xC, v2  }
0x6e: {  	[tilespmem:s20+$0xB600] =	vst v9;
	v7 =	vld.idx.msk [tilespmem:v7+s3+$0x0], $0xffff  }
0x6f: {  	v9 =	vld.idx.msk [tilespmem:v10+s3+$0x0], $0xffff;
	[tilespmem:s18+$0xB880] =	vst v8;
	v8 =	vadd.s32 $0x11, v6  }
0x70: {  	v10 =	vadd.s32 $0x3, v1;
	v3 =	vld.idx.msk [tilespmem:v3+s3+$0x0], $0xffff  }
0x71: {  	[tilespmem:s19+$0xC700] =	vst v4;
	v4 =	vadd.s32 $0x8, v0  }
0x72: {  	s31 =	simm.s32 $0x81C0;
	v5 =	vld.idx.msk [tilespmem:v5+s3+$0x0], $0xffff  }
0x73: {  	v11 =	vld [tilespmem:s31+$0x0];
	s0 =	sor.u32 s25, s24;
	[tilespmem:s23+$0xD580] =	vst v7;
	v7 =	vadd.s32 $0xD, v2  }
0x74: {  	s0 =	sor.u32 $0x380, s0;
	[tilespmem:s20+$0xB680] =	vst v9;
	v8 =	vld.idx.msk [tilespmem:v8+s3+$0x0], $0xffff  }
0x75: {  	v9 =	vld.idx.msk [tilespmem:v10+s3+$0x0], $0xffff;
	v10 =	vadd.s32 $0x12, v6;
	[tilespmem:s0+$0xB580] =	vst v3  }
0x76: {  	v12 =	vadd.s32 $0x4, v1;
	v4 =	vld.idx.msk [tilespmem:v4+s3+$0x0], $0xffff  }
0x77: {  	[tilespmem:s19+$0xC780] =	vst v5;
	v5 =	vadd.s32 $0x9, v0  }
0x78: {  	v7 =	vld.idx.msk [tilespmem:v7+s3+$0x0], $0xffff  }
0x79: {  	v3 =	vmul.u32 $0x21, v11;
	[tilespmem:s23+$0xD600] =	vst v8;
	v8 =	vadd.s32 $0xE, v2  }
0x7a: {  	[tilespmem:s20+$0xB700] =	vst v9;
	v9 =	vld.idx.msk [tilespmem:v10+s3+$0x0], $0xffff  }
0x7b: {  	v10 =	vld.idx.msk [tilespmem:v12+s3+$0x0], $0xffff;
	[tilespmem:s18+$0xC580] =	vst v4;
	v4 =	vadd.s32 $0x13, v6  }
0x7c: {  	v11 =	vadd.s32 $0x5, v1;
	v5 =	vld.idx.msk [tilespmem:v5+s3+$0x0], $0xffff  }
0x7d: {  	[tilespmem:s19+$0xC800] =	vst v7;
	v7 =	vadd.s32 $0xA, v0  }
0x7e: {  	v8 =	vld.idx.msk [tilespmem:v8+s3+$0x0], $0xffff  }
0x7f: {  	v12 =	vld.idx.msk [tilespmem:v3+s3+$0x0], $0xffff;
	[tilespmem:s23+$0xD680] =	vst v9;
	v9 =	vadd.s32 $0xF, v2  }
0x80: {  	[tilespmem:s20+$0xB780] =	vst v10;
	v10 =	vadd.s32 $0x1, v3;
	v4 =	vld.idx.msk [tilespmem:v4+s3+$0x0], $0xffff  }
0x81: {  	s9 =	simm.s32 $0x200;
	s1 =	simm.s32 $0x40;
	v11 =	vld.idx.msk [tilespmem:v11+s3+$0x0], $0xffff;
	[tilespmem:s18+$0xC600] =	vst v5;
	v5 =	vadd.s32 $0x14, v6  }
0x82: {  	s22 =	sand.u32 $0x70, s1;
	s21 =	sand.u32 $0xC00, s9;
	v13 =	vadd.s32 $0x6, v1;
	v7 =	vld.idx.msk [tilespmem:v7+s3+$0x0], $0xffff  }
0x83: {  	s21 =	sor.u32 s22, s21;
	[tilespmem:s19+$0xC880] =	vst v8;
	v8 =	vadd.s32 $0xB, v0  }
0x84: {  	[tilespmem:s21+$0xB580] =	vst v12;
	v9 =	vld.idx.msk [tilespmem:v9+s3+$0x0], $0xffff  }
0x85: {  	v10 =	vld.idx.msk [tilespmem:v10+s3+$0x0], $0xffff;
	[tilespmem:s23+$0xD700] =	vst v4;
	v4 =	vadd.s32 $0x10, v2  }
0x86: {  	[tilespmem:s20+$0xB800] =	vst v11;
	v11 =	vadd.s32 $0x2, v3;
	v5 =	vld.idx.msk [tilespmem:v5+s3+$0x0], $0xffff  }
0x87: {  	v12 =	vld.idx.msk [tilespmem:v13+s3+$0x0], $0xffff;
	[tilespmem:s18+$0xC680] =	vst v7;
	v7 =	vadd.s32 $0x15, v6  }
0x88: {  	v13 =	vadd.s32 $0x7, v1;
	v8 =	vld.idx.msk [tilespmem:v8+s3+$0x0], $0xffff  }
0x89: {  	[tilespmem:s19+$0xC900] =	vst v9;
	v9 =	vadd.s32 $0xC, v0  }
0x8a: {  	[tilespmem:s21+$0xB600] =	vst v10;
	v4 =	vld.idx.msk [tilespmem:v4+s3+$0x0], $0xffff  }
0x8b: {  	v10 =	vld.idx.msk [tilespmem:v11+s3+$0x0], $0xffff;
	[tilespmem:s23+$0xD780] =	vst v5;
	v5 =	vadd.s32 $0x11, v2  }
0x8c: {  	v11 =	vadd.s32 $0x3, v3;
	[tilespmem:s20+$0xB880] =	vst v12;
	v7 =	vld.idx.msk [tilespmem:v7+s3+$0x0], $0xffff  }
0x8d: {  	v12 =	vld.idx.msk [tilespmem:v13+s3+$0x0], $0xffff;
	[tilespmem:s18+$0xC700] =	vst v8;
	v8 =	vadd.s32 $0x16, v6  }
0x8e: {  	s24 =	simm.s32 $0x81D0;
	v13 =	vadd.s32 $0x8, v1;
	v9 =	vld.idx.msk [tilespmem:v9+s3+$0x0], $0xffff  }
0x8f: {  	v14 =	vld [tilespmem:s24+$0x0];
	[tilespmem:s19+$0xD580] =	vst v4;
	v4 =	vadd.s32 $0xD, v0  }
0x90: {  	s4 =	sor.u32 s29, s28;
	[tilespmem:s21+$0xB680] =	vst v10;
	v5 =	vld.idx.msk [tilespmem:v5+s3+$0x0], $0xffff  }
0x91: {  	s4 =	sor.u32 $0x380, s4;
	v10 =	vld.idx.msk [tilespmem:v11+s3+$0x0], $0xffff;
	[tilespmem:s23+$0xD800] =	vst v7;
	v7 =	vadd.s32 $0x12, v2  }
0x92: {  	v11 =	vadd.s32 $0x4, v3;
	[tilespmem:s4+$0xB580] =	vst v12;
	v8 =	vld.idx.msk [tilespmem:v8+s3+$0x0], $0xffff  }
0x93: {  	v12 =	vld.idx.msk [tilespmem:v13+s3+$0x0], $0xffff;
	[tilespmem:s18+$0xC780] =	vst v9;
	v9 =	vadd.s32 $0x17, v6  }
0x94: {  	s25 =	simm.s32 $0x81E0;
	v13 =	vadd.s32 $0x9, v1;
	v15 =	vld.idx.msk [tilespmem:v4+s3+$0x0], $0xffff  }
0x95: {  	v16 =	vld [tilespmem:s25+$0x0];
	v4 =	vmul.u32 $0x21, v14;
	[tilespmem:s19+$0xD600] =	vst v5;
	v5 =	vadd.s32 $0xE, v0  }
0x96: {  	[tilespmem:s21+$0xB700] =	vst v10;
	v7 =	vld.idx.msk [tilespmem:v7+s3+$0x0], $0xffff  }
0x97: {  	v10 =	vld.idx.msk [tilespmem:v11+s3+$0x0], $0xffff;
	[tilespmem:s23+$0xD880] =	vst v8;
	v8 =	vadd.s32 $0x13, v2  }
0x98: {  	v11 =	vadd.s32 $0x5, v3;
	[tilespmem:s20+$0xC580] =	vst v12;
	v9 =	vld.idx.msk [tilespmem:v9+s3+$0x0], $0xffff  }
0x99: {  	v12 =	vld.idx.msk [tilespmem:v13+s3+$0x0], $0xffff;
	v13 =	vadd.s32 $0x18, v6;
	[tilespmem:s18+$0xC800] =	vst v15  }
0x9a: {  	v14 =	vadd.s32 $0xA, v1;
	v5 =	vld.idx.msk [tilespmem:v5+s3+$0x0], $0xffff  }
0x9b: {  	v15 =	vld.idx.msk [tilespmem:v4+s3+$0x0], $0xffff;
	[tilespmem:s19+$0xD680] =	vst v7;
	v7 =	vadd.s32 $0xF, v0  }
0x9c: {  	[tilespmem:s21+$0xB780] =	vst v10;
	v10 =	vadd.s32 $0x1, v4;
	v8 =	vld.idx.msk [tilespmem:v8+s3+$0x0], $0xffff  }
0x9d: {  	s26 =	simm.s32 $0x50;
	s25 =	simm.s32 $0x280;
	v11 =	vld.idx.msk [tilespmem:v11+s3+$0x0], $0xffff;
	[tilespmem:s23+$0xD900] =	vst v9;
	v9 =	vadd.s32 $0x14, v2  }
0x9e: {  	s28 =	sand.u32 $0x70, s26;
	s29 =	sand.u32 $0xC00, s25;
	[tilespmem:s20+$0xC600] =	vst v12;
	v12 =	vld.idx.msk [tilespmem:v13+s3+$0x0], $0xffff;
	v13 =	vadd.s32 $0x6, v3  }
0x9f: {  	s22 =	sor.u32 s28, s29;
	v14 =	vld.idx.msk [tilespmem:v14+s3+$0x0], $0xffff;
	[tilespmem:s18+$0xC880] =	vst v5;
	v5 =	vadd.s32 $0x19, v6  }
0xa0: {  	[tilespmem:s22+$0xB580] =	vst v15;
	v15 =	vadd.s32 $0xB, v1;
	v7 =	vld.idx.msk [tilespmem:v7+s3+$0x0], $0xffff  }
0xa1: {  	v10 =	vld.idx.msk [tilespmem:v10+s3+$0x0], $0xffff;
	[tilespmem:s19+$0xD700] =	vst v8;
	v8 =	vadd.s32 $0x10, v0  }
0xa2: {  	[tilespmem:s21+$0xB800] =	vst v11;
	v11 =	vadd.s32 $0x2, v4;
	v9 =	vld.idx.msk [tilespmem:v9+s3+$0x0], $0xffff  }
0xa3: {  	v13 =	vld.idx.msk [tilespmem:v13+s3+$0x0], $0xffff;
	[tilespmem:s23+$0xE580] =	vst v12;
	v12 =	vadd.s32 $0x15, v2  }
0xa4: {  	[tilespmem:s20+$0xC680] =	vst v14;
	v14 =	vadd.s32 $0x7, v3;
	v5 =	vld.idx.msk [tilespmem:v5+s3+$0x0], $0xffff  }
0xa5: {  	v15 =	vld.idx.msk [tilespmem:v15+s3+$0x0], $0xffff;
	[tilespmem:s18+$0xC900] =	vst v7;
	v7 =	vadd.s32 $0x1A, v6  }
0xa6: {  	[tilespmem:s22+$0xB600] =	vst v10;
	v10 =	vadd.s32 $0xC, v1;
	v8 =	vld.idx.msk [tilespmem:v8+s3+$0x0], $0xffff  }
0xa7: {  	v11 =	vld.idx.msk [tilespmem:v11+s3+$0x0], $0xffff;
	[tilespmem:s19+$0xD780] =	vst v9;
	v9 =	vadd.s32 $0x11, v0  }
0xa8: {  	[tilespmem:s21+$0xB880] =	vst v13;
	v12 =	vld.idx.msk [tilespmem:v12+s3+$0x0], $0xffff;
	v13 =	vadd.s32 $0x3, v4  }
0xa9: {  	v14 =	vld.idx.msk [tilespmem:v14+s3+$0x0], $0xffff;
	[tilespmem:s23+$0xE600] =	vst v5;
	v5 =	vadd.s32 $0x16, v2  }
0xaa: {  	[tilespmem:s20+$0xC700] =	vst v15;
	v15 =	vadd.s32 $0x8, v3;
	v7 =	vld.idx.msk [tilespmem:v7+s3+$0x0], $0xffff  }
0xab: {  	v10 =	vld.idx.msk [tilespmem:v10+s3+$0x0], $0xffff;
	[tilespmem:s18+$0xD580] =	vst v8  }
0xac: {  	s0 =	sor.u32 s9, s1;
	v8 =	vadd.s32 $0x1B, v6;
	[tilespmem:s22+$0xB680] =	vst v11;
	v9 =	vld.idx.msk [tilespmem:v9+s3+$0x0], $0xffff  }
0xad: {  	s0 =	sor.u32 $0x380, s0;
	v11 =	vadd.s32 $0xD, v1;
	v13 =	vld.idx.msk [tilespmem:v13+s3+$0x0], $0xffff;
	[tilespmem:s19+$0xD800] =	vst v12  }
0xae: {  	v12 =	vadd.s32 $0x12, v0;
	[tilespmem:s0+$0xB580] =	vst v14;
	v14 =	vld.idx.msk [tilespmem:v5+s3+$0x0], $0xffff  }
0xaf: {  	s1 =	simm.s32 $0x81F0;
	v17 =	vadd.s32 $0x4, v4;
	v15 =	vld.idx.msk [tilespmem:v15+s3+$0x0], $0xffff;
	[tilespmem:s23+$0xE680] =	vst v7  }
0xb0: {  	[tilespmem:s20+$0xC780] =	vst v10;
	v10 =	vadd.s32 $0x17, v2;
	v7 =	vld [tilespmem:s1+$0x0]  }
0xb1: {  	v18 =	vadd.s32 $0x9, v3;
	v5 =	vmul.u32 $0x21, v16;
	v8 =	vld.idx.msk [tilespmem:v8+s3+$0x0], $0xffff  }
0xb2: {  	v11 =	vld.idx.msk [tilespmem:v11+s3+$0x0], $0xffff;
	[tilespmem:s18+$0xD600] =	vst v9  }
0xb3: {  	v9 =	vadd.s32 $0x1C, v6;
	[tilespmem:s22+$0xB700] =	vst v13;
	v12 =	vld.idx.msk [tilespmem:v12+s3+$0x0], $0xffff  }
0xb4: {  	v13 =	vadd.s32 $0xE, v1;
	v16 =	vld.idx.msk [tilespmem:v17+s3+$0x0], $0xffff;
	[tilespmem:s19+$0xD880] =	vst v14  }
0xb5: {  	v14 =	vadd.s32 $0x13, v0;
	[tilespmem:s21+$0xC580] =	vst v15;
	v10 =	vld.idx.msk [tilespmem:v10+s3+$0x0], $0xffff  }
0xb6: {  	v15 =	vadd.s32 $0x5, v4;
	v17 =	vld.idx.msk [tilespmem:v18+s3+$0x0], $0xffff  }
0xb7: {  	[tilespmem:s23+$0xE700] =	vst v8;
	v8 =	vadd.s32 $0x18, v2;
	v18 =	vld.idx.msk [tilespmem:v5+s3+$0x0], $0xffff  }
0xb8: {  	[tilespmem:s20+$0xC800] =	vst v11;
	v11 =	vadd.s32 $0xA, v3;
	v9 =	vld.idx.msk [tilespmem:v9+s3+$0x0], $0xffff  }
0xb9: {  	v19 =	vadd.s32 $0x1, v5;
	v13 =	vld.idx.msk [tilespmem:v13+s3+$0x0], $0xffff;
	[tilespmem:s18+$0xD680] =	vst v12  }
0xba: {  	s4 =	simm.s32 $0x300;
	s0 =	simm.s32 $0x60;
	v12 =	vadd.s32 $0x1D, v6;
	[tilespmem:s22+$0xB780] =	vst v16;
	v14 =	vld.idx.msk [tilespmem:v14+s3+$0x0], $0xffff  }
0xbb: {  	s24 =	sand.u32 $0xC00, s4;
	s30 =	sand.u32 $0x70, s0;
	v16 =	vadd.s32 $0xF, v1;
	v15 =	vld.idx.msk [tilespmem:v15+s3+$0x0], $0xffff;
	[tilespmem:s19+$0xD900] =	vst v10  }
0xbc: {  	s24 =	sor.u32 s30, s24;
	v10 =	vadd.s32 $0x14, v0;
	[tilespmem:s21+$0xC600] =	vst v17;
	v8 =	vld.idx.msk [tilespmem:v8+s3+$0x0], $0xffff  }
0xbd: {  	v17 =	vadd.s32 $0x6, v4;
	[tilespmem:s24+$0xB580] =	vst v18;
	v11 =	vld.idx.msk [tilespmem:v11+s3+$0x0], $0xffff  }
0xbe: {  	[tilespmem:s23+$0xE780] =	vst v9;
	v9 =	vadd.s32 $0x19, v2;
	v18 =	vld.idx.msk [tilespmem:v19+s3+$0x0], $0xffff  }
0xbf: {  	[tilespmem:s20+$0xC880] =	vst v13;
	v12 =	vld.idx.msk [tilespmem:v12+s3+$0x0], $0xffff;
	v13 =	vadd.s32 $0xB, v3  }
0xc0: {  	v19 =	vadd.s32 $0x2, v5;
	v16 =	vld.idx.msk [tilespmem:v16+s3+$0x0], $0xffff;
	[tilespmem:s18+$0xD700] =	vst v14  }
0xc1: {  	v14 =	vadd.s32 $0x1E, v6;
	[tilespmem:s22+$0xB800] =	vst v15;
	v10 =	vld.idx.msk [tilespmem:v10+s3+$0x0], $0xffff  }
0xc2: {  	v15 =	vadd.s32 $0x10, v1;
	v17 =	vld.idx.msk [tilespmem:v17+s3+$0x0], $0xffff;
	[tilespmem:s19+$0xE580] =	vst v8  }
0xc3: {  	v8 =	vadd.s32 $0x15, v0;
	[tilespmem:s21+$0xC680] =	vst v11;
	v9 =	vld.idx.msk [tilespmem:v9+s3+$0x0], $0xffff  }
0xc4: {  	v11 =	vadd.s32 $0x7, v4;
	[tilespmem:s24+$0xB600] =	vst v18;
	v13 =	vld.idx.msk [tilespmem:v13+s3+$0x0], $0xffff  }
0xc5: {  	[tilespmem:s23+$0xE800] =	vst v12;
	v12 =	vadd.s32 $0x1A, v2;
	v18 =	vld.idx.msk [tilespmem:v19+s3+$0x0], $0xffff  }
0xc6: {  	[tilespmem:s20+$0xC900] =	vst v16;
	v14 =	vld.idx.msk [tilespmem:v14+s3+$0x0], $0xffff;
	v16 =	vadd.s32 $0xC, v3  }
0xc7: {  	v19 =	vadd.s32 $0x1F, v6;
	v15 =	vld.idx.msk [tilespmem:v15+s3+$0x0], $0xffff;
	[tilespmem:s18+$0xD780] =	vst v10  }
0xc8: {  	[tilespmem:s22+$0xB880] =	vst v17;
	v17 =	vadd.s32 $0x11, v1;
	v20 =	vld.idx.msk [tilespmem:v8+s3+$0x0], $0xffff  }
0xc9: {  	v8 =	vadd.s32 $0x3, v5;
	v21 =	vld.idx.msk [tilespmem:v11+s3+$0x0], $0xffff;
	[tilespmem:s19+$0xE600] =	vst v9  }
0xca: {  	v22 =	vadd.s32 $0x16, v0;
	[tilespmem:s21+$0xC700] =	vst v13;
	v6 =	vld.idx.msk [tilespmem:v12+s3+$0x0], $0xffff  }
0xcb: {  	v10 =	vld.idx.msk [tilespmem:v16+s3+$0x0], $0xffff;
	[tilespmem:s23+$0xE880] =	vst v14;
	v14 =	vadd.s32 $0x8, v4  }
0xcc: {  	[tilespmem:s20+$0xD580] =	vst v15;
	v9 =	vld.idx.msk [tilespmem:v19+s3+$0x0], $0xffff;
	v15 =	vadd.s32 $0x1B, v2  }
0xcd: {  	s6 =	sor.u32 s25, s26;
	[tilespmem:s24+$0xB680] =	vst v18;
	v16 =	vadd.s32 $0xD, v3;
	v11 =	vld.idx.msk [tilespmem:v17+s3+$0x0], $0xffff  }
0xce: {  	s31 =	sor.u32 $0x380, s6;
	v8 =	vld.idx.msk [tilespmem:v8+s3+$0x0], $0xffff;
	[tilespmem:s18+$0xD800] =	vst v20  }
0xcf: {  	s6 =	simm.s32 $0x80;
	s25 =	simm.s32 $0x70;
	s26 =	simm.s32 $0x300;
	v13 =	vadd.s32 $0x12, v1;
	[tilespmem:s31+$0xB580] =	vst v21;
	v12 =	vld.idx.msk [tilespmem:v22+s3+$0x0], $0xffff  }
.LBB2_2:
0xd0: {  	p0 =	sne.s32 s6, $0x1F0;
	v17 =	vadd.s32 $0x4, v5;
	v14 =	vld.idx.msk [tilespmem:v14+s3+$0x0], $0xffff;
	[tilespmem:s19+$0xE680] =	vst v6  }
0xd1: {  	v6 =	vadd.s32 $0x17, v0;
	[tilespmem:s21+$0xC780] =	vst v10;
	v10 =	vld.idx.msk [tilespmem:v15+s3+$0x0], $0xffff  }
0xd2: {  	s1 =	sadd.s32 $0x10, s1;
	v15 =	vadd.s32 $0x9, v4;
	v16 =	vld.idx.msk [tilespmem:v16+s3+$0x0], $0xffff;
	[tilespmem:s23+$0xE900] =	vst v9;
	s23 =	smov.u32 s19;
	s19 =	smov.u32 s18  }
0xd3: {  	s18 =	smov.u32 s20;
	v9 =	vld [tilespmem:s1+$0x0];
	[tilespmem:s20+$0xD600] =	vst v11;
	v11 =	vadd.s32 $0x1C, v2;
	s20 =	smov.u32 s21;
	s21 =	smov.u32 s22  }
0xd4: {  	v18 =	vmul.u32 $0x21, v7;
	s22 =	smov.u32 s24;
	[tilespmem:s24+$0xB700] =	vst v8;
	v8 =	vadd.s32 $0xE, v3;
	v13 =	vld.idx.msk [tilespmem:v13+s3+$0x0], $0xffff  }
0xd5: {  	v17 =	vld.idx.msk [tilespmem:v17+s3+$0x0], $0xffff;
	[tilespmem:s19+$0xD880] =	vst v12  }
0xd6: {  	v12 =	vadd.s32 $0x13, v1;
	[tilespmem:s21+$0xC580] =	vst v14;
	v6 =	vld.idx.msk [tilespmem:v6+s3+$0x0], $0xffff  }
0xd7: {  	v14 =	vadd.s32 $0x5, v5;
	v15 =	vld.idx.msk [tilespmem:v15+s3+$0x0], $0xffff;
	[tilespmem:s23+$0xE700] =	vst v10  }
0xd8: {  	v10 =	vadd.s32 $0x18, v0;
	[tilespmem:s20+$0xC800] =	vst v16;
	v11 =	vld.idx.msk [tilespmem:v11+s3+$0x0], $0xffff;
	v7 =	vmov v9  }
0xd9: {  	v9 =	vadd.s32 $0xA, v4;
	v8 =	vld.idx.msk [tilespmem:v8+s3+$0x0], $0xffff  }
0xda: {  	v16 =	vld.idx.msk [tilespmem:v18+s3+$0x0], $0xffff;
	[tilespmem:s18+$0xD680] =	vst v13;
	v13 =	vadd.s32 $0x1D, v2  }
0xdb: {  	[tilespmem:s22+$0xB780] =	vst v17;
	v17 =	vadd.s32 $0xF, v3;
	v12 =	vld.idx.msk [tilespmem:v12+s3+$0x0], $0xffff  }
0xdc: {  	v19 =	vadd.s32 $0x1, v18;
	v14 =	vld.idx.msk [tilespmem:v14+s3+$0x0], $0xffff;
	[tilespmem:s19+$0xD900] =	vst v6  }
0xdd: {  	s4 =	sadd.s32 $0x80, s4;
	v6 =	vadd.s32 $0x14, v1;
	[tilespmem:s21+$0xC600] =	vst v15;
	v10 =	vld.idx.msk [tilespmem:v10+s3+$0x0], $0xffff  }
0xde: {  	s8 =	sand.u32 $0x70, s25;
	s24 =	sand.u32 $0xC00, s4;
	v15 =	vadd.s32 $0x6, v5;
	v9 =	vld.idx.msk [tilespmem:v9+s3+$0x0], $0xffff;
	[tilespmem:s23+$0xE780] =	vst v11  }
0xdf: {  	s24 =	sor.u32 s8, s24;
	[tilespmem:s20+$0xC880] =	vst v8;
	v8 =	vadd.s32 $0x19, v0;
	v11 =	vld.idx.msk [tilespmem:v13+s3+$0x0], $0xffff  }
0xe0: {  	v13 =	vadd.s32 $0xB, v4;
	[tilespmem:s24+$0xB580] =	vst v16;
	v16 =	vld.idx.msk [tilespmem:v17+s3+$0x0], $0xffff  }
0xe1: {  	v17 =	vld.idx.msk [tilespmem:v19+s3+$0x0], $0xffff;
	[tilespmem:s18+$0xD700] =	vst v12;
	v12 =	vadd.s32 $0x1E, v2  }
0xe2: {  	[tilespmem:s22+$0xB800] =	vst v14;
	v14 =	vadd.s32 $0x10, v3;
	v6 =	vld.idx.msk [tilespmem:v6+s3+$0x0], $0xffff  }
0xe3: {  	v19 =	vadd.s32 $0x2, v18;
	v15 =	vld.idx.msk [tilespmem:v15+s3+$0x0], $0xffff;
	[tilespmem:s19+$0xE580] =	vst v10  }
0xe4: {  	[tilespmem:s21+$0xC680] =	vst v9;
	v9 =	vadd.s32 $0x15, v1;
	v8 =	vld.idx.msk [tilespmem:v8+s3+$0x0], $0xffff  }
0xe5: {  	v10 =	vadd.s32 $0x7, v5;
	v13 =	vld.idx.msk [tilespmem:v13+s3+$0x0], $0xffff;
	[tilespmem:s23+$0xE800] =	vst v11  }
0xe6: {  	v11 =	vadd.s32 $0x1A, v0;
	[tilespmem:s20+$0xC900] =	vst v16;
	v12 =	vld.idx.msk [tilespmem:v12+s3+$0x0], $0xffff  }
0xe7: {  	v16 =	vadd.s32 $0xC, v4;
	[tilespmem:s24+$0xB600] =	vst v17;
	v17 =	vld.idx.msk [tilespmem:v14+s3+$0x0], $0xffff  }
0xe8: {  	v20 =	vadd.s32 $0x1F, v2;
	v2 =	vmovc v0;
	v0 =	vmovc v1;
	v1 =	vmov v3;
	v3 =	vmov v4;
	v19 =	vld.idx.msk [tilespmem:v19+s3+$0x0], $0xffff;
	[tilespmem:s18+$0xD780] =	vst v6  }
0xe9: {  	v21 =	vadd.s32 $0x11, v1;
	v4 =	vmov v5;
	v5 =	vmov v18;
	[tilespmem:s22+$0xB880] =	vst v15;
	v22 =	vld.idx.msk [tilespmem:v9+s3+$0x0], $0xffff  }
0xea: {  	v18 =	vadd.s32 $0x3, v5;
	v23 =	vld.idx.msk [tilespmem:v10+s3+$0x0], $0xffff;
	[tilespmem:s19+$0xE600] =	vst v8  }
0xeb: {  	v24 =	vadd.s32 $0x16, v0;
	[tilespmem:s21+$0xC700] =	vst v13;
	v6 =	vld.idx.msk [tilespmem:v11+s3+$0x0], $0xffff  }
.Ltmp0:
0xec: {  	v14 =	vadd.s32 $0x8, v4;
	v10 =	vld.idx.msk [tilespmem:v16+s3+$0x0], $0xffff;
	[tilespmem:s23+$0xE880] =	vst v12;
	(pc) =	sbr.rel @p0 .LBB2_2-.Ltmp0, $4  }
0xed: {  	v15 =	vadd.s32 $0x1B, v2;
	[tilespmem:s20+$0xD580] =	vst v17;
	v9 =	vld.idx.msk [tilespmem:v20+s3+$0x0], $0xffff  }
0xee: {  	s8 =	sor.u32 s26, s0;
	s26 =	smov.u32 s4;
	s0 =	smov.u32 s25;
	v16 =	vadd.s32 $0xD, v3;
	[tilespmem:s24+$0xB680] =	vst v19;
	v11 =	vld.idx.msk [tilespmem:v21+s3+$0x0], $0xffff  }
0xef: {  	s25 =	smov.u32 s6;
	s8 =	sor.u32 $0x380, s8;
	v8 =	vld.idx.msk [tilespmem:v18+s3+$0x0], $0xffff;
	[tilespmem:s18+$0xD800] =	vst v22  }
0xf0: {  	s6 =	sadd.s32 $0x10, s6;
	v13 =	vadd.s32 $0x12, v1;
	[tilespmem:s8+$0xB580] =	vst v23;
	v12 =	vld.idx.msk [tilespmem:v24+s3+$0x0], $0xffff  }
0xf1: {  	_ =	sdelay $0x2  }
0xf2: {  	v17 =	vadd.s32 $0x4, v5;
	[tilespmem:s19+$0xE680] =	vst v6;
	v6 =	vmul.u32 $0x21, v7  }
0xf3: {  	v14 =	vld.idx.msk [tilespmem:v14+s3+$0x0], $0xffff  }
0xf4: {  	v18 =	vadd.s32 $0x17, v0;
	[tilespmem:s21+$0xC780] =	vst v10;
	v7 =	vld.idx.msk [tilespmem:v15+s3+$0x0], $0xffff  }
0xf5: {  	v10 =	vadd.s32 $0x9, v4;
	v15 =	vld.idx.msk [tilespmem:v16+s3+$0x0], $0xffff;
	[tilespmem:s20+$0xD600] =	vst v11  }
0xf6: {  	v11 =	vadd.s32 $0x1C, v2;
	[tilespmem:s24+$0xB700] =	vst v8;
	v13 =	vld.idx.msk [tilespmem:v13+s3+$0x0], $0xffff  }
0xf7: {  	v16 =	vadd.s32 $0xE, v3;
	[tilespmem:s23+$0xE900] =	vst v9;
	v17 =	vld.idx.msk [tilespmem:v17+s3+$0x0], $0xffff  }
0xf8: {  	[tilespmem:s18+$0xD880] =	vst v12;
	v12 =	vld.idx.msk [tilespmem:v6+s3+$0x0], $0xffff  }
0xf9: {  	v8 =	vld.idx.msk [tilespmem:v18+s3+$0x0], $0xffff;
	[tilespmem:s22+$0xC580] =	vst v14;
	v14 =	vadd.s32 $0x1, v6  }
0xfa: {  	s1 =	sadd.s32 $0x80, s4;
	v10 =	vld.idx.msk [tilespmem:v10+s3+$0x0], $0xffff;
	[tilespmem:s19+$0xE700] =	vst v7  }
0xfb: {  	s8 =	sand.u32 $0x70, s25;
	s6 =	sand.u32 $0xC00, s1;
	[tilespmem:s21+$0xC800] =	vst v15;
	v7 =	vld.idx.msk [tilespmem:v11+s3+$0x0], $0xffff  }
0xfc: {  	s9 =	sor.u32 s8, s6;
	v9 =	vld.idx.msk [tilespmem:v16+s3+$0x0], $0xffff;
	[tilespmem:s20+$0xD680] =	vst v13  }
0xfd: {  	[tilespmem:s9+$0xB580] =	vst v12  }
0xfe: {  	v11 =	vld.idx.msk [tilespmem:v14+s3+$0x0], $0xffff  }
0xff: {  	v12 =	vadd.s32 $0x2, v6;
	_ =	sdelay $0x3  }
0x100: {  	[tilespmem:s9+$0xB600] =	vst v11  }
0x101: {  	v11 =	vld.idx.msk [tilespmem:v12+s3+$0x0], $0xffff  }
0x102: {  	v12 =	vadd.s32 $0x3, v6;
	_ =	sdelay $0x3  }
0x103: {  	[tilespmem:s9+$0xB680] =	vst v11  }
0x104: {  	v11 =	vld.idx.msk [tilespmem:v12+s3+$0x0], $0xffff  }
0x105: {  	v12 =	vadd.s32 $0x4, v6;
	_ =	sdelay $0x3  }
0x106: {  	[tilespmem:s9+$0xB700] =	vst v11  }
0x107: {  	v11 =	vadd.s32 $0x5, v5;
	v12 =	vld.idx.msk [tilespmem:v12+s3+$0x0], $0xffff  }
0x108: {  	v13 =	vadd.s32 $0x5, v6;
	_ =	sdelay $0x2  }
0x109: {  	[tilespmem:s24+$0xB780] =	vst v17  }
0x10a: {  	v11 =	vld.idx.msk [tilespmem:v11+s3+$0x0], $0xffff;
	[tilespmem:s9+$0xB780] =	vst v12  }
0x10b: {  	v12 =	vadd.s32 $0x6, v5;
	v13 =	vld.idx.msk [tilespmem:v13+s3+$0x0], $0xffff  }
0x10c: {  	v14 =	vadd.s32 $0x6, v6;
	_ =	sdelay $0x2  }
0x10d: {  	[tilespmem:s24+$0xB800] =	vst v11  }
0x10e: {  	v11 =	vld.idx.msk [tilespmem:v12+s3+$0x0], $0xffff;
	[tilespmem:s9+$0xB800] =	vst v13  }
0x10f: {  	v12 =	vadd.s32 $0x7, v5;
	v13 =	vld.idx.msk [tilespmem:v14+s3+$0x0], $0xffff  }
0x110: {  	v14 =	vadd.s32 $0x7, v6;
	_ =	sdelay $0x2  }
0x111: {  	[tilespmem:s24+$0xB880] =	vst v11  }
0x112: {  	v11 =	vld.idx.msk [tilespmem:v12+s3+$0x0], $0xffff;
	[tilespmem:s9+$0xB880] =	vst v13  }
0x113: {  	v12 =	vadd.s32 $0x8, v5;
	v13 =	vld.idx.msk [tilespmem:v14+s3+$0x0], $0xffff  }
0x114: {  	v14 =	vadd.s32 $0x8, v6  }
0x115: {  	s0 =	sor.u32 s26, s0  }
0x116: {  	s0 =	sor.u32 $0x380, s0;
	s1 =	sor.u32 s1, s25  }
0x117: {  	s25 =	sor.u32 $0x380, s1;
	[tilespmem:s0+$0xB580] =	vst v11  }
0x118: {  	v11 =	vld.idx.msk [tilespmem:v12+s3+$0x0], $0xffff;
	[tilespmem:s25+$0xB580] =	vst v13  }
0x119: {  	v12 =	vadd.s32 $0x9, v5;
	v13 =	vld.idx.msk [tilespmem:v14+s3+$0x0], $0xffff  }
0x11a: {  	v14 =	vadd.s32 $0x9, v6;
	_ =	sdelay $0x2  }
0x11b: {  	[tilespmem:s24+$0xC580] =	vst v11  }
0x11c: {  	v11 =	vadd.s32 $0xA, v4;
	v12 =	vld.idx.msk [tilespmem:v12+s3+$0x0], $0xffff;
	[tilespmem:s9+$0xC580] =	vst v13  }
0x11d: {  	v13 =	vadd.s32 $0xA, v5;
	v14 =	vld.idx.msk [tilespmem:v14+s3+$0x0], $0xffff  }
0x11e: {  	v15 =	vadd.s32 $0xA, v6;
	_ =	sdelay $0x1  }
0x11f: {  	[tilespmem:s22+$0xC600] =	vst v10  }
0x120: {  	v10 =	vld.idx.msk [tilespmem:v11+s3+$0x0], $0xffff;
	[tilespmem:s24+$0xC600] =	vst v12  }
0x121: {  	v11 =	vadd.s32 $0xB, v4;
	v12 =	vld.idx.msk [tilespmem:v13+s3+$0x0], $0xffff;
	[tilespmem:s9+$0xC600] =	vst v14  }
0x122: {  	v13 =	vadd.s32 $0xB, v5;
	v14 =	vld.idx.msk [tilespmem:v15+s3+$0x0], $0xffff  }
0x123: {  	v15 =	vadd.s32 $0xB, v6;
	_ =	sdelay $0x1  }
0x124: {  	[tilespmem:s22+$0xC680] =	vst v10  }
0x125: {  	v10 =	vld.idx.msk [tilespmem:v11+s3+$0x0], $0xffff;
	[tilespmem:s24+$0xC680] =	vst v12  }
0x126: {  	v11 =	vadd.s32 $0xC, v4;
	v12 =	vld.idx.msk [tilespmem:v13+s3+$0x0], $0xffff;
	[tilespmem:s9+$0xC680] =	vst v14  }
0x127: {  	v13 =	vadd.s32 $0xC, v5;
	v14 =	vld.idx.msk [tilespmem:v15+s3+$0x0], $0xffff  }
0x128: {  	v15 =	vadd.s32 $0xC, v6;
	_ =	sdelay $0x1  }
0x129: {  	[tilespmem:s22+$0xC700] =	vst v10  }
0x12a: {  	v10 =	vld.idx.msk [tilespmem:v11+s3+$0x0], $0xffff;
	[tilespmem:s24+$0xC700] =	vst v12  }
0x12b: {  	v11 =	vadd.s32 $0xD, v4;
	v12 =	vld.idx.msk [tilespmem:v13+s3+$0x0], $0xffff;
	[tilespmem:s9+$0xC700] =	vst v14  }
0x12c: {  	v13 =	vadd.s32 $0xD, v5;
	v14 =	vld.idx.msk [tilespmem:v15+s3+$0x0], $0xffff  }
0x12d: {  	v15 =	vadd.s32 $0xD, v6;
	_ =	sdelay $0x1  }
0x12e: {  	[tilespmem:s22+$0xC780] =	vst v10  }
0x12f: {  	v10 =	vld.idx.msk [tilespmem:v11+s3+$0x0], $0xffff;
	[tilespmem:s24+$0xC780] =	vst v12  }
0x130: {  	v11 =	vadd.s32 $0xE, v4;
	v12 =	vld.idx.msk [tilespmem:v13+s3+$0x0], $0xffff;
	[tilespmem:s9+$0xC780] =	vst v14  }
0x131: {  	v13 =	vadd.s32 $0xE, v5;
	v14 =	vld.idx.msk [tilespmem:v15+s3+$0x0], $0xffff  }
0x132: {  	v15 =	vadd.s32 $0xE, v6;
	_ =	sdelay $0x1  }
0x133: {  	[tilespmem:s22+$0xC800] =	vst v10  }
0x134: {  	v10 =	vadd.s32 $0xF, v3;
	v11 =	vld.idx.msk [tilespmem:v11+s3+$0x0], $0xffff;
	[tilespmem:s24+$0xC800] =	vst v12  }
0x135: {  	v12 =	vadd.s32 $0xF, v4;
	v13 =	vld.idx.msk [tilespmem:v13+s3+$0x0], $0xffff;
	[tilespmem:s9+$0xC800] =	vst v14  }
0x136: {  	v14 =	vadd.s32 $0xF, v5;
	v15 =	vld.idx.msk [tilespmem:v15+s3+$0x0], $0xffff  }
0x137: {  	v16 =	vadd.s32 $0xF, v6  }
0x138: {  	[tilespmem:s21+$0xC880] =	vst v9  }
0x139: {  	v9 =	vld.idx.msk [tilespmem:v10+s3+$0x0], $0xffff;
	[tilespmem:s22+$0xC880] =	vst v11  }
0x13a: {  	v10 =	vadd.s32 $0x10, v3;
	v11 =	vld.idx.msk [tilespmem:v12+s3+$0x0], $0xffff;
	[tilespmem:s24+$0xC880] =	vst v13  }
0x13b: {  	v12 =	vadd.s32 $0x10, v4;
	v13 =	vld.idx.msk [tilespmem:v14+s3+$0x0], $0xffff;
	[tilespmem:s9+$0xC880] =	vst v15  }
0x13c: {  	v14 =	vadd.s32 $0x10, v5;
	v15 =	vld.idx.msk [tilespmem:v16+s3+$0x0], $0xffff  }
0x13d: {  	v16 =	vadd.s32 $0x10, v6  }
0x13e: {  	[tilespmem:s21+$0xC900] =	vst v9  }
0x13f: {  	v9 =	vld.idx.msk [tilespmem:v10+s3+$0x0], $0xffff;
	[tilespmem:s22+$0xC900] =	vst v11  }
0x140: {  	v10 =	vadd.s32 $0x11, v3;
	v11 =	vld.idx.msk [tilespmem:v12+s3+$0x0], $0xffff;
	[tilespmem:s24+$0xC900] =	vst v13  }
0x141: {  	v12 =	vadd.s32 $0x11, v4;
	v13 =	vld.idx.msk [tilespmem:v14+s3+$0x0], $0xffff;
	[tilespmem:s9+$0xC900] =	vst v15  }
0x142: {  	v14 =	vadd.s32 $0x11, v5;
	v15 =	vld.idx.msk [tilespmem:v16+s3+$0x0], $0xffff  }
0x143: {  	v16 =	vadd.s32 $0x11, v6  }
0x144: {  	[tilespmem:s21+$0xD580] =	vst v9  }
0x145: {  	v9 =	vld.idx.msk [tilespmem:v10+s3+$0x0], $0xffff;
	[tilespmem:s22+$0xD580] =	vst v11  }
0x146: {  	v10 =	vadd.s32 $0x12, v3;
	v11 =	vld.idx.msk [tilespmem:v12+s3+$0x0], $0xffff;
	[tilespmem:s24+$0xD580] =	vst v13  }
0x147: {  	v12 =	vadd.s32 $0x12, v4;
	v13 =	vld.idx.msk [tilespmem:v14+s3+$0x0], $0xffff;
	[tilespmem:s9+$0xD580] =	vst v15  }
0x148: {  	v14 =	vadd.s32 $0x12, v5;
	v15 =	vld.idx.msk [tilespmem:v16+s3+$0x0], $0xffff  }
0x149: {  	v16 =	vadd.s32 $0x12, v6  }
0x14a: {  	[tilespmem:s21+$0xD600] =	vst v9;
	v9 =	vadd.s32 $0x13, v1  }
0x14b: {  	v10 =	vld.idx.msk [tilespmem:v10+s3+$0x0], $0xffff;
	[tilespmem:s22+$0xD600] =	vst v11  }
0x14c: {  	v11 =	vadd.s32 $0x13, v3;
	v12 =	vld.idx.msk [tilespmem:v12+s3+$0x0], $0xffff;
	[tilespmem:s24+$0xD600] =	vst v13  }
0x14d: {  	v13 =	vadd.s32 $0x13, v4;
	v14 =	vld.idx.msk [tilespmem:v14+s3+$0x0], $0xffff;
	[tilespmem:s9+$0xD600] =	vst v15  }
0x14e: {  	v15 =	vadd.s32 $0x13, v5;
	v16 =	vld.idx.msk [tilespmem:v16+s3+$0x0], $0xffff  }
0x14f: {  	v17 =	vadd.s32 $0x13, v6;
	[tilespmem:s18+$0xD900] =	vst v8;
	v9 =	vld.idx.msk [tilespmem:v9+s3+$0x0], $0xffff  }
0x150: {  	[tilespmem:s21+$0xD680] =	vst v10;
	v10 =	vadd.s32 $0x14, v1  }
0x151: {  	v11 =	vld.idx.msk [tilespmem:v11+s3+$0x0], $0xffff;
	[tilespmem:s22+$0xD680] =	vst v12  }
0x152: {  	v12 =	vadd.s32 $0x14, v3;
	v13 =	vld.idx.msk [tilespmem:v13+s3+$0x0], $0xffff;
	[tilespmem:s24+$0xD680] =	vst v14  }
0x153: {  	v14 =	vadd.s32 $0x14, v4;
	v15 =	vld.idx.msk [tilespmem:v15+s3+$0x0], $0xffff;
	[tilespmem:s9+$0xD680] =	vst v16  }
0x154: {  	v8 =	vadd.s32 $0x14, v5;
	[tilespmem:s20+$0xD700] =	vst v9;
	v16 =	vld.idx.msk [tilespmem:v17+s3+$0x0], $0xffff  }
0x155: {  	[tilespmem:s19+$0xE780] =	vst v7;
	v9 =	vadd.s32 $0x14, v6;
	v10 =	vld.idx.msk [tilespmem:v10+s3+$0x0], $0xffff  }
0x156: {  	[tilespmem:s21+$0xD700] =	vst v11;
	v11 =	vadd.s32 $0x15, v1  }
0x157: {  	v17 =	vadd.s32 $0x18, v0;
	v12 =	vld.idx.msk [tilespmem:v12+s3+$0x0], $0xffff;
	[tilespmem:s22+$0xD700] =	vst v13  }
0x158: {  	v13 =	vadd.s32 $0x15, v3;
	v14 =	vld.idx.msk [tilespmem:v14+s3+$0x0], $0xffff;
	[tilespmem:s24+$0xD700] =	vst v15  }
0x159: {  	v15 =	vadd.s32 $0x15, v4;
	v8 =	vld.idx.msk [tilespmem:v8+s3+$0x0], $0xffff;
	[tilespmem:s9+$0xD700] =	vst v16  }
0x15a: {  	v7 =	vadd.s32 $0x15, v5;
	[tilespmem:s20+$0xD780] =	vst v10;
	v9 =	vld.idx.msk [tilespmem:v9+s3+$0x0], $0xffff  }
0x15b: {  	v10 =	vadd.s32 $0x15, v6;
	v11 =	vld.idx.msk [tilespmem:v11+s3+$0x0], $0xffff  }
0x15c: {  	v16 =	vld.idx.msk [tilespmem:v17+s3+$0x0], $0xffff;
	v17 =	vadd.s32 $0x1D, v2;
	[tilespmem:s21+$0xD780] =	vst v12  }
0x15d: {  	v12 =	vadd.s32 $0x16, v1;
	v13 =	vld.idx.msk [tilespmem:v13+s3+$0x0], $0xffff;
	[tilespmem:s22+$0xD780] =	vst v14  }
0x15e: {  	v14 =	vadd.s32 $0x16, v3;
	v15 =	vld.idx.msk [tilespmem:v15+s3+$0x0], $0xffff;
	[tilespmem:s24+$0xD780] =	vst v8  }
0x15f: {  	v8 =	vadd.s32 $0x16, v4;
	v7 =	vld.idx.msk [tilespmem:v7+s3+$0x0], $0xffff;
	[tilespmem:s9+$0xD780] =	vst v9  }
0x160: {  	[tilespmem:s20+$0xD800] =	vst v11;
	v9 =	vadd.s32 $0x16, v5;
	v10 =	vld.idx.msk [tilespmem:v10+s3+$0x0], $0xffff  }
0x161: {  	v11 =	vadd.s32 $0x16, v6;
	[tilespmem:s18+$0xE580] =	vst v16;
	v16 =	vld.idx.msk [tilespmem:v17+s3+$0x0], $0xffff  }
0x162: {  	v17 =	vadd.s32 $0x19, v0;
	v12 =	vld.idx.msk [tilespmem:v12+s3+$0x0], $0xffff;
	[tilespmem:s21+$0xD800] =	vst v13  }
0x163: {  	v13 =	vadd.s32 $0x17, v1;
	v14 =	vld.idx.msk [tilespmem:v14+s3+$0x0], $0xffff;
	[tilespmem:s22+$0xD800] =	vst v15  }
0x164: {  	v15 =	vadd.s32 $0x17, v3;
	v8 =	vld.idx.msk [tilespmem:v8+s3+$0x0], $0xffff;
	[tilespmem:s24+$0xD800] =	vst v7  }
0x165: {  	v7 =	vadd.s32 $0x17, v4;
	v9 =	vld.idx.msk [tilespmem:v9+s3+$0x0], $0xffff;
	[tilespmem:s9+$0xD800] =	vst v10  }
0x166: {  	[tilespmem:s19+$0xE800] =	vst v16;
	v10 =	vadd.s32 $0x17, v5;
	v11 =	vld.idx.msk [tilespmem:v11+s3+$0x0], $0xffff  }
0x167: {  	v16 =	vld.idx.msk [tilespmem:v17+s3+$0x0], $0xffff;
	[tilespmem:s20+$0xD880] =	vst v12;
	v12 =	vadd.s32 $0x17, v6  }
0x168: {  	v17 =	vadd.s32 $0x1E, v2;
	v13 =	vld.idx.msk [tilespmem:v13+s3+$0x0], $0xffff;
	[tilespmem:s21+$0xD880] =	vst v14  }
0x169: {  	v14 =	vadd.s32 $0x18, v1;
	v15 =	vld.idx.msk [tilespmem:v15+s3+$0x0], $0xffff;
	[tilespmem:s22+$0xD880] =	vst v8  }
0x16a: {  	v8 =	vadd.s32 $0x18, v3;
	v7 =	vld.idx.msk [tilespmem:v7+s3+$0x0], $0xffff;
	[tilespmem:s24+$0xD880] =	vst v9  }
0x16b: {  	v9 =	vadd.s32 $0x18, v4;
	v10 =	vld.idx.msk [tilespmem:v10+s3+$0x0], $0xffff;
	[tilespmem:s9+$0xD880] =	vst v11  }
0x16c: {  	[tilespmem:s18+$0xE600] =	vst v16;
	v11 =	vadd.s32 $0x18, v5;
	v12 =	vld.idx.msk [tilespmem:v12+s3+$0x0], $0xffff  }
0x16d: {  	v16 =	vld.idx.msk [tilespmem:v17+s3+$0x0], $0xffff;
	[tilespmem:s20+$0xD900] =	vst v13;
	v13 =	vadd.s32 $0x18, v6  }
0x16e: {  	v17 =	vadd.s32 $0x1A, v0;
	v14 =	vld.idx.msk [tilespmem:v14+s3+$0x0], $0xffff;
	[tilespmem:s21+$0xD900] =	vst v15  }
0x16f: {  	v15 =	vadd.s32 $0x19, v1;
	v8 =	vld.idx.msk [tilespmem:v8+s3+$0x0], $0xffff;
	[tilespmem:s22+$0xD900] =	vst v7  }
0x170: {  	v7 =	vadd.s32 $0x19, v3;
	v9 =	vld.idx.msk [tilespmem:v9+s3+$0x0], $0xffff;
	[tilespmem:s24+$0xD900] =	vst v10  }
0x171: {  	v10 =	vadd.s32 $0x19, v4;
	v11 =	vld.idx.msk [tilespmem:v11+s3+$0x0], $0xffff;
	[tilespmem:s9+$0xD900] =	vst v12  }
0x172: {  	[tilespmem:s19+$0xE880] =	vst v16;
	v12 =	vadd.s32 $0x19, v5;
	v13 =	vld.idx.msk [tilespmem:v13+s3+$0x0], $0xffff  }
0x173: {  	v16 =	vld.idx.msk [tilespmem:v17+s3+$0x0], $0xffff;
	[tilespmem:s20+$0xE580] =	vst v14;
	v14 =	vadd.s32 $0x19, v6  }
0x174: {  	v2 =	vadd.s32 $0x1F, v2;
	v15 =	vld.idx.msk [tilespmem:v15+s3+$0x0], $0xffff;
	[tilespmem:s21+$0xE580] =	vst v8  }
0x175: {  	v8 =	vadd.s32 $0x1A, v1;
	v7 =	vld.idx.msk [tilespmem:v7+s3+$0x0], $0xffff;
	[tilespmem:s22+$0xE580] =	vst v9  }
0x176: {  	v9 =	vadd.s32 $0x1A, v3;
	v10 =	vld.idx.msk [tilespmem:v10+s3+$0x0], $0xffff;
	[tilespmem:s24+$0xE580] =	vst v11  }
0x177: {  	v11 =	vadd.s32 $0x1A, v4;
	v12 =	vld.idx.msk [tilespmem:v12+s3+$0x0], $0xffff;
	[tilespmem:s9+$0xE580] =	vst v13  }
0x178: {  	[tilespmem:s18+$0xE680] =	vst v16;
	v13 =	vadd.s32 $0x1A, v5;
	v14 =	vld.idx.msk [tilespmem:v14+s3+$0x0], $0xffff  }
0x179: {  	v2 =	vld.idx.msk [tilespmem:v2+s3+$0x0], $0xffff;
	[tilespmem:s20+$0xE600] =	vst v15;
	v15 =	vadd.s32 $0x1A, v6  }
0x17a: {  	v16 =	vadd.s32 $0x1B, v0;
	v8 =	vld.idx.msk [tilespmem:v8+s3+$0x0], $0xffff;
	[tilespmem:s21+$0xE600] =	vst v7  }
0x17b: {  	v7 =	vadd.s32 $0x1B, v1;
	v9 =	vld.idx.msk [tilespmem:v9+s3+$0x0], $0xffff;
	[tilespmem:s22+$0xE600] =	vst v10  }
0x17c: {  	v10 =	vadd.s32 $0x1B, v3;
	v11 =	vld.idx.msk [tilespmem:v11+s3+$0x0], $0xffff;
	[tilespmem:s24+$0xE600] =	vst v12  }
0x17d: {  	v12 =	vadd.s32 $0x1B, v4;
	v13 =	vld.idx.msk [tilespmem:v13+s3+$0x0], $0xffff;
	[tilespmem:s9+$0xE600] =	vst v14  }
0x17e: {  	[tilespmem:s19+$0xE900] =	vst v2;
	v2 =	vadd.s32 $0x1B, v5;
	v14 =	vld.idx.msk [tilespmem:v15+s3+$0x0], $0xffff  }
0x17f: {  	[tilespmem:s20+$0xE680] =	vst v8;
	v8 =	vadd.s32 $0x1B, v6;
	v15 =	vld.idx.msk [tilespmem:v16+s3+$0x0], $0xffff  }
0x180: {  	v7 =	vld.idx.msk [tilespmem:v7+s3+$0x0], $0xffff;
	[tilespmem:s21+$0xE680] =	vst v9;
	v16 =	vadd.s32 $0x1C, v0  }
0x181: {  	v9 =	vadd.s32 $0x1C, v1;
	v10 =	vld.idx.msk [tilespmem:v10+s3+$0x0], $0xffff;
	[tilespmem:s22+$0xE680] =	vst v11  }
0x182: {  	v11 =	vadd.s32 $0x1C, v3;
	v12 =	vld.idx.msk [tilespmem:v12+s3+$0x0], $0xffff;
	[tilespmem:s24+$0xE680] =	vst v13  }
0x183: {  	v13 =	vadd.s32 $0x1C, v4;
	v2 =	vld.idx.msk [tilespmem:v2+s3+$0x0], $0xffff;
	[tilespmem:s9+$0xE680] =	vst v14  }
0x184: {  	[tilespmem:s18+$0xE700] =	vst v15;
	v14 =	vadd.s32 $0x1C, v5;
	v8 =	vld.idx.msk [tilespmem:v8+s3+$0x0], $0xffff  }
0x185: {  	[tilespmem:s20+$0xE700] =	vst v7;
	v7 =	vadd.s32 $0x1C, v6;
	v15 =	vld.idx.msk [tilespmem:v16+s3+$0x0], $0xffff  }
0x186: {  	v9 =	vld.idx.msk [tilespmem:v9+s3+$0x0], $0xffff;
	[tilespmem:s21+$0xE700] =	vst v10;
	v16 =	vadd.s32 $0x1D, v0  }
0x187: {  	v10 =	vadd.s32 $0x1D, v1;
	v11 =	vld.idx.msk [tilespmem:v11+s3+$0x0], $0xffff;
	[tilespmem:s22+$0xE700] =	vst v12  }
0x188: {  	v12 =	vadd.s32 $0x1D, v3;
	v13 =	vld.idx.msk [tilespmem:v13+s3+$0x0], $0xffff;
	[tilespmem:s24+$0xE700] =	vst v2  }
0x189: {  	v2 =	vadd.s32 $0x1D, v4;
	v14 =	vld.idx.msk [tilespmem:v14+s3+$0x0], $0xffff;
	[tilespmem:s9+$0xE700] =	vst v8  }
0x18a: {  	[tilespmem:s18+$0xE780] =	vst v15;
	v8 =	vadd.s32 $0x1D, v5;
	v7 =	vld.idx.msk [tilespmem:v7+s3+$0x0], $0xffff  }
0x18b: {  	[tilespmem:s20+$0xE780] =	vst v9;
	v9 =	vadd.s32 $0x1D, v6;
	v15 =	vld.idx.msk [tilespmem:v16+s3+$0x0], $0xffff  }
0x18c: {  	v10 =	vld.idx.msk [tilespmem:v10+s3+$0x0], $0xffff;
	[tilespmem:s21+$0xE780] =	vst v11;
	v16 =	vadd.s32 $0x1E, v0  }
0x18d: {  	v11 =	vadd.s32 $0x1E, v1;
	v12 =	vld.idx.msk [tilespmem:v12+s3+$0x0], $0xffff;
	[tilespmem:s22+$0xE780] =	vst v13  }
0x18e: {  	v13 =	vadd.s32 $0x1E, v3;
	v2 =	vld.idx.msk [tilespmem:v2+s3+$0x0], $0xffff;
	[tilespmem:s24+$0xE780] =	vst v14  }
0x18f: {  	v14 =	vadd.s32 $0x1E, v4;
	v8 =	vld.idx.msk [tilespmem:v8+s3+$0x0], $0xffff;
	[tilespmem:s9+$0xE780] =	vst v7  }
0x190: {  	[tilespmem:s18+$0xE800] =	vst v15;
	v7 =	vadd.s32 $0x1E, v5;
	v9 =	vld.idx.msk [tilespmem:v9+s3+$0x0], $0xffff  }
0x191: {  	[tilespmem:s20+$0xE800] =	vst v10;
	v10 =	vadd.s32 $0x1E, v6;
	v15 =	vld.idx.msk [tilespmem:v16+s3+$0x0], $0xffff  }
0x192: {  	v0 =	vadd.s32 $0x1F, v0;
	v11 =	vld.idx.msk [tilespmem:v11+s3+$0x0], $0xffff;
	[tilespmem:s21+$0xE800] =	vst v12  }
0x193: {  	v1 =	vadd.s32 $0x1F, v1;
	v12 =	vld.idx.msk [tilespmem:v13+s3+$0x0], $0xffff;
	[tilespmem:s22+$0xE800] =	vst v2  }
0x194: {  	v2 =	vadd.s32 $0x1F, v3;
	v3 =	vld.idx.msk [tilespmem:v14+s3+$0x0], $0xffff;
	[tilespmem:s24+$0xE800] =	vst v8  }
0x195: {  	v4 =	vadd.s32 $0x1F, v4;
	v7 =	vld.idx.msk [tilespmem:v7+s3+$0x0], $0xffff;
	[tilespmem:s9+$0xE800] =	vst v9  }
0x196: {  	v5 =	vadd.s32 $0x1F, v5;
	[tilespmem:s18+$0xE880] =	vst v15;
	v8 =	vld.idx.msk [tilespmem:v10+s3+$0x0], $0xffff  }
0x197: {  	v6 =	vadd.s32 $0x1F, v6;
	[tilespmem:s20+$0xE880] =	vst v11;
	v0 =	vld.idx.msk [tilespmem:v0+s3+$0x0], $0xffff  }
0x198: {  	v1 =	vld.idx.msk [tilespmem:v1+s3+$0x0], $0xffff;
	[tilespmem:s21+$0xE880] =	vst v12  }
0x199: {  	v2 =	vld.idx.msk [tilespmem:v2+s3+$0x0], $0xffff;
	[tilespmem:s22+$0xE880] =	vst v3  }
0x19a: {  	v3 =	vld.idx.msk [tilespmem:v4+s3+$0x0], $0xffff;
	[tilespmem:s24+$0xE880] =	vst v7  }
0x19b: {  	v4 =	vld.idx.msk [tilespmem:v5+s3+$0x0], $0xffff;
	[tilespmem:s9+$0xE880] =	vst v8  }
0x19c: {  	[tilespmem:s18+$0xE900] =	vst v0;
	v0 =	vld.idx.msk [tilespmem:v6+s3+$0x0], $0xffff  }
0x19d: {  	[tilespmem:s20+$0xE900] =	vst v1  }
0x19e: {  	[tilespmem:s21+$0xE900] =	vst v2  }
0x19f: {  	[tilespmem:s22+$0xE900] =	vst v3  }
0x1a0: {  	s26 =	simm.s32 $0x0;
	[tilespmem:s24+$0xE900] =	vst v4  }
0x1a1: {  	s29 =	sand.u32 $0x1F0, s26;
	[tilespmem:s9+$0xE900] =	vst v0  }
0x1a2: {  	[hbm4b:s5+s11] =	stream.strided.scatter [tilespmem:s13], [sflag:$0x1], $0x4000, s12, s11, $0x38;
	[tilespmem:$0x13580] =	vst v63  }
0x1a3: {  	v0 =	vld [tilespmem:s29+$0x8380];
	_ =	sdelay $0x4  }
0x1a4: {  	v6 =	vmul.u32 $0x21, v0;
	_ =	sdelay $0x5  }
0x1a5: {  	v0 =	vld.idx.msk [tilespmem:v6+s3+$0x0], $0xffff  }
0x1a6: {  	v1 =	vadd.s32 $0x1, v6;
	_ =	sdelay $0x1  }
0x1a7: {  	s30 =	sand.u32 $0x70, s26;
	s31 =	sand.u32 $0xC00, s26  }
0x1a8: {  	s22 =	sor.u32 s30, s31  }
0x1a9: {  	[tilespmem:s22+$0xF580] =	vst v0  }
0x1aa: {  	v0 =	vld.idx.msk [tilespmem:v1+s3+$0x0], $0xffff  }
0x1ab: {  	v1 =	vadd.s32 $0x2, v6;
	_ =	sdelay $0x3  }
0x1ac: {  	[tilespmem:s22+$0xF600] =	vst v0  }
0x1ad: {  	v0 =	vld.idx.msk [tilespmem:v1+s3+$0x0], $0xffff  }
0x1ae: {  	v1 =	vadd.s32 $0x3, v6;
	_ =	sdelay $0x1  }
0x1af: {  	s6 =	simm.s32 $0x10  }
0x1b0: {  	s20 =	sand.u32 $0x1F0, s6  }
0x1b1: {  	v2 =	vld [tilespmem:s20+$0x8380];
	[tilespmem:s22+$0xF680] =	vst v0  }
0x1b2: {  	v0 =	vld.idx.msk [tilespmem:v1+s3+$0x0], $0xffff  }
0x1b3: {  	v1 =	vadd.s32 $0x4, v6;
	_ =	sdelay $0x2  }
0x1b4: {  	v2 =	vmul.u32 $0x21, v2  }
0x1b5: {  	[tilespmem:s22+$0xF700] =	vst v0  }
0x1b6: {  	v0 =	vld.idx.msk [tilespmem:v1+s3+$0x0], $0xffff  }
0x1b7: {  	v1 =	vadd.s32 $0x5, v6;
	_ =	sdelay $0x2  }
0x1b8: {  	v3 =	vld.idx.msk [tilespmem:v2+s3+$0x0], $0xffff  }
0x1b9: {  	[tilespmem:s22+$0xF780] =	vst v0;
	v0 =	vadd.s32 $0x1, v2  }
0x1ba: {  	s21 =	simm.s32 $0x80;
	v1 =	vld.idx.msk [tilespmem:v1+s3+$0x0], $0xffff  }
0x1bb: {  	s23 =	sand.u32 $0x70, s6;
	s8 =	sand.u32 $0xC00, s21;
	v4 =	vadd.s32 $0x6, v6  }
0x1bc: {  	s19 =	sor.u32 s23, s8  }
0x1bd: {  	[tilespmem:s19+$0xF580] =	vst v3  }
0x1be: {  	v0 =	vld.idx.msk [tilespmem:v0+s3+$0x0], $0xffff  }
0x1bf: {  	[tilespmem:s22+$0xF800] =	vst v1;
	v1 =	vadd.s32 $0x2, v2  }
0x1c0: {  	v3 =	vld.idx.msk [tilespmem:v4+s3+$0x0], $0xffff  }
0x1c1: {  	v4 =	vadd.s32 $0x7, v6;
	_ =	sdelay $0x1  }
0x1c2: {  	[tilespmem:s19+$0xF600] =	vst v0  }
0x1c3: {  	v0 =	vld.idx.msk [tilespmem:v1+s3+$0x0], $0xffff  }
0x1c4: {  	v1 =	vadd.s32 $0x3, v2;
	[tilespmem:s22+$0xF880] =	vst v3  }
0x1c5: {  	v3 =	vld.idx.msk [tilespmem:v4+s3+$0x0], $0xffff  }
0x1c6: {  	s24 =	simm.s32 $0x20;
	v4 =	vadd.s32 $0x8, v6  }
0x1c7: {  	s28 =	sand.u32 $0x1F0, s24  }
0x1c8: {  	s1 =	sor.u32 s26, s26;
	v5 =	vld [tilespmem:s28+$0x8380];
	[tilespmem:s19+$0xF680] =	vst v0  }
0x1c9: {  	s1 =	sor.u32 $0x380, s1;
	v1 =	vld.idx.msk [tilespmem:v1+s3+$0x0], $0xffff  }
0x1ca: {  	[tilespmem:s1+$0xF580] =	vst v3;
	v3 =	vadd.s32 $0x4, v2  }
0x1cb: {  	v4 =	vld.idx.msk [tilespmem:v4+s3+$0x0], $0xffff  }
0x1cc: {  	v7 =	vadd.s32 $0x9, v6  }
0x1cd: {  	v0 =	vmul.u32 $0x21, v5  }
0x1ce: {  	[tilespmem:s19+$0xF700] =	vst v1  }
0x1cf: {  	v1 =	vld.idx.msk [tilespmem:v3+s3+$0x0], $0xffff  }
0x1d0: {  	v3 =	vadd.s32 $0x5, v2;
	[tilespmem:s22+$0x10580] =	vst v4  }
0x1d1: {  	v4 =	vld.idx.msk [tilespmem:v7+s3+$0x0], $0xffff  }
0x1d2: {  	v5 =	vadd.s32 $0xA, v6  }
0x1d3: {  	v7 =	vld.idx.msk [tilespmem:v0+s3+$0x0], $0xffff  }
0x1d4: {  	[tilespmem:s19+$0xF780] =	vst v1;
	v1 =	vadd.s32 $0x1, v0  }
0x1d5: {  	s29 =	simm.s32 $0x100;
	v3 =	vld.idx.msk [tilespmem:v3+s3+$0x0], $0xffff  }
0x1d6: {  	s30 =	sand.u32 $0x70, s24;
	s31 =	sand.u32 $0xC00, s29;
	[tilespmem:s22+$0x10600] =	vst v4;
	v4 =	vadd.s32 $0x6, v2  }
0x1d7: {  	s18 =	sor.u32 s30, s31;
	v5 =	vld.idx.msk [tilespmem:v5+s3+$0x0], $0xffff  }
0x1d8: {  	[tilespmem:s18+$0xF580] =	vst v7;
	v7 =	vadd.s32 $0xB, v6  }
0x1d9: {  	v1 =	vld.idx.msk [tilespmem:v1+s3+$0x0], $0xffff  }
0x1da: {  	[tilespmem:s19+$0xF800] =	vst v3;
	v3 =	vadd.s32 $0x2, v0  }
0x1db: {  	v4 =	vld.idx.msk [tilespmem:v4+s3+$0x0], $0xffff  }
0x1dc: {  	[tilespmem:s22+$0x10680] =	vst v5;
	v5 =	vadd.s32 $0x7, v2  }
0x1dd: {  	v7 =	vld.idx.msk [tilespmem:v7+s3+$0x0], $0xffff  }
0x1de: {  	[tilespmem:s18+$0xF600] =	vst v1;
	v1 =	vadd.s32 $0xC, v6  }
0x1df: {  	v3 =	vld.idx.msk [tilespmem:v3+s3+$0x0], $0xffff  }
0x1e0: {  	[tilespmem:s19+$0xF880] =	vst v4;
	v4 =	vadd.s32 $0x3, v0  }
0x1e1: {  	v5 =	vld.idx.msk [tilespmem:v5+s3+$0x0], $0xffff  }
0x1e2: {  	s9 =	simm.s32 $0x30;
	[tilespmem:s22+$0x10700] =	vst v7;
	v7 =	vadd.s32 $0x8, v2  }
0x1e3: {  	s20 =	sand.u32 $0x1F0, s9;
	v1 =	vld.idx.msk [tilespmem:v1+s3+$0x0], $0xffff  }
0x1e4: {  	s0 =	sor.u32 s21, s6;
	v8 =	vld [tilespmem:s20+$0x8380];
	[tilespmem:s18+$0xF680] =	vst v3;
	v3 =	vadd.s32 $0xD, v6  }
0x1e5: {  	s0 =	sor.u32 $0x380, s0;
	v4 =	vld.idx.msk [tilespmem:v4+s3+$0x0], $0xffff  }
0x1e6: {  	[tilespmem:s0+$0xF580] =	vst v5;
	v5 =	vadd.s32 $0x4, v0  }
0x1e7: {  	v7 =	vld.idx.msk [tilespmem:v7+s3+$0x0], $0xffff  }
0x1e8: {  	v9 =	vadd.s32 $0x9, v2;
	[tilespmem:s22+$0x10780] =	vst v1  }
0x1e9: {  	v3 =	vld.idx.msk [tilespmem:v3+s3+$0x0], $0xffff  }
0x1ea: {  	v1 =	vmul.u32 $0x21, v8;
	[tilespmem:s18+$0xF700] =	vst v4;
	v4 =	vadd.s32 $0xE, v6  }
0x1eb: {  	v5 =	vld.idx.msk [tilespmem:v5+s3+$0x0], $0xffff  }
0x1ec: {  	[tilespmem:s19+$0x10580] =	vst v7;
	v7 =	vadd.s32 $0x5, v0  }
0x1ed: {  	v8 =	vld.idx.msk [tilespmem:v9+s3+$0x0], $0xffff  }
0x1ee: {  	[tilespmem:s22+$0x10800] =	vst v3;
	v3 =	vadd.s32 $0xA, v2  }
0x1ef: {  	v4 =	vld.idx.msk [tilespmem:v4+s3+$0x0], $0xffff  }
0x1f0: {  	v9 =	vld.idx.msk [tilespmem:v1+s3+$0x0], $0xffff;
	[tilespmem:s18+$0xF780] =	vst v5;
	v5 =	vadd.s32 $0xF, v6  }
0x1f1: {  	v10 =	vadd.s32 $0x1, v1;
	v7 =	vld.idx.msk [tilespmem:v7+s3+$0x0], $0xffff  }
0x1f2: {  	s23 =	simm.s32 $0x180;
	[tilespmem:s19+$0x10600] =	vst v8;
	v8 =	vadd.s32 $0x6, v0  }
0x1f3: {  	s26 =	sand.u32 $0xC00, s23;
	s25 =	sand.u32 $0x70, s9;
	v3 =	vld.idx.msk [tilespmem:v3+s3+$0x0], $0xffff  }
0x1f4: {  	s20 =	sor.u32 s25, s26;
	[tilespmem:s22+$0x10880] =	vst v4;
	v4 =	vadd.s32 $0xB, v2  }
0x1f5: {  	[tilespmem:s20+$0xF580] =	vst v9;
	v5 =	vld.idx.msk [tilespmem:v5+s3+$0x0], $0xffff  }
0x1f6: {  	v9 =	vld.idx.msk [tilespmem:v10+s3+$0x0], $0xffff;
	[tilespmem:s18+$0xF800] =	vst v7;
	v7 =	vadd.s32 $0x10, v6  }
0x1f7: {  	v10 =	vadd.s32 $0x2, v1;
	v8 =	vld.idx.msk [tilespmem:v8+s3+$0x0], $0xffff  }
0x1f8: {  	[tilespmem:s19+$0x10680] =	vst v3;
	v3 =	vadd.s32 $0x7, v0  }
0x1f9: {  	v4 =	vld.idx.msk [tilespmem:v4+s3+$0x0], $0xffff  }
0x1fa: {  	[tilespmem:s22+$0x10900] =	vst v5;
	v5 =	vadd.s32 $0xC, v2  }
0x1fb: {  	[tilespmem:s20+$0xF600] =	vst v9;
	v7 =	vld.idx.msk [tilespmem:v7+s3+$0x0], $0xffff  }
0x1fc: {  	v9 =	vld.idx.msk [tilespmem:v10+s3+$0x0], $0xffff;
	[tilespmem:s18+$0xF880] =	vst v8;
	v8 =	vadd.s32 $0x11, v6  }
0x1fd: {  	v10 =	vadd.s32 $0x3, v1;
	v3 =	vld.idx.msk [tilespmem:v3+s3+$0x0], $0xffff  }
0x1fe: {  	s0 =	simm.s32 $0x40;
	[tilespmem:s19+$0x10700] =	vst v4;
	v4 =	vadd.s32 $0x8, v0  }
0x1ff: {  	s28 =	sand.u32 $0x1F0, s0;
	v5 =	vld.idx.msk [tilespmem:v5+s3+$0x0], $0xffff  }
0x200: {  	s4 =	sor.u32 s29, s24;
	v11 =	vld [tilespmem:s28+$0x8380];
	[tilespmem:s22+$0x11580] =	vst v7;
	v7 =	vadd.s32 $0xD, v2  }
0x201: {  	s4 =	sor.u32 $0x380, s4;
	[tilespmem:s20+$0xF680] =	vst v9;
	v8 =	vld.idx.msk [tilespmem:v8+s3+$0x0], $0xffff  }
0x202: {  	v9 =	vld.idx.msk [tilespmem:v10+s3+$0x0], $0xffff;
	v10 =	vadd.s32 $0x12, v6;
	[tilespmem:s4+$0xF580] =	vst v3  }
0x203: {  	v12 =	vadd.s32 $0x4, v1;
	v4 =	vld.idx.msk [tilespmem:v4+s3+$0x0], $0xffff  }
0x204: {  	[tilespmem:s19+$0x10780] =	vst v5;
	v5 =	vadd.s32 $0x9, v0  }
0x205: {  	v7 =	vld.idx.msk [tilespmem:v7+s3+$0x0], $0xffff  }
0x206: {  	v3 =	vmul.u32 $0x21, v11;
	[tilespmem:s22+$0x11600] =	vst v8;
	v8 =	vadd.s32 $0xE, v2  }
0x207: {  	[tilespmem:s20+$0xF700] =	vst v9;
	v9 =	vld.idx.msk [tilespmem:v10+s3+$0x0], $0xffff  }
0x208: {  	v10 =	vld.idx.msk [tilespmem:v12+s3+$0x0], $0xffff;
	[tilespmem:s18+$0x10580] =	vst v4;
	v4 =	vadd.s32 $0x13, v6  }
0x209: {  	v11 =	vadd.s32 $0x5, v1;
	v5 =	vld.idx.msk [tilespmem:v5+s3+$0x0], $0xffff  }
0x20a: {  	[tilespmem:s19+$0x10800] =	vst v7;
	v7 =	vadd.s32 $0xA, v0  }
0x20b: {  	v8 =	vld.idx.msk [tilespmem:v8+s3+$0x0], $0xffff  }
0x20c: {  	v12 =	vld.idx.msk [tilespmem:v3+s3+$0x0], $0xffff;
	[tilespmem:s22+$0x11680] =	vst v9;
	v9 =	vadd.s32 $0xF, v2  }
0x20d: {  	[tilespmem:s20+$0xF780] =	vst v10;
	v10 =	vadd.s32 $0x1, v3;
	v4 =	vld.idx.msk [tilespmem:v4+s3+$0x0], $0xffff  }
0x20e: {  	s24 =	simm.s32 $0x200;
	v11 =	vld.idx.msk [tilespmem:v11+s3+$0x0], $0xffff;
	[tilespmem:s18+$0x10600] =	vst v5;
	v5 =	vadd.s32 $0x14, v6  }
0x20f: {  	s30 =	sand.u32 $0xC00, s24;
	s29 =	sand.u32 $0x70, s0;
	v13 =	vadd.s32 $0x6, v1;
	v7 =	vld.idx.msk [tilespmem:v7+s3+$0x0], $0xffff  }
0x210: {  	s21 =	sor.u32 s29, s30;
	[tilespmem:s19+$0x10880] =	vst v8;
	v8 =	vadd.s32 $0xB, v0  }
0x211: {  	[tilespmem:s21+$0xF580] =	vst v12;
	v9 =	vld.idx.msk [tilespmem:v9+s3+$0x0], $0xffff  }
0x212: {  	v10 =	vld.idx.msk [tilespmem:v10+s3+$0x0], $0xffff;
	[tilespmem:s22+$0x11700] =	vst v4;
	v4 =	vadd.s32 $0x10, v2  }
0x213: {  	[tilespmem:s20+$0xF800] =	vst v11;
	v11 =	vadd.s32 $0x2, v3;
	v5 =	vld.idx.msk [tilespmem:v5+s3+$0x0], $0xffff  }
0x214: {  	v12 =	vld.idx.msk [tilespmem:v13+s3+$0x0], $0xffff;
	[tilespmem:s18+$0x10680] =	vst v7;
	v7 =	vadd.s32 $0x15, v6  }
0x215: {  	v13 =	vadd.s32 $0x7, v1;
	v8 =	vld.idx.msk [tilespmem:v8+s3+$0x0], $0xffff  }
0x216: {  	[tilespmem:s19+$0x10900] =	vst v9;
	v9 =	vadd.s32 $0xC, v0  }
0x217: {  	[tilespmem:s21+$0xF600] =	vst v10;
	v4 =	vld.idx.msk [tilespmem:v4+s3+$0x0], $0xffff  }
0x218: {  	v10 =	vld.idx.msk [tilespmem:v11+s3+$0x0], $0xffff;
	[tilespmem:s22+$0x11780] =	vst v5;
	v5 =	vadd.s32 $0x11, v2  }
0x219: {  	v11 =	vadd.s32 $0x3, v3;
	[tilespmem:s20+$0xF880] =	vst v12;
	v7 =	vld.idx.msk [tilespmem:v7+s3+$0x0], $0xffff  }
0x21a: {  	s4 =	simm.s32 $0x50;
	v12 =	vld.idx.msk [tilespmem:v13+s3+$0x0], $0xffff;
	[tilespmem:s18+$0x10700] =	vst v8;
	v8 =	vadd.s32 $0x16, v6  }
0x21b: {  	s31 =	sand.u32 $0x1F0, s4;
	v13 =	vadd.s32 $0x8, v1;
	v9 =	vld.idx.msk [tilespmem:v9+s3+$0x0], $0xffff  }
0x21c: {  	v14 =	vld [tilespmem:s31+$0x8380];
	[tilespmem:s19+$0x11580] =	vst v4;
	v4 =	vadd.s32 $0xD, v0  }
0x21d: {  	s1 =	sor.u32 s23, s9;
	[tilespmem:s21+$0xF680] =	vst v10;
	v5 =	vld.idx.msk [tilespmem:v5+s3+$0x0], $0xffff  }
0x21e: {  	s1 =	sor.u32 $0x380, s1;
	v10 =	vld.idx.msk [tilespmem:v11+s3+$0x0], $0xffff;
	[tilespmem:s22+$0x11800] =	vst v7;
	v7 =	vadd.s32 $0x12, v2  }
0x21f: {  	v11 =	vadd.s32 $0x4, v3;
	[tilespmem:s1+$0xF580] =	vst v12;
	v8 =	vld.idx.msk [tilespmem:v8+s3+$0x0], $0xffff  }
0x220: {  	s26 =	simm.s32 $0x60;
	v12 =	vld.idx.msk [tilespmem:v13+s3+$0x0], $0xffff;
	[tilespmem:s18+$0x10780] =	vst v9;
	v9 =	vadd.s32 $0x17, v6  }
0x221: {  	s8 =	sand.u32 $0x1F0, s26;
	v13 =	vadd.s32 $0x9, v1;
	v15 =	vld.idx.msk [tilespmem:v4+s3+$0x0], $0xffff  }
0x222: {  	v16 =	vld [tilespmem:s8+$0x8380];
	v4 =	vmul.u32 $0x21, v14;
	[tilespmem:s19+$0x11600] =	vst v5;
	v5 =	vadd.s32 $0xE, v0  }
0x223: {  	[tilespmem:s21+$0xF700] =	vst v10;
	v7 =	vld.idx.msk [tilespmem:v7+s3+$0x0], $0xffff  }
0x224: {  	v10 =	vld.idx.msk [tilespmem:v11+s3+$0x0], $0xffff;
	[tilespmem:s22+$0x11880] =	vst v8;
	v8 =	vadd.s32 $0x13, v2  }
0x225: {  	v11 =	vadd.s32 $0x5, v3;
	[tilespmem:s20+$0x10580] =	vst v12;
	v9 =	vld.idx.msk [tilespmem:v9+s3+$0x0], $0xffff  }
0x226: {  	v12 =	vld.idx.msk [tilespmem:v13+s3+$0x0], $0xffff;
	v13 =	vadd.s32 $0x18, v6;
	[tilespmem:s18+$0x10800] =	vst v15  }
0x227: {  	v14 =	vadd.s32 $0xA, v1;
	v5 =	vld.idx.msk [tilespmem:v5+s3+$0x0], $0xffff  }
0x228: {  	v15 =	vld.idx.msk [tilespmem:v4+s3+$0x0], $0xffff;
	[tilespmem:s19+$0x11680] =	vst v7;
	v7 =	vadd.s32 $0xF, v0  }
0x229: {  	[tilespmem:s21+$0xF780] =	vst v10;
	v10 =	vadd.s32 $0x1, v4;
	v8 =	vld.idx.msk [tilespmem:v8+s3+$0x0], $0xffff  }
0x22a: {  	s9 =	simm.s32 $0x280;
	v11 =	vld.idx.msk [tilespmem:v11+s3+$0x0], $0xffff;
	[tilespmem:s22+$0x11900] =	vst v9;
	v9 =	vadd.s32 $0x14, v2  }
0x22b: {  	s28 =	sand.u32 $0xC00, s9;
	s25 =	sand.u32 $0x70, s4;
	[tilespmem:s20+$0x10600] =	vst v12;
	v12 =	vld.idx.msk [tilespmem:v13+s3+$0x0], $0xffff;
	v13 =	vadd.s32 $0x6, v3  }
0x22c: {  	s23 =	sor.u32 s25, s28;
	v14 =	vld.idx.msk [tilespmem:v14+s3+$0x0], $0xffff;
	[tilespmem:s18+$0x10880] =	vst v5;
	v5 =	vadd.s32 $0x19, v6  }
0x22d: {  	[tilespmem:s23+$0xF580] =	vst v15;
	v15 =	vadd.s32 $0xB, v1;
	v7 =	vld.idx.msk [tilespmem:v7+s3+$0x0], $0xffff  }
0x22e: {  	v10 =	vld.idx.msk [tilespmem:v10+s3+$0x0], $0xffff;
	[tilespmem:s19+$0x11700] =	vst v8;
	v8 =	vadd.s32 $0x10, v0  }
0x22f: {  	[tilespmem:s21+$0xF800] =	vst v11;
	v11 =	vadd.s32 $0x2, v4;
	v9 =	vld.idx.msk [tilespmem:v9+s3+$0x0], $0xffff  }
0x230: {  	v13 =	vld.idx.msk [tilespmem:v13+s3+$0x0], $0xffff;
	[tilespmem:s22+$0x12580] =	vst v12;
	v12 =	vadd.s32 $0x15, v2  }
0x231: {  	[tilespmem:s20+$0x10680] =	vst v14;
	v14 =	vadd.s32 $0x7, v3;
	v5 =	vld.idx.msk [tilespmem:v5+s3+$0x0], $0xffff  }
0x232: {  	v15 =	vld.idx.msk [tilespmem:v15+s3+$0x0], $0xffff;
	[tilespmem:s18+$0x10900] =	vst v7;
	v7 =	vadd.s32 $0x1A, v6  }
0x233: {  	[tilespmem:s23+$0xF600] =	vst v10;
	v10 =	vadd.s32 $0xC, v1;
	v8 =	vld.idx.msk [tilespmem:v8+s3+$0x0], $0xffff  }
0x234: {  	v11 =	vld.idx.msk [tilespmem:v11+s3+$0x0], $0xffff;
	[tilespmem:s19+$0x11780] =	vst v9;
	v9 =	vadd.s32 $0x11, v0  }
0x235: {  	[tilespmem:s21+$0xF880] =	vst v13;
	v12 =	vld.idx.msk [tilespmem:v12+s3+$0x0], $0xffff;
	v13 =	vadd.s32 $0x3, v4  }
0x236: {  	v14 =	vld.idx.msk [tilespmem:v14+s3+$0x0], $0xffff;
	[tilespmem:s22+$0x12600] =	vst v5;
	v5 =	vadd.s32 $0x16, v2  }
0x237: {  	[tilespmem:s20+$0x10700] =	vst v15;
	v15 =	vadd.s32 $0x8, v3;
	v7 =	vld.idx.msk [tilespmem:v7+s3+$0x0], $0xffff  }
0x238: {  	v10 =	vld.idx.msk [tilespmem:v10+s3+$0x0], $0xffff;
	[tilespmem:s18+$0x11580] =	vst v8;
	v8 =	vadd.s32 $0x1B, v6  }
0x239: {  	s0 =	sor.u32 s24, s0;
	[tilespmem:s23+$0xF680] =	vst v11;
	v11 =	vadd.s32 $0xD, v1;
	v9 =	vld.idx.msk [tilespmem:v9+s3+$0x0], $0xffff  }
0x23a: {  	s0 =	sor.u32 $0x380, s0;
	v13 =	vld.idx.msk [tilespmem:v13+s3+$0x0], $0xffff;
	[tilespmem:s19+$0x11800] =	vst v12  }
0x23b: {  	v12 =	vadd.s32 $0x12, v0;
	[tilespmem:s0+$0xF580] =	vst v14;
	v14 =	vld.idx.msk [tilespmem:v5+s3+$0x0], $0xffff  }
0x23c: {  	v17 =	vadd.s32 $0x4, v4;
	v15 =	vld.idx.msk [tilespmem:v15+s3+$0x0], $0xffff;
	[tilespmem:s22+$0x12680] =	vst v7  }
0x23d: {  	s0 =	simm.s32 $0x70;
	[tilespmem:s20+$0x10780] =	vst v10;
	v10 =	vadd.s32 $0x17, v2;
	v8 =	vld.idx.msk [tilespmem:v8+s3+$0x0], $0xffff  }
0x23e: {  	v18 =	vadd.s32 $0x9, v3;
	v5 =	vmul.u32 $0x21, v16;
	s29 =	sand.u32 $0x1F0, s0;
	v11 =	vld.idx.msk [tilespmem:v11+s3+$0x0], $0xffff  }
0x23f: {  	v7 =	vld [tilespmem:s29+$0x8380];
	[tilespmem:s18+$0x11600] =	vst v9  }
0x240: {  	v9 =	vadd.s32 $0x1C, v6;
	[tilespmem:s23+$0xF700] =	vst v13;
	v12 =	vld.idx.msk [tilespmem:v12+s3+$0x0], $0xffff  }
0x241: {  	v13 =	vadd.s32 $0xE, v1;
	v16 =	vld.idx.msk [tilespmem:v17+s3+$0x0], $0xffff;
	[tilespmem:s19+$0x11880] =	vst v14  }
0x242: {  	v14 =	vadd.s32 $0x13, v0;
	[tilespmem:s21+$0x10580] =	vst v15;
	v10 =	vld.idx.msk [tilespmem:v10+s3+$0x0], $0xffff  }
0x243: {  	v15 =	vadd.s32 $0x5, v4;
	v17 =	vld.idx.msk [tilespmem:v18+s3+$0x0], $0xffff  }
0x244: {  	[tilespmem:s22+$0x12700] =	vst v8;
	v8 =	vadd.s32 $0x18, v2;
	v18 =	vld.idx.msk [tilespmem:v5+s3+$0x0], $0xffff  }
0x245: {  	[tilespmem:s20+$0x10800] =	vst v11;
	v11 =	vadd.s32 $0xA, v3;
	v9 =	vld.idx.msk [tilespmem:v9+s3+$0x0], $0xffff  }
0x246: {  	v19 =	vadd.s32 $0x1, v5;
	v13 =	vld.idx.msk [tilespmem:v13+s3+$0x0], $0xffff;
	[tilespmem:s18+$0x11680] =	vst v12  }
0x247: {  	s1 =	simm.s32 $0x300;
	v12 =	vadd.s32 $0x1D, v6;
	[tilespmem:s23+$0xF780] =	vst v16;
	v14 =	vld.idx.msk [tilespmem:v14+s3+$0x0], $0xffff  }
0x248: {  	s30 =	sand.u32 $0x70, s26;
	s31 =	sand.u32 $0xC00, s1;
	v16 =	vadd.s32 $0xF, v1;
	v15 =	vld.idx.msk [tilespmem:v15+s3+$0x0], $0xffff;
	[tilespmem:s19+$0x11900] =	vst v10  }
0x249: {  	s24 =	sor.u32 s30, s31;
	v10 =	vadd.s32 $0x14, v0;
	[tilespmem:s21+$0x10600] =	vst v17;
	v8 =	vld.idx.msk [tilespmem:v8+s3+$0x0], $0xffff  }
0x24a: {  	v17 =	vadd.s32 $0x6, v4;
	[tilespmem:s24+$0xF580] =	vst v18;
	v11 =	vld.idx.msk [tilespmem:v11+s3+$0x0], $0xffff  }
0x24b: {  	[tilespmem:s22+$0x12780] =	vst v9;
	v9 =	vadd.s32 $0x19, v2;
	v18 =	vld.idx.msk [tilespmem:v19+s3+$0x0], $0xffff  }
0x24c: {  	[tilespmem:s20+$0x10880] =	vst v13;
	v12 =	vld.idx.msk [tilespmem:v12+s3+$0x0], $0xffff;
	v13 =	vadd.s32 $0xB, v3  }
0x24d: {  	v19 =	vadd.s32 $0x2, v5;
	v16 =	vld.idx.msk [tilespmem:v16+s3+$0x0], $0xffff;
	[tilespmem:s18+$0x11700] =	vst v14  }
0x24e: {  	v14 =	vadd.s32 $0x1E, v6;
	[tilespmem:s23+$0xF800] =	vst v15;
	v10 =	vld.idx.msk [tilespmem:v10+s3+$0x0], $0xffff  }
0x24f: {  	v15 =	vadd.s32 $0x10, v1;
	v17 =	vld.idx.msk [tilespmem:v17+s3+$0x0], $0xffff;
	[tilespmem:s19+$0x12580] =	vst v8  }
0x250: {  	v8 =	vadd.s32 $0x15, v0;
	[tilespmem:s21+$0x10680] =	vst v11;
	v9 =	vld.idx.msk [tilespmem:v9+s3+$0x0], $0xffff  }
0x251: {  	v11 =	vadd.s32 $0x7, v4;
	[tilespmem:s24+$0xF600] =	vst v18;
	v13 =	vld.idx.msk [tilespmem:v13+s3+$0x0], $0xffff  }
0x252: {  	[tilespmem:s22+$0x12800] =	vst v12;
	v12 =	vadd.s32 $0x1A, v2;
	v19 =	vld.idx.msk [tilespmem:v19+s3+$0x0], $0xffff  }
0x253: {  	[tilespmem:s20+$0x10900] =	vst v16;
	v14 =	vld.idx.msk [tilespmem:v14+s3+$0x0], $0xffff;
	v16 =	vadd.s32 $0xC, v3  }
0x254: {  	v6 =	vadd.s32 $0x1F, v6;
	v18 =	vld.idx.msk [tilespmem:v15+s3+$0x0], $0xffff;
	[tilespmem:s18+$0x11780] =	vst v10  }
0x255: {  	[tilespmem:s23+$0xF880] =	vst v17;
	v17 =	vadd.s32 $0x11, v1;
	v20 =	vld.idx.msk [tilespmem:v8+s3+$0x0], $0xffff  }
0x256: {  	v21 =	vadd.s32 $0x3, v5;
	v15 =	vld.idx.msk [tilespmem:v11+s3+$0x0], $0xffff;
	[tilespmem:s19+$0x12600] =	vst v9  }
0x257: {  	[tilespmem:s21+$0x10700] =	vst v13;
	v10 =	vld.idx.msk [tilespmem:v12+s3+$0x0], $0xffff;
	v12 =	vadd.s32 $0x16, v0  }
0x258: {  	v13 =	vld.idx.msk [tilespmem:v16+s3+$0x0], $0xffff;
	[tilespmem:s22+$0x12880] =	vst v14;
	v16 =	vadd.s32 $0x8, v4  }
0x259: {  	v9 =	vadd.s32 $0x1B, v2;
	[tilespmem:s20+$0x11580] =	vst v18;
	v11 =	vld.idx.msk [tilespmem:v6+s3+$0x0], $0xffff  }
0x25a: {  	s4 =	sor.u32 s9, s4;
	[tilespmem:s24+$0xF680] =	vst v19;
	v14 =	vadd.s32 $0xD, v3;
	v8 =	vld.idx.msk [tilespmem:v17+s3+$0x0], $0xffff  }
0x25b: {  	s6 =	simm.s32 $0x80;
	s8 =	sor.u32 $0x380, s4;
	s4 =	simm.s32 $0x300;
	v17 =	vld.idx.msk [tilespmem:v21+s3+$0x0], $0xffff;
	[tilespmem:s18+$0x11800] =	vst v20  }
.LBB2_4:
0x25c: {  	p0 =	sne.s32 s6, $0x1F0;
	[tilespmem:s8+$0xF580] =	vst v15;
	v6 =	vadd.s32 $0x12, v1;
	v12 =	vld.idx.msk [tilespmem:v12+s3+$0x0], $0xffff  }
0x25d: {  	v15 =	vadd.s32 $0x4, v5;
	v16 =	vld.idx.msk [tilespmem:v16+s3+$0x0], $0xffff;
	[tilespmem:s19+$0x12680] =	vst v10  }
0x25e: {  	v10 =	vadd.s32 $0x17, v0;
	[tilespmem:s21+$0x10780] =	vst v13;
	v9 =	vld.idx.msk [tilespmem:v9+s3+$0x0], $0xffff  }
0x25f: {  	s8 =	sand.u32 $0x1F0, s6;
	v13 =	vadd.s32 $0x9, v4;
	v14 =	vld.idx.msk [tilespmem:v14+s3+$0x0], $0xffff;
	[tilespmem:s22+$0x12900] =	vst v11;
	s22 =	smov.u32 s19;
	s19 =	smov.u32 s18  }
0x260: {  	s18 =	smov.u32 s20;
	v11 =	vld [tilespmem:s8+$0x8380];
	[tilespmem:s20+$0x11600] =	vst v8;
	v8 =	vadd.s32 $0x1C, v2;
	s20 =	smov.u32 s21;
	s21 =	smov.u32 s23  }
0x261: {  	v18 =	vmul.u32 $0x21, v7;
	s23 =	smov.u32 s24;
	[tilespmem:s24+$0xF700] =	vst v17;
	v17 =	vadd.s32 $0xE, v3;
	v6 =	vld.idx.msk [tilespmem:v6+s3+$0x0], $0xffff  }
0x262: {  	v15 =	vld.idx.msk [tilespmem:v15+s3+$0x0], $0xffff;
	[tilespmem:s19+$0x11880] =	vst v12  }
0x263: {  	v12 =	vadd.s32 $0x13, v1;
	[tilespmem:s21+$0x10580] =	vst v16;
	v10 =	vld.idx.msk [tilespmem:v10+s3+$0x0], $0xffff  }
0x264: {  	v16 =	vadd.s32 $0x5, v5;
	v13 =	vld.idx.msk [tilespmem:v13+s3+$0x0], $0xffff;
	[tilespmem:s22+$0x12700] =	vst v9  }
0x265: {  	v9 =	vadd.s32 $0x18, v0;
	[tilespmem:s20+$0x10800] =	vst v14;
	v8 =	vld.idx.msk [tilespmem:v8+s3+$0x0], $0xffff;
	v7 =	vmov v11  }
0x266: {  	v11 =	vadd.s32 $0xA, v4;
	v14 =	vld.idx.msk [tilespmem:v17+s3+$0x0], $0xffff  }
0x267: {  	v17 =	vld.idx.msk [tilespmem:v18+s3+$0x0], $0xffff;
	[tilespmem:s18+$0x11680] =	vst v6;
	v6 =	vadd.s32 $0x1D, v2  }
0x268: {  	[tilespmem:s23+$0xF780] =	vst v15;
	v15 =	vadd.s32 $0xF, v3;
	v12 =	vld.idx.msk [tilespmem:v12+s3+$0x0], $0xffff  }
0x269: {  	v19 =	vadd.s32 $0x1, v18;
	v16 =	vld.idx.msk [tilespmem:v16+s3+$0x0], $0xffff;
	[tilespmem:s19+$0x11900] =	vst v10  }
0x26a: {  	s1 =	sadd.s32 $0x80, s1;
	v10 =	vadd.s32 $0x14, v1;
	[tilespmem:s21+$0x10600] =	vst v13;
	v9 =	vld.idx.msk [tilespmem:v9+s3+$0x0], $0xffff  }
0x26b: {  	s8 =	sand.u32 $0x70, s0;
	s24 =	sand.u32 $0xC00, s1;
	v13 =	vadd.s32 $0x6, v5;
	v11 =	vld.idx.msk [tilespmem:v11+s3+$0x0], $0xffff;
	[tilespmem:s22+$0x12780] =	vst v8  }
0x26c: {  	s24 =	sor.u32 s8, s24;
	v8 =	vadd.s32 $0x19, v0;
	[tilespmem:s20+$0x10880] =	vst v14;
	v6 =	vld.idx.msk [tilespmem:v6+s3+$0x0], $0xffff  }
0x26d: {  	v14 =	vadd.s32 $0xB, v4;
	[tilespmem:s24+$0xF580] =	vst v17;
	v15 =	vld.idx.msk [tilespmem:v15+s3+$0x0], $0xffff  }
0x26e: {  	v17 =	vld.idx.msk [tilespmem:v19+s3+$0x0], $0xffff;
	[tilespmem:s18+$0x11700] =	vst v12;
	v12 =	vadd.s32 $0x1E, v2  }
0x26f: {  	[tilespmem:s23+$0xF800] =	vst v16;
	v16 =	vadd.s32 $0x10, v3;
	v10 =	vld.idx.msk [tilespmem:v10+s3+$0x0], $0xffff  }
0x270: {  	v19 =	vadd.s32 $0x2, v18;
	v13 =	vld.idx.msk [tilespmem:v13+s3+$0x0], $0xffff;
	[tilespmem:s19+$0x12580] =	vst v9  }
0x271: {  	v9 =	vadd.s32 $0x15, v1;
	[tilespmem:s21+$0x10680] =	vst v11;
	v8 =	vld.idx.msk [tilespmem:v8+s3+$0x0], $0xffff  }
0x272: {  	v11 =	vadd.s32 $0x7, v5;
	v14 =	vld.idx.msk [tilespmem:v14+s3+$0x0], $0xffff;
	[tilespmem:s22+$0x12800] =	vst v6  }
0x273: {  	v6 =	vadd.s32 $0x1A, v0;
	[tilespmem:s20+$0x10900] =	vst v15;
	v20 =	vld.idx.msk [tilespmem:v12+s3+$0x0], $0xffff  }
0x274: {  	[tilespmem:s24+$0xF600] =	vst v17;
	v17 =	vadd.s32 $0xC, v4;
	v21 =	vld.idx.msk [tilespmem:v16+s3+$0x0], $0xffff  }
0x275: {  	v22 =	vadd.s32 $0x1F, v2;
	v2 =	vmovc v0;
	v0 =	vmovc v1;
	v1 =	vmov v3;
	v3 =	vmov v4;
	v19 =	vld.idx.msk [tilespmem:v19+s3+$0x0], $0xffff;
	[tilespmem:s18+$0x11780] =	vst v10  }
0x276: {  	v23 =	vadd.s32 $0x11, v1;
	v4 =	vmov v5;
	v5 =	vmov v18;
	[tilespmem:s23+$0xF880] =	vst v13;
	v24 =	vld.idx.msk [tilespmem:v9+s3+$0x0], $0xffff  }
0x277: {  	v18 =	vadd.s32 $0x3, v5;
	v15 =	vld.idx.msk [tilespmem:v11+s3+$0x0], $0xffff;
	[tilespmem:s19+$0x12600] =	vst v8  }
.Ltmp1:
0x278: {  	v12 =	vadd.s32 $0x16, v0;
	[tilespmem:s21+$0x10700] =	vst v14;
	v10 =	vld.idx.msk [tilespmem:v6+s3+$0x0], $0xffff;
	(pc) =	sbr.rel @p0 .LBB2_4-.Ltmp1, $4  }
0x279: {  	v16 =	vadd.s32 $0x8, v4;
	v13 =	vld.idx.msk [tilespmem:v17+s3+$0x0], $0xffff;
	[tilespmem:s22+$0x12880] =	vst v20  }
0x27a: {  	v9 =	vadd.s32 $0x1B, v2;
	[tilespmem:s20+$0x11580] =	vst v21;
	v11 =	vld.idx.msk [tilespmem:v22+s3+$0x0], $0xffff  }
0x27b: {  	s8 =	sor.u32 s4, s26;
	s4 =	smov.u32 s1;
	s26 =	smov.u32 s0;
	v14 =	vadd.s32 $0xD, v3;
	[tilespmem:s24+$0xF680] =	vst v19;
	v8 =	vld.idx.msk [tilespmem:v23+s3+$0x0], $0xffff  }
0x27c: {  	s0 =	smov.u32 s6;
	s6 =	sadd.s32 $0x10, s6;
	s8 =	sor.u32 $0x380, s8;
	v17 =	vld.idx.msk [tilespmem:v18+s3+$0x0], $0xffff;
	[tilespmem:s18+$0x11800] =	vst v24  }
0x27d: {  	v6 =	vmul.u32 $0x21, v7;
	_ =	sdelay $0x5  }
0x27e: {  	v7 =	vld.idx.msk [tilespmem:v6+s3+$0x0], $0xffff  }
0x27f: {  	v18 =	vadd.s32 $0x1, v6  }
0x280: {  	s1 =	sadd.s32 $0x80, s1  }
0x281: {  	s6 =	sand.u32 $0x70, s0;
	s25 =	sand.u32 $0xC00, s1  }
0x282: {  	s25 =	sor.u32 s6, s25  }
0x283: {  	[tilespmem:s25+$0xF580] =	vst v7  }
0x284: {  	v7 =	vld.idx.msk [tilespmem:v18+s3+$0x0], $0xffff  }
0x285: {  	v49 =	vadd.s32 $0x2, v6;
	_ =	sdelay $0x3  }
0x286: {  	[tilespmem:s25+$0xF600] =	vst v7  }
0x287: {  	v7 =	vld.idx.msk [tilespmem:v49+s3+$0x0], $0xffff  }
0x288: {  	v50 =	vadd.s32 $0x3, v6;
	_ =	sdelay $0x3  }
0x289: {  	[tilespmem:s25+$0xF680] =	vst v7  }
0x28a: {  	v51 =	vadd.s32 $0x4, v5;
	v18 =	vld.idx.msk [tilespmem:v50+s3+$0x0], $0xffff  }
0x28b: {  	v19 =	vadd.s32 $0x4, v6;
	_ =	sdelay $0x2  }
0x28c: {  	[tilespmem:s24+$0xF700] =	vst v17  }
0x28d: {  	v7 =	vld.idx.msk [tilespmem:v51+s3+$0x0], $0xffff;
	[tilespmem:s25+$0xF700] =	vst v18  }
0x28e: {  	v52 =	vadd.s32 $0x5, v5;
	v18 =	vld.idx.msk [tilespmem:v19+s3+$0x0], $0xffff  }
0x28f: {  	v53 =	vadd.s32 $0x5, v6;
	_ =	sdelay $0x2  }
0x290: {  	[tilespmem:s24+$0xF780] =	vst v7  }
0x291: {  	v7 =	vld.idx.msk [tilespmem:v52+s3+$0x0], $0xffff;
	[tilespmem:s25+$0xF780] =	vst v18  }
0x292: {  	v54 =	vadd.s32 $0x6, v5;
	v18 =	vld.idx.msk [tilespmem:v53+s3+$0x0], $0xffff  }
0x293: {  	v55 =	vadd.s32 $0x6, v6;
	_ =	sdelay $0x2  }
0x294: {  	[tilespmem:s24+$0xF800] =	vst v7  }
0x295: {  	v7 =	vld.idx.msk [tilespmem:v54+s3+$0x0], $0xffff;
	[tilespmem:s25+$0xF800] =	vst v18  }
0x296: {  	v56 =	vadd.s32 $0x7, v5;
	v18 =	vld.idx.msk [tilespmem:v55+s3+$0x0], $0xffff  }
0x297: {  	v57 =	vadd.s32 $0x7, v6;
	_ =	sdelay $0x2  }
0x298: {  	[tilespmem:s24+$0xF880] =	vst v7  }
0x299: {  	v7 =	vld.idx.msk [tilespmem:v56+s3+$0x0], $0xffff;
	[tilespmem:s25+$0xF880] =	vst v18  }
0x29a: {  	v58 =	vadd.s32 $0x8, v5;
	v18 =	vld.idx.msk [tilespmem:v57+s3+$0x0], $0xffff  }
0x29b: {  	v59 =	vadd.s32 $0x8, v6  }
0x29c: {  	s4 =	sor.u32 s4, s26  }
0x29d: {  	[tilespmem:s8+$0xF580] =	vst v15;
	s4 =	sor.u32 $0x380, s4;
	s31 =	sor.u32 s1, s0  }
0x29e: {  	v15 =	vld.idx.msk [tilespmem:v16+s3+$0x0], $0xffff;
	s0 =	sor.u32 $0x380, s31;
	[tilespmem:s4+$0xF580] =	vst v7  }
0x29f: {  	v60 =	vadd.s32 $0x9, v4;
	v61 =	vld.idx.msk [tilespmem:v58+s3+$0x0], $0xffff;
	[tilespmem:s0+$0xF580] =	vst v18  }
0x2a0: {  	v62 =	vadd.s32 $0x9, v5;
	v18 =	vld.idx.msk [tilespmem:v59+s3+$0x0], $0xffff  }
0x2a1: {  	v63 =	vadd.s32 $0x9, v6;
	_ =	sdelay $0x1  }
0x2a2: {  	[tilespmem:s23+$0x10580] =	vst v15  }
0x2a3: {  	v7 =	vld.idx.msk [tilespmem:v60+s3+$0x0], $0xffff;
	[tilespmem:s24+$0x10580] =	vst v61  }
0x2a4: {  	v21 =	vadd.s32 $0xA, v4;
	v16 =	vld.idx.msk [tilespmem:v62+s3+$0x0], $0xffff;
	[tilespmem:s25+$0x10580] =	vst v18  }
0x2a5: {  	v22 =	vadd.s32 $0xA, v5;
	v18 =	vld.idx.msk [tilespmem:v63+s3+$0x0], $0xffff  }
0x2a6: {  	v23 =	vadd.s32 $0xA, v6;
	_ =	sdelay $0x1  }
0x2a7: {  	[tilespmem:s23+$0x10600] =	vst v7  }
0x2a8: {  	v7 =	vld.idx.msk [tilespmem:v21+s3+$0x0], $0xffff;
	[tilespmem:s24+$0x10600] =	vst v16  }
0x2a9: {  	v24 =	vadd.s32 $0xB, v4;
	v16 =	vld.idx.msk [tilespmem:v22+s3+$0x0], $0xffff;
	[tilespmem:s25+$0x10600] =	vst v18  }
0x2aa: {  	v25 =	vadd.s32 $0xB, v5;
	v18 =	vld.idx.msk [tilespmem:v23+s3+$0x0], $0xffff  }
0x2ab: {  	v26 =	vadd.s32 $0xB, v6;
	_ =	sdelay $0x1  }
0x2ac: {  	[tilespmem:s23+$0x10680] =	vst v7  }
0x2ad: {  	v7 =	vld.idx.msk [tilespmem:v24+s3+$0x0], $0xffff;
	[tilespmem:s24+$0x10680] =	vst v16  }
0x2ae: {  	v27 =	vadd.s32 $0xC, v4;
	v16 =	vld.idx.msk [tilespmem:v25+s3+$0x0], $0xffff;
	[tilespmem:s25+$0x10680] =	vst v18  }
0x2af: {  	v28 =	vadd.s32 $0xC, v5;
	v18 =	vld.idx.msk [tilespmem:v26+s3+$0x0], $0xffff  }
0x2b0: {  	v29 =	vadd.s32 $0xC, v6;
	_ =	sdelay $0x1  }
0x2b1: {  	[tilespmem:s23+$0x10700] =	vst v7  }
0x2b2: {  	v7 =	vld.idx.msk [tilespmem:v27+s3+$0x0], $0xffff;
	[tilespmem:s24+$0x10700] =	vst v16  }
0x2b3: {  	v30 =	vadd.s32 $0xD, v4;
	v16 =	vld.idx.msk [tilespmem:v28+s3+$0x0], $0xffff;
	[tilespmem:s25+$0x10700] =	vst v18  }
0x2b4: {  	v31 =	vadd.s32 $0xD, v5;
	v18 =	vld.idx.msk [tilespmem:v29+s3+$0x0], $0xffff  }
0x2b5: {  	v32 =	vadd.s32 $0xD, v6  }
0x2b6: {  	[tilespmem:s21+$0x10780] =	vst v13  }
0x2b7: {  	v13 =	vld.idx.msk [tilespmem:v14+s3+$0x0], $0xffff;
	[tilespmem:s23+$0x10780] =	vst v7  }
0x2b8: {  	v33 =	vadd.s32 $0xE, v3;
	v34 =	vld.idx.msk [tilespmem:v30+s3+$0x0], $0xffff;
	[tilespmem:s24+$0x10780] =	vst v16  }
0x2b9: {  	v35 =	vadd.s32 $0xE, v4;
	v16 =	vld.idx.msk [tilespmem:v31+s3+$0x0], $0xffff;
	[tilespmem:s25+$0x10780] =	vst v18  }
0x2ba: {  	v36 =	vadd.s32 $0xE, v5;
	v18 =	vld.idx.msk [tilespmem:v32+s3+$0x0], $0xffff  }
0x2bb: {  	v37 =	vadd.s32 $0xE, v6  }
0x2bc: {  	[tilespmem:s21+$0x10800] =	vst v13  }
0x2bd: {  	v7 =	vld.idx.msk [tilespmem:v33+s3+$0x0], $0xffff;
	[tilespmem:s23+$0x10800] =	vst v34  }
0x2be: {  	v38 =	vadd.s32 $0xF, v3;
	v14 =	vld.idx.msk [tilespmem:v35+s3+$0x0], $0xffff;
	[tilespmem:s24+$0x10800] =	vst v16  }
0x2bf: {  	v39 =	vadd.s32 $0xF, v4;
	v16 =	vld.idx.msk [tilespmem:v36+s3+$0x0], $0xffff;
	[tilespmem:s25+$0x10800] =	vst v18  }
0x2c0: {  	v40 =	vadd.s32 $0xF, v5;
	v18 =	vld.idx.msk [tilespmem:v37+s3+$0x0], $0xffff  }
0x2c1: {  	v41 =	vadd.s32 $0xF, v6  }
0x2c2: {  	[tilespmem:s21+$0x10880] =	vst v7  }
0x2c3: {  	v7 =	vld.idx.msk [tilespmem:v38+s3+$0x0], $0xffff;
	[tilespmem:s23+$0x10880] =	vst v14  }
0x2c4: {  	v42 =	vadd.s32 $0x10, v3;
	v14 =	vld.idx.msk [tilespmem:v39+s3+$0x0], $0xffff;
	[tilespmem:s24+$0x10880] =	vst v16  }
0x2c5: {  	v43 =	vadd.s32 $0x10, v4;
	v16 =	vld.idx.msk [tilespmem:v40+s3+$0x0], $0xffff;
	[tilespmem:s25+$0x10880] =	vst v18  }
0x2c6: {  	v44 =	vadd.s32 $0x10, v5;
	v18 =	vld.idx.msk [tilespmem:v41+s3+$0x0], $0xffff  }
0x2c7: {  	v45 =	vadd.s32 $0x10, v6  }
0x2c8: {  	[tilespmem:s21+$0x10900] =	vst v7  }
0x2c9: {  	v7 =	vld.idx.msk [tilespmem:v42+s3+$0x0], $0xffff;
	[tilespmem:s23+$0x10900] =	vst v14  }
0x2ca: {  	v46 =	vadd.s32 $0x11, v3;
	v14 =	vld.idx.msk [tilespmem:v43+s3+$0x0], $0xffff;
	[tilespmem:s24+$0x10900] =	vst v16  }
0x2cb: {  	v47 =	vadd.s32 $0x11, v4;
	v16 =	vld.idx.msk [tilespmem:v44+s3+$0x0], $0xffff;
	[tilespmem:s25+$0x10900] =	vst v18  }
0x2cc: {  	[tilespmem:s19+$0x12680] =	vst v10;
	v48 =	vadd.s32 $0x11, v5;
	v49 =	vld.idx.msk [tilespmem:v45+s3+$0x0], $0xffff  }
0x2cd: {  	[tilespmem:s22+$0x12900] =	vst v11;
	v50 =	vadd.s32 $0x11, v6  }
0x2ce: {  	v12 =	vld.idx.msk [tilespmem:v12+s3+$0x0], $0xffff;
	[tilespmem:s21+$0x11580] =	vst v7  }
0x2cf: {  	v51 =	vadd.s32 $0x12, v1;
	v13 =	vld.idx.msk [tilespmem:v46+s3+$0x0], $0xffff;
	[tilespmem:s23+$0x11580] =	vst v14  }
0x2d0: {  	v52 =	vadd.s32 $0x12, v3;
	v15 =	vld.idx.msk [tilespmem:v47+s3+$0x0], $0xffff;
	[tilespmem:s24+$0x11580] =	vst v16  }
0x2d1: {  	v53 =	vadd.s32 $0x12, v4;
	v10 =	vld.idx.msk [tilespmem:v48+s3+$0x0], $0xffff;
	[tilespmem:s25+$0x11580] =	vst v49  }
0x2d2: {  	[tilespmem:s20+$0x11600] =	vst v8;
	v54 =	vadd.s32 $0x12, v5;
	v11 =	vld.idx.msk [tilespmem:v50+s3+$0x0], $0xffff  }
0x2d3: {  	v9 =	vld.idx.msk [tilespmem:v9+s3+$0x0], $0xffff;
	[tilespmem:s18+$0x11880] =	vst v12;
	v55 =	vadd.s32 $0x12, v6  }
0x2d4: {  	v56 =	vadd.s32 $0x17, v0;
	v7 =	vld.idx.msk [tilespmem:v51+s3+$0x0], $0xffff;
	[tilespmem:s21+$0x11600] =	vst v13  }
0x2d5: {  	v57 =	vadd.s32 $0x13, v1;
	v14 =	vld.idx.msk [tilespmem:v52+s3+$0x0], $0xffff;
	[tilespmem:s23+$0x11600] =	vst v15  }
0x2d6: {  	v58 =	vadd.s32 $0x13, v3;
	v16 =	vld.idx.msk [tilespmem:v53+s3+$0x0], $0xffff;
	[tilespmem:s24+$0x11600] =	vst v10  }
0x2d7: {  	v59 =	vadd.s32 $0x13, v4;
	v8 =	vld.idx.msk [tilespmem:v54+s3+$0x0], $0xffff;
	[tilespmem:s25+$0x11600] =	vst v11  }
0x2d8: {  	[tilespmem:s19+$0x12700] =	vst v9;
	v60 =	vadd.s32 $0x13, v5;
	v11 =	vld.idx.msk [tilespmem:v55+s3+$0x0], $0xffff  }
0x2d9: {  	v61 =	vld.idx.msk [tilespmem:v56+s3+$0x0], $0xffff;
	v62 =	vadd.s32 $0x13, v6;
	[tilespmem:s20+$0x11680] =	vst v7  }
0x2da: {  	v63 =	vadd.s32 $0x1C, v2;
	v13 =	vld.idx.msk [tilespmem:v57+s3+$0x0], $0xffff;
	[tilespmem:s21+$0x11680] =	vst v14  }
0x2db: {  	v20 =	vadd.s32 $0x14, v1;
	v15 =	vld.idx.msk [tilespmem:v58+s3+$0x0], $0xffff;
	[tilespmem:s23+$0x11680] =	vst v16  }
0x2dc: {  	v21 =	vadd.s32 $0x14, v3;
	v10 =	vld.idx.msk [tilespmem:v59+s3+$0x0], $0xffff;
	[tilespmem:s24+$0x11680] =	vst v8  }
0x2dd: {  	v22 =	vadd.s32 $0x14, v4;
	v9 =	vld.idx.msk [tilespmem:v60+s3+$0x0], $0xffff;
	[tilespmem:s25+$0x11680] =	vst v11  }
0x2de: {  	[tilespmem:s18+$0x11900] =	vst v61;
	v23 =	vadd.s32 $0x14, v5;
	v7 =	vld.idx.msk [tilespmem:v62+s3+$0x0], $0xffff  }
0x2df: {  	v24 =	vld.idx.msk [tilespmem:v63+s3+$0x0], $0xffff;
	v25 =	vadd.s32 $0x14, v6;
	[tilespmem:s20+$0x11700] =	vst v13  }
0x2e0: {  	v26 =	vadd.s32 $0x18, v0;
	v14 =	vld.idx.msk [tilespmem:v20+s3+$0x0], $0xffff;
	[tilespmem:s21+$0x11700] =	vst v15  }
0x2e1: {  	v27 =	vadd.s32 $0x15, v1;
	v16 =	vld.idx.msk [tilespmem:v21+s3+$0x0], $0xffff;
	[tilespmem:s23+$0x11700] =	vst v10  }
0x2e2: {  	v28 =	vadd.s32 $0x15, v3;
	v8 =	vld.idx.msk [tilespmem:v22+s3+$0x0], $0xffff;
	[tilespmem:s24+$0x11700] =	vst v9  }
0x2e3: {  	v29 =	vadd.s32 $0x15, v4;
	v11 =	vld.idx.msk [tilespmem:v23+s3+$0x0], $0xffff;
	[tilespmem:s25+$0x11700] =	vst v7  }
0x2e4: {  	[tilespmem:s19+$0x12780] =	vst v24;
	v30 =	vadd.s32 $0x15, v5;
	v31 =	vld.idx.msk [tilespmem:v25+s3+$0x0], $0xffff  }
0x2e5: {  	v33 =	vadd.s32 $0x15, v6;
	v32 =	vld.idx.msk [tilespmem:v26+s3+$0x0], $0xffff;
	[tilespmem:s20+$0x11780] =	vst v14  }
0x2e6: {  	v34 =	vadd.s32 $0x1D, v2;
	v15 =	vld.idx.msk [tilespmem:v27+s3+$0x0], $0xffff;
	[tilespmem:s21+$0x11780] =	vst v16  }
0x2e7: {  	v35 =	vadd.s32 $0x16, v1;
	v10 =	vld.idx.msk [tilespmem:v28+s3+$0x0], $0xffff;
	[tilespmem:s23+$0x11780] =	vst v8  }
0x2e8: {  	v36 =	vadd.s32 $0x16, v3;
	v9 =	vld.idx.msk [tilespmem:v29+s3+$0x0], $0xffff;
	[tilespmem:s24+$0x11780] =	vst v11  }
0x2e9: {  	v37 =	vadd.s32 $0x16, v4;
	v7 =	vld.idx.msk [tilespmem:v30+s3+$0x0], $0xffff;
	[tilespmem:s25+$0x11780] =	vst v31  }
0x2ea: {  	v38 =	vadd.s32 $0x16, v5;
	[tilespmem:s18+$0x12580] =	vst v32;
	v39 =	vld.idx.msk [tilespmem:v33+s3+$0x0], $0xffff  }
0x2eb: {  	v40 =	vld.idx.msk [tilespmem:v34+s3+$0x0], $0xffff;
	v41 =	vadd.s32 $0x16, v6;
	[tilespmem:s20+$0x11800] =	vst v15  }
0x2ec: {  	v42 =	vadd.s32 $0x19, v0;
	v16 =	vld.idx.msk [tilespmem:v35+s3+$0x0], $0xffff;
	[tilespmem:s21+$0x11800] =	vst v10  }
0x2ed: {  	v43 =	vadd.s32 $0x17, v1;
	v8 =	vld.idx.msk [tilespmem:v36+s3+$0x0], $0xffff;
	[tilespmem:s23+$0x11800] =	vst v9  }
0x2ee: {  	v44 =	vadd.s32 $0x17, v3;
	v11 =	vld.idx.msk [tilespmem:v37+s3+$0x0], $0xffff;
	[tilespmem:s24+$0x11800] =	vst v7  }
0x2ef: {  	v45 =	vadd.s32 $0x17, v4;
	v12 =	vld.idx.msk [tilespmem:v38+s3+$0x0], $0xffff;
	[tilespmem:s25+$0x11800] =	vst v39  }
0x2f0: {  	v46 =	vadd.s32 $0x17, v5;
	[tilespmem:s19+$0x12800] =	vst v40;
	v47 =	vld.idx.msk [tilespmem:v41+s3+$0x0], $0xffff  }
0x2f1: {  	v48 =	vld.idx.msk [tilespmem:v42+s3+$0x0], $0xffff;
	v49 =	vadd.s32 $0x17, v6;
	[tilespmem:s20+$0x11880] =	vst v16  }
0x2f2: {  	v58 =	vadd.s32 $0x1A, v0;
	v10 =	vld.idx.msk [tilespmem:v43+s3+$0x0], $0xffff;
	[tilespmem:s21+$0x11880] =	vst v8  }
0x2f3: {  	v51 =	vadd.s32 $0x18, v1;
	v9 =	vld.idx.msk [tilespmem:v44+s3+$0x0], $0xffff;
	[tilespmem:s23+$0x11880] =	vst v11  }
0x2f4: {  	v52 =	vadd.s32 $0x18, v3;
	v7 =	vld.idx.msk [tilespmem:v45+s3+$0x0], $0xffff;
	[tilespmem:s24+$0x11880] =	vst v12  }
0x2f5: {  	v53 =	vadd.s32 $0x18, v4;
	v13 =	vld.idx.msk [tilespmem:v46+s3+$0x0], $0xffff;
	[tilespmem:s25+$0x11880] =	vst v47  }
0x2f6: {  	[tilespmem:s18+$0x12600] =	vst v48;
	v54 =	vadd.s32 $0x18, v5;
	v55 =	vld.idx.msk [tilespmem:v49+s3+$0x0], $0xffff  }
0x2f7: {  	v57 =	vadd.s32 $0x18, v6;
	v63 =	vld.idx.msk [tilespmem:v58+s3+$0x0], $0xffff;
	[tilespmem:s20+$0x11900] =	vst v10  }
0x2f8: {  	v50 =	vadd.s32 $0x1E, v2;
	v8 =	vld.idx.msk [tilespmem:v51+s3+$0x0], $0xffff;
	[tilespmem:s21+$0x11900] =	vst v9  }
0x2f9: {  	v59 =	vadd.s32 $0x19, v1;
	v11 =	vld.idx.msk [tilespmem:v52+s3+$0x0], $0xffff;
	[tilespmem:s23+$0x11900] =	vst v7  }
0x2fa: {  	v60 =	vadd.s32 $0x19, v3;
	v12 =	vld.idx.msk [tilespmem:v53+s3+$0x0], $0xffff;
	[tilespmem:s24+$0x11900] =	vst v13  }
0x2fb: {  	v61 =	vadd.s32 $0x19, v4;
	v14 =	vld.idx.msk [tilespmem:v54+s3+$0x0], $0xffff;
	[tilespmem:s25+$0x11900] =	vst v55  }
0x2fc: {  	[tilespmem:s18+$0x12680] =	vst v63;
	v62 =	vadd.s32 $0x19, v5;
	v10 =	vld.idx.msk [tilespmem:v57+s3+$0x0], $0xffff  }
0x2fd: {  	v19 =	vadd.s32 $0x19, v6;
	v56 =	vld.idx.msk [tilespmem:v50+s3+$0x0], $0xffff;
	[tilespmem:s20+$0x12580] =	vst v8  }
0x2fe: {  	v20 =	vadd.s32 $0x1F, v2;
	v9 =	vld.idx.msk [tilespmem:v59+s3+$0x0], $0xffff;
	[tilespmem:s21+$0x12580] =	vst v11  }
0x2ff: {  	v21 =	vadd.s32 $0x1A, v1;
	v7 =	vld.idx.msk [tilespmem:v60+s3+$0x0], $0xffff;
	[tilespmem:s23+$0x12580] =	vst v12  }
0x300: {  	v22 =	vadd.s32 $0x1A, v3;
	v13 =	vld.idx.msk [tilespmem:v61+s3+$0x0], $0xffff;
	[tilespmem:s24+$0x12580] =	vst v14  }
0x301: {  	v23 =	vadd.s32 $0x1A, v4;
	v15 =	vld.idx.msk [tilespmem:v62+s3+$0x0], $0xffff;
	[tilespmem:s25+$0x12580] =	vst v10  }
0x302: {  	v24 =	vadd.s32 $0x1A, v5;
	[tilespmem:s19+$0x12880] =	vst v56;
	v8 =	vld.idx.msk [tilespmem:v19+s3+$0x0], $0xffff  }
0x303: {  	v2 =	vld.idx.msk [tilespmem:v20+s3+$0x0], $0xffff;
	v25 =	vadd.s32 $0x1A, v6;
	[tilespmem:s20+$0x12600] =	vst v9  }
0x304: {  	v26 =	vadd.s32 $0x1B, v0;
	v11 =	vld.idx.msk [tilespmem:v21+s3+$0x0], $0xffff;
	[tilespmem:s21+$0x12600] =	vst v7  }
0x305: {  	v27 =	vadd.s32 $0x1B, v1;
	v12 =	vld.idx.msk [tilespmem:v22+s3+$0x0], $0xffff;
	[tilespmem:s23+$0x12600] =	vst v13  }
0x306: {  	v28 =	vadd.s32 $0x1B, v3;
	v14 =	vld.idx.msk [tilespmem:v23+s3+$0x0], $0xffff;
	[tilespmem:s24+$0x12600] =	vst v15  }
0x307: {  	v29 =	vadd.s32 $0x1B, v4;
	v10 =	vld.idx.msk [tilespmem:v24+s3+$0x0], $0xffff;
	[tilespmem:s25+$0x12600] =	vst v8  }
0x308: {  	[tilespmem:s19+$0x12900] =	vst v2;
	v30 =	vadd.s32 $0x1B, v5;
	v8 =	vld.idx.msk [tilespmem:v25+s3+$0x0], $0xffff  }
0x309: {  	v32 =	vadd.s32 $0x1B, v6;
	v31 =	vld.idx.msk [tilespmem:v26+s3+$0x0], $0xffff;
	[tilespmem:s20+$0x12680] =	vst v11  }
0x30a: {  	v33 =	vadd.s32 $0x1C, v0;
	v7 =	vld.idx.msk [tilespmem:v27+s3+$0x0], $0xffff;
	[tilespmem:s21+$0x12680] =	vst v12  }
0x30b: {  	v34 =	vadd.s32 $0x1C, v1;
	v13 =	vld.idx.msk [tilespmem:v28+s3+$0x0], $0xffff;
	[tilespmem:s23+$0x12680] =	vst v14  }
0x30c: {  	v35 =	vadd.s32 $0x1C, v3;
	v15 =	vld.idx.msk [tilespmem:v29+s3+$0x0], $0xffff;
	[tilespmem:s24+$0x12680] =	vst v10  }
0x30d: {  	v36 =	vadd.s32 $0x1C, v4;
	v2 =	vld.idx.msk [tilespmem:v30+s3+$0x0], $0xffff;
	[tilespmem:s25+$0x12680] =	vst v8  }
0x30e: {  	v37 =	vadd.s32 $0x1C, v5;
	[tilespmem:s18+$0x12700] =	vst v31;
	v38 =	vld.idx.msk [tilespmem:v32+s3+$0x0], $0xffff  }
0x30f: {  	v40 =	vadd.s32 $0x1C, v6;
	v39 =	vld.idx.msk [tilespmem:v33+s3+$0x0], $0xffff;
	[tilespmem:s20+$0x12700] =	vst v7  }
0x310: {  	v41 =	vadd.s32 $0x1D, v0;
	v12 =	vld.idx.msk [tilespmem:v34+s3+$0x0], $0xffff;
	[tilespmem:s21+$0x12700] =	vst v13  }
0x311: {  	v42 =	vadd.s32 $0x1D, v1;
	v14 =	vld.idx.msk [tilespmem:v35+s3+$0x0], $0xffff;
	[tilespmem:s23+$0x12700] =	vst v15  }
0x312: {  	v43 =	vadd.s32 $0x1D, v3;
	v10 =	vld.idx.msk [tilespmem:v36+s3+$0x0], $0xffff;
	[tilespmem:s24+$0x12700] =	vst v2  }
0x313: {  	v44 =	vadd.s32 $0x1D, v4;
	v8 =	vld.idx.msk [tilespmem:v37+s3+$0x0], $0xffff;
	[tilespmem:s25+$0x12700] =	vst v38  }
0x314: {  	v45 =	vadd.s32 $0x1D, v5;
	[tilespmem:s18+$0x12780] =	vst v39;
	v7 =	vld.idx.msk [tilespmem:v40+s3+$0x0], $0xffff  }
0x315: {  	v46 =	vadd.s32 $0x1D, v6;
	v11 =	vld.idx.msk [tilespmem:v41+s3+$0x0], $0xffff;
	[tilespmem:s20+$0x12780] =	vst v12  }
0x316: {  	v47 =	vadd.s32 $0x1E, v0;
	v13 =	vld.idx.msk [tilespmem:v42+s3+$0x0], $0xffff;
	[tilespmem:s21+$0x12780] =	vst v14  }
0x317: {  	v48 =	vadd.s32 $0x1E, v1;
	v15 =	vld.idx.msk [tilespmem:v43+s3+$0x0], $0xffff;
	[tilespmem:s23+$0x12780] =	vst v10  }
0x318: {  	v49 =	vadd.s32 $0x1E, v3;
	v2 =	vld.idx.msk [tilespmem:v44+s3+$0x0], $0xffff;
	[tilespmem:s24+$0x12780] =	vst v8  }
0x319: {  	v50 =	vadd.s32 $0x1E, v4;
	v9 =	vld.idx.msk [tilespmem:v45+s3+$0x0], $0xffff;
	[tilespmem:s25+$0x12780] =	vst v7  }
0x31a: {  	v51 =	vadd.s32 $0x1E, v5;
	[tilespmem:s18+$0x12800] =	vst v11;
	v52 =	vld.idx.msk [tilespmem:v46+s3+$0x0], $0xffff  }
0x31b: {  	v54 =	vadd.s32 $0x1E, v6;
	v53 =	vld.idx.msk [tilespmem:v47+s3+$0x0], $0xffff;
	[tilespmem:s20+$0x12800] =	vst v13  }
0x31c: {  	v55 =	vadd.s32 $0x1F, v0;
	v14 =	vld.idx.msk [tilespmem:v48+s3+$0x0], $0xffff;
	[tilespmem:s21+$0x12800] =	vst v15  }
0x31d: {  	v56 =	vadd.s32 $0x1F, v1;
	v10 =	vld.idx.msk [tilespmem:v49+s3+$0x0], $0xffff;
	[tilespmem:s23+$0x12800] =	vst v2  }
0x31e: {  	v57 =	vadd.s32 $0x1F, v3;
	v58 =	vld.idx.msk [tilespmem:v50+s3+$0x0], $0xffff;
	[tilespmem:s24+$0x12800] =	vst v9  }
0x31f: {  	v59 =	vadd.s32 $0x1F, v4;
	v7 =	vld.idx.msk [tilespmem:v51+s3+$0x0], $0xffff;
	[tilespmem:s25+$0x12800] =	vst v52  }
0x320: {  	v60 =	vadd.s32 $0x1F, v5;
	[tilespmem:s18+$0x12880] =	vst v53;
	v61 =	vld.idx.msk [tilespmem:v54+s3+$0x0], $0xffff  }
0x321: {  	v6 =	vadd.s32 $0x1F, v6;
	v0 =	vld.idx.msk [tilespmem:v55+s3+$0x0], $0xffff;
	[tilespmem:s20+$0x12880] =	vst v14  }
0x322: {  	v1 =	vld.idx.msk [tilespmem:v56+s3+$0x0], $0xffff;
	[tilespmem:s21+$0x12880] =	vst v10  }
0x323: {  	v2 =	vld.idx.msk [tilespmem:v57+s3+$0x0], $0xffff;
	[tilespmem:s23+$0x12880] =	vst v58  }
0x324: {  	v3 =	vld.idx.msk [tilespmem:v59+s3+$0x0], $0xffff;
	[tilespmem:s24+$0x12880] =	vst v7  }
0x325: {  	v62 =	vld.idx.msk [tilespmem:v60+s3+$0x0], $0xffff;
	[tilespmem:s25+$0x12880] =	vst v61  }
0x326: {  	[tilespmem:s18+$0x12900] =	vst v0;
	v63 =	vld.idx.msk [tilespmem:v6+s3+$0x0], $0xffff  }
0x327: {  	[tilespmem:s20+$0x12900] =	vst v1  }
0x328: {  	[tilespmem:s21+$0x12900] =	vst v2  }
0x329: {  	[tilespmem:s23+$0x12900] =	vst v3  }
0x32a: {  	[tilespmem:s24+$0x12900] =	vst v62  }
0x32b: {  	[tilespmem:s25+$0x12900] =	vst v63  }
0x32c: {  	s18 =	simm.s32 $0x1;
	s0 =	rddreg [dreg:$0x5]  }
0x32d: {  	[hbm4b:s0+s11] =	stream.strided.scatter [tilespmem:s14], [sflag:$0x2], $0x4000, s12, s11, $0x38;
	[tilespmem:$0x13580] =	vst v63  }
.LBB2_6:
0x32e: {  	s0 =	sshll.u32 s18, $0xA  }
0x32f: {  	s1 =	simm.s32 $0x0;
	s0 =	sand.u32 $0x3FFFFC00, s0  }
0x330: {  	_ =	swait.ge [sflag:s15], $0x4000;
	s19 =	sand.u32 $0x180, s1;
	s25 =	sadd.s32 $0x8180, s0  }
0x331: {  	[sflag:s15] =	ssyncset.done $0x0;
	s4 =	sand.u32 $0x70, s1;
	s0 =	sadd.s32 s19, s25  }
0x332: {  	[sflag:s15] =	ssyncadd.s32 $0xFFFFC000;
	s0 =	sadd.s32 s4, s0  }
0x333: {  	v0 =	vld [tilespmem:s0+$0x0];
	_ =	sdelay $0x4  }
0x334: {  	v6 =	vmul.u32 $0x21, v0;
	_ =	sdelay $0x5  }
0x335: {  	v0 =	vld.idx.msk [tilespmem:v6+s3+$0x0], $0xffff  }
0x336: {  	v1 =	vadd.s32 $0x1, v6;
	_ =	sdelay $0x1  }
0x337: {  	s20 =	sand.u32 $0xC00, s1  }
0x338: {  	s24 =	sor.u32 s4, s20  }
0x339: {  	[tilespmem:s24+$0xB580] =	vst v0  }
0x33a: {  	v0 =	vld.idx.msk [tilespmem:v1+s3+$0x0], $0xffff  }
0x33b: {  	v1 =	vadd.s32 $0x2, v6;
	_ =	sdelay $0x3  }
0x33c: {  	[tilespmem:s24+$0xB600] =	vst v0  }
0x33d: {  	v0 =	vld.idx.msk [tilespmem:v1+s3+$0x0], $0xffff  }
0x33e: {  	s0 =	simm.s32 $0x10;
	v1 =	vadd.s32 $0x3, v6  }
0x33f: {  	s21 =	sand.u32 $0x180, s0  }
0x340: {  	s6 =	sand.u32 $0x70, s0;
	s4 =	sadd.s32 s21, s25  }
0x341: {  	s4 =	sadd.s32 s6, s4  }
0x342: {  	v2 =	vld [tilespmem:s4+$0x0];
	[tilespmem:s24+$0xB680] =	vst v0  }
0x343: {  	v0 =	vld.idx.msk [tilespmem:v1+s3+$0x0], $0xffff  }
0x344: {  	v1 =	vadd.s32 $0x4, v6;
	_ =	sdelay $0x2  }
0x345: {  	v2 =	vmul.u32 $0x21, v2  }
0x346: {  	[tilespmem:s24+$0xB700] =	vst v0  }
0x347: {  	v0 =	vld.idx.msk [tilespmem:v1+s3+$0x0], $0xffff  }
0x348: {  	v1 =	vadd.s32 $0x5, v6;
	_ =	sdelay $0x2  }
0x349: {  	v3 =	vld.idx.msk [tilespmem:v2+s3+$0x0], $0xffff  }
0x34a: {  	[tilespmem:s24+$0xB780] =	vst v0;
	v0 =	vadd.s32 $0x1, v2  }
0x34b: {  	s21 =	simm.s32 $0x80;
	v1 =	vld.idx.msk [tilespmem:v1+s3+$0x0], $0xffff  }
0x34c: {  	s22 =	sand.u32 $0xC00, s21;
	v4 =	vadd.s32 $0x6, v6  }
0x34d: {  	s20 =	sor.u32 s6, s22  }
0x34e: {  	[tilespmem:s20+$0xB580] =	vst v3  }
0x34f: {  	v0 =	vld.idx.msk [tilespmem:v0+s3+$0x0], $0xffff  }
0x350: {  	[tilespmem:s24+$0xB800] =	vst v1;
	v1 =	vadd.s32 $0x2, v2  }
0x351: {  	v3 =	vld.idx.msk [tilespmem:v4+s3+$0x0], $0xffff  }
0x352: {  	v4 =	vadd.s32 $0x7, v6;
	_ =	sdelay $0x1  }
0x353: {  	[tilespmem:s20+$0xB600] =	vst v0  }
0x354: {  	v0 =	vld.idx.msk [tilespmem:v1+s3+$0x0], $0xffff  }
0x355: {  	s4 =	simm.s32 $0x20;
	v1 =	vadd.s32 $0x3, v2;
	[tilespmem:s24+$0xB880] =	vst v3  }
0x356: {  	s23 =	sand.u32 $0x180, s4;
	v3 =	vld.idx.msk [tilespmem:v4+s3+$0x0], $0xffff  }
0x357: {  	s8 =	sand.u32 $0x70, s4;
	s6 =	sadd.s32 s23, s25;
	v4 =	vadd.s32 $0x8, v6  }
0x358: {  	s6 =	sadd.s32 s8, s6  }
0x359: {  	s1 =	sor.u32 s1, s1;
	v5 =	vld [tilespmem:s6+$0x0];
	[tilespmem:s20+$0xB680] =	vst v0  }
0x35a: {  	s1 =	sor.u32 $0x380, s1;
	v1 =	vld.idx.msk [tilespmem:v1+s3+$0x0], $0xffff  }
0x35b: {  	[tilespmem:s1+$0xB580] =	vst v3;
	v3 =	vadd.s32 $0x4, v2  }
0x35c: {  	v4 =	vld.idx.msk [tilespmem:v4+s3+$0x0], $0xffff  }
0x35d: {  	v7 =	vadd.s32 $0x9, v6  }
0x35e: {  	v0 =	vmul.u32 $0x21, v5  }
0x35f: {  	[tilespmem:s20+$0xB700] =	vst v1  }
0x360: {  	v1 =	vld.idx.msk [tilespmem:v3+s3+$0x0], $0xffff  }
0x361: {  	v3 =	vadd.s32 $0x5, v2;
	[tilespmem:s24+$0xC580] =	vst v4  }
0x362: {  	v4 =	vld.idx.msk [tilespmem:v7+s3+$0x0], $0xffff  }
0x363: {  	v5 =	vadd.s32 $0xA, v6  }
0x364: {  	v7 =	vld.idx.msk [tilespmem:v0+s3+$0x0], $0xffff  }
0x365: {  	[tilespmem:s20+$0xB780] =	vst v1;
	v1 =	vadd.s32 $0x1, v0  }
0x366: {  	s6 =	simm.s32 $0x100;
	v3 =	vld.idx.msk [tilespmem:v3+s3+$0x0], $0xffff  }
0x367: {  	s26 =	sand.u32 $0xC00, s6;
	[tilespmem:s24+$0xC600] =	vst v4;
	v4 =	vadd.s32 $0x6, v2  }
0x368: {  	s19 =	sor.u32 s8, s26;
	v5 =	vld.idx.msk [tilespmem:v5+s3+$0x0], $0xffff  }
0x369: {  	[tilespmem:s19+$0xB580] =	vst v7;
	v7 =	vadd.s32 $0xB, v6  }
0x36a: {  	v1 =	vld.idx.msk [tilespmem:v1+s3+$0x0], $0xffff  }
0x36b: {  	[tilespmem:s20+$0xB800] =	vst v3;
	v3 =	vadd.s32 $0x2, v0  }
0x36c: {  	v4 =	vld.idx.msk [tilespmem:v4+s3+$0x0], $0xffff  }
0x36d: {  	[tilespmem:s24+$0xC680] =	vst v5;
	v5 =	vadd.s32 $0x7, v2  }
0x36e: {  	v7 =	vld.idx.msk [tilespmem:v7+s3+$0x0], $0xffff  }
0x36f: {  	[tilespmem:s19+$0xB600] =	vst v1;
	v1 =	vadd.s32 $0xC, v6  }
0x370: {  	v3 =	vld.idx.msk [tilespmem:v3+s3+$0x0], $0xffff  }
0x371: {  	s1 =	simm.s32 $0x30;
	[tilespmem:s20+$0xB880] =	vst v4;
	v4 =	vadd.s32 $0x3, v0  }
0x372: {  	s9 =	sand.u32 $0x180, s1;
	v5 =	vld.idx.msk [tilespmem:v5+s3+$0x0], $0xffff  }
0x373: {  	s22 =	sand.u32 $0x70, s1;
	s8 =	sadd.s32 s9, s25;
	[tilespmem:s24+$0xC700] =	vst v7;
	v7 =	vadd.s32 $0x8, v2  }
0x374: {  	s8 =	sadd.s32 s22, s8;
	v1 =	vld.idx.msk [tilespmem:v1+s3+$0x0], $0xffff  }
0x375: {  	s0 =	sor.u32 s21, s0;
	v8 =	vld [tilespmem:s8+$0x0];
	[tilespmem:s19+$0xB680] =	vst v3;
	v3 =	vadd.s32 $0xD, v6  }
0x376: {  	s0 =	sor.u32 $0x380, s0;
	v4 =	vld.idx.msk [tilespmem:v4+s3+$0x0], $0xffff  }
0x377: {  	[tilespmem:s0+$0xB580] =	vst v5;
	v5 =	vadd.s32 $0x4, v0  }
0x378: {  	v7 =	vld.idx.msk [tilespmem:v7+s3+$0x0], $0xffff  }
0x379: {  	v9 =	vadd.s32 $0x9, v2;
	[tilespmem:s24+$0xC780] =	vst v1  }
0x37a: {  	v3 =	vld.idx.msk [tilespmem:v3+s3+$0x0], $0xffff  }
0x37b: {  	v1 =	vmul.u32 $0x21, v8;
	[tilespmem:s19+$0xB700] =	vst v4;
	v4 =	vadd.s32 $0xE, v6  }
0x37c: {  	v5 =	vld.idx.msk [tilespmem:v5+s3+$0x0], $0xffff  }
0x37d: {  	[tilespmem:s20+$0xC580] =	vst v7;
	v7 =	vadd.s32 $0x5, v0  }
0x37e: {  	v8 =	vld.idx.msk [tilespmem:v9+s3+$0x0], $0xffff  }
0x37f: {  	[tilespmem:s24+$0xC800] =	vst v3;
	v3 =	vadd.s32 $0xA, v2  }
0x380: {  	v4 =	vld.idx.msk [tilespmem:v4+s3+$0x0], $0xffff  }
0x381: {  	v9 =	vld.idx.msk [tilespmem:v1+s3+$0x0], $0xffff;
	[tilespmem:s19+$0xB780] =	vst v5;
	v5 =	vadd.s32 $0xF, v6  }
0x382: {  	v10 =	vadd.s32 $0x1, v1;
	v7 =	vld.idx.msk [tilespmem:v7+s3+$0x0], $0xffff  }
0x383: {  	s23 =	simm.s32 $0x180;
	[tilespmem:s20+$0xC600] =	vst v8;
	v8 =	vadd.s32 $0x6, v0  }
0x384: {  	s21 =	sand.u32 $0xC00, s23;
	v3 =	vld.idx.msk [tilespmem:v3+s3+$0x0], $0xffff  }
0x385: {  	s21 =	sor.u32 s22, s21;
	[tilespmem:s24+$0xC880] =	vst v4;
	v4 =	vadd.s32 $0xB, v2  }
0x386: {  	[tilespmem:s21+$0xB580] =	vst v9;
	v5 =	vld.idx.msk [tilespmem:v5+s3+$0x0], $0xffff  }
0x387: {  	v9 =	vld.idx.msk [tilespmem:v10+s3+$0x0], $0xffff;
	[tilespmem:s19+$0xB800] =	vst v7;
	v7 =	vadd.s32 $0x10, v6  }
0x388: {  	v10 =	vadd.s32 $0x2, v1;
	v8 =	vld.idx.msk [tilespmem:v8+s3+$0x0], $0xffff  }
0x389: {  	[tilespmem:s20+$0xC680] =	vst v3;
	v3 =	vadd.s32 $0x7, v0  }
0x38a: {  	v4 =	vld.idx.msk [tilespmem:v4+s3+$0x0], $0xffff  }
0x38b: {  	[tilespmem:s24+$0xC900] =	vst v5;
	v5 =	vadd.s32 $0xC, v2  }
0x38c: {  	[tilespmem:s21+$0xB600] =	vst v9;
	v7 =	vld.idx.msk [tilespmem:v7+s3+$0x0], $0xffff  }
0x38d: {  	s0 =	simm.s32 $0x40;
	v9 =	vld.idx.msk [tilespmem:v10+s3+$0x0], $0xffff;
	[tilespmem:s19+$0xB880] =	vst v8;
	v8 =	vadd.s32 $0x11, v6  }
0x38e: {  	s26 =	sand.u32 $0x180, s0;
	v10 =	vadd.s32 $0x3, v1;
	v3 =	vld.idx.msk [tilespmem:v3+s3+$0x0], $0xffff  }
0x38f: {  	s9 =	sand.u32 $0x70, s0;
	s8 =	sadd.s32 s26, s25;
	[tilespmem:s20+$0xC700] =	vst v4;
	v4 =	vadd.s32 $0x8, v0  }
0x390: {  	s8 =	sadd.s32 s9, s8;
	v5 =	vld.idx.msk [tilespmem:v5+s3+$0x0], $0xffff  }
0x391: {  	s4 =	sor.u32 s6, s4;
	v11 =	vld [tilespmem:s8+$0x0];
	[tilespmem:s24+$0xD580] =	vst v7;
	v7 =	vadd.s32 $0xD, v2  }
0x392: {  	s4 =	sor.u32 $0x380, s4;
	[tilespmem:s21+$0xB680] =	vst v9;
	v8 =	vld.idx.msk [tilespmem:v8+s3+$0x0], $0xffff  }
0x393: {  	v9 =	vld.idx.msk [tilespmem:v10+s3+$0x0], $0xffff;
	v10 =	vadd.s32 $0x12, v6;
	[tilespmem:s4+$0xB580] =	vst v3  }
0x394: {  	v12 =	vadd.s32 $0x4, v1;
	v4 =	vld.idx.msk [tilespmem:v4+s3+$0x0], $0xffff  }
0x395: {  	[tilespmem:s20+$0xC780] =	vst v5;
	v5 =	vadd.s32 $0x9, v0  }
0x396: {  	v7 =	vld.idx.msk [tilespmem:v7+s3+$0x0], $0xffff  }
0x397: {  	v3 =	vmul.u32 $0x21, v11;
	[tilespmem:s24+$0xD600] =	vst v8;
	v8 =	vadd.s32 $0xE, v2  }
0x398: {  	[tilespmem:s21+$0xB700] =	vst v9;
	v9 =	vld.idx.msk [tilespmem:v10+s3+$0x0], $0xffff  }
0x399: {  	v10 =	vld.idx.msk [tilespmem:v12+s3+$0x0], $0xffff;
	[tilespmem:s19+$0xC580] =	vst v4;
	v4 =	vadd.s32 $0x13, v6  }
0x39a: {  	v11 =	vadd.s32 $0x5, v1;
	v5 =	vld.idx.msk [tilespmem:v5+s3+$0x0], $0xffff  }
0x39b: {  	[tilespmem:s20+$0xC800] =	vst v7;
	v7 =	vadd.s32 $0xA, v0  }
0x39c: {  	v8 =	vld.idx.msk [tilespmem:v8+s3+$0x0], $0xffff  }
0x39d: {  	v12 =	vld.idx.msk [tilespmem:v3+s3+$0x0], $0xffff;
	[tilespmem:s24+$0xD680] =	vst v9;
	v9 =	vadd.s32 $0xF, v2  }
0x39e: {  	[tilespmem:s21+$0xB780] =	vst v10;
	v10 =	vadd.s32 $0x1, v3;
	v4 =	vld.idx.msk [tilespmem:v4+s3+$0x0], $0xffff  }
0x39f: {  	s6 =	simm.s32 $0x200;
	v11 =	vld.idx.msk [tilespmem:v11+s3+$0x0], $0xffff;
	[tilespmem:s19+$0xC600] =	vst v5;
	v5 =	vadd.s32 $0x14, v6  }
0x3a0: {  	s26 =	sand.u32 $0xC00, s6;
	v13 =	vadd.s32 $0x6, v1;
	v7 =	vld.idx.msk [tilespmem:v7+s3+$0x0], $0xffff  }
0x3a1: {  	s22 =	sor.u32 s9, s26;
	[tilespmem:s20+$0xC880] =	vst v8;
	v8 =	vadd.s32 $0xB, v0  }
0x3a2: {  	[tilespmem:s22+$0xB580] =	vst v12;
	v9 =	vld.idx.msk [tilespmem:v9+s3+$0x0], $0xffff  }
0x3a3: {  	v10 =	vld.idx.msk [tilespmem:v10+s3+$0x0], $0xffff;
	[tilespmem:s24+$0xD700] =	vst v4;
	v4 =	vadd.s32 $0x10, v2  }
0x3a4: {  	[tilespmem:s21+$0xB800] =	vst v11;
	v11 =	vadd.s32 $0x2, v3;
	v5 =	vld.idx.msk [tilespmem:v5+s3+$0x0], $0xffff  }
0x3a5: {  	v12 =	vld.idx.msk [tilespmem:v13+s3+$0x0], $0xffff;
	[tilespmem:s19+$0xC680] =	vst v7;
	v7 =	vadd.s32 $0x15, v6  }
0x3a6: {  	v13 =	vadd.s32 $0x7, v1;
	v8 =	vld.idx.msk [tilespmem:v8+s3+$0x0], $0xffff  }
0x3a7: {  	[tilespmem:s20+$0xC900] =	vst v9;
	v9 =	vadd.s32 $0xC, v0  }
0x3a8: {  	[tilespmem:s22+$0xB600] =	vst v10;
	v4 =	vld.idx.msk [tilespmem:v4+s3+$0x0], $0xffff  }
0x3a9: {  	s29 =	simm.s32 $0x50;
	v10 =	vld.idx.msk [tilespmem:v11+s3+$0x0], $0xffff;
	[tilespmem:s24+$0xD780] =	vst v5;
	v5 =	vadd.s32 $0x11, v2  }
0x3aa: {  	s8 =	sand.u32 $0x180, s29;
	v11 =	vadd.s32 $0x3, v3;
	[tilespmem:s21+$0xB880] =	vst v12;
	v7 =	vld.idx.msk [tilespmem:v7+s3+$0x0], $0xffff  }
0x3ab: {  	s9 =	sand.u32 $0x70, s29;
	s4 =	sadd.s32 s8, s25;
	v12 =	vld.idx.msk [tilespmem:v13+s3+$0x0], $0xffff;
	[tilespmem:s19+$0xC700] =	vst v8;
	v8 =	vadd.s32 $0x16, v6  }
0x3ac: {  	s4 =	sadd.s32 s9, s4;
	v13 =	vadd.s32 $0x8, v1;
	v9 =	vld.idx.msk [tilespmem:v9+s3+$0x0], $0xffff  }
0x3ad: {  	v14 =	vld [tilespmem:s4+$0x0];
	[tilespmem:s20+$0xD580] =	vst v4;
	v4 =	vadd.s32 $0xD, v0  }
0x3ae: {  	s1 =	sor.u32 s23, s1;
	[tilespmem:s22+$0xB680] =	vst v10;
	v5 =	vld.idx.msk [tilespmem:v5+s3+$0x0], $0xffff  }
0x3af: {  	s28 =	simm.s32 $0x60;
	s1 =	sor.u32 $0x380, s1;
	v10 =	vld.idx.msk [tilespmem:v11+s3+$0x0], $0xffff;
	[tilespmem:s24+$0xD800] =	vst v7;
	v7 =	vadd.s32 $0x12, v2  }
0x3b0: {  	s23 =	sand.u32 $0x180, s28;
	v11 =	vadd.s32 $0x4, v3;
	[tilespmem:s1+$0xB580] =	vst v12;
	v8 =	vld.idx.msk [tilespmem:v8+s3+$0x0], $0xffff  }
0x3b1: {  	s4 =	sand.u32 $0x70, s28;
	s1 =	sadd.s32 s23, s25;
	v12 =	vld.idx.msk [tilespmem:v13+s3+$0x0], $0xffff;
	[tilespmem:s19+$0xC780] =	vst v9;
	v9 =	vadd.s32 $0x17, v6  }
0x3b2: {  	s1 =	sadd.s32 s4, s1;
	v13 =	vadd.s32 $0x9, v1;
	v15 =	vld.idx.msk [tilespmem:v4+s3+$0x0], $0xffff  }
0x3b3: {  	v16 =	vld [tilespmem:s1+$0x0];
	v4 =	vmul.u32 $0x21, v14;
	[tilespmem:s20+$0xD600] =	vst v5;
	v5 =	vadd.s32 $0xE, v0  }
0x3b4: {  	[tilespmem:s22+$0xB700] =	vst v10;
	v7 =	vld.idx.msk [tilespmem:v7+s3+$0x0], $0xffff  }
0x3b5: {  	v10 =	vld.idx.msk [tilespmem:v11+s3+$0x0], $0xffff;
	[tilespmem:s24+$0xD880] =	vst v8;
	v8 =	vadd.s32 $0x13, v2  }
0x3b6: {  	v11 =	vadd.s32 $0x5, v3;
	[tilespmem:s21+$0xC580] =	vst v12;
	v9 =	vld.idx.msk [tilespmem:v9+s3+$0x0], $0xffff  }
0x3b7: {  	v12 =	vld.idx.msk [tilespmem:v13+s3+$0x0], $0xffff;
	v13 =	vadd.s32 $0x18, v6;
	[tilespmem:s19+$0xC800] =	vst v15  }
0x3b8: {  	v14 =	vadd.s32 $0xA, v1;
	v5 =	vld.idx.msk [tilespmem:v5+s3+$0x0], $0xffff  }
0x3b9: {  	v15 =	vld.idx.msk [tilespmem:v4+s3+$0x0], $0xffff;
	[tilespmem:s20+$0xD680] =	vst v7;
	v7 =	vadd.s32 $0xF, v0  }
0x3ba: {  	[tilespmem:s22+$0xB780] =	vst v10;
	v10 =	vadd.s32 $0x1, v4;
	v8 =	vld.idx.msk [tilespmem:v8+s3+$0x0], $0xffff  }
0x3bb: {  	s31 =	simm.s32 $0x280;
	v11 =	vld.idx.msk [tilespmem:v11+s3+$0x0], $0xffff;
	[tilespmem:s24+$0xD900] =	vst v9;
	v9 =	vadd.s32 $0x14, v2  }
0x3bc: {  	s26 =	sand.u32 $0xC00, s31;
	[tilespmem:s21+$0xC600] =	vst v12;
	v12 =	vld.idx.msk [tilespmem:v13+s3+$0x0], $0xffff;
	v13 =	vadd.s32 $0x6, v3  }
0x3bd: {  	s23 =	sor.u32 s9, s26;
	v14 =	vld.idx.msk [tilespmem:v14+s3+$0x0], $0xffff;
	[tilespmem:s19+$0xC880] =	vst v5;
	v5 =	vadd.s32 $0x19, v6  }
0x3be: {  	[tilespmem:s23+$0xB580] =	vst v15;
	v15 =	vadd.s32 $0xB, v1;
	v7 =	vld.idx.msk [tilespmem:v7+s3+$0x0], $0xffff  }
0x3bf: {  	v10 =	vld.idx.msk [tilespmem:v10+s3+$0x0], $0xffff;
	[tilespmem:s20+$0xD700] =	vst v8;
	v8 =	vadd.s32 $0x10, v0  }
0x3c0: {  	[tilespmem:s22+$0xB800] =	vst v11;
	v11 =	vadd.s32 $0x2, v4;
	v9 =	vld.idx.msk [tilespmem:v9+s3+$0x0], $0xffff  }
0x3c1: {  	v13 =	vld.idx.msk [tilespmem:v13+s3+$0x0], $0xffff;
	[tilespmem:s24+$0xE580] =	vst v12;
	v12 =	vadd.s32 $0x15, v2  }
0x3c2: {  	[tilespmem:s21+$0xC680] =	vst v14;
	v14 =	vadd.s32 $0x7, v3;
	v5 =	vld.idx.msk [tilespmem:v5+s3+$0x0], $0xffff  }
0x3c3: {  	v15 =	vld.idx.msk [tilespmem:v15+s3+$0x0], $0xffff;
	[tilespmem:s19+$0xC900] =	vst v7;
	v7 =	vadd.s32 $0x1A, v6  }
0x3c4: {  	[tilespmem:s23+$0xB600] =	vst v10;
	v10 =	vadd.s32 $0xC, v1;
	v8 =	vld.idx.msk [tilespmem:v8+s3+$0x0], $0xffff  }
0x3c5: {  	v11 =	vld.idx.msk [tilespmem:v11+s3+$0x0], $0xffff;
	[tilespmem:s20+$0xD780] =	vst v9;
	v9 =	vadd.s32 $0x11, v0  }
0x3c6: {  	[tilespmem:s22+$0xB880] =	vst v13;
	v12 =	vld.idx.msk [tilespmem:v12+s3+$0x0], $0xffff;
	v13 =	vadd.s32 $0x3, v4  }
0x3c7: {  	v14 =	vld.idx.msk [tilespmem:v14+s3+$0x0], $0xffff;
	[tilespmem:s24+$0xE600] =	vst v5;
	v5 =	vadd.s32 $0x16, v2  }
0x3c8: {  	[tilespmem:s21+$0xC700] =	vst v15;
	v15 =	vadd.s32 $0x8, v3;
	v7 =	vld.idx.msk [tilespmem:v7+s3+$0x0], $0xffff  }
0x3c9: {  	v10 =	vld.idx.msk [tilespmem:v10+s3+$0x0], $0xffff;
	[tilespmem:s19+$0xD580] =	vst v8;
	v8 =	vadd.s32 $0x1B, v6  }
0x3ca: {  	s0 =	sor.u32 s6, s0;
	[tilespmem:s23+$0xB680] =	vst v11;
	v11 =	vadd.s32 $0xD, v1;
	v9 =	vld.idx.msk [tilespmem:v9+s3+$0x0], $0xffff  }
0x3cb: {  	s0 =	sor.u32 $0x380, s0;
	v13 =	vld.idx.msk [tilespmem:v13+s3+$0x0], $0xffff;
	[tilespmem:s20+$0xD800] =	vst v12  }
0x3cc: {  	s30 =	simm.s32 $0x70;
	v12 =	vadd.s32 $0x12, v0;
	[tilespmem:s0+$0xB580] =	vst v14;
	v14 =	vld.idx.msk [tilespmem:v5+s3+$0x0], $0xffff  }
0x3cd: {  	s9 =	sand.u32 $0x180, s30;
	v17 =	vadd.s32 $0x4, v4;
	v15 =	vld.idx.msk [tilespmem:v15+s3+$0x0], $0xffff;
	[tilespmem:s24+$0xE680] =	vst v7  }
0x3ce: {  	s1 =	sadd.s32 s9, s25;
	s0 =	sand.u32 $0x70, s30;
	[tilespmem:s21+$0xC780] =	vst v10;
	v10 =	vadd.s32 $0x17, v2;
	v8 =	vld.idx.msk [tilespmem:v8+s3+$0x0], $0xffff  }
0x3cf: {  	v18 =	vadd.s32 $0x9, v3;
	s1 =	sadd.s32 s0, s1;
	v11 =	vld.idx.msk [tilespmem:v11+s3+$0x0], $0xffff  }
0x3d0: {  	v7 =	vld [tilespmem:s1+$0x0];
	[tilespmem:s19+$0xD600] =	vst v9;
	v9 =	vadd.s32 $0x1C, v6  }
0x3d1: {  	v5 =	vmul.u32 $0x21, v16;
	[tilespmem:s23+$0xB700] =	vst v13;
	v13 =	vadd.s32 $0xE, v1;
	v12 =	vld.idx.msk [tilespmem:v12+s3+$0x0], $0xffff  }
0x3d2: {  	v16 =	vld.idx.msk [tilespmem:v17+s3+$0x0], $0xffff;
	[tilespmem:s20+$0xD880] =	vst v14  }
0x3d3: {  	v14 =	vadd.s32 $0x13, v0;
	[tilespmem:s22+$0xC580] =	vst v15;
	v10 =	vld.idx.msk [tilespmem:v10+s3+$0x0], $0xffff  }
0x3d4: {  	v15 =	vadd.s32 $0x5, v4;
	v17 =	vld.idx.msk [tilespmem:v18+s3+$0x0], $0xffff;
	[tilespmem:s24+$0xE700] =	vst v8  }
0x3d5: {  	[tilespmem:s21+$0xC800] =	vst v11;
	v8 =	vadd.s32 $0x18, v2;
	v9 =	vld.idx.msk [tilespmem:v9+s3+$0x0], $0xffff  }
0x3d6: {  	v11 =	vadd.s32 $0xA, v3;
	v13 =	vld.idx.msk [tilespmem:v13+s3+$0x0], $0xffff;
	[tilespmem:s19+$0xD680] =	vst v12  }
0x3d7: {  	v18 =	vld.idx.msk [tilespmem:v5+s3+$0x0], $0xffff;
	[tilespmem:s23+$0xB780] =	vst v16;
	v16 =	vadd.s32 $0xF, v1  }
0x3d8: {  	v12 =	vadd.s32 $0x1D, v6;
	v14 =	vld.idx.msk [tilespmem:v14+s3+$0x0], $0xffff;
	[tilespmem:s20+$0xD900] =	vst v10  }
0x3d9: {  	v19 =	vadd.s32 $0x1, v5;
	s1 =	simm.s32 $0x300;
	v15 =	vld.idx.msk [tilespmem:v15+s3+$0x0], $0xffff;
	[tilespmem:s22+$0xC600] =	vst v17  }
0x3da: {  	s26 =	sand.u32 $0xC00, s1;
	v10 =	vadd.s32 $0x14, v0;
	v8 =	vld.idx.msk [tilespmem:v8+s3+$0x0], $0xffff;
	[tilespmem:s24+$0xE780] =	vst v9  }
0x3db: {  	s26 =	sor.u32 s4, s26;
	v11 =	vld.idx.msk [tilespmem:v11+s3+$0x0], $0xffff;
	v9 =	vadd.s32 $0x19, v2;
	[tilespmem:s21+$0xC880] =	vst v13  }
0x3dc: {  	v17 =	vadd.s32 $0x6, v4;
	[tilespmem:s26+$0xB580] =	vst v18;
	v16 =	vld.idx.msk [tilespmem:v16+s3+$0x0], $0xffff  }
0x3dd: {  	v12 =	vld.idx.msk [tilespmem:v12+s3+$0x0], $0xffff;
	v13 =	vadd.s32 $0xB, v3;
	[tilespmem:s19+$0xD700] =	vst v14  }
0x3de: {  	v18 =	vld.idx.msk [tilespmem:v19+s3+$0x0], $0xffff;
	v14 =	vadd.s32 $0x1E, v6;
	[tilespmem:s23+$0xB800] =	vst v15  }
0x3df: {  	v15 =	vadd.s32 $0x10, v1;
	v19 =	vld.idx.msk [tilespmem:v10+s3+$0x0], $0xffff;
	[tilespmem:s20+$0xE580] =	vst v8  }
0x3e0: {  	v10 =	vadd.s32 $0x2, v5;
	[tilespmem:s22+$0xC680] =	vst v11;
	v9 =	vld.idx.msk [tilespmem:v9+s3+$0x0], $0xffff  }
0x3e1: {  	v17 =	vld.idx.msk [tilespmem:v17+s3+$0x0], $0xffff;
	[tilespmem:s21+$0xC900] =	vst v16;
	v16 =	vadd.s32 $0x1A, v2  }
0x3e2: {  	v8 =	vadd.s32 $0x15, v0;
	v13 =	vld.idx.msk [tilespmem:v13+s3+$0x0], $0xffff;
	[tilespmem:s24+$0xE800] =	vst v12  }
0x3e3: {  	v20 =	vadd.s32 $0x7, v4;
	[tilespmem:s26+$0xB600] =	vst v18;
	v14 =	vld.idx.msk [tilespmem:v14+s3+$0x0], $0xffff  }
0x3e4: {  	v18 =	vadd.s32 $0xC, v3;
	v21 =	vld.idx.msk [tilespmem:v15+s3+$0x0], $0xffff;
	[tilespmem:s19+$0xD780] =	vst v19  }
0x3e5: {  	v10 =	vld.idx.msk [tilespmem:v10+s3+$0x0], $0xffff;
	v19 =	vadd.s32 $0x1F, v6;
	[tilespmem:s20+$0xE600] =	vst v9  }
0x3e6: {  	v6 =	vld.idx.msk [tilespmem:v16+s3+$0x0], $0xffff;
	v16 =	vadd.s32 $0x11, v1  }
0x3e7: {  	[tilespmem:s23+$0xB880] =	vst v17;
	v11 =	vld.idx.msk [tilespmem:v8+s3+$0x0], $0xffff;
	v17 =	vadd.s32 $0x3, v5  }
0x3e8: {  	v15 =	vadd.s32 $0x16, v0;
	v12 =	vld.idx.msk [tilespmem:v20+s3+$0x0], $0xffff;
	[tilespmem:s22+$0xC700] =	vst v13  }
0x3e9: {  	v8 =	vld.idx.msk [tilespmem:v18+s3+$0x0], $0xffff;
	[tilespmem:s24+$0xE880] =	vst v14;
	v14 =	vadd.s32 $0x8, v4  }
0x3ea: {  	s4 =	simm.s32 $0x80;
	v13 =	vadd.s32 $0x1B, v2;
	[tilespmem:s21+$0xD580] =	vst v21;
	v9 =	vld.idx.msk [tilespmem:v19+s3+$0x0], $0xffff  }
.LBB2_7:
0x3eb: {  	p0 =	sne.s32 s4, $0x1F0;
	[tilespmem:s26+$0xB680] =	vst v10;
	s6 =	sor.u32 s31, s29;
	v10 =	vadd.s32 $0xD, v3;
	v16 =	vld.idx.msk [tilespmem:v16+s3+$0x0], $0xffff;
	s31 =	smov.u32 s1  }
0x3ec: {  	s29 =	smov.u32 s28;
	s28 =	smov.u32 s30;
	v17 =	vld.idx.msk [tilespmem:v17+s3+$0x0], $0xffff;
	s6 =	sor.u32 $0x380, s6;
	[tilespmem:s19+$0xD800] =	vst v11  }
0x3ed: {  	s30 =	smov.u32 s4;
	v11 =	vadd.s32 $0x12, v1;
	[tilespmem:s6+$0xB580] =	vst v12;
	v12 =	vld.idx.msk [tilespmem:v15+s3+$0x0], $0xffff  }
0x3ee: {  	s8 =	sand.u32 $0x180, s4;
	v15 =	vadd.s32 $0x4, v5;
	v14 =	vld.idx.msk [tilespmem:v14+s3+$0x0], $0xffff;
	[tilespmem:s20+$0xE680] =	vst v6  }
0x3ef: {  	s8 =	sadd.s32 s8, s25;
	s6 =	sand.u32 $0x70, s4;
	v6 =	vadd.s32 $0x17, v0;
	[tilespmem:s22+$0xC780] =	vst v8;
	v8 =	vld.idx.msk [tilespmem:v13+s3+$0x0], $0xffff  }
0x3f0: {  	s8 =	sadd.s32 s6, s8;
	v13 =	vadd.s32 $0x9, v4;
	v10 =	vld.idx.msk [tilespmem:v10+s3+$0x0], $0xffff;
	[tilespmem:s24+$0xE900] =	vst v9;
	s24 =	smov.u32 s20;
	s20 =	smov.u32 s19  }
0x3f1: {  	s19 =	smov.u32 s21;
	v9 =	vld [tilespmem:s8+$0x0];
	[tilespmem:s21+$0xD600] =	vst v16;
	v16 =	vadd.s32 $0x1C, v2;
	s21 =	smov.u32 s22;
	s22 =	smov.u32 s23  }
0x3f2: {  	v18 =	vmul.u32 $0x21, v7;
	s23 =	smov.u32 s26;
	[tilespmem:s26+$0xB700] =	vst v17;
	v17 =	vadd.s32 $0xE, v3;
	v11 =	vld.idx.msk [tilespmem:v11+s3+$0x0], $0xffff  }
0x3f3: {  	v15 =	vld.idx.msk [tilespmem:v15+s3+$0x0], $0xffff;
	[tilespmem:s20+$0xD880] =	vst v12  }
0x3f4: {  	v12 =	vadd.s32 $0x13, v1;
	[tilespmem:s22+$0xC580] =	vst v14;
	v6 =	vld.idx.msk [tilespmem:v6+s3+$0x0], $0xffff  }
0x3f5: {  	v14 =	vadd.s32 $0x5, v5;
	v13 =	vld.idx.msk [tilespmem:v13+s3+$0x0], $0xffff;
	[tilespmem:s24+$0xE700] =	vst v8  }
0x3f6: {  	v8 =	vadd.s32 $0x18, v0;
	[tilespmem:s21+$0xC800] =	vst v10;
	v10 =	vld.idx.msk [tilespmem:v16+s3+$0x0], $0xffff;
	v7 =	vmov v9  }
0x3f7: {  	v9 =	vadd.s32 $0xA, v4;
	v16 =	vld.idx.msk [tilespmem:v17+s3+$0x0], $0xffff  }
0x3f8: {  	v17 =	vld.idx.msk [tilespmem:v18+s3+$0x0], $0xffff;
	[tilespmem:s19+$0xD680] =	vst v11;
	v11 =	vadd.s32 $0x1D, v2  }
0x3f9: {  	[tilespmem:s23+$0xB780] =	vst v15;
	v15 =	vadd.s32 $0xF, v3;
	v12 =	vld.idx.msk [tilespmem:v12+s3+$0x0], $0xffff  }
0x3fa: {  	v19 =	vadd.s32 $0x1, v18;
	v14 =	vld.idx.msk [tilespmem:v14+s3+$0x0], $0xffff;
	[tilespmem:s20+$0xD900] =	vst v6  }
0x3fb: {  	s1 =	sadd.s32 $0x80, s1;
	v6 =	vadd.s32 $0x14, v1;
	[tilespmem:s22+$0xC600] =	vst v13;
	v8 =	vld.idx.msk [tilespmem:v8+s3+$0x0], $0xffff  }
0x3fc: {  	s8 =	sand.u32 $0xC00, s1;
	v13 =	vadd.s32 $0x6, v5;
	v9 =	vld.idx.msk [tilespmem:v9+s3+$0x0], $0xffff;
	[tilespmem:s24+$0xE780] =	vst v10  }
0x3fd: {  	s26 =	sor.u32 s0, s8;
	s0 =	smov.u32 s6;
	v10 =	vadd.s32 $0x19, v0;
	[tilespmem:s21+$0xC880] =	vst v16;
	v11 =	vld.idx.msk [tilespmem:v11+s3+$0x0], $0xffff  }
0x3fe: {  	v16 =	vadd.s32 $0xB, v4;
	[tilespmem:s26+$0xB580] =	vst v17;
	v15 =	vld.idx.msk [tilespmem:v15+s3+$0x0], $0xffff  }
0x3ff: {  	v17 =	vld.idx.msk [tilespmem:v19+s3+$0x0], $0xffff;
	[tilespmem:s19+$0xD700] =	vst v12;
	v12 =	vadd.s32 $0x1E, v2  }
0x400: {  	[tilespmem:s23+$0xB800] =	vst v14;
	v14 =	vadd.s32 $0x10, v3;
	v6 =	vld.idx.msk [tilespmem:v6+s3+$0x0], $0xffff  }
0x401: {  	v19 =	vadd.s32 $0x2, v18;
	v13 =	vld.idx.msk [tilespmem:v13+s3+$0x0], $0xffff;
	[tilespmem:s20+$0xE580] =	vst v8  }
0x402: {  	v8 =	vadd.s32 $0x15, v1;
	[tilespmem:s22+$0xC680] =	vst v9;
	v9 =	vld.idx.msk [tilespmem:v10+s3+$0x0], $0xffff  }
0x403: {  	v20 =	vadd.s32 $0x7, v5;
	v21 =	vld.idx.msk [tilespmem:v16+s3+$0x0], $0xffff;
	[tilespmem:s24+$0xE800] =	vst v11  }
0x404: {  	v22 =	vadd.s32 $0x1A, v0;
	[tilespmem:s21+$0xC900] =	vst v15;
	v23 =	vld.idx.msk [tilespmem:v12+s3+$0x0], $0xffff  }
0x405: {  	v24 =	vadd.s32 $0xC, v4;
	[tilespmem:s26+$0xB600] =	vst v17;
	v25 =	vld.idx.msk [tilespmem:v14+s3+$0x0], $0xffff  }
0x406: {  	v10 =	vld.idx.msk [tilespmem:v19+s3+$0x0], $0xffff;
	[tilespmem:s19+$0xD780] =	vst v6;
	v19 =	vadd.s32 $0x1F, v2;
	v2 =	vmovc v0;
	v0 =	vmovc v1;
	v1 =	vmov v3;
	v3 =	vmov v4  }
.Ltmp2:
0x407: {  	v4 =	vmov v5;
	v5 =	vmov v18;
	[tilespmem:s23+$0xB880] =	vst v13;
	v16 =	vadd.s32 $0x11, v1;
	v11 =	vld.idx.msk [tilespmem:v8+s3+$0x0], $0xffff;
	(pc) =	sbr.rel @p0 .LBB2_7-.Ltmp2, $4  }
0x408: {  	v17 =	vadd.s32 $0x3, v5;
	v12 =	vld.idx.msk [tilespmem:v20+s3+$0x0], $0xffff;
	[tilespmem:s20+$0xE600] =	vst v9  }
0x409: {  	v15 =	vadd.s32 $0x16, v0;
	[tilespmem:s22+$0xC700] =	vst v21;
	v6 =	vld.idx.msk [tilespmem:v22+s3+$0x0], $0xffff  }
0x40a: {  	v14 =	vadd.s32 $0x8, v4;
	v8 =	vld.idx.msk [tilespmem:v24+s3+$0x0], $0xffff;
	[tilespmem:s24+$0xE880] =	vst v23  }
0x40b: {  	s4 =	sadd.s32 $0x10, s4;
	v13 =	vadd.s32 $0x1B, v2;
	[tilespmem:s21+$0xD580] =	vst v25;
	v9 =	vld.idx.msk [tilespmem:v19+s3+$0x0], $0xffff  }
0x40c: {  	_ =	sdelay $0x2  }
0x40d: {  	[tilespmem:s26+$0xB680] =	vst v10;
	s4 =	sor.u32 s31, s29  }
0x40e: {  	v10 =	vadd.s32 $0xD, v3;
	v16 =	vld.idx.msk [tilespmem:v16+s3+$0x0], $0xffff;
	[tilespmem:s19+$0xD800] =	vst v11;
	s4 =	sor.u32 $0x380, s4  }
0x40f: {  	v11 =	vld.idx.msk [tilespmem:v17+s3+$0x0], $0xffff;
	[tilespmem:s4+$0xB580] =	vst v12;
	v12 =	vadd.s32 $0x12, v1  }
0x410: {  	v15 =	vld.idx.msk [tilespmem:v15+s3+$0x0], $0xffff;
	v17 =	vadd.s32 $0x4, v5;
	[tilespmem:s20+$0xE680] =	vst v6  }
0x411: {  	v14 =	vld.idx.msk [tilespmem:v14+s3+$0x0], $0xffff;
	[tilespmem:s22+$0xC780] =	vst v8;
	v8 =	vadd.s32 $0x17, v0  }
0x412: {  	v18 =	vadd.s32 $0x9, v4;
	v13 =	vld.idx.msk [tilespmem:v13+s3+$0x0], $0xffff;
	[tilespmem:s24+$0xE900] =	vst v9  }
0x413: {  	v10 =	vld.idx.msk [tilespmem:v10+s3+$0x0], $0xffff;
	[tilespmem:s21+$0xD600] =	vst v16;
	v16 =	vadd.s32 $0x1C, v2  }
0x414: {  	v6 =	vmul.u32 $0x21, v7;
	[tilespmem:s26+$0xB700] =	vst v11;
	v11 =	vadd.s32 $0xE, v3;
	v9 =	vld.idx.msk [tilespmem:v12+s3+$0x0], $0xffff  }
0x415: {  	[tilespmem:s19+$0xD880] =	vst v15;
	v12 =	vld.idx.msk [tilespmem:v17+s3+$0x0], $0xffff  }
0x416: {  	[tilespmem:s23+$0xC580] =	vst v14;
	v8 =	vld.idx.msk [tilespmem:v8+s3+$0x0], $0xffff  }
0x417: {  	[tilespmem:s20+$0xE700] =	vst v13;
	v14 =	vld.idx.msk [tilespmem:v18+s3+$0x0], $0xffff  }
0x418: {  	[tilespmem:s22+$0xC800] =	vst v10;
	v7 =	vld.idx.msk [tilespmem:v16+s3+$0x0], $0xffff  }
0x419: {  	v10 =	vld.idx.msk [tilespmem:v11+s3+$0x0], $0xffff  }
0x41a: {  	v11 =	vld.idx.msk [tilespmem:v6+s3+$0x0], $0xffff  }
0x41b: {  	v13 =	vadd.s32 $0x1, v6  }
0x41c: {  	s25 =	sadd.s32 $0x80, s1  }
0x41d: {  	s6 =	sand.u32 $0xC00, s25  }
0x41e: {  	s8 =	sor.u32 s0, s6  }
0x41f: {  	[tilespmem:s8+$0xB580] =	vst v11  }
0x420: {  	v11 =	vld.idx.msk [tilespmem:v13+s3+$0x0], $0xffff  }
0x421: {  	v13 =	vadd.s32 $0x2, v6;
	_ =	sdelay $0x3  }
0x422: {  	[tilespmem:s8+$0xB600] =	vst v11  }
0x423: {  	v11 =	vld.idx.msk [tilespmem:v13+s3+$0x0], $0xffff  }
0x424: {  	v13 =	vadd.s32 $0x3, v6;
	_ =	sdelay $0x3  }
0x425: {  	[tilespmem:s8+$0xB680] =	vst v11  }
0x426: {  	v11 =	vld.idx.msk [tilespmem:v13+s3+$0x0], $0xffff  }
0x427: {  	v13 =	vadd.s32 $0x4, v6;
	_ =	sdelay $0x3  }
0x428: {  	[tilespmem:s8+$0xB700] =	vst v11  }
0x429: {  	v11 =	vadd.s32 $0x5, v5;
	v13 =	vld.idx.msk [tilespmem:v13+s3+$0x0], $0xffff  }
0x42a: {  	v15 =	vadd.s32 $0x5, v6;
	_ =	sdelay $0x2  }
0x42b: {  	[tilespmem:s26+$0xB780] =	vst v12  }
0x42c: {  	v11 =	vld.idx.msk [tilespmem:v11+s3+$0x0], $0xffff;
	[tilespmem:s8+$0xB780] =	vst v13  }
0x42d: {  	v12 =	vadd.s32 $0x6, v5;
	v13 =	vld.idx.msk [tilespmem:v15+s3+$0x0], $0xffff  }
0x42e: {  	v15 =	vadd.s32 $0x6, v6;
	_ =	sdelay $0x2  }
0x42f: {  	[tilespmem:s26+$0xB800] =	vst v11  }
0x430: {  	v11 =	vld.idx.msk [tilespmem:v12+s3+$0x0], $0xffff;
	[tilespmem:s8+$0xB800] =	vst v13  }
0x431: {  	v12 =	vadd.s32 $0x7, v5;
	v13 =	vld.idx.msk [tilespmem:v15+s3+$0x0], $0xffff  }
0x432: {  	v15 =	vadd.s32 $0x7, v6;
	_ =	sdelay $0x2  }
0x433: {  	[tilespmem:s26+$0xB880] =	vst v11  }
0x434: {  	v11 =	vld.idx.msk [tilespmem:v12+s3+$0x0], $0xffff;
	[tilespmem:s8+$0xB880] =	vst v13  }
0x435: {  	v12 =	vadd.s32 $0x8, v5;
	v13 =	vld.idx.msk [tilespmem:v15+s3+$0x0], $0xffff  }
0x436: {  	v15 =	vadd.s32 $0x8, v6  }
0x437: {  	s9 =	sor.u32 s1, s28  }
0x438: {  	s25 =	sor.u32 s25, s30;
	s0 =	sor.u32 $0x380, s9  }
0x439: {  	s1 =	sor.u32 $0x380, s25;
	[tilespmem:s0+$0xB580] =	vst v11  }
0x43a: {  	v11 =	vld.idx.msk [tilespmem:v12+s3+$0x0], $0xffff;
	[tilespmem:s1+$0xB580] =	vst v13  }
0x43b: {  	v12 =	vadd.s32 $0x9, v5;
	v13 =	vld.idx.msk [tilespmem:v15+s3+$0x0], $0xffff  }
0x43c: {  	v15 =	vadd.s32 $0x9, v6;
	_ =	sdelay $0x2  }
0x43d: {  	[tilespmem:s26+$0xC580] =	vst v11  }
0x43e: {  	v11 =	vadd.s32 $0xA, v4;
	v12 =	vld.idx.msk [tilespmem:v12+s3+$0x0], $0xffff;
	[tilespmem:s8+$0xC580] =	vst v13  }
0x43f: {  	v13 =	vadd.s32 $0xA, v5;
	v15 =	vld.idx.msk [tilespmem:v15+s3+$0x0], $0xffff  }
0x440: {  	v16 =	vadd.s32 $0xA, v6;
	_ =	sdelay $0x1  }
0x441: {  	[tilespmem:s23+$0xC600] =	vst v14  }
0x442: {  	v11 =	vld.idx.msk [tilespmem:v11+s3+$0x0], $0xffff;
	[tilespmem:s26+$0xC600] =	vst v12  }
0x443: {  	v12 =	vadd.s32 $0xB, v4;
	v13 =	vld.idx.msk [tilespmem:v13+s3+$0x0], $0xffff;
	[tilespmem:s8+$0xC600] =	vst v15  }
0x444: {  	v14 =	vadd.s32 $0xB, v5;
	v15 =	vld.idx.msk [tilespmem:v16+s3+$0x0], $0xffff  }
0x445: {  	v16 =	vadd.s32 $0xB, v6;
	_ =	sdelay $0x1  }
0x446: {  	[tilespmem:s23+$0xC680] =	vst v11  }
0x447: {  	v11 =	vld.idx.msk [tilespmem:v12+s3+$0x0], $0xffff;
	[tilespmem:s26+$0xC680] =	vst v13  }
0x448: {  	v12 =	vadd.s32 $0xC, v4;
	v13 =	vld.idx.msk [tilespmem:v14+s3+$0x0], $0xffff;
	[tilespmem:s8+$0xC680] =	vst v15  }
0x449: {  	v14 =	vadd.s32 $0xC, v5;
	v15 =	vld.idx.msk [tilespmem:v16+s3+$0x0], $0xffff  }
0x44a: {  	v16 =	vadd.s32 $0xC, v6;
	_ =	sdelay $0x1  }
0x44b: {  	[tilespmem:s23+$0xC700] =	vst v11  }
0x44c: {  	v11 =	vld.idx.msk [tilespmem:v12+s3+$0x0], $0xffff;
	[tilespmem:s26+$0xC700] =	vst v13  }
0x44d: {  	v12 =	vadd.s32 $0xD, v4;
	v13 =	vld.idx.msk [tilespmem:v14+s3+$0x0], $0xffff;
	[tilespmem:s8+$0xC700] =	vst v15  }
0x44e: {  	v14 =	vadd.s32 $0xD, v5;
	v15 =	vld.idx.msk [tilespmem:v16+s3+$0x0], $0xffff  }
0x44f: {  	v16 =	vadd.s32 $0xD, v6;
	_ =	sdelay $0x1  }
0x450: {  	[tilespmem:s23+$0xC780] =	vst v11  }
0x451: {  	v11 =	vld.idx.msk [tilespmem:v12+s3+$0x0], $0xffff;
	[tilespmem:s26+$0xC780] =	vst v13  }
0x452: {  	v12 =	vadd.s32 $0xE, v4;
	v13 =	vld.idx.msk [tilespmem:v14+s3+$0x0], $0xffff;
	[tilespmem:s8+$0xC780] =	vst v15  }
0x453: {  	v14 =	vadd.s32 $0xE, v5;
	v15 =	vld.idx.msk [tilespmem:v16+s3+$0x0], $0xffff  }
0x454: {  	v16 =	vadd.s32 $0xE, v6;
	_ =	sdelay $0x1  }
0x455: {  	[tilespmem:s23+$0xC800] =	vst v11  }
0x456: {  	v11 =	vadd.s32 $0xF, v3;
	v12 =	vld.idx.msk [tilespmem:v12+s3+$0x0], $0xffff;
	[tilespmem:s26+$0xC800] =	vst v13  }
0x457: {  	v13 =	vadd.s32 $0xF, v4;
	v14 =	vld.idx.msk [tilespmem:v14+s3+$0x0], $0xffff;
	[tilespmem:s8+$0xC800] =	vst v15  }
0x458: {  	v15 =	vadd.s32 $0xF, v5;
	v16 =	vld.idx.msk [tilespmem:v16+s3+$0x0], $0xffff  }
0x459: {  	v17 =	vadd.s32 $0xF, v6  }
0x45a: {  	[tilespmem:s22+$0xC880] =	vst v10  }
0x45b: {  	v10 =	vld.idx.msk [tilespmem:v11+s3+$0x0], $0xffff;
	[tilespmem:s23+$0xC880] =	vst v12  }
0x45c: {  	v11 =	vadd.s32 $0x10, v3;
	v12 =	vld.idx.msk [tilespmem:v13+s3+$0x0], $0xffff;
	[tilespmem:s26+$0xC880] =	vst v14  }
0x45d: {  	v13 =	vadd.s32 $0x10, v4;
	v14 =	vld.idx.msk [tilespmem:v15+s3+$0x0], $0xffff;
	[tilespmem:s8+$0xC880] =	vst v16  }
0x45e: {  	v15 =	vadd.s32 $0x10, v5;
	v16 =	vld.idx.msk [tilespmem:v17+s3+$0x0], $0xffff  }
0x45f: {  	v17 =	vadd.s32 $0x10, v6  }
0x460: {  	[tilespmem:s22+$0xC900] =	vst v10  }
0x461: {  	v10 =	vld.idx.msk [tilespmem:v11+s3+$0x0], $0xffff;
	[tilespmem:s23+$0xC900] =	vst v12  }
0x462: {  	v11 =	vadd.s32 $0x11, v3;
	v12 =	vld.idx.msk [tilespmem:v13+s3+$0x0], $0xffff;
	[tilespmem:s26+$0xC900] =	vst v14  }
0x463: {  	v13 =	vadd.s32 $0x11, v4;
	v14 =	vld.idx.msk [tilespmem:v15+s3+$0x0], $0xffff;
	[tilespmem:s8+$0xC900] =	vst v16  }
0x464: {  	v15 =	vadd.s32 $0x11, v5;
	v16 =	vld.idx.msk [tilespmem:v17+s3+$0x0], $0xffff  }
0x465: {  	v17 =	vadd.s32 $0x11, v6  }
0x466: {  	[tilespmem:s22+$0xD580] =	vst v10  }
0x467: {  	v10 =	vld.idx.msk [tilespmem:v11+s3+$0x0], $0xffff;
	[tilespmem:s23+$0xD580] =	vst v12  }
0x468: {  	v11 =	vadd.s32 $0x12, v3;
	v12 =	vld.idx.msk [tilespmem:v13+s3+$0x0], $0xffff;
	[tilespmem:s26+$0xD580] =	vst v14  }
0x469: {  	v13 =	vadd.s32 $0x12, v4;
	v14 =	vld.idx.msk [tilespmem:v15+s3+$0x0], $0xffff;
	[tilespmem:s8+$0xD580] =	vst v16  }
0x46a: {  	v15 =	vadd.s32 $0x12, v5;
	v16 =	vld.idx.msk [tilespmem:v17+s3+$0x0], $0xffff  }
0x46b: {  	v17 =	vadd.s32 $0x12, v6  }
0x46c: {  	[tilespmem:s22+$0xD600] =	vst v10  }
0x46d: {  	v10 =	vadd.s32 $0x13, v1;
	v11 =	vld.idx.msk [tilespmem:v11+s3+$0x0], $0xffff;
	[tilespmem:s23+$0xD600] =	vst v12  }
0x46e: {  	v12 =	vadd.s32 $0x13, v3;
	v13 =	vld.idx.msk [tilespmem:v13+s3+$0x0], $0xffff;
	[tilespmem:s26+$0xD600] =	vst v14  }
0x46f: {  	v14 =	vadd.s32 $0x13, v4;
	v15 =	vld.idx.msk [tilespmem:v15+s3+$0x0], $0xffff;
	[tilespmem:s8+$0xD600] =	vst v16  }
0x470: {  	v16 =	vadd.s32 $0x13, v5;
	v17 =	vld.idx.msk [tilespmem:v17+s3+$0x0], $0xffff  }
0x471: {  	[tilespmem:s21+$0xD680] =	vst v9;
	v9 =	vadd.s32 $0x13, v6  }
0x472: {  	v10 =	vld.idx.msk [tilespmem:v10+s3+$0x0], $0xffff;
	[tilespmem:s22+$0xD680] =	vst v11  }
0x473: {  	v11 =	vadd.s32 $0x14, v1;
	v12 =	vld.idx.msk [tilespmem:v12+s3+$0x0], $0xffff;
	[tilespmem:s23+$0xD680] =	vst v13  }
0x474: {  	v13 =	vadd.s32 $0x14, v3;
	v14 =	vld.idx.msk [tilespmem:v14+s3+$0x0], $0xffff;
	[tilespmem:s26+$0xD680] =	vst v15  }
0x475: {  	v15 =	vadd.s32 $0x14, v4;
	v16 =	vld.idx.msk [tilespmem:v16+s3+$0x0], $0xffff;
	[tilespmem:s8+$0xD680] =	vst v17  }
0x476: {  	[tilespmem:s19+$0xD900] =	vst v8;
	v8 =	vadd.s32 $0x14, v5;
	v9 =	vld.idx.msk [tilespmem:v9+s3+$0x0], $0xffff  }
0x477: {  	[tilespmem:s21+$0xD700] =	vst v10;
	v10 =	vadd.s32 $0x14, v6  }
0x478: {  	v11 =	vld.idx.msk [tilespmem:v11+s3+$0x0], $0xffff;
	v17 =	vadd.s32 $0x18, v0;
	[tilespmem:s22+$0xD700] =	vst v12  }
0x479: {  	v12 =	vadd.s32 $0x15, v1;
	v13 =	vld.idx.msk [tilespmem:v13+s3+$0x0], $0xffff;
	[tilespmem:s23+$0xD700] =	vst v14  }
0x47a: {  	v14 =	vadd.s32 $0x15, v3;
	v15 =	vld.idx.msk [tilespmem:v15+s3+$0x0], $0xffff;
	[tilespmem:s26+$0xD700] =	vst v16  }
0x47b: {  	v16 =	vadd.s32 $0x15, v4;
	v8 =	vld.idx.msk [tilespmem:v8+s3+$0x0], $0xffff;
	[tilespmem:s8+$0xD700] =	vst v9  }
0x47c: {  	[tilespmem:s20+$0xE780] =	vst v7;
	v7 =	vadd.s32 $0x15, v5;
	v9 =	vld.idx.msk [tilespmem:v10+s3+$0x0], $0xffff  }
0x47d: {  	[tilespmem:s21+$0xD780] =	vst v11;
	v11 =	vadd.s32 $0x15, v6;
	v10 =	vld.idx.msk [tilespmem:v17+s3+$0x0], $0xffff  }
0x47e: {  	v12 =	vld.idx.msk [tilespmem:v12+s3+$0x0], $0xffff;
	[tilespmem:s22+$0xD780] =	vst v13;
	v17 =	vadd.s32 $0x1D, v2  }
0x47f: {  	v13 =	vadd.s32 $0x16, v1;
	v14 =	vld.idx.msk [tilespmem:v14+s3+$0x0], $0xffff;
	[tilespmem:s23+$0xD780] =	vst v15  }
0x480: {  	v15 =	vadd.s32 $0x16, v3;
	v16 =	vld.idx.msk [tilespmem:v16+s3+$0x0], $0xffff;
	[tilespmem:s26+$0xD780] =	vst v8  }
0x481: {  	v8 =	vadd.s32 $0x16, v4;
	v7 =	vld.idx.msk [tilespmem:v7+s3+$0x0], $0xffff;
	[tilespmem:s8+$0xD780] =	vst v9  }
0x482: {  	[tilespmem:s19+$0xE580] =	vst v10;
	v9 =	vadd.s32 $0x16, v5;
	v10 =	vld.idx.msk [tilespmem:v11+s3+$0x0], $0xffff  }
0x483: {  	[tilespmem:s21+$0xD800] =	vst v12;
	v12 =	vadd.s32 $0x16, v6;
	v11 =	vld.idx.msk [tilespmem:v17+s3+$0x0], $0xffff  }
0x484: {  	v13 =	vld.idx.msk [tilespmem:v13+s3+$0x0], $0xffff;
	[tilespmem:s22+$0xD800] =	vst v14;
	v17 =	vadd.s32 $0x19, v0  }
0x485: {  	v14 =	vadd.s32 $0x17, v1;
	v15 =	vld.idx.msk [tilespmem:v15+s3+$0x0], $0xffff;
	[tilespmem:s23+$0xD800] =	vst v16  }
0x486: {  	v16 =	vadd.s32 $0x17, v3;
	v8 =	vld.idx.msk [tilespmem:v8+s3+$0x0], $0xffff;
	[tilespmem:s26+$0xD800] =	vst v7  }
0x487: {  	v7 =	vadd.s32 $0x17, v4;
	v9 =	vld.idx.msk [tilespmem:v9+s3+$0x0], $0xffff;
	[tilespmem:s8+$0xD800] =	vst v10  }
0x488: {  	[tilespmem:s20+$0xE800] =	vst v11;
	v10 =	vadd.s32 $0x17, v5;
	v11 =	vld.idx.msk [tilespmem:v12+s3+$0x0], $0xffff  }
0x489: {  	[tilespmem:s21+$0xD880] =	vst v13;
	v13 =	vadd.s32 $0x17, v6;
	v12 =	vld.idx.msk [tilespmem:v17+s3+$0x0], $0xffff  }
0x48a: {  	v14 =	vld.idx.msk [tilespmem:v14+s3+$0x0], $0xffff;
	[tilespmem:s22+$0xD880] =	vst v15;
	v17 =	vadd.s32 $0x1E, v2  }
0x48b: {  	v15 =	vadd.s32 $0x18, v1;
	v16 =	vld.idx.msk [tilespmem:v16+s3+$0x0], $0xffff;
	[tilespmem:s23+$0xD880] =	vst v8  }
0x48c: {  	v8 =	vadd.s32 $0x18, v3;
	v7 =	vld.idx.msk [tilespmem:v7+s3+$0x0], $0xffff;
	[tilespmem:s26+$0xD880] =	vst v9  }
0x48d: {  	v9 =	vadd.s32 $0x18, v4;
	v10 =	vld.idx.msk [tilespmem:v10+s3+$0x0], $0xffff;
	[tilespmem:s8+$0xD880] =	vst v11  }
0x48e: {  	[tilespmem:s19+$0xE600] =	vst v12;
	v11 =	vadd.s32 $0x18, v5;
	v12 =	vld.idx.msk [tilespmem:v13+s3+$0x0], $0xffff  }
0x48f: {  	[tilespmem:s21+$0xD900] =	vst v14;
	v14 =	vadd.s32 $0x18, v6;
	v13 =	vld.idx.msk [tilespmem:v17+s3+$0x0], $0xffff  }
0x490: {  	v15 =	vld.idx.msk [tilespmem:v15+s3+$0x0], $0xffff;
	[tilespmem:s22+$0xD900] =	vst v16;
	v17 =	vadd.s32 $0x1A, v0  }
0x491: {  	v16 =	vadd.s32 $0x19, v1;
	v8 =	vld.idx.msk [tilespmem:v8+s3+$0x0], $0xffff;
	[tilespmem:s23+$0xD900] =	vst v7  }
0x492: {  	v7 =	vadd.s32 $0x19, v3;
	v9 =	vld.idx.msk [tilespmem:v9+s3+$0x0], $0xffff;
	[tilespmem:s26+$0xD900] =	vst v10  }
0x493: {  	v10 =	vadd.s32 $0x19, v4;
	v11 =	vld.idx.msk [tilespmem:v11+s3+$0x0], $0xffff;
	[tilespmem:s8+$0xD900] =	vst v12  }
0x494: {  	[tilespmem:s20+$0xE880] =	vst v13;
	v12 =	vadd.s32 $0x19, v5;
	v13 =	vld.idx.msk [tilespmem:v14+s3+$0x0], $0xffff  }
0x495: {  	[tilespmem:s21+$0xE580] =	vst v15;
	v15 =	vadd.s32 $0x19, v6;
	v14 =	vld.idx.msk [tilespmem:v17+s3+$0x0], $0xffff  }
0x496: {  	v2 =	vadd.s32 $0x1F, v2;
	v16 =	vld.idx.msk [tilespmem:v16+s3+$0x0], $0xffff;
	[tilespmem:s22+$0xE580] =	vst v8  }
0x497: {  	v8 =	vadd.s32 $0x1A, v1;
	v7 =	vld.idx.msk [tilespmem:v7+s3+$0x0], $0xffff;
	[tilespmem:s23+$0xE580] =	vst v9  }
0x498: {  	v9 =	vadd.s32 $0x1A, v3;
	v10 =	vld.idx.msk [tilespmem:v10+s3+$0x0], $0xffff;
	[tilespmem:s26+$0xE580] =	vst v11  }
0x499: {  	v11 =	vadd.s32 $0x1A, v4;
	v12 =	vld.idx.msk [tilespmem:v12+s3+$0x0], $0xffff;
	[tilespmem:s8+$0xE580] =	vst v13  }
0x49a: {  	[tilespmem:s19+$0xE680] =	vst v14;
	v13 =	vadd.s32 $0x1A, v5;
	v14 =	vld.idx.msk [tilespmem:v15+s3+$0x0], $0xffff  }
0x49b: {  	v2 =	vld.idx.msk [tilespmem:v2+s3+$0x0], $0xffff;
	[tilespmem:s21+$0xE600] =	vst v16;
	v15 =	vadd.s32 $0x1A, v6  }
0x49c: {  	v16 =	vadd.s32 $0x1B, v0;
	v8 =	vld.idx.msk [tilespmem:v8+s3+$0x0], $0xffff;
	[tilespmem:s22+$0xE600] =	vst v7  }
0x49d: {  	v7 =	vadd.s32 $0x1B, v1;
	v9 =	vld.idx.msk [tilespmem:v9+s3+$0x0], $0xffff;
	[tilespmem:s23+$0xE600] =	vst v10  }
0x49e: {  	v10 =	vadd.s32 $0x1B, v3;
	v11 =	vld.idx.msk [tilespmem:v11+s3+$0x0], $0xffff;
	[tilespmem:s26+$0xE600] =	vst v12  }
0x49f: {  	v12 =	vadd.s32 $0x1B, v4;
	v13 =	vld.idx.msk [tilespmem:v13+s3+$0x0], $0xffff;
	[tilespmem:s8+$0xE600] =	vst v14  }
0x4a0: {  	[tilespmem:s20+$0xE900] =	vst v2;
	v2 =	vadd.s32 $0x1B, v5;
	v14 =	vld.idx.msk [tilespmem:v15+s3+$0x0], $0xffff  }
0x4a1: {  	[tilespmem:s21+$0xE680] =	vst v8;
	v8 =	vadd.s32 $0x1B, v6;
	v15 =	vld.idx.msk [tilespmem:v16+s3+$0x0], $0xffff  }
0x4a2: {  	v7 =	vld.idx.msk [tilespmem:v7+s3+$0x0], $0xffff;
	[tilespmem:s22+$0xE680] =	vst v9;
	v16 =	vadd.s32 $0x1C, v0  }
0x4a3: {  	v9 =	vadd.s32 $0x1C, v1;
	v10 =	vld.idx.msk [tilespmem:v10+s3+$0x0], $0xffff;
	[tilespmem:s23+$0xE680] =	vst v11  }
0x4a4: {  	v11 =	vadd.s32 $0x1C, v3;
	v12 =	vld.idx.msk [tilespmem:v12+s3+$0x0], $0xffff;
	[tilespmem:s26+$0xE680] =	vst v13  }
0x4a5: {  	v13 =	vadd.s32 $0x1C, v4;
	v2 =	vld.idx.msk [tilespmem:v2+s3+$0x0], $0xffff;
	[tilespmem:s8+$0xE680] =	vst v14  }
0x4a6: {  	[tilespmem:s19+$0xE700] =	vst v15;
	v14 =	vadd.s32 $0x1C, v5;
	v8 =	vld.idx.msk [tilespmem:v8+s3+$0x0], $0xffff  }
0x4a7: {  	[tilespmem:s21+$0xE700] =	vst v7;
	v7 =	vadd.s32 $0x1C, v6;
	v15 =	vld.idx.msk [tilespmem:v16+s3+$0x0], $0xffff  }
0x4a8: {  	v9 =	vld.idx.msk [tilespmem:v9+s3+$0x0], $0xffff;
	[tilespmem:s22+$0xE700] =	vst v10;
	v16 =	vadd.s32 $0x1D, v0  }
0x4a9: {  	v10 =	vadd.s32 $0x1D, v1;
	v11 =	vld.idx.msk [tilespmem:v11+s3+$0x0], $0xffff;
	[tilespmem:s23+$0xE700] =	vst v12  }
0x4aa: {  	v12 =	vadd.s32 $0x1D, v3;
	v13 =	vld.idx.msk [tilespmem:v13+s3+$0x0], $0xffff;
	[tilespmem:s26+$0xE700] =	vst v2  }
0x4ab: {  	v2 =	vadd.s32 $0x1D, v4;
	v14 =	vld.idx.msk [tilespmem:v14+s3+$0x0], $0xffff;
	[tilespmem:s8+$0xE700] =	vst v8  }
0x4ac: {  	[tilespmem:s19+$0xE780] =	vst v15;
	v8 =	vadd.s32 $0x1D, v5;
	v7 =	vld.idx.msk [tilespmem:v7+s3+$0x0], $0xffff  }
0x4ad: {  	[tilespmem:s21+$0xE780] =	vst v9;
	v9 =	vadd.s32 $0x1D, v6;
	v15 =	vld.idx.msk [tilespmem:v16+s3+$0x0], $0xffff  }
0x4ae: {  	v10 =	vld.idx.msk [tilespmem:v10+s3+$0x0], $0xffff;
	[tilespmem:s22+$0xE780] =	vst v11;
	v16 =	vadd.s32 $0x1E, v0  }
0x4af: {  	v11 =	vadd.s32 $0x1E, v1;
	v12 =	vld.idx.msk [tilespmem:v12+s3+$0x0], $0xffff;
	[tilespmem:s23+$0xE780] =	vst v13  }
0x4b0: {  	v13 =	vadd.s32 $0x1E, v3;
	v2 =	vld.idx.msk [tilespmem:v2+s3+$0x0], $0xffff;
	[tilespmem:s26+$0xE780] =	vst v14  }
0x4b1: {  	v14 =	vadd.s32 $0x1E, v4;
	v8 =	vld.idx.msk [tilespmem:v8+s3+$0x0], $0xffff;
	[tilespmem:s8+$0xE780] =	vst v7  }
0x4b2: {  	[tilespmem:s19+$0xE800] =	vst v15;
	v7 =	vadd.s32 $0x1E, v5;
	v9 =	vld.idx.msk [tilespmem:v9+s3+$0x0], $0xffff  }
0x4b3: {  	[tilespmem:s21+$0xE800] =	vst v10;
	v10 =	vadd.s32 $0x1E, v6;
	v15 =	vld.idx.msk [tilespmem:v16+s3+$0x0], $0xffff  }
0x4b4: {  	v0 =	vadd.s32 $0x1F, v0;
	v11 =	vld.idx.msk [tilespmem:v11+s3+$0x0], $0xffff;
	[tilespmem:s22+$0xE800] =	vst v12  }
0x4b5: {  	v1 =	vadd.s32 $0x1F, v1;
	v12 =	vld.idx.msk [tilespmem:v13+s3+$0x0], $0xffff;
	[tilespmem:s23+$0xE800] =	vst v2  }
0x4b6: {  	v2 =	vadd.s32 $0x1F, v3;
	v3 =	vld.idx.msk [tilespmem:v14+s3+$0x0], $0xffff;
	[tilespmem:s26+$0xE800] =	vst v8  }
0x4b7: {  	v4 =	vadd.s32 $0x1F, v4;
	v7 =	vld.idx.msk [tilespmem:v7+s3+$0x0], $0xffff;
	[tilespmem:s8+$0xE800] =	vst v9  }
0x4b8: {  	v5 =	vadd.s32 $0x1F, v5;
	[tilespmem:s19+$0xE880] =	vst v15;
	v8 =	vld.idx.msk [tilespmem:v10+s3+$0x0], $0xffff  }
0x4b9: {  	v6 =	vadd.s32 $0x1F, v6;
	[tilespmem:s21+$0xE880] =	vst v11;
	v0 =	vld.idx.msk [tilespmem:v0+s3+$0x0], $0xffff  }
0x4ba: {  	v1 =	vld.idx.msk [tilespmem:v1+s3+$0x0], $0xffff;
	[tilespmem:s22+$0xE880] =	vst v12  }
0x4bb: {  	v2 =	vld.idx.msk [tilespmem:v2+s3+$0x0], $0xffff;
	[tilespmem:s23+$0xE880] =	vst v3  }
0x4bc: {  	v3 =	vld.idx.msk [tilespmem:v4+s3+$0x0], $0xffff;
	[tilespmem:s26+$0xE880] =	vst v7  }
0x4bd: {  	v4 =	vld.idx.msk [tilespmem:v5+s3+$0x0], $0xffff;
	[tilespmem:s8+$0xE880] =	vst v8  }
0x4be: {  	[tilespmem:s19+$0xE900] =	vst v0;
	v0 =	vld.idx.msk [tilespmem:v6+s3+$0x0], $0xffff  }
0x4bf: {  	[tilespmem:s21+$0xE900] =	vst v1  }
0x4c0: {  	s4 =	sshll.u32 s18, $0x14;
	[tilespmem:s22+$0xE900] =	vst v2  }
0x4c1: {  	s0 =	sor.u32 s7, s4;
	[tilespmem:s23+$0xE900] =	vst v3  }
0x4c2: {  	s0 =	sshrl.u32 s0, $0x3;
	s19 =	sshllo.u32 s18, $0x1;
	[tilespmem:s26+$0xE900] =	vst v4  }
0x4c3: {  	s0 =	sadd.s32 s2, s0;
	s6 =	sshll.u32 s19, $0x9;
	[tilespmem:s8+$0xE900] =	vst v0  }
0x4c4: {  	[hbm4b:s0+s11] =	stream.strided.scatter [tilespmem:s13], [sflag:$0x1], $0x4000, s12, s11, $0x38;
	[tilespmem:$0x13580] =	vst v63  }
0x4c5: {  	s1 =	simm.s32 $0x0;
	s0 =	sand.u32 $0x3FFFFE00, s6  }
0x4c6: {  	s8 =	sand.u32 $0x180, s1;
	_ =	swait.ge [sflag:s16], $0x4000;
	s26 =	sadd.s32 $0x8180, s0  }
0x4c7: {  	s9 =	sand.u32 $0x70, s1;
	[sflag:s16] =	ssyncset.done $0x0;
	s0 =	sadd.s32 s8, s26  }
0x4c8: {  	[sflag:s16] =	ssyncadd.s32 $0xFFFFC000;
	s0 =	sadd.s32 s9, s0  }
0x4c9: {  	v0 =	vld [tilespmem:s0+$0x0];
	_ =	sdelay $0x4  }
0x4ca: {  	v6 =	vmul.u32 $0x21, v0;
	_ =	sdelay $0x5  }
0x4cb: {  	v0 =	vld.idx.msk [tilespmem:v6+s3+$0x0], $0xffff  }
0x4cc: {  	v1 =	vadd.s32 $0x1, v6;
	_ =	sdelay $0x1  }
0x4cd: {  	s20 =	sand.u32 $0xC00, s1  }
0x4ce: {  	s24 =	sor.u32 s9, s20  }
0x4cf: {  	[tilespmem:s24+$0xF580] =	vst v0  }
0x4d0: {  	v0 =	vld.idx.msk [tilespmem:v1+s3+$0x0], $0xffff  }
0x4d1: {  	v1 =	vadd.s32 $0x2, v6;
	_ =	sdelay $0x3  }
0x4d2: {  	[tilespmem:s24+$0xF600] =	vst v0  }
0x4d3: {  	v0 =	vld.idx.msk [tilespmem:v1+s3+$0x0], $0xffff  }
0x4d4: {  	s0 =	simm.s32 $0x10;
	v1 =	vadd.s32 $0x3, v6  }
0x4d5: {  	s21 =	sand.u32 $0x180, s0  }
0x4d6: {  	s8 =	sand.u32 $0x70, s0;
	s4 =	sadd.s32 s21, s26  }
0x4d7: {  	s4 =	sadd.s32 s8, s4  }
0x4d8: {  	v2 =	vld [tilespmem:s4+$0x0];
	[tilespmem:s24+$0xF680] =	vst v0  }
0x4d9: {  	v0 =	vld.idx.msk [tilespmem:v1+s3+$0x0], $0xffff  }
0x4da: {  	v1 =	vadd.s32 $0x4, v6;
	_ =	sdelay $0x2  }
0x4db: {  	v2 =	vmul.u32 $0x21, v2  }
0x4dc: {  	[tilespmem:s24+$0xF700] =	vst v0  }
0x4dd: {  	v0 =	vld.idx.msk [tilespmem:v1+s3+$0x0], $0xffff  }
0x4de: {  	v1 =	vadd.s32 $0x5, v6;
	_ =	sdelay $0x2  }
0x4df: {  	v3 =	vld.idx.msk [tilespmem:v2+s3+$0x0], $0xffff  }
0x4e0: {  	[tilespmem:s24+$0xF780] =	vst v0;
	v0 =	vadd.s32 $0x1, v2  }
0x4e1: {  	s6 =	simm.s32 $0x80;
	v1 =	vld.idx.msk [tilespmem:v1+s3+$0x0], $0xffff  }
0x4e2: {  	s22 =	sand.u32 $0xC00, s6;
	v4 =	vadd.s32 $0x6, v6  }
0x4e3: {  	s21 =	sor.u32 s8, s22  }
0x4e4: {  	[tilespmem:s21+$0xF580] =	vst v3  }
0x4e5: {  	v0 =	vld.idx.msk [tilespmem:v0+s3+$0x0], $0xffff  }
0x4e6: {  	[tilespmem:s24+$0xF800] =	vst v1;
	v1 =	vadd.s32 $0x2, v2  }
0x4e7: {  	v3 =	vld.idx.msk [tilespmem:v4+s3+$0x0], $0xffff  }
0x4e8: {  	v4 =	vadd.s32 $0x7, v6;
	_ =	sdelay $0x1  }
0x4e9: {  	[tilespmem:s21+$0xF600] =	vst v0  }
0x4ea: {  	v0 =	vld.idx.msk [tilespmem:v1+s3+$0x0], $0xffff  }
0x4eb: {  	s4 =	simm.s32 $0x20;
	v1 =	vadd.s32 $0x3, v2;
	[tilespmem:s24+$0xF880] =	vst v3  }
0x4ec: {  	s23 =	sand.u32 $0x180, s4;
	v3 =	vld.idx.msk [tilespmem:v4+s3+$0x0], $0xffff  }
0x4ed: {  	s25 =	sand.u32 $0x70, s4;
	s8 =	sadd.s32 s23, s26;
	v4 =	vadd.s32 $0x8, v6  }
0x4ee: {  	s8 =	sadd.s32 s25, s8  }
0x4ef: {  	s1 =	sor.u32 s1, s1;
	v5 =	vld [tilespmem:s8+$0x0];
	[tilespmem:s21+$0xF680] =	vst v0  }
0x4f0: {  	s1 =	sor.u32 $0x380, s1;
	v1 =	vld.idx.msk [tilespmem:v1+s3+$0x0], $0xffff  }
0x4f1: {  	[tilespmem:s1+$0xF580] =	vst v3;
	v3 =	vadd.s32 $0x4, v2  }
0x4f2: {  	v4 =	vld.idx.msk [tilespmem:v4+s3+$0x0], $0xffff  }
0x4f3: {  	v7 =	vadd.s32 $0x9, v6  }
0x4f4: {  	v0 =	vmul.u32 $0x21, v5  }
0x4f5: {  	[tilespmem:s21+$0xF700] =	vst v1  }
0x4f6: {  	v1 =	vld.idx.msk [tilespmem:v3+s3+$0x0], $0xffff  }
0x4f7: {  	v3 =	vadd.s32 $0x5, v2;
	[tilespmem:s24+$0x10580] =	vst v4  }
0x4f8: {  	v4 =	vld.idx.msk [tilespmem:v7+s3+$0x0], $0xffff  }
0x4f9: {  	v5 =	vadd.s32 $0xA, v6  }
0x4fa: {  	v7 =	vld.idx.msk [tilespmem:v0+s3+$0x0], $0xffff  }
0x4fb: {  	[tilespmem:s21+$0xF780] =	vst v1;
	v1 =	vadd.s32 $0x1, v0  }
0x4fc: {  	s23 =	simm.s32 $0x100;
	v3 =	vld.idx.msk [tilespmem:v3+s3+$0x0], $0xffff  }
0x4fd: {  	s9 =	sand.u32 $0xC00, s23;
	[tilespmem:s24+$0x10600] =	vst v4;
	v4 =	vadd.s32 $0x6, v2  }
0x4fe: {  	s20 =	sor.u32 s25, s9;
	v5 =	vld.idx.msk [tilespmem:v5+s3+$0x0], $0xffff  }
0x4ff: {  	[tilespmem:s20+$0xF580] =	vst v7;
	v7 =	vadd.s32 $0xB, v6  }
0x500: {  	v1 =	vld.idx.msk [tilespmem:v1+s3+$0x0], $0xffff  }
0x501: {  	[tilespmem:s21+$0xF800] =	vst v3;
	v3 =	vadd.s32 $0x2, v0  }
0x502: {  	v4 =	vld.idx.msk [tilespmem:v4+s3+$0x0], $0xffff  }
0x503: {  	[tilespmem:s24+$0x10680] =	vst v5;
	v5 =	vadd.s32 $0x7, v2  }
0x504: {  	v7 =	vld.idx.msk [tilespmem:v7+s3+$0x0], $0xffff  }
0x505: {  	[tilespmem:s20+$0xF600] =	vst v1;
	v1 =	vadd.s32 $0xC, v6  }
0x506: {  	v3 =	vld.idx.msk [tilespmem:v3+s3+$0x0], $0xffff  }
0x507: {  	s1 =	simm.s32 $0x30;
	[tilespmem:s21+$0xF880] =	vst v4;
	v4 =	vadd.s32 $0x3, v0  }
0x508: {  	s22 =	sand.u32 $0x180, s1;
	v5 =	vld.idx.msk [tilespmem:v5+s3+$0x0], $0xffff  }
0x509: {  	s25 =	sand.u32 $0x70, s1;
	s8 =	sadd.s32 s22, s26;
	[tilespmem:s24+$0x10700] =	vst v7;
	v7 =	vadd.s32 $0x8, v2  }
0x50a: {  	s8 =	sadd.s32 s25, s8;
	v1 =	vld.idx.msk [tilespmem:v1+s3+$0x0], $0xffff  }
0x50b: {  	s0 =	sor.u32 s6, s0;
	v8 =	vld [tilespmem:s8+$0x0];
	[tilespmem:s20+$0xF680] =	vst v3;
	v3 =	vadd.s32 $0xD, v6  }
0x50c: {  	s0 =	sor.u32 $0x380, s0;
	v4 =	vld.idx.msk [tilespmem:v4+s3+$0x0], $0xffff  }
0x50d: {  	[tilespmem:s0+$0xF580] =	vst v5;
	v5 =	vadd.s32 $0x4, v0  }
0x50e: {  	v7 =	vld.idx.msk [tilespmem:v7+s3+$0x0], $0xffff  }
0x50f: {  	v9 =	vadd.s32 $0x9, v2;
	[tilespmem:s24+$0x10780] =	vst v1  }
0x510: {  	v3 =	vld.idx.msk [tilespmem:v3+s3+$0x0], $0xffff  }
0x511: {  	v1 =	vmul.u32 $0x21, v8;
	[tilespmem:s20+$0xF700] =	vst v4;
	v4 =	vadd.s32 $0xE, v6  }
0x512: {  	v5 =	vld.idx.msk [tilespmem:v5+s3+$0x0], $0xffff  }
0x513: {  	[tilespmem:s21+$0x10580] =	vst v7;
	v7 =	vadd.s32 $0x5, v0  }
0x514: {  	v8 =	vld.idx.msk [tilespmem:v9+s3+$0x0], $0xffff  }
0x515: {  	[tilespmem:s24+$0x10800] =	vst v3;
	v3 =	vadd.s32 $0xA, v2  }
0x516: {  	v4 =	vld.idx.msk [tilespmem:v4+s3+$0x0], $0xffff  }
0x517: {  	v9 =	vld.idx.msk [tilespmem:v1+s3+$0x0], $0xffff;
	[tilespmem:s20+$0xF780] =	vst v5;
	v5 =	vadd.s32 $0xF, v6  }
0x518: {  	v10 =	vadd.s32 $0x1, v1;
	v7 =	vld.idx.msk [tilespmem:v7+s3+$0x0], $0xffff  }
0x519: {  	s6 =	simm.s32 $0x180;
	[tilespmem:s21+$0x10600] =	vst v8;
	v8 =	vadd.s32 $0x6, v0  }
0x51a: {  	s8 =	sand.u32 $0xC00, s6;
	v3 =	vld.idx.msk [tilespmem:v3+s3+$0x0], $0xffff  }
0x51b: {  	s22 =	sor.u32 s25, s8;
	[tilespmem:s24+$0x10880] =	vst v4;
	v4 =	vadd.s32 $0xB, v2  }
0x51c: {  	[tilespmem:s22+$0xF580] =	vst v9;
	v5 =	vld.idx.msk [tilespmem:v5+s3+$0x0], $0xffff  }
0x51d: {  	v9 =	vld.idx.msk [tilespmem:v10+s3+$0x0], $0xffff;
	[tilespmem:s20+$0xF800] =	vst v7;
	v7 =	vadd.s32 $0x10, v6  }
0x51e: {  	v10 =	vadd.s32 $0x2, v1;
	v8 =	vld.idx.msk [tilespmem:v8+s3+$0x0], $0xffff  }
0x51f: {  	[tilespmem:s21+$0x10680] =	vst v3;
	v3 =	vadd.s32 $0x7, v0  }
0x520: {  	v4 =	vld.idx.msk [tilespmem:v4+s3+$0x0], $0xffff  }
0x521: {  	[tilespmem:s24+$0x10900] =	vst v5;
	v5 =	vadd.s32 $0xC, v2  }
0x522: {  	[tilespmem:s22+$0xF600] =	vst v9;
	v7 =	vld.idx.msk [tilespmem:v7+s3+$0x0], $0xffff  }
0x523: {  	s0 =	simm.s32 $0x40;
	v9 =	vld.idx.msk [tilespmem:v10+s3+$0x0], $0xffff;
	[tilespmem:s20+$0xF880] =	vst v8;
	v8 =	vadd.s32 $0x11, v6  }
0x524: {  	s9 =	sand.u32 $0x180, s0;
	v10 =	vadd.s32 $0x3, v1;
	v3 =	vld.idx.msk [tilespmem:v3+s3+$0x0], $0xffff  }
0x525: {  	s25 =	sand.u32 $0x70, s0;
	s8 =	sadd.s32 s9, s26;
	[tilespmem:s21+$0x10700] =	vst v4;
	v4 =	vadd.s32 $0x8, v0  }
0x526: {  	s8 =	sadd.s32 s25, s8;
	v5 =	vld.idx.msk [tilespmem:v5+s3+$0x0], $0xffff  }
0x527: {  	s4 =	sor.u32 s23, s4;
	v11 =	vld [tilespmem:s8+$0x0];
	[tilespmem:s24+$0x11580] =	vst v7;
	v7 =	vadd.s32 $0xD, v2  }
0x528: {  	s4 =	sor.u32 $0x380, s4;
	[tilespmem:s22+$0xF680] =	vst v9;
	v8 =	vld.idx.msk [tilespmem:v8+s3+$0x0], $0xffff  }
0x529: {  	v9 =	vld.idx.msk [tilespmem:v10+s3+$0x0], $0xffff;
	v10 =	vadd.s32 $0x12, v6;
	[tilespmem:s4+$0xF580] =	vst v3  }
0x52a: {  	v12 =	vadd.s32 $0x4, v1;
	v4 =	vld.idx.msk [tilespmem:v4+s3+$0x0], $0xffff  }
0x52b: {  	[tilespmem:s21+$0x10780] =	vst v5;
	v5 =	vadd.s32 $0x9, v0  }
0x52c: {  	v7 =	vld.idx.msk [tilespmem:v7+s3+$0x0], $0xffff  }
0x52d: {  	v3 =	vmul.u32 $0x21, v11;
	[tilespmem:s24+$0x11600] =	vst v8;
	v8 =	vadd.s32 $0xE, v2  }
0x52e: {  	[tilespmem:s22+$0xF700] =	vst v9;
	v9 =	vld.idx.msk [tilespmem:v10+s3+$0x0], $0xffff  }
0x52f: {  	v10 =	vld.idx.msk [tilespmem:v12+s3+$0x0], $0xffff;
	[tilespmem:s20+$0x10580] =	vst v4;
	v4 =	vadd.s32 $0x13, v6  }
0x530: {  	v11 =	vadd.s32 $0x5, v1;
	v5 =	vld.idx.msk [tilespmem:v5+s3+$0x0], $0xffff  }
0x531: {  	[tilespmem:s21+$0x10800] =	vst v7;
	v7 =	vadd.s32 $0xA, v0  }
0x532: {  	v8 =	vld.idx.msk [tilespmem:v8+s3+$0x0], $0xffff  }
0x533: {  	v12 =	vld.idx.msk [tilespmem:v3+s3+$0x0], $0xffff;
	[tilespmem:s24+$0x11680] =	vst v9;
	v9 =	vadd.s32 $0xF, v2  }
0x534: {  	[tilespmem:s22+$0xF780] =	vst v10;
	v10 =	vadd.s32 $0x1, v3;
	v4 =	vld.idx.msk [tilespmem:v4+s3+$0x0], $0xffff  }
0x535: {  	s4 =	simm.s32 $0x200;
	v11 =	vld.idx.msk [tilespmem:v11+s3+$0x0], $0xffff;
	[tilespmem:s20+$0x10600] =	vst v5;
	v5 =	vadd.s32 $0x14, v6  }
0x536: {  	v13 =	vadd.s32 $0x6, v1;
	s23 =	sand.u32 $0xC00, s4;
	v7 =	vld.idx.msk [tilespmem:v7+s3+$0x0], $0xffff  }
0x537: {  	s23 =	sor.u32 s25, s23;
	[tilespmem:s21+$0x10880] =	vst v8;
	v8 =	vadd.s32 $0xB, v0  }
0x538: {  	[tilespmem:s23+$0xF580] =	vst v12;
	v9 =	vld.idx.msk [tilespmem:v9+s3+$0x0], $0xffff  }
0x539: {  	v10 =	vld.idx.msk [tilespmem:v10+s3+$0x0], $0xffff;
	[tilespmem:s24+$0x11700] =	vst v4;
	v4 =	vadd.s32 $0x10, v2  }
0x53a: {  	[tilespmem:s22+$0xF800] =	vst v11;
	v11 =	vadd.s32 $0x2, v3;
	v5 =	vld.idx.msk [tilespmem:v5+s3+$0x0], $0xffff  }
0x53b: {  	v12 =	vld.idx.msk [tilespmem:v13+s3+$0x0], $0xffff;
	[tilespmem:s20+$0x10680] =	vst v7;
	v7 =	vadd.s32 $0x15, v6  }
0x53c: {  	v13 =	vadd.s32 $0x7, v1;
	v8 =	vld.idx.msk [tilespmem:v8+s3+$0x0], $0xffff  }
0x53d: {  	[tilespmem:s21+$0x10900] =	vst v9;
	v9 =	vadd.s32 $0xC, v0  }
0x53e: {  	[tilespmem:s23+$0xF600] =	vst v10;
	v4 =	vld.idx.msk [tilespmem:v4+s3+$0x0], $0xffff  }
0x53f: {  	s29 =	simm.s32 $0x50;
	v10 =	vld.idx.msk [tilespmem:v11+s3+$0x0], $0xffff;
	[tilespmem:s24+$0x11780] =	vst v5;
	v5 =	vadd.s32 $0x11, v2  }
0x540: {  	s9 =	sand.u32 $0x180, s29;
	v11 =	vadd.s32 $0x3, v3;
	[tilespmem:s22+$0xF880] =	vst v12;
	v7 =	vld.idx.msk [tilespmem:v7+s3+$0x0], $0xffff  }
0x541: {  	s8 =	sand.u32 $0x70, s29;
	s25 =	sadd.s32 s9, s26;
	v12 =	vld.idx.msk [tilespmem:v13+s3+$0x0], $0xffff;
	[tilespmem:s20+$0x10700] =	vst v8;
	v8 =	vadd.s32 $0x16, v6  }
0x542: {  	s25 =	sadd.s32 s8, s25;
	v13 =	vadd.s32 $0x8, v1;
	v9 =	vld.idx.msk [tilespmem:v9+s3+$0x0], $0xffff  }
0x543: {  	v14 =	vld [tilespmem:s25+$0x0];
	[tilespmem:s21+$0x11580] =	vst v4;
	v4 =	vadd.s32 $0xD, v0  }
0x544: {  	s1 =	sor.u32 s6, s1;
	[tilespmem:s23+$0xF680] =	vst v10;
	v5 =	vld.idx.msk [tilespmem:v5+s3+$0x0], $0xffff  }
0x545: {  	s30 =	simm.s32 $0x60;
	s1 =	sor.u32 $0x380, s1;
	v10 =	vld.idx.msk [tilespmem:v11+s3+$0x0], $0xffff;
	[tilespmem:s24+$0x11800] =	vst v7;
	v7 =	vadd.s32 $0x12, v2  }
0x546: {  	s9 =	sand.u32 $0x180, s30;
	v11 =	vadd.s32 $0x4, v3;
	[tilespmem:s1+$0xF580] =	vst v12;
	v8 =	vld.idx.msk [tilespmem:v8+s3+$0x0], $0xffff  }
0x547: {  	s6 =	sand.u32 $0x70, s30;
	s1 =	sadd.s32 s9, s26;
	v12 =	vld.idx.msk [tilespmem:v13+s3+$0x0], $0xffff;
	[tilespmem:s20+$0x10780] =	vst v9;
	v9 =	vadd.s32 $0x17, v6  }
0x548: {  	s1 =	sadd.s32 s6, s1;
	v13 =	vadd.s32 $0x9, v1;
	v15 =	vld.idx.msk [tilespmem:v4+s3+$0x0], $0xffff  }
0x549: {  	v16 =	vld [tilespmem:s1+$0x0];
	v4 =	vmul.u32 $0x21, v14;
	[tilespmem:s21+$0x11600] =	vst v5;
	v5 =	vadd.s32 $0xE, v0  }
0x54a: {  	[tilespmem:s23+$0xF700] =	vst v10;
	v7 =	vld.idx.msk [tilespmem:v7+s3+$0x0], $0xffff  }
0x54b: {  	v10 =	vld.idx.msk [tilespmem:v11+s3+$0x0], $0xffff;
	[tilespmem:s24+$0x11880] =	vst v8;
	v8 =	vadd.s32 $0x13, v2  }
0x54c: {  	v11 =	vadd.s32 $0x5, v3;
	[tilespmem:s22+$0x10580] =	vst v12;
	v9 =	vld.idx.msk [tilespmem:v9+s3+$0x0], $0xffff  }
0x54d: {  	v12 =	vld.idx.msk [tilespmem:v13+s3+$0x0], $0xffff;
	v13 =	vadd.s32 $0x18, v6;
	[tilespmem:s20+$0x10800] =	vst v15  }
0x54e: {  	v14 =	vadd.s32 $0xA, v1;
	v5 =	vld.idx.msk [tilespmem:v5+s3+$0x0], $0xffff  }
0x54f: {  	v15 =	vld.idx.msk [tilespmem:v4+s3+$0x0], $0xffff;
	[tilespmem:s21+$0x11680] =	vst v7;
	v7 =	vadd.s32 $0xF, v0  }
0x550: {  	[tilespmem:s23+$0xF780] =	vst v10;
	v10 =	vadd.s32 $0x1, v4;
	v8 =	vld.idx.msk [tilespmem:v8+s3+$0x0], $0xffff  }
0x551: {  	s31 =	simm.s32 $0x280;
	v11 =	vld.idx.msk [tilespmem:v11+s3+$0x0], $0xffff;
	[tilespmem:s24+$0x11900] =	vst v9;
	v9 =	vadd.s32 $0x14, v2  }
0x552: {  	s25 =	sand.u32 $0xC00, s31;
	[tilespmem:s22+$0x10600] =	vst v12;
	v12 =	vld.idx.msk [tilespmem:v13+s3+$0x0], $0xffff;
	v13 =	vadd.s32 $0x6, v3  }
0x553: {  	s25 =	sor.u32 s8, s25;
	v14 =	vld.idx.msk [tilespmem:v14+s3+$0x0], $0xffff;
	[tilespmem:s20+$0x10880] =	vst v5;
	v5 =	vadd.s32 $0x19, v6  }
0x554: {  	[tilespmem:s25+$0xF580] =	vst v15;
	v15 =	vadd.s32 $0xB, v1;
	v7 =	vld.idx.msk [tilespmem:v7+s3+$0x0], $0xffff  }
0x555: {  	v10 =	vld.idx.msk [tilespmem:v10+s3+$0x0], $0xffff;
	[tilespmem:s21+$0x11700] =	vst v8;
	v8 =	vadd.s32 $0x10, v0  }
0x556: {  	[tilespmem:s23+$0xF800] =	vst v11;
	v11 =	vadd.s32 $0x2, v4;
	v9 =	vld.idx.msk [tilespmem:v9+s3+$0x0], $0xffff  }
0x557: {  	v13 =	vld.idx.msk [tilespmem:v13+s3+$0x0], $0xffff;
	[tilespmem:s24+$0x12580] =	vst v12;
	v12 =	vadd.s32 $0x15, v2  }
0x558: {  	[tilespmem:s22+$0x10680] =	vst v14;
	v14 =	vadd.s32 $0x7, v3;
	v5 =	vld.idx.msk [tilespmem:v5+s3+$0x0], $0xffff  }
0x559: {  	v15 =	vld.idx.msk [tilespmem:v15+s3+$0x0], $0xffff;
	[tilespmem:s20+$0x10900] =	vst v7;
	v7 =	vadd.s32 $0x1A, v6  }
0x55a: {  	[tilespmem:s25+$0xF600] =	vst v10;
	v10 =	vadd.s32 $0xC, v1;
	v8 =	vld.idx.msk [tilespmem:v8+s3+$0x0], $0xffff  }
0x55b: {  	v11 =	vld.idx.msk [tilespmem:v11+s3+$0x0], $0xffff;
	[tilespmem:s21+$0x11780] =	vst v9;
	v9 =	vadd.s32 $0x11, v0  }
0x55c: {  	[tilespmem:s23+$0xF880] =	vst v13;
	v12 =	vld.idx.msk [tilespmem:v12+s3+$0x0], $0xffff;
	v13 =	vadd.s32 $0x3, v4  }
0x55d: {  	v14 =	vld.idx.msk [tilespmem:v14+s3+$0x0], $0xffff;
	[tilespmem:s24+$0x12600] =	vst v5;
	v5 =	vadd.s32 $0x16, v2  }
0x55e: {  	[tilespmem:s22+$0x10700] =	vst v15;
	v15 =	vadd.s32 $0x8, v3;
	v7 =	vld.idx.msk [tilespmem:v7+s3+$0x0], $0xffff  }
0x55f: {  	v10 =	vld.idx.msk [tilespmem:v10+s3+$0x0], $0xffff;
	[tilespmem:s20+$0x11580] =	vst v8;
	v8 =	vadd.s32 $0x1B, v6  }
0x560: {  	s0 =	sor.u32 s4, s0;
	[tilespmem:s25+$0xF680] =	vst v11;
	v11 =	vadd.s32 $0xD, v1;
	v9 =	vld.idx.msk [tilespmem:v9+s3+$0x0], $0xffff  }
0x561: {  	s4 =	sor.u32 $0x380, s0;
	v13 =	vld.idx.msk [tilespmem:v13+s3+$0x0], $0xffff;
	[tilespmem:s21+$0x11800] =	vst v12  }
0x562: {  	s0 =	simm.s32 $0x70;
	v12 =	vadd.s32 $0x12, v0;
	[tilespmem:s4+$0xF580] =	vst v14;
	v14 =	vld.idx.msk [tilespmem:v5+s3+$0x0], $0xffff  }
0x563: {  	s8 =	sand.u32 $0x180, s0;
	v17 =	vadd.s32 $0x4, v4;
	v15 =	vld.idx.msk [tilespmem:v15+s3+$0x0], $0xffff;
	[tilespmem:s24+$0x12680] =	vst v7  }
0x564: {  	s1 =	sadd.s32 s8, s26;
	s4 =	sand.u32 $0x70, s0;
	[tilespmem:s22+$0x10780] =	vst v10;
	v10 =	vadd.s32 $0x17, v2;
	v8 =	vld.idx.msk [tilespmem:v8+s3+$0x0], $0xffff  }
0x565: {  	v18 =	vadd.s32 $0x9, v3;
	v5 =	vmul.u32 $0x21, v16;
	s1 =	sadd.s32 s4, s1;
	v11 =	vld.idx.msk [tilespmem:v11+s3+$0x0], $0xffff  }
0x566: {  	v7 =	vld [tilespmem:s1+$0x0];
	[tilespmem:s20+$0x11600] =	vst v9  }
0x567: {  	v9 =	vadd.s32 $0x1C, v6;
	[tilespmem:s25+$0xF700] =	vst v13;
	v12 =	vld.idx.msk [tilespmem:v12+s3+$0x0], $0xffff  }
0x568: {  	v13 =	vadd.s32 $0xE, v1;
	v16 =	vld.idx.msk [tilespmem:v17+s3+$0x0], $0xffff;
	[tilespmem:s21+$0x11880] =	vst v14  }
0x569: {  	v14 =	vadd.s32 $0x13, v0;
	[tilespmem:s23+$0x10580] =	vst v15;
	v10 =	vld.idx.msk [tilespmem:v10+s3+$0x0], $0xffff  }
0x56a: {  	v15 =	vadd.s32 $0x5, v4;
	v17 =	vld.idx.msk [tilespmem:v18+s3+$0x0], $0xffff  }
0x56b: {  	[tilespmem:s24+$0x12700] =	vst v8;
	v8 =	vadd.s32 $0x18, v2;
	v18 =	vld.idx.msk [tilespmem:v5+s3+$0x0], $0xffff  }
0x56c: {  	[tilespmem:s22+$0x10800] =	vst v11;
	v11 =	vadd.s32 $0xA, v3;
	v9 =	vld.idx.msk [tilespmem:v9+s3+$0x0], $0xffff  }
0x56d: {  	v19 =	vadd.s32 $0x1, v5;
	v13 =	vld.idx.msk [tilespmem:v13+s3+$0x0], $0xffff;
	[tilespmem:s20+$0x11680] =	vst v12  }
0x56e: {  	s1 =	simm.s32 $0x300;
	v12 =	vadd.s32 $0x1D, v6;
	[tilespmem:s25+$0xF780] =	vst v16;
	v14 =	vld.idx.msk [tilespmem:v14+s3+$0x0], $0xffff  }
0x56f: {  	s9 =	sand.u32 $0xC00, s1;
	v16 =	vadd.s32 $0xF, v1;
	v15 =	vld.idx.msk [tilespmem:v15+s3+$0x0], $0xffff;
	[tilespmem:s21+$0x11900] =	vst v10  }
0x570: {  	s28 =	sor.u32 s6, s9;
	v10 =	vadd.s32 $0x14, v0;
	[tilespmem:s23+$0x10600] =	vst v17;
	v8 =	vld.idx.msk [tilespmem:v8+s3+$0x0], $0xffff  }
0x571: {  	v17 =	vadd.s32 $0x6, v4;
	[tilespmem:s28+$0xF580] =	vst v18;
	v11 =	vld.idx.msk [tilespmem:v11+s3+$0x0], $0xffff  }
0x572: {  	[tilespmem:s24+$0x12780] =	vst v9;
	v9 =	vadd.s32 $0x19, v2;
	v18 =	vld.idx.msk [tilespmem:v19+s3+$0x0], $0xffff  }
0x573: {  	[tilespmem:s22+$0x10880] =	vst v13;
	v12 =	vld.idx.msk [tilespmem:v12+s3+$0x0], $0xffff;
	v13 =	vadd.s32 $0xB, v3  }
0x574: {  	v19 =	vadd.s32 $0x2, v5;
	v16 =	vld.idx.msk [tilespmem:v16+s3+$0x0], $0xffff;
	[tilespmem:s20+$0x11700] =	vst v14  }
0x575: {  	v14 =	vadd.s32 $0x1E, v6;
	[tilespmem:s25+$0xF800] =	vst v15;
	v10 =	vld.idx.msk [tilespmem:v10+s3+$0x0], $0xffff  }
0x576: {  	v15 =	vadd.s32 $0x10, v1;
	v20 =	vld.idx.msk [tilespmem:v17+s3+$0x0], $0xffff;
	[tilespmem:s21+$0x12580] =	vst v8  }
0x577: {  	v8 =	vadd.s32 $0x15, v0;
	[tilespmem:s23+$0x10680] =	vst v11;
	v9 =	vld.idx.msk [tilespmem:v9+s3+$0x0], $0xffff  }
0x578: {  	v11 =	vadd.s32 $0x7, v4;
	[tilespmem:s28+$0xF600] =	vst v18;
	v21 =	vld.idx.msk [tilespmem:v13+s3+$0x0], $0xffff  }
0x579: {  	[tilespmem:s24+$0x12800] =	vst v12;
	v12 =	vadd.s32 $0x1A, v2;
	v17 =	vld.idx.msk [tilespmem:v19+s3+$0x0], $0xffff  }
0x57a: {  	[tilespmem:s22+$0x10900] =	vst v16;
	v16 =	vld.idx.msk [tilespmem:v14+s3+$0x0], $0xffff;
	v14 =	vadd.s32 $0xC, v3  }
0x57b: {  	v6 =	vadd.s32 $0x1F, v6;
	v22 =	vld.idx.msk [tilespmem:v15+s3+$0x0], $0xffff;
	[tilespmem:s20+$0x11780] =	vst v10  }
0x57c: {  	v10 =	vadd.s32 $0x11, v1;
	[tilespmem:s25+$0xF880] =	vst v20;
	v13 =	vld.idx.msk [tilespmem:v8+s3+$0x0], $0xffff  }
0x57d: {  	v18 =	vadd.s32 $0x3, v5;
	v15 =	vld.idx.msk [tilespmem:v11+s3+$0x0], $0xffff;
	[tilespmem:s21+$0x12600] =	vst v9  }
0x57e: {  	v11 =	vadd.s32 $0x16, v0;
	[tilespmem:s23+$0x10700] =	vst v21;
	v9 =	vld.idx.msk [tilespmem:v12+s3+$0x0], $0xffff  }
0x57f: {  	v14 =	vld.idx.msk [tilespmem:v14+s3+$0x0], $0xffff;
	[tilespmem:s24+$0x12880] =	vst v16;
	v16 =	vadd.s32 $0x8, v4  }
0x580: {  	s6 =	simm.s32 $0x80;
	v8 =	vadd.s32 $0x1B, v2;
	[tilespmem:s22+$0x11580] =	vst v22;
	v12 =	vld.idx.msk [tilespmem:v6+s3+$0x0], $0xffff  }
.LBB2_9:
0x581: {  	p0 =	sne.s32 s6, $0x1F0;
	[tilespmem:s28+$0xF680] =	vst v17;
	s8 =	sor.u32 s31, s29;
	v6 =	vadd.s32 $0xD, v3;
	v10 =	vld.idx.msk [tilespmem:v10+s3+$0x0], $0xffff;
	s31 =	smov.u32 s1  }
0x582: {  	s29 =	smov.u32 s30;
	s30 =	smov.u32 s0;
	v17 =	vld.idx.msk [tilespmem:v18+s3+$0x0], $0xffff;
	s8 =	sor.u32 $0x380, s8;
	[tilespmem:s20+$0x11800] =	vst v13  }
0x583: {  	s0 =	smov.u32 s6;
	v13 =	vadd.s32 $0x12, v1;
	[tilespmem:s8+$0xF580] =	vst v15;
	v11 =	vld.idx.msk [tilespmem:v11+s3+$0x0], $0xffff  }
0x584: {  	s9 =	sand.u32 $0x180, s6;
	v15 =	vadd.s32 $0x4, v5;
	v16 =	vld.idx.msk [tilespmem:v16+s3+$0x0], $0xffff;
	[tilespmem:s21+$0x12680] =	vst v9  }
0x585: {  	s9 =	sadd.s32 s9, s26;
	s8 =	sand.u32 $0x70, s6;
	v9 =	vadd.s32 $0x17, v0;
	[tilespmem:s23+$0x10780] =	vst v14;
	v8 =	vld.idx.msk [tilespmem:v8+s3+$0x0], $0xffff  }
0x586: {  	s9 =	sadd.s32 s8, s9;
	v14 =	vadd.s32 $0x9, v4;
	v6 =	vld.idx.msk [tilespmem:v6+s3+$0x0], $0xffff;
	[tilespmem:s24+$0x12900] =	vst v12;
	s24 =	smov.u32 s21;
	s21 =	smov.u32 s20  }
0x587: {  	s20 =	smov.u32 s22;
	v12 =	vld [tilespmem:s9+$0x0];
	[tilespmem:s22+$0x11600] =	vst v10;
	v10 =	vadd.s32 $0x1C, v2;
	s22 =	smov.u32 s23;
	s23 =	smov.u32 s25  }
0x588: {  	v18 =	vmul.u32 $0x21, v7;
	s25 =	smov.u32 s28;
	[tilespmem:s28+$0xF700] =	vst v17;
	v17 =	vadd.s32 $0xE, v3;
	v13 =	vld.idx.msk [tilespmem:v13+s3+$0x0], $0xffff  }
0x589: {  	v15 =	vld.idx.msk [tilespmem:v15+s3+$0x0], $0xffff;
	[tilespmem:s21+$0x11880] =	vst v11  }
0x58a: {  	v11 =	vadd.s32 $0x13, v1;
	[tilespmem:s23+$0x10580] =	vst v16;
	v9 =	vld.idx.msk [tilespmem:v9+s3+$0x0], $0xffff  }
0x58b: {  	v16 =	vadd.s32 $0x5, v5;
	v14 =	vld.idx.msk [tilespmem:v14+s3+$0x0], $0xffff;
	[tilespmem:s24+$0x12700] =	vst v8  }
0x58c: {  	[tilespmem:s22+$0x10800] =	vst v6;
	v6 =	vadd.s32 $0x18, v0;
	v8 =	vld.idx.msk [tilespmem:v10+s3+$0x0], $0xffff;
	v7 =	vmov v12  }
0x58d: {  	v10 =	vadd.s32 $0xA, v4;
	v12 =	vld.idx.msk [tilespmem:v17+s3+$0x0], $0xffff  }
0x58e: {  	v17 =	vld.idx.msk [tilespmem:v18+s3+$0x0], $0xffff;
	[tilespmem:s20+$0x11680] =	vst v13;
	v13 =	vadd.s32 $0x1D, v2  }
0x58f: {  	[tilespmem:s25+$0xF780] =	vst v15;
	v15 =	vadd.s32 $0xF, v3;
	v11 =	vld.idx.msk [tilespmem:v11+s3+$0x0], $0xffff  }
0x590: {  	v19 =	vadd.s32 $0x1, v18;
	v16 =	vld.idx.msk [tilespmem:v16+s3+$0x0], $0xffff;
	[tilespmem:s21+$0x11900] =	vst v9  }
0x591: {  	s1 =	sadd.s32 $0x80, s1;
	v9 =	vadd.s32 $0x14, v1;
	[tilespmem:s23+$0x10600] =	vst v14;
	v6 =	vld.idx.msk [tilespmem:v6+s3+$0x0], $0xffff  }
0x592: {  	s9 =	sand.u32 $0xC00, s1;
	v14 =	vadd.s32 $0x6, v5;
	v10 =	vld.idx.msk [tilespmem:v10+s3+$0x0], $0xffff;
	[tilespmem:s24+$0x12780] =	vst v8  }
0x593: {  	s28 =	sor.u32 s4, s9;
	s4 =	smov.u32 s8;
	v8 =	vadd.s32 $0x19, v0;
	[tilespmem:s22+$0x10880] =	vst v12;
	v12 =	vld.idx.msk [tilespmem:v13+s3+$0x0], $0xffff  }
0x594: {  	v13 =	vadd.s32 $0xB, v4;
	[tilespmem:s28+$0xF580] =	vst v17;
	v15 =	vld.idx.msk [tilespmem:v15+s3+$0x0], $0xffff  }
0x595: {  	v17 =	vld.idx.msk [tilespmem:v19+s3+$0x0], $0xffff;
	[tilespmem:s20+$0x11700] =	vst v11;
	v11 =	vadd.s32 $0x1E, v2  }
0x596: {  	[tilespmem:s25+$0xF800] =	vst v16;
	v16 =	vadd.s32 $0x10, v3;
	v9 =	vld.idx.msk [tilespmem:v9+s3+$0x0], $0xffff  }
0x597: {  	v19 =	vadd.s32 $0x2, v18;
	v14 =	vld.idx.msk [tilespmem:v14+s3+$0x0], $0xffff;
	[tilespmem:s21+$0x12580] =	vst v6  }
0x598: {  	v6 =	vadd.s32 $0x15, v1;
	[tilespmem:s23+$0x10680] =	vst v10;
	v8 =	vld.idx.msk [tilespmem:v8+s3+$0x0], $0xffff  }
0x599: {  	v20 =	vadd.s32 $0x7, v5;
	v21 =	vld.idx.msk [tilespmem:v13+s3+$0x0], $0xffff;
	[tilespmem:s24+$0x12800] =	vst v12  }
0x59a: {  	v12 =	vadd.s32 $0x1A, v0;
	[tilespmem:s22+$0x10900] =	vst v15;
	v22 =	vld.idx.msk [tilespmem:v11+s3+$0x0], $0xffff  }
0x59b: {  	v23 =	vadd.s32 $0xC, v4;
	[tilespmem:s28+$0xF600] =	vst v17;
	v24 =	vld.idx.msk [tilespmem:v16+s3+$0x0], $0xffff  }
0x59c: {  	v17 =	vld.idx.msk [tilespmem:v19+s3+$0x0], $0xffff;
	[tilespmem:s20+$0x11780] =	vst v9;
	v19 =	vadd.s32 $0x1F, v2;
	v2 =	vmovc v0;
	v0 =	vmovc v1;
	v1 =	vmov v3;
	v3 =	vmov v4  }
.Ltmp3:
0x59d: {  	v4 =	vmov v5;
	v5 =	vmov v18;
	[tilespmem:s25+$0xF880] =	vst v14;
	v10 =	vadd.s32 $0x11, v1;
	v13 =	vld.idx.msk [tilespmem:v6+s3+$0x0], $0xffff;
	(pc) =	sbr.rel @p0 .LBB2_9-.Ltmp3, $4  }
0x59e: {  	v18 =	vadd.s32 $0x3, v5;
	v15 =	vld.idx.msk [tilespmem:v20+s3+$0x0], $0xffff;
	[tilespmem:s21+$0x12600] =	vst v8  }
0x59f: {  	v11 =	vadd.s32 $0x16, v0;
	[tilespmem:s23+$0x10700] =	vst v21;
	v9 =	vld.idx.msk [tilespmem:v12+s3+$0x0], $0xffff  }
0x5a0: {  	v16 =	vadd.s32 $0x8, v4;
	v14 =	vld.idx.msk [tilespmem:v23+s3+$0x0], $0xffff;
	[tilespmem:s24+$0x12880] =	vst v22  }
0x5a1: {  	s6 =	sadd.s32 $0x10, s6;
	v8 =	vadd.s32 $0x1B, v2;
	[tilespmem:s22+$0x11580] =	vst v24;
	v12 =	vld.idx.msk [tilespmem:v19+s3+$0x0], $0xffff  }
0x5a2: {  	v6 =	vmul.u32 $0x21, v7;
	_ =	sdelay $0x5  }
0x5a3: {  	v7 =	vld.idx.msk [tilespmem:v6+s3+$0x0], $0xffff  }
0x5a4: {  	v19 =	vadd.s32 $0x1, v6  }
0x5a5: {  	s6 =	sadd.s32 $0x80, s1  }
0x5a6: {  	s8 =	sand.u32 $0xC00, s6  }
0x5a7: {  	s26 =	sor.u32 s4, s8  }
0x5a8: {  	[tilespmem:s26+$0xF580] =	vst v7  }
0x5a9: {  	v7 =	vld.idx.msk [tilespmem:v19+s3+$0x0], $0xffff  }
0x5aa: {  	v49 =	vadd.s32 $0x2, v6;
	_ =	sdelay $0x3  }
0x5ab: {  	[tilespmem:s26+$0xF600] =	vst v7  }
0x5ac: {  	v7 =	vld.idx.msk [tilespmem:v49+s3+$0x0], $0xffff  }
0x5ad: {  	v50 =	vadd.s32 $0x3, v6;
	_ =	sdelay $0x2  }
0x5ae: {  	[tilespmem:s28+$0xF680] =	vst v17  }
0x5af: {  	v17 =	vld.idx.msk [tilespmem:v18+s3+$0x0], $0xffff;
	[tilespmem:s26+$0xF680] =	vst v7  }
0x5b0: {  	v51 =	vadd.s32 $0x4, v5;
	v52 =	vld.idx.msk [tilespmem:v50+s3+$0x0], $0xffff  }
0x5b1: {  	v53 =	vadd.s32 $0x4, v6;
	_ =	sdelay $0x2  }
0x5b2: {  	[tilespmem:s28+$0xF700] =	vst v17  }
0x5b3: {  	v7 =	vld.idx.msk [tilespmem:v51+s3+$0x0], $0xffff;
	[tilespmem:s26+$0xF700] =	vst v52  }
0x5b4: {  	v54 =	vadd.s32 $0x5, v5;
	v18 =	vld.idx.msk [tilespmem:v53+s3+$0x0], $0xffff  }
0x5b5: {  	v55 =	vadd.s32 $0x5, v6;
	_ =	sdelay $0x2  }
0x5b6: {  	[tilespmem:s28+$0xF780] =	vst v7  }
0x5b7: {  	v7 =	vld.idx.msk [tilespmem:v54+s3+$0x0], $0xffff;
	[tilespmem:s26+$0xF780] =	vst v18  }
0x5b8: {  	v56 =	vadd.s32 $0x6, v5;
	v18 =	vld.idx.msk [tilespmem:v55+s3+$0x0], $0xffff  }
0x5b9: {  	v57 =	vadd.s32 $0x6, v6;
	_ =	sdelay $0x2  }
0x5ba: {  	[tilespmem:s28+$0xF800] =	vst v7  }
0x5bb: {  	v7 =	vld.idx.msk [tilespmem:v56+s3+$0x0], $0xffff;
	[tilespmem:s26+$0xF800] =	vst v18  }
0x5bc: {  	v58 =	vadd.s32 $0x7, v5;
	v18 =	vld.idx.msk [tilespmem:v57+s3+$0x0], $0xffff  }
0x5bd: {  	v59 =	vadd.s32 $0x7, v6;
	_ =	sdelay $0x2  }
0x5be: {  	[tilespmem:s28+$0xF880] =	vst v7  }
0x5bf: {  	v7 =	vld.idx.msk [tilespmem:v58+s3+$0x0], $0xffff;
	[tilespmem:s26+$0xF880] =	vst v18  }
0x5c0: {  	v60 =	vadd.s32 $0x8, v5;
	v18 =	vld.idx.msk [tilespmem:v59+s3+$0x0], $0xffff  }
0x5c1: {  	s29 =	sor.u32 s31, s29;
	v61 =	vadd.s32 $0x8, v6  }
0x5c2: {  	s30 =	sor.u32 s1, s30;
	s4 =	sor.u32 $0x380, s29  }
0x5c3: {  	s1 =	sor.u32 $0x380, s30;
	s0 =	sor.u32 s6, s0;
	[tilespmem:s4+$0xF580] =	vst v15  }
0x5c4: {  	s0 =	sor.u32 $0x380, s0;
	v15 =	vld.idx.msk [tilespmem:v16+s3+$0x0], $0xffff;
	[tilespmem:s1+$0xF580] =	vst v7  }
0x5c5: {  	v62 =	vadd.s32 $0x9, v4;
	v63 =	vld.idx.msk [tilespmem:v60+s3+$0x0], $0xffff;
	[tilespmem:s0+$0xF580] =	vst v18  }
0x5c6: {  	v21 =	vadd.s32 $0x9, v5;
	v18 =	vld.idx.msk [tilespmem:v61+s3+$0x0], $0xffff  }
0x5c7: {  	v22 =	vadd.s32 $0x9, v6;
	_ =	sdelay $0x1  }
0x5c8: {  	[tilespmem:s25+$0x10580] =	vst v15  }
0x5c9: {  	v7 =	vld.idx.msk [tilespmem:v62+s3+$0x0], $0xffff;
	[tilespmem:s28+$0x10580] =	vst v63  }
0x5ca: {  	v23 =	vadd.s32 $0xA, v4;
	v16 =	vld.idx.msk [tilespmem:v21+s3+$0x0], $0xffff;
	[tilespmem:s26+$0x10580] =	vst v18  }
0x5cb: {  	v24 =	vadd.s32 $0xA, v5;
	v18 =	vld.idx.msk [tilespmem:v22+s3+$0x0], $0xffff  }
0x5cc: {  	v25 =	vadd.s32 $0xA, v6;
	_ =	sdelay $0x1  }
0x5cd: {  	[tilespmem:s25+$0x10600] =	vst v7  }
0x5ce: {  	v7 =	vld.idx.msk [tilespmem:v23+s3+$0x0], $0xffff;
	[tilespmem:s28+$0x10600] =	vst v16  }
0x5cf: {  	v26 =	vadd.s32 $0xB, v4;
	v16 =	vld.idx.msk [tilespmem:v24+s3+$0x0], $0xffff;
	[tilespmem:s26+$0x10600] =	vst v18  }
0x5d0: {  	v27 =	vadd.s32 $0xB, v5;
	v18 =	vld.idx.msk [tilespmem:v25+s3+$0x0], $0xffff  }
0x5d1: {  	v28 =	vadd.s32 $0xB, v6;
	_ =	sdelay $0x1  }
0x5d2: {  	[tilespmem:s25+$0x10680] =	vst v7  }
0x5d3: {  	v7 =	vld.idx.msk [tilespmem:v26+s3+$0x0], $0xffff;
	[tilespmem:s28+$0x10680] =	vst v16  }
0x5d4: {  	v29 =	vadd.s32 $0xC, v4;
	v16 =	vld.idx.msk [tilespmem:v27+s3+$0x0], $0xffff;
	[tilespmem:s26+$0x10680] =	vst v18  }
0x5d5: {  	v30 =	vadd.s32 $0xC, v5;
	v18 =	vld.idx.msk [tilespmem:v28+s3+$0x0], $0xffff  }
0x5d6: {  	v31 =	vadd.s32 $0xC, v6;
	_ =	sdelay $0x1  }
0x5d7: {  	[tilespmem:s25+$0x10700] =	vst v7  }
0x5d8: {  	v32 =	vadd.s32 $0xD, v3;
	v15 =	vld.idx.msk [tilespmem:v29+s3+$0x0], $0xffff;
	[tilespmem:s28+$0x10700] =	vst v16  }
0x5d9: {  	v33 =	vadd.s32 $0xD, v4;
	v17 =	vld.idx.msk [tilespmem:v30+s3+$0x0], $0xffff;
	[tilespmem:s26+$0x10700] =	vst v18  }
0x5da: {  	v34 =	vadd.s32 $0xD, v5;
	v19 =	vld.idx.msk [tilespmem:v31+s3+$0x0], $0xffff  }
0x5db: {  	v20 =	vadd.s32 $0xD, v6  }
0x5dc: {  	[tilespmem:s23+$0x10780] =	vst v14  }
0x5dd: {  	v7 =	vld.idx.msk [tilespmem:v32+s3+$0x0], $0xffff;
	[tilespmem:s25+$0x10780] =	vst v15  }
0x5de: {  	v35 =	vadd.s32 $0xE, v3;
	v15 =	vld.idx.msk [tilespmem:v33+s3+$0x0], $0xffff;
	[tilespmem:s28+$0x10780] =	vst v17  }
0x5df: {  	v36 =	vadd.s32 $0xE, v4;
	v17 =	vld.idx.msk [tilespmem:v34+s3+$0x0], $0xffff;
	[tilespmem:s26+$0x10780] =	vst v19  }
0x5e0: {  	v37 =	vadd.s32 $0xE, v5;
	v19 =	vld.idx.msk [tilespmem:v20+s3+$0x0], $0xffff  }
0x5e1: {  	v38 =	vadd.s32 $0xE, v6  }
0x5e2: {  	[tilespmem:s23+$0x10800] =	vst v7  }
0x5e3: {  	v7 =	vld.idx.msk [tilespmem:v35+s3+$0x0], $0xffff;
	[tilespmem:s25+$0x10800] =	vst v15  }
0x5e4: {  	v39 =	vadd.s32 $0xF, v3;
	v15 =	vld.idx.msk [tilespmem:v36+s3+$0x0], $0xffff;
	[tilespmem:s28+$0x10800] =	vst v17  }
0x5e5: {  	v40 =	vadd.s32 $0xF, v4;
	v17 =	vld.idx.msk [tilespmem:v37+s3+$0x0], $0xffff;
	[tilespmem:s26+$0x10800] =	vst v19  }
0x5e6: {  	v41 =	vadd.s32 $0xF, v5;
	v19 =	vld.idx.msk [tilespmem:v38+s3+$0x0], $0xffff  }
0x5e7: {  	v42 =	vadd.s32 $0xF, v6  }
0x5e8: {  	[tilespmem:s23+$0x10880] =	vst v7  }
0x5e9: {  	v7 =	vld.idx.msk [tilespmem:v39+s3+$0x0], $0xffff;
	[tilespmem:s25+$0x10880] =	vst v15  }
0x5ea: {  	v43 =	vadd.s32 $0x10, v3;
	v15 =	vld.idx.msk [tilespmem:v40+s3+$0x0], $0xffff;
	[tilespmem:s28+$0x10880] =	vst v17  }
0x5eb: {  	v44 =	vadd.s32 $0x10, v4;
	v17 =	vld.idx.msk [tilespmem:v41+s3+$0x0], $0xffff;
	[tilespmem:s26+$0x10880] =	vst v19  }
0x5ec: {  	v45 =	vadd.s32 $0x10, v5;
	v19 =	vld.idx.msk [tilespmem:v42+s3+$0x0], $0xffff  }
0x5ed: {  	[tilespmem:s20+$0x11800] =	vst v13;
	v46 =	vadd.s32 $0x10, v6  }
0x5ee: {  	[tilespmem:s23+$0x10900] =	vst v7  }
0x5ef: {  	v7 =	vld.idx.msk [tilespmem:v43+s3+$0x0], $0xffff;
	[tilespmem:s25+$0x10900] =	vst v15  }
0x5f0: {  	v47 =	vadd.s32 $0x11, v3;
	v15 =	vld.idx.msk [tilespmem:v44+s3+$0x0], $0xffff;
	[tilespmem:s28+$0x10900] =	vst v17  }
0x5f1: {  	v48 =	vadd.s32 $0x11, v4;
	v17 =	vld.idx.msk [tilespmem:v45+s3+$0x0], $0xffff;
	[tilespmem:s26+$0x10900] =	vst v19  }
0x5f2: {  	[tilespmem:s21+$0x12680] =	vst v9;
	v49 =	vadd.s32 $0x11, v5;
	v13 =	vld.idx.msk [tilespmem:v46+s3+$0x0], $0xffff  }
0x5f3: {  	v10 =	vld.idx.msk [tilespmem:v10+s3+$0x0], $0xffff;
	[tilespmem:s24+$0x12900] =	vst v12;
	v50 =	vadd.s32 $0x11, v6  }
0x5f4: {  	v11 =	vld.idx.msk [tilespmem:v11+s3+$0x0], $0xffff;
	[tilespmem:s23+$0x11580] =	vst v7  }
0x5f5: {  	v51 =	vadd.s32 $0x12, v1;
	v14 =	vld.idx.msk [tilespmem:v47+s3+$0x0], $0xffff;
	[tilespmem:s25+$0x11580] =	vst v15  }
0x5f6: {  	v52 =	vadd.s32 $0x12, v3;
	v16 =	vld.idx.msk [tilespmem:v48+s3+$0x0], $0xffff;
	[tilespmem:s28+$0x11580] =	vst v17  }
0x5f7: {  	v53 =	vadd.s32 $0x12, v4;
	v9 =	vld.idx.msk [tilespmem:v49+s3+$0x0], $0xffff;
	[tilespmem:s26+$0x11580] =	vst v13  }
0x5f8: {  	[tilespmem:s22+$0x11600] =	vst v10;
	v54 =	vadd.s32 $0x12, v5;
	v12 =	vld.idx.msk [tilespmem:v50+s3+$0x0], $0xffff  }
0x5f9: {  	v8 =	vld.idx.msk [tilespmem:v8+s3+$0x0], $0xffff;
	[tilespmem:s20+$0x11880] =	vst v11;
	v55 =	vadd.s32 $0x12, v6  }
0x5fa: {  	v56 =	vadd.s32 $0x17, v0;
	v7 =	vld.idx.msk [tilespmem:v51+s3+$0x0], $0xffff;
	[tilespmem:s23+$0x11600] =	vst v14  }
0x5fb: {  	v57 =	vadd.s32 $0x13, v1;
	v15 =	vld.idx.msk [tilespmem:v52+s3+$0x0], $0xffff;
	[tilespmem:s25+$0x11600] =	vst v16  }
0x5fc: {  	v58 =	vadd.s32 $0x13, v3;
	v17 =	vld.idx.msk [tilespmem:v53+s3+$0x0], $0xffff;
	[tilespmem:s28+$0x11600] =	vst v9  }
0x5fd: {  	v59 =	vadd.s32 $0x13, v4;
	v10 =	vld.idx.msk [tilespmem:v54+s3+$0x0], $0xffff;
	[tilespmem:s26+$0x11600] =	vst v12  }
0x5fe: {  	[tilespmem:s21+$0x12700] =	vst v8;
	v60 =	vadd.s32 $0x13, v5;
	v11 =	vld.idx.msk [tilespmem:v55+s3+$0x0], $0xffff  }
0x5ff: {  	v62 =	vadd.s32 $0x13, v6;
	v61 =	vld.idx.msk [tilespmem:v56+s3+$0x0], $0xffff;
	[tilespmem:s22+$0x11680] =	vst v7  }
0x600: {  	v63 =	vadd.s32 $0x1C, v2;
	v14 =	vld.idx.msk [tilespmem:v57+s3+$0x0], $0xffff;
	[tilespmem:s23+$0x11680] =	vst v15  }
0x601: {  	v20 =	vadd.s32 $0x14, v1;
	v16 =	vld.idx.msk [tilespmem:v58+s3+$0x0], $0xffff;
	[tilespmem:s25+$0x11680] =	vst v17  }
0x602: {  	v21 =	vadd.s32 $0x14, v3;
	v9 =	vld.idx.msk [tilespmem:v59+s3+$0x0], $0xffff;
	[tilespmem:s28+$0x11680] =	vst v10  }
0x603: {  	v22 =	vadd.s32 $0x14, v4;
	v8 =	vld.idx.msk [tilespmem:v60+s3+$0x0], $0xffff;
	[tilespmem:s26+$0x11680] =	vst v11  }
0x604: {  	v23 =	vadd.s32 $0x14, v5;
	[tilespmem:s20+$0x11900] =	vst v61;
	v7 =	vld.idx.msk [tilespmem:v62+s3+$0x0], $0xffff  }
0x605: {  	v24 =	vld.idx.msk [tilespmem:v63+s3+$0x0], $0xffff;
	v25 =	vadd.s32 $0x14, v6;
	[tilespmem:s22+$0x11700] =	vst v14  }
0x606: {  	v26 =	vadd.s32 $0x18, v0;
	v15 =	vld.idx.msk [tilespmem:v20+s3+$0x0], $0xffff;
	[tilespmem:s23+$0x11700] =	vst v16  }
0x607: {  	v27 =	vadd.s32 $0x15, v1;
	v17 =	vld.idx.msk [tilespmem:v21+s3+$0x0], $0xffff;
	[tilespmem:s25+$0x11700] =	vst v9  }
0x608: {  	v28 =	vadd.s32 $0x15, v3;
	v10 =	vld.idx.msk [tilespmem:v22+s3+$0x0], $0xffff;
	[tilespmem:s28+$0x11700] =	vst v8  }
0x609: {  	v29 =	vadd.s32 $0x15, v4;
	v11 =	vld.idx.msk [tilespmem:v23+s3+$0x0], $0xffff;
	[tilespmem:s26+$0x11700] =	vst v7  }
0x60a: {  	[tilespmem:s21+$0x12780] =	vst v24;
	v30 =	vadd.s32 $0x15, v5;
	v31 =	vld.idx.msk [tilespmem:v25+s3+$0x0], $0xffff  }
0x60b: {  	v32 =	vld.idx.msk [tilespmem:v26+s3+$0x0], $0xffff;
	v33 =	vadd.s32 $0x15, v6;
	[tilespmem:s22+$0x11780] =	vst v15  }
0x60c: {  	v34 =	vadd.s32 $0x1D, v2;
	v16 =	vld.idx.msk [tilespmem:v27+s3+$0x0], $0xffff;
	[tilespmem:s23+$0x11780] =	vst v17  }
0x60d: {  	v35 =	vadd.s32 $0x16, v1;
	v9 =	vld.idx.msk [tilespmem:v28+s3+$0x0], $0xffff;
	[tilespmem:s25+$0x11780] =	vst v10  }
0x60e: {  	v36 =	vadd.s32 $0x16, v3;
	v8 =	vld.idx.msk [tilespmem:v29+s3+$0x0], $0xffff;
	[tilespmem:s28+$0x11780] =	vst v11  }
0x60f: {  	v37 =	vadd.s32 $0x16, v4;
	v7 =	vld.idx.msk [tilespmem:v30+s3+$0x0], $0xffff;
	[tilespmem:s26+$0x11780] =	vst v31  }
0x610: {  	[tilespmem:s20+$0x12580] =	vst v32;
	v38 =	vadd.s32 $0x16, v5;
	v39 =	vld.idx.msk [tilespmem:v33+s3+$0x0], $0xffff  }
0x611: {  	v40 =	vld.idx.msk [tilespmem:v34+s3+$0x0], $0xffff;
	v41 =	vadd.s32 $0x16, v6;
	[tilespmem:s22+$0x11800] =	vst v16  }
0x612: {  	v42 =	vadd.s32 $0x19, v0;
	v17 =	vld.idx.msk [tilespmem:v35+s3+$0x0], $0xffff;
	[tilespmem:s23+$0x11800] =	vst v9  }
0x613: {  	v43 =	vadd.s32 $0x17, v1;
	v10 =	vld.idx.msk [tilespmem:v36+s3+$0x0], $0xffff;
	[tilespmem:s25+$0x11800] =	vst v8  }
0x614: {  	v44 =	vadd.s32 $0x17, v3;
	v11 =	vld.idx.msk [tilespmem:v37+s3+$0x0], $0xffff;
	[tilespmem:s28+$0x11800] =	vst v7  }
0x615: {  	v45 =	vadd.s32 $0x17, v4;
	v12 =	vld.idx.msk [tilespmem:v38+s3+$0x0], $0xffff;
	[tilespmem:s26+$0x11800] =	vst v39  }
0x616: {  	[tilespmem:s21+$0x12800] =	vst v40;
	v46 =	vadd.s32 $0x17, v5;
	v47 =	vld.idx.msk [tilespmem:v41+s3+$0x0], $0xffff  }
0x617: {  	v48 =	vld.idx.msk [tilespmem:v42+s3+$0x0], $0xffff;
	v49 =	vadd.s32 $0x17, v6;
	[tilespmem:s22+$0x11880] =	vst v17  }
0x618: {  	v58 =	vadd.s32 $0x1A, v0;
	v9 =	vld.idx.msk [tilespmem:v43+s3+$0x0], $0xffff;
	[tilespmem:s23+$0x11880] =	vst v10  }
0x619: {  	v51 =	vadd.s32 $0x18, v1;
	v8 =	vld.idx.msk [tilespmem:v44+s3+$0x0], $0xffff;
	[tilespmem:s25+$0x11880] =	vst v11  }
0x61a: {  	v52 =	vadd.s32 $0x18, v3;
	v7 =	vld.idx.msk [tilespmem:v45+s3+$0x0], $0xffff;
	[tilespmem:s28+$0x11880] =	vst v12  }
0x61b: {  	v53 =	vadd.s32 $0x18, v4;
	v13 =	vld.idx.msk [tilespmem:v46+s3+$0x0], $0xffff;
	[tilespmem:s26+$0x11880] =	vst v47  }
0x61c: {  	[tilespmem:s20+$0x12600] =	vst v48;
	v54 =	vadd.s32 $0x18, v5;
	v55 =	vld.idx.msk [tilespmem:v49+s3+$0x0], $0xffff  }
0x61d: {  	v57 =	vadd.s32 $0x18, v6;
	v63 =	vld.idx.msk [tilespmem:v58+s3+$0x0], $0xffff;
	[tilespmem:s22+$0x11900] =	vst v9  }
0x61e: {  	v50 =	vadd.s32 $0x1E, v2;
	v10 =	vld.idx.msk [tilespmem:v51+s3+$0x0], $0xffff;
	[tilespmem:s23+$0x11900] =	vst v8  }
0x61f: {  	v59 =	vadd.s32 $0x19, v1;
	v11 =	vld.idx.msk [tilespmem:v52+s3+$0x0], $0xffff;
	[tilespmem:s25+$0x11900] =	vst v7  }
0x620: {  	v60 =	vadd.s32 $0x19, v3;
	v12 =	vld.idx.msk [tilespmem:v53+s3+$0x0], $0xffff;
	[tilespmem:s28+$0x11900] =	vst v13  }
0x621: {  	v61 =	vadd.s32 $0x19, v4;
	v14 =	vld.idx.msk [tilespmem:v54+s3+$0x0], $0xffff;
	[tilespmem:s26+$0x11900] =	vst v55  }
0x622: {  	[tilespmem:s20+$0x12680] =	vst v63;
	v62 =	vadd.s32 $0x19, v5;
	v9 =	vld.idx.msk [tilespmem:v57+s3+$0x0], $0xffff  }
0x623: {  	v19 =	vadd.s32 $0x19, v6;
	v56 =	vld.idx.msk [tilespmem:v50+s3+$0x0], $0xffff;
	[tilespmem:s22+$0x12580] =	vst v10  }
0x624: {  	v20 =	vadd.s32 $0x1F, v2;
	v8 =	vld.idx.msk [tilespmem:v59+s3+$0x0], $0xffff;
	[tilespmem:s23+$0x12580] =	vst v11  }
0x625: {  	v21 =	vadd.s32 $0x1A, v1;
	v7 =	vld.idx.msk [tilespmem:v60+s3+$0x0], $0xffff;
	[tilespmem:s25+$0x12580] =	vst v12  }
0x626: {  	v22 =	vadd.s32 $0x1A, v3;
	v13 =	vld.idx.msk [tilespmem:v61+s3+$0x0], $0xffff;
	[tilespmem:s28+$0x12580] =	vst v14  }
0x627: {  	v23 =	vadd.s32 $0x1A, v4;
	v15 =	vld.idx.msk [tilespmem:v62+s3+$0x0], $0xffff;
	[tilespmem:s26+$0x12580] =	vst v9  }
0x628: {  	v24 =	vadd.s32 $0x1A, v5;
	[tilespmem:s21+$0x12880] =	vst v56;
	v10 =	vld.idx.msk [tilespmem:v19+s3+$0x0], $0xffff  }
0x629: {  	v2 =	vld.idx.msk [tilespmem:v20+s3+$0x0], $0xffff;
	v25 =	vadd.s32 $0x1A, v6;
	[tilespmem:s22+$0x12600] =	vst v8  }
0x62a: {  	v26 =	vadd.s32 $0x1B, v0;
	v11 =	vld.idx.msk [tilespmem:v21+s3+$0x0], $0xffff;
	[tilespmem:s23+$0x12600] =	vst v7  }
0x62b: {  	v27 =	vadd.s32 $0x1B, v1;
	v12 =	vld.idx.msk [tilespmem:v22+s3+$0x0], $0xffff;
	[tilespmem:s25+$0x12600] =	vst v13  }
0x62c: {  	v28 =	vadd.s32 $0x1B, v3;
	v14 =	vld.idx.msk [tilespmem:v23+s3+$0x0], $0xffff;
	[tilespmem:s28+$0x12600] =	vst v15  }
0x62d: {  	v29 =	vadd.s32 $0x1B, v4;
	v9 =	vld.idx.msk [tilespmem:v24+s3+$0x0], $0xffff;
	[tilespmem:s26+$0x12600] =	vst v10  }
0x62e: {  	[tilespmem:s21+$0x12900] =	vst v2;
	v30 =	vadd.s32 $0x1B, v5;
	v8 =	vld.idx.msk [tilespmem:v25+s3+$0x0], $0xffff  }
0x62f: {  	v32 =	vadd.s32 $0x1B, v6;
	v31 =	vld.idx.msk [tilespmem:v26+s3+$0x0], $0xffff;
	[tilespmem:s22+$0x12680] =	vst v11  }
0x630: {  	v33 =	vadd.s32 $0x1C, v0;
	v7 =	vld.idx.msk [tilespmem:v27+s3+$0x0], $0xffff;
	[tilespmem:s23+$0x12680] =	vst v12  }
0x631: {  	v34 =	vadd.s32 $0x1C, v1;
	v13 =	vld.idx.msk [tilespmem:v28+s3+$0x0], $0xffff;
	[tilespmem:s25+$0x12680] =	vst v14  }
0x632: {  	v35 =	vadd.s32 $0x1C, v3;
	v15 =	vld.idx.msk [tilespmem:v29+s3+$0x0], $0xffff;
	[tilespmem:s28+$0x12680] =	vst v9  }
0x633: {  	v36 =	vadd.s32 $0x1C, v4;
	v2 =	vld.idx.msk [tilespmem:v30+s3+$0x0], $0xffff;
	[tilespmem:s26+$0x12680] =	vst v8  }
0x634: {  	v37 =	vadd.s32 $0x1C, v5;
	[tilespmem:s20+$0x12700] =	vst v31;
	v38 =	vld.idx.msk [tilespmem:v32+s3+$0x0], $0xffff  }
0x635: {  	v40 =	vadd.s32 $0x1C, v6;
	v39 =	vld.idx.msk [tilespmem:v33+s3+$0x0], $0xffff;
	[tilespmem:s22+$0x12700] =	vst v7  }
0x636: {  	v41 =	vadd.s32 $0x1D, v0;
	v12 =	vld.idx.msk [tilespmem:v34+s3+$0x0], $0xffff;
	[tilespmem:s23+$0x12700] =	vst v13  }
0x637: {  	v42 =	vadd.s32 $0x1D, v1;
	v14 =	vld.idx.msk [tilespmem:v35+s3+$0x0], $0xffff;
	[tilespmem:s25+$0x12700] =	vst v15  }
0x638: {  	v43 =	vadd.s32 $0x1D, v3;
	v9 =	vld.idx.msk [tilespmem:v36+s3+$0x0], $0xffff;
	[tilespmem:s28+$0x12700] =	vst v2  }
0x639: {  	v44 =	vadd.s32 $0x1D, v4;
	v8 =	vld.idx.msk [tilespmem:v37+s3+$0x0], $0xffff;
	[tilespmem:s26+$0x12700] =	vst v38  }
0x63a: {  	v45 =	vadd.s32 $0x1D, v5;
	[tilespmem:s20+$0x12780] =	vst v39;
	v7 =	vld.idx.msk [tilespmem:v40+s3+$0x0], $0xffff  }
0x63b: {  	v46 =	vadd.s32 $0x1D, v6;
	v11 =	vld.idx.msk [tilespmem:v41+s3+$0x0], $0xffff;
	[tilespmem:s22+$0x12780] =	vst v12  }
0x63c: {  	v47 =	vadd.s32 $0x1E, v0;
	v13 =	vld.idx.msk [tilespmem:v42+s3+$0x0], $0xffff;
	[tilespmem:s23+$0x12780] =	vst v14  }
0x63d: {  	v48 =	vadd.s32 $0x1E, v1;
	v15 =	vld.idx.msk [tilespmem:v43+s3+$0x0], $0xffff;
	[tilespmem:s25+$0x12780] =	vst v9  }
0x63e: {  	v49 =	vadd.s32 $0x1E, v3;
	v2 =	vld.idx.msk [tilespmem:v44+s3+$0x0], $0xffff;
	[tilespmem:s28+$0x12780] =	vst v8  }
0x63f: {  	v50 =	vadd.s32 $0x1E, v4;
	v10 =	vld.idx.msk [tilespmem:v45+s3+$0x0], $0xffff;
	[tilespmem:s26+$0x12780] =	vst v7  }
0x640: {  	v51 =	vadd.s32 $0x1E, v5;
	[tilespmem:s20+$0x12800] =	vst v11;
	v52 =	vld.idx.msk [tilespmem:v46+s3+$0x0], $0xffff  }
0x641: {  	v54 =	vadd.s32 $0x1E, v6;
	v53 =	vld.idx.msk [tilespmem:v47+s3+$0x0], $0xffff;
	[tilespmem:s22+$0x12800] =	vst v13  }
0x642: {  	v55 =	vadd.s32 $0x1F, v0;
	v14 =	vld.idx.msk [tilespmem:v48+s3+$0x0], $0xffff;
	[tilespmem:s23+$0x12800] =	vst v15  }
0x643: {  	v56 =	vadd.s32 $0x1F, v1;
	v9 =	vld.idx.msk [tilespmem:v49+s3+$0x0], $0xffff;
	[tilespmem:s25+$0x12800] =	vst v2  }
0x644: {  	v57 =	vadd.s32 $0x1F, v3;
	v58 =	vld.idx.msk [tilespmem:v50+s3+$0x0], $0xffff;
	[tilespmem:s28+$0x12800] =	vst v10  }
0x645: {  	v59 =	vadd.s32 $0x1F, v4;
	v7 =	vld.idx.msk [tilespmem:v51+s3+$0x0], $0xffff;
	[tilespmem:s26+$0x12800] =	vst v52  }
0x646: {  	v60 =	vadd.s32 $0x1F, v5;
	[tilespmem:s20+$0x12880] =	vst v53;
	v61 =	vld.idx.msk [tilespmem:v54+s3+$0x0], $0xffff  }
0x647: {  	v6 =	vadd.s32 $0x1F, v6;
	v0 =	vld.idx.msk [tilespmem:v55+s3+$0x0], $0xffff;
	[tilespmem:s22+$0x12880] =	vst v14  }
0x648: {  	v1 =	vld.idx.msk [tilespmem:v56+s3+$0x0], $0xffff;
	[tilespmem:s23+$0x12880] =	vst v9  }
0x649: {  	v2 =	vld.idx.msk [tilespmem:v57+s3+$0x0], $0xffff;
	[tilespmem:s25+$0x12880] =	vst v58  }
0x64a: {  	v3 =	vld.idx.msk [tilespmem:v59+s3+$0x0], $0xffff;
	[tilespmem:s28+$0x12880] =	vst v7  }
0x64b: {  	v62 =	vld.idx.msk [tilespmem:v60+s3+$0x0], $0xffff;
	[tilespmem:s26+$0x12880] =	vst v61  }
0x64c: {  	s18 =	sadd.s32 $0x1, s18;
	[tilespmem:s20+$0x12900] =	vst v0;
	v63 =	vld.idx.msk [tilespmem:v6+s3+$0x0], $0xffff  }
0x64d: {  	p0 =	sne.s32 s18, $0xD;
	[tilespmem:s22+$0x12900] =	vst v1  }
.Ltmp4:
0x64e: {  	s31 =	sshll.u32 s19, $0x13;
	[tilespmem:s23+$0x12900] =	vst v2;
	(pc) =	sbr.rel @p0 .LBB2_6-.Ltmp4, $4  }
0x64f: {  	s0 =	sor.u32 s7, s31;
	[tilespmem:s25+$0x12900] =	vst v3  }
0x650: {  	s0 =	sshrl.u32 s0, $0x3;
	[tilespmem:s28+$0x12900] =	vst v62  }
0x651: {  	s0 =	sadd.s32 s2, s0;
	[tilespmem:s26+$0x12900] =	vst v63  }
0x652: {  	[hbm4b:s0+s11] =	stream.strided.scatter [tilespmem:s14], [sflag:$0x2], $0x4000, s12, s11, $0x38;
	[tilespmem:$0x13580] =	vst v63  }
0x653: {  	_ =	swait.ge [sflag:s15], $0x4000  }
0x654: {  	[sflag:s15] =	ssyncset.done $0x0  }
0x655: {  	[sflag:s15] =	ssyncadd.s32 $0xFFFFC000  }
0x656: {  	_ =	swait.ge [sflag:s16], $0x4000  }
0x657: {  	s17 =	sadd.s32 $0x1, s17;
	s0 =	rddreg [dreg:$0x6]  }
0x658: {  	p0 =	sne.s32 s17, s0  }
.Ltmp5:
0x659: {  	_ = 	snop;
	(pc) =	sbr.rel @p0 .LBB2_1-.Ltmp5, $3  }
0x65a: {  	_ =	sdelay $0x1  }
0x65b: {  	[sflag:s16] =	ssyncset.done $0x0  }
0x65c: {  	[sflag:s16] =	ssyncadd.s32 $0xFFFFC000  }
0x65d: {  	_ =	sfence.sel $0x180000  }
0x65e: {  	[bflag:$0x0] =	sbarrier.arrive $0xFFFF  }
0x65f: {  	_ =	strace $0x90000047  }
0x660: {  	s0 =	stileid.u32;
	[bflag:$0x2] =	sbarrier.arrive $0xFFFF  }
0x661: {  	p0 =	sne.s32 s0, $0x0;
	s0 =	rddreg [dreg:$0x2]  }
0x662: {  	s0 =	sadd.s32 @!p0 $0x100000, s0  }
0x663: {  	[sflag:s0] =	ssyncadd.tile.s32 @!p0 $0x1;
	_ =	shalt  }
.Lfunc_end2:
_tile_overlayer_lowered:
.L_overlay_start_2:
0x664: {  	(tag) =	ssettag $0x2  }
0x665: {  	s0 =	rddreg [dreg:$0x0];
	s2 =	stileid.u32  }
0x666: {  	s1 =	rddreg [dreg:$0x1];
	p0 =	sne.s32 s2, $0x0  }
0x667: {  	s3 =	rddreg [dreg:$0x2];
	[bflag:$0x3] =	sbarrier.arrive $0xFFFF;
	s2 =	simm.s32 @!p0 $0x1C03  }
0x668: {  	[timem:s3], [sflag:s2] =	dma.local @!p0 [hbm:s0], s1  }
0x669: {  	s0 =	simm.s32 @!p0 $0x3  }
0x66a: {  	_ =	swait.ge @!p0 [sflag:s0], s1  }
0x66b: {  	s1 =	ssub.s32 @!p0 $0x0, s1;
	[sflag:s0] =	ssyncset.done @!p0 $0x0  }
0x66c: {  	[sflag:s0] =	ssyncadd.s32 @!p0 s1  }
0x66d: {  	[bflag:$0x3] =	sbarrier.arrive $0xFFFF  }
0x66e: {  	_ =	shalt  }

</sc_bundles>
